<compile_context>
chip_gen: v7x
topology: tpu7x:2x2x1
jax: 0.10.2.dev20260603
libtpu: 0.0.44.dev20260713+nightly
codegen_flags: <defaults>
</compile_context>

<pallas_src>
import functools

import jax
import jax.numpy as jnp
from jax import lax
from jax.experimental import pallas as pl
from jax.experimental.pallas import tpu as pltpu
from jax.experimental.pallas import tpu_sc as plsc

B = 1024
N = 8192
K = 256
NV = N // 16
NC, NS, L = 2, 16, 16
NW = NC * NS
ROWS_PER_W = B // NW
CAP = N + 16

_MESH = plsc.VectorSubcoreMesh(
    core_axis_name="c", subcore_axis_name="s", num_cores=NC, num_subcores=NS)


def _suffix_scan(h0, h1):
    c1 = plsc.cumsum(lax.rev(h1, (0,)))
    s1 = lax.rev(c1, (0,))
    t1 = jnp.max(c1)
    c0 = plsc.cumsum(lax.rev(h0, (0,)))
    s0 = lax.rev(c0, (0,)) + t1
    return s0, s1


@functools.partial(
    pl.kernel,
    out_type=jax.ShapeDtypeStruct((B, 2 * K), jnp.float32),
    mesh=_MESH,
    compiler_params=pltpu.CompilerParams(needs_layout_passes=False),
    scratch_types=[
        pltpu.VMEM((2 * 2 * N,), jnp.float32),
        pltpu.VMEM((N,), jnp.int32),
        pltpu.VMEM((4096,), jnp.int32),
        pltpu.VMEM((NV,), jnp.int32),
        pltpu.VMEM((NV,), jnp.int32),
        pltpu.VMEM((CAP,), jnp.int32),
        pltpu.VMEM((CAP,), jnp.int32),
        pltpu.VMEM((CAP,), jnp.int32),
        pltpu.VMEM((CAP,), jnp.int32),
        pltpu.VMEM((2 * K,), jnp.float32),
        pltpu.VMEM((2 * K,), jnp.float32),
        pltpu.SemaphoreType.DMA,
        pltpu.SemaphoreType.DMA,
        pltpu.SemaphoreType.DMA,
        pltpu.SemaphoreType.DMA,
    ],
)
def _topk_sc(dgm_hbm, out_hbm, dgm2, key_v, hist, cnts, bases,
             ck0, ci0, ck1, ci1, outva, outvb, sem0, sem1, semo0, semo1):
    wid = lax.axis_index("s") * NC + lax.axis_index("c")
    row0 = wid * ROWS_PER_W
    iota = lax.iota(jnp.int32, L)
    zeros16 = jnp.zeros((L,), jnp.int32)
    ones16 = jnp.ones((L,), jnp.int32)
    lane0 = iota == 0
    sems = (sem0, sem1)
    semos = (semo0, semo1)
    dbufs = (dgm2.at[pl.ds(0, 2 * N)], dgm2.at[pl.ds(2 * N, 2 * N)])
    obufs = (outva, outvb)

    pltpu.make_async_copy(dgm_hbm.at[row0], dbufs[0], sems[0]).start()

    def do_row(r, par, dv, sem, ov, semo):
        row = row0 + r
        pltpu.make_async_copy(dgm_hbm.at[row], dv, sem).wait()

        @pl.when(r < ROWS_PER_W - 1)
        def _():
            pltpu.make_async_copy(
                dgm_hbm.at[row + 1], dbufs[1 - par], sems[1 - par]).start()

        @plsc.parallel_loop(0, 256, unroll=4)
        def _hzero(i):
            hist[pl.ds(i * L, 16)] = zeros16

        @plsc.parallel_loop(0, NV, unroll=8)
        def _p1(i):
            base = i * L
            rows16 = (base + iota) * 2
            bb = plsc.load_gather(dv, [rows16])
            dd = plsc.load_gather(dv, [rows16 + 1])
            p = dd - bb
            kb = plsc.bitcast(p, jnp.int32)
            key = kb ^ ((kb >> 31) | jnp.int32(-2**31))
            key_v[pl.ds(base, 16)] = key
            dig = (key >> 22) & 1023
            plsc.addupdate_scatter(hist, [dig + ((i & 3) << 10)], ones16)

        @plsc.parallel_loop(0, 64, unroll=4)
        def _gmerge(g):
            hs = (hist[pl.ds(g * L, 16)] + hist[pl.ds(1024 + g * L, 16)]
                  + hist[pl.ds(2048 + g * L, 16)] + hist[pl.ds(3072 + g * L, 16)])
            hist[pl.ds(g * L, 16)] = hs
            tot0 = lax.rev(plsc.cumsum(hs), (0,))
            plsc.store_scatter(cnts, [jnp.full((L,), g, jnp.int32)],
                               tot0, mask=lane0)

        carry = jnp.int32(0)
        sg, gv = [None] * 4, [None] * 4
        for cc in (3, 2, 1, 0):
            v = cnts[pl.ds(cc * L, 16)]
            s = lax.rev(plsc.cumsum(lax.rev(v, (0,))), (0,)) + carry
            gv[cc], sg[cc] = v, s
            carry = jnp.max(s)
        cstar = jnp.int32(-1)
        sgval = jnp.int32(0)
        gtotc = jnp.int32(0)
        for cc in range(4):
            cstar = jnp.maximum(
                cstar, jnp.max(jnp.where(sg[cc] >= K, iota + 16 * cc, -1)))
        for cc in range(4):
            sel = (iota + 16 * cc) == cstar
            sgval = sgval + jnp.max(jnp.where(sel, sg[cc], 0))
            gtotc = gtotc + jnp.max(jnp.where(sel, gv[cc], 0))
        above = sgval - gtotc
        h16 = hist[pl.ds(cstar * L, 16)]
        sin = lax.rev(plsc.cumsum(lax.rev(h16, (0,))), (0,)) + above
        dstar = cstar * L + jnp.max(jnp.where(sin >= K, iota, -1))

        @plsc.parallel_loop(0, NV, unroll=8)
        def _p2a(c):
            key = key_v[pl.ds(c * L, 16)]
            dig = (key >> 22) & 1023
            si = jnp.where(dig >= dstar, 1, 0)
            tot0 = lax.rev(plsc.cumsum(si), (0,))
            plsc.store_scatter(cnts, [jnp.full((L,), c, jnp.int32)],
                               tot0, mask=lane0)

        def p2b(i, run):
            c = cnts[pl.ds(i * L, 16)]
            pc = plsc.cumsum(c)
            bases[pl.ds(i * L, 16)] = run + pc - c
            return run + jnp.max(pc)

        m = lax.fori_loop(0, NV // L, p2b, jnp.int32(0))

        @plsc.parallel_loop(0, NV, unroll=8)
        def _p2c(c):
            key = key_v[pl.ds(c * L, 16)]
            dig = (key >> 22) & 1023
            msk = dig >= dstar
            pref = plsc.cumsum(jnp.where(msk, 1, 0))
            bsp = plsc.load_gather(bases, [jnp.full((L,), c, jnp.int32)])
            pos = jnp.where(msk, bsp + pref - 1, CAP - 1)
            plsc.store_scatter(ck0, [pos], key)
            plsc.store_scatter(ci0, [pos], c * L + iota)

        ck0[pl.ds(m, 16)] = zeros16
        ci0[pl.ds(m, 16)] = zeros16
        trips = (m + 15) >> 4

        bufs = ((ck0, ci0), (ck1, ci1))
        for p in range(7):
            sk, si_ = bufs[p % 2]
            dk, di_ = bufs[(p + 1) % 2]
            sh = 5 * p

            hist[pl.ds(0, 16)] = zeros16
            hist[pl.ds(16, 16)] = zeros16

            @plsc.parallel_loop(0, trips)
            def _hcount(i, sk=sk, sh=sh):
                key = sk[pl.ds(i * L, 16)]
                dig = (key >> sh) & 31
                plsc.addupdate_scatter(hist, [dig], ones16)

            h0 = hist[pl.ds(0, 16)]
            h1 = hist[pl.ds(16, 16)]
            s0, s1 = _suffix_scan(h0, h1)
            hist[pl.ds(0, 16)] = s0 - h0
            hist[pl.ds(16, 16)] = s1 - h1

            def perm(i, _c, sk=sk, si_=si_, dk=dk, di_=di_, sh=sh):
                key = sk[pl.ds(i * L, 16)]
                idxv = si_[pl.ds(i * L, 16)]
                dig = (key >> sh) & 31
                cnt, last = plsc.scan_count(dig)
                basev = plsc.load_gather(hist, [dig])
                pos = basev + cnt - 1
                plsc.store_scatter(dk, [pos], key)
                plsc.store_scatter(di_, [pos], idxv)
                plsc.addupdate_scatter(hist, [dig], cnt, mask=last)
                return 0

            lax.fori_loop(0, trips, perm, 0)

        @pl.when(r >= 2)
        def _():
            pltpu.make_async_copy(ov, out_hbm.at[row - 2], semo).wait()

        @plsc.parallel_loop(0, K // L, unroll=4)
        def _emit(t):
            pos16 = t * L + iota
            sidx = ci1[pl.ds(t * L, 16)] * 2
            bb = plsc.load_gather(dv, [sidx])
            dd = plsc.load_gather(dv, [sidx + 1])
            plsc.store_scatter(ov, [2 * pos16], bb)
            plsc.store_scatter(ov, [2 * pos16 + 1], dd)

        pltpu.make_async_copy(ov, out_hbm.at[row], semo).start()

    def do2(rr, _c):
        for par in range(2):
            do_row(2 * rr + par, par, dbufs[par], sems[par],
                   obufs[par], semos[par])
        return 0

    lax.fori_loop(0, ROWS_PER_W // 2, do2, 0)

    for par in range(2):
        pltpu.make_async_copy(
            obufs[par], out_hbm.at[row0 + ROWS_PER_W - 2 + par],
            semos[par]).wait()


def kernel(diagrams):
    return _topk_sc(diagrams.reshape(B, 2 * N))

# --- scband reference (transcript-rebuilt; emitter-appended) ---
"""Pipeline reference for scband-top-klayer-13503377178709 (READ-ONLY COPY).

The authoritative reference and input builder live on the scoring server;
editing this copy changes nothing except your own understanding.
"""

import jax, jax.numpy as jnp
import numpy as np

K = 256
PAD_VALUE = 0.0


def setup_inputs(seed: int = 0) -> dict:
    key = jax.random.key(seed)
    diagrams = jax.random.normal(key, (1024, 8192, 2), dtype=jnp.float32)
    return {"diagrams": diagrams}


def reference(diagrams):
    # diagrams: [B, N, 2]; each row of the leading dim is one persistence diagram.
    # N >= K in this configuration, so the padding branch is never taken.
    def per_diagram(dgm):
        persistence = dgm[:, 1] - dgm[:, 0]
        _, top_idx = jax.lax.top_k(persistence, K)
        vec = jnp.take(dgm, top_idx, axis=0)  # [K, 2]
        return vec.reshape(-1)  # [K * 2]

    return jax.vmap(per_diagram)(diagrams)  # [B, K * 2]

if __name__ == "__main__":
    import jax
    _d = setup_inputs()
    print(jax.jit(kernel)(*tuple(_d.values())))

</pallas_src>

<mosaic_0001>
#map = affine_map<(d0, d1) -> (0, 0)>
module attributes {stable_mosaic.version = 14 : i64} {
  func.func @_topk_sc(%arg0: i32, %arg1: i32, %arg2: memref<1024x16384xf32, #tpu.memory_space<hbm>>, %arg3: memref<1024x512xf32, #tpu.memory_space<hbm>>, %arg4: memref<32768xf32, #tpu.memory_space<vmem>>, %arg5: memref<8192xi32, #tpu.memory_space<vmem>>, %arg6: memref<4096xi32, #tpu.memory_space<vmem>>, %arg7: memref<512xi32, #tpu.memory_space<vmem>>, %arg8: memref<512xi32, #tpu.memory_space<vmem>>, %arg9: memref<8208xi32, #tpu.memory_space<vmem>>, %arg10: memref<8208xi32, #tpu.memory_space<vmem>>, %arg11: memref<8208xi32, #tpu.memory_space<vmem>>, %arg12: memref<8208xi32, #tpu.memory_space<vmem>>, %arg13: memref<512xf32, #tpu.memory_space<vmem>>, %arg14: memref<512xf32, #tpu.memory_space<vmem>>, %arg15: memref<!tpu.dma_semaphore, #tpu.memory_space<semaphore_mem>>, %arg16: memref<!tpu.dma_semaphore, #tpu.memory_space<semaphore_mem>>, %arg17: memref<!tpu.dma_semaphore, #tpu.memory_space<semaphore_mem>>, %arg18: memref<!tpu.dma_semaphore, #tpu.memory_space<semaphore_mem>>) attributes {dimension_semantics = [#tpu.dimension_semantics<core_parallel>, #tpu.dimension_semantics<subcore_parallel>], iteration_bounds = array<i64: 2, 16>, scalar_prefetch = 0 : i64, scratch_operands = 15 : i64, tpu.core_type = #tpu.core_type<sc_vector_subcore>, window_params = [{transform_indices = #map}, {transform_indices = #map}]} {
    %mul3A = arith.constant 2 : i32
    %mul3A_0 = arith.muli %arg1, %mul3A : i32
    %add3A = arith.addi %mul3A_0, %arg0 : i32
    %mul3A_1 = arith.constant 32 : i32
    %mul3A_2 = arith.muli %add3A, %mul3A_1 : i32
    %iota3A = tpu.iota {dimensions = array<i32: 0>} : vector<16xi32>
    %broadcast_in_dim3A = arith.constant 0 : i32
    %broadcast_in_dim3A_3 = vector.broadcast %broadcast_in_dim3A : i32 to vector<16xi32>
    %broadcast_in_dim3A_4 = arith.constant 1 : i32
    %broadcast_in_dim3A_5 = vector.broadcast %broadcast_in_dim3A_4 : i32 to vector<16xi32>
    %eq3A = arith.constant 0 : i32
    %eq3A_6 = vector.broadcast %eq3A : i32 to vector<16xi32>
    %eq3A_7 = arith.cmpi eq, %iota3A, %eq3A_6 : vector<16xi32>
    %dma_start3A = arith.constant 0 : i32
    %dma_start3A_8 = tpu.memref_slice %arg4[%dma_start3A] : memref<32768xf32, #tpu.memory_space<vmem>> -> memref<16384xf32, #tpu.memory_space<vmem>>
    %dma_start3A_9 = arith.constant 0 : i32
    %dma_start3A_10 = tpu.memref_slice %arg2[%mul3A_2, %dma_start3A_9] : memref<1024x16384xf32, #tpu.memory_space<hbm>> -> memref<1x16384xf32, #tpu.memory_space<hbm>>
    %dma_start3A_11 = tpu.memref_squeeze %dma_start3A_10 : memref<1x16384xf32, #tpu.memory_space<hbm>> -> memref<16384xf32, #tpu.memory_space<hbm>>
    %dma_start3A_12 = arith.constant 0 : i32
    %dma_start3A_13 = tpu.memref_slice %arg4[%dma_start3A_12] : memref<32768xf32, #tpu.memory_space<vmem>> -> memref<16384xf32, #tpu.memory_space<vmem>>
    %dma_start3A_14 = arith.constant 0 : i32
    %dma_start3A_15 = tpu.memref_slice %arg2[%mul3A_2, %dma_start3A_14] : memref<1024x16384xf32, #tpu.memory_space<hbm>> -> memref<1x16384xf32, #tpu.memory_space<hbm>>
    %dma_start3A_16 = tpu.memref_squeeze %dma_start3A_15 : memref<1x16384xf32, #tpu.memory_space<hbm>> -> memref<16384xf32, #tpu.memory_space<hbm>>
    tpu.enqueue_dma source(%dma_start3A_16 : memref<16384xf32, #tpu.memory_space<hbm>>) target(%dma_start3A_13 : memref<16384xf32, #tpu.memory_space<vmem>>) target_semaphore(%arg15 : memref<!tpu.dma_semaphore, #tpu.memory_space<semaphore_mem>>)
    %scan3A = arith.constant 0 : i32
    %scan3A_17 = arith.constant 0 : i32
    %scan3A_18 = arith.constant 16 : i32
    %scan3A_19 = arith.addi %scan3A_17, %scan3A_18 : i32
    %scan3A_20 = arith.constant 1 : i32
    %scan3A_21 = scf.for %scan3A_45 = %scan3A_17 to %scan3A_19 step %scan3A_20 iter_args(%scan3A_46 = %scan3A) -> (i32)  : i32 {
      %mul3A_47 = arith.constant 2 : i32
      %mul3A_48 = arith.muli %mul3A_47, %scan3A_45 : i32
      %add3A_49 = arith.constant 0 : i32
      %add3A_50 = arith.addi %mul3A_48, %add3A_49 : i32
      %add3A_51 = arith.addi %mul3A_2, %add3A_50 : i32
      %dma_wait3A_52 = arith.constant 0 : i32
      %dma_wait3A_53 = tpu.memref_slice %arg4[%dma_wait3A_52] : memref<32768xf32, #tpu.memory_space<vmem>> -> memref<16384xf32, #tpu.memory_space<vmem>>
      %dma_wait3A_54 = arith.constant 0 : i32
      %dma_wait3A_55 = tpu.memref_slice %arg2[%add3A_51, %dma_wait3A_54] : memref<1024x16384xf32, #tpu.memory_space<hbm>> -> memref<1x16384xf32, #tpu.memory_space<hbm>>
      %dma_wait3A_56 = tpu.memref_squeeze %dma_wait3A_55 : memref<1x16384xf32, #tpu.memory_space<hbm>> -> memref<16384xf32, #tpu.memory_space<hbm>>
      %dma_wait3A_57 = arith.constant 0 : i32
      %dma_wait3A_58 = tpu.memref_slice %arg4[%dma_wait3A_57] : memref<32768xf32, #tpu.memory_space<vmem>> -> memref<16384xf32, #tpu.memory_space<vmem>>
      %dma_wait3A_59 = arith.constant 0 : i32
      %dma_wait3A_60 = tpu.memref_slice %arg2[%add3A_51, %dma_wait3A_59] : memref<1024x16384xf32, #tpu.memory_space<hbm>> -> memref<1x16384xf32, #tpu.memory_space<hbm>>
      %dma_wait3A_61 = tpu.memref_squeeze %dma_wait3A_60 : memref<1x16384xf32, #tpu.memory_space<hbm>> -> memref<16384xf32, #tpu.memory_space<hbm>>
      tpu.wait_dma2 semaphore(%arg15 : memref<!tpu.dma_semaphore, #tpu.memory_space<semaphore_mem>>) src(%dma_wait3A_61 : memref<16384xf32, #tpu.memory_space<hbm>>) dst(%dma_wait3A_58 : memref<16384xf32, #tpu.memory_space<vmem>>)
      %lt3A = arith.constant 31 : i32
      %lt3A_62 = arith.cmpi slt, %add3A_50, %lt3A : i32
      %convert_element_type3A = arith.extui %lt3A_62 : i1 to i32
      %cond3A = arith.constant 0 : i32
      %cond3A_63 = arith.cmpi ne, %convert_element_type3A, %cond3A : i32
      scf.if %cond3A_63 {
        %add3A_1715 = arith.constant 1 : i32
        %add3A_1716 = arith.addi %add3A_51, %add3A_1715 : i32
        %dma_start3A_1717 = arith.constant 16384 : i32
        %dma_start3A_1718 = tpu.memref_slice %arg4[%dma_start3A_1717] : memref<32768xf32, #tpu.memory_space<vmem>> -> memref<16384xf32, #tpu.memory_space<vmem>>
        %dma_start3A_1719 = arith.constant 0 : i32
        %dma_start3A_1720 = tpu.memref_slice %arg2[%add3A_1716, %dma_start3A_1719] : memref<1024x16384xf32, #tpu.memory_space<hbm>> -> memref<1x16384xf32, #tpu.memory_space<hbm>>
        %dma_start3A_1721 = tpu.memref_squeeze %dma_start3A_1720 : memref<1x16384xf32, #tpu.memory_space<hbm>> -> memref<16384xf32, #tpu.memory_space<hbm>>
        %dma_start3A_1722 = arith.constant 16384 : i32
        %dma_start3A_1723 = tpu.memref_slice %arg4[%dma_start3A_1722] : memref<32768xf32, #tpu.memory_space<vmem>> -> memref<16384xf32, #tpu.memory_space<vmem>>
        %dma_start3A_1724 = arith.constant 0 : i32
        %dma_start3A_1725 = tpu.memref_slice %arg2[%add3A_1716, %dma_start3A_1724] : memref<1024x16384xf32, #tpu.memory_space<hbm>> -> memref<1x16384xf32, #tpu.memory_space<hbm>>
        %dma_start3A_1726 = tpu.memref_squeeze %dma_start3A_1725 : memref<1x16384xf32, #tpu.memory_space<hbm>> -> memref<16384xf32, #tpu.memory_space<hbm>>
        tpu.enqueue_dma source(%dma_start3A_1726 : memref<16384xf32, #tpu.memory_space<hbm>>) target(%dma_start3A_1723 : memref<16384xf32, #tpu.memory_space<vmem>>) target_semaphore(%arg16 : memref<!tpu.dma_semaphore, #tpu.memory_space<semaphore_mem>>)
      } else {
      }
      %parallel_loop3A = arith.constant 0 : i32
      %parallel_loop3A_64 = arith.constant 256 : i32
      %parallel_loop3A_65 = arith.constant 1 : i32
      scf.for %parallel_loop3A_1715 = %parallel_loop3A to %parallel_loop3A_64 step %parallel_loop3A_65  : i32 {
        %parallel_loop3A_1716 = arith.constant 16 : i32
        %parallel_loop3A_1717 = arith.muli %parallel_loop3A_1715, %parallel_loop3A_1716 : i32
        %parallel_loop3A_1718 = arith.index_cast %parallel_loop3A_1717 : i32 to index
        %parallel_loop3A_1719 = tpu.vector_load %arg6[%parallel_loop3A_1718] {strides = array<i32>} : memref<4096xi32, #tpu.memory_space<vmem>>, vector<16xi32>,
        tpu.vector_store %arg6[%parallel_loop3A_1718], %broadcast_in_dim3A_3 {strides = array<i32>} : memref<4096xi32, #tpu.memory_space<vmem>>, vector<16xi32>,
      } {sc.loop_unroll_factor = 4 : i64, sc.parallel_access}
      %parallel_loop3A_66 = arith.constant 0 : i32
      %parallel_loop3A_67 = arith.constant 512 : i32
      %parallel_loop3A_68 = arith.constant 1 : i32
      scf.for %parallel_loop3A_1715 = %parallel_loop3A_66 to %parallel_loop3A_67 step %parallel_loop3A_68  : i32 {
        %parallel_loop3A_1716 = arith.constant 16 : i32
        %parallel_loop3A_1717 = arith.muli %parallel_loop3A_1715, %parallel_loop3A_1716 : i32
        %parallel_loop3A_1718 = vector.broadcast %parallel_loop3A_1717 : i32 to vector<16xi32>
        %parallel_loop3A_1719 = arith.addi %parallel_loop3A_1718, %iota3A : vector<16xi32>
        %parallel_loop3A_1720 = arith.constant 2 : i32
        %parallel_loop3A_1721 = vector.broadcast %parallel_loop3A_1720 : i32 to vector<16xi32>
        %parallel_loop3A_1722 = arith.muli %parallel_loop3A_1719, %parallel_loop3A_1721 : vector<16xi32>
        %parallel_loop3A_1723 = arith.constant 0 : i32
        %parallel_loop3A_1724 = tpu.memref_slice %arg4[%parallel_loop3A_1723] : memref<32768xf32, #tpu.memory_space<vmem>> -> memref<16384xf32, #tpu.memory_space<vmem>>
        %parallel_loop3A_1725 = tpu.vector_load_idx %parallel_loop3A_1724[%parallel_loop3A_1722] : memref<16384xf32, #tpu.memory_space<vmem>>[vector<16xi32>], vector<16xf32>,
        %parallel_loop3A_1726 = arith.constant 1 : i32
        %parallel_loop3A_1727 = vector.broadcast %parallel_loop3A_1726 : i32 to vector<16xi32>
        %parallel_loop3A_1728 = arith.addi %parallel_loop3A_1722, %parallel_loop3A_1727 : vector<16xi32>
        %parallel_loop3A_1729 = arith.constant 0 : i32
        %parallel_loop3A_1730 = tpu.memref_slice %arg4[%parallel_loop3A_1729] : memref<32768xf32, #tpu.memory_space<vmem>> -> memref<16384xf32, #tpu.memory_space<vmem>>
        %parallel_loop3A_1731 = tpu.vector_load_idx %parallel_loop3A_1730[%parallel_loop3A_1728] : memref<16384xf32, #tpu.memory_space<vmem>>[vector<16xi32>], vector<16xf32>,
        %parallel_loop3A_1732 = arith.subf %parallel_loop3A_1731, %parallel_loop3A_1725 : vector<16xf32>
        %parallel_loop3A_1733 = vector.bitcast %parallel_loop3A_1732 : vector<16xf32> to vector<16xi32>
        %parallel_loop3A_1734 = arith.constant 31 : i32
        %parallel_loop3A_1735 = vector.broadcast %parallel_loop3A_1734 : i32 to vector<16xi32>
        %parallel_loop3A_1736 = arith.shrsi %parallel_loop3A_1733, %parallel_loop3A_1735 : vector<16xi32>
        %parallel_loop3A_1737 = arith.constant -2147483648 : i32
        %parallel_loop3A_1738 = vector.broadcast %parallel_loop3A_1737 : i32 to vector<16xi32>
        %parallel_loop3A_1739 = arith.ori %parallel_loop3A_1736, %parallel_loop3A_1738 : vector<16xi32>
        %parallel_loop3A_1740 = arith.xori %parallel_loop3A_1733, %parallel_loop3A_1739 : vector<16xi32>
        %parallel_loop3A_1741 = arith.index_cast %parallel_loop3A_1717 : i32 to index
        %parallel_loop3A_1742 = tpu.vector_load %arg5[%parallel_loop3A_1741] {strides = array<i32>} : memref<8192xi32, #tpu.memory_space<vmem>>, vector<16xi32>,
        tpu.vector_store %arg5[%parallel_loop3A_1741], %parallel_loop3A_1740 {strides = array<i32>} : memref<8192xi32, #tpu.memory_space<vmem>>, vector<16xi32>,
        %parallel_loop3A_1743 = arith.constant 22 : i32
        %parallel_loop3A_1744 = vector.broadcast %parallel_loop3A_1743 : i32 to vector<16xi32>
        %parallel_loop3A_1745 = arith.shrsi %parallel_loop3A_1740, %parallel_loop3A_1744 : vector<16xi32>
        %parallel_loop3A_1746 = arith.constant 1023 : i32
        %parallel_loop3A_1747 = vector.broadcast %parallel_loop3A_1746 : i32 to vector<16xi32>
        %parallel_loop3A_1748 = arith.andi %parallel_loop3A_1745, %parallel_loop3A_1747 : vector<16xi32>
        %parallel_loop3A_1749 = arith.constant 3 : i32
        %parallel_loop3A_1750 = arith.andi %parallel_loop3A_1715, %parallel_loop3A_1749 : i32
        %parallel_loop3A_1751 = arith.constant 10 : i32
        %parallel_loop3A_1752 = arith.shli %parallel_loop3A_1750, %parallel_loop3A_1751 : i32
        %parallel_loop3A_1753 = vector.broadcast %parallel_loop3A_1752 : i32 to vector<16xi32>
        %parallel_loop3A_1754 = arith.addi %parallel_loop3A_1748, %parallel_loop3A_1753 : vector<16xi32>
        tpu.vector_store_idx %arg6[%parallel_loop3A_1754], %broadcast_in_dim3A_5 {add = true} : memref<4096xi32, #tpu.memory_space<vmem>>[vector<16xi32>], vector<16xi32>,
      } {sc.loop_unroll_factor = 8 : i64, sc.parallel_access}
      %parallel_loop3A_69 = arith.constant 0 : i32
      %parallel_loop3A_70 = arith.constant 64 : i32
      %parallel_loop3A_71 = arith.constant 1 : i32
      scf.for %parallel_loop3A_1715 = %parallel_loop3A_69 to %parallel_loop3A_70 step %parallel_loop3A_71  : i32 {
        %parallel_loop3A_1716 = arith.constant 16 : i32
        %parallel_loop3A_1717 = arith.muli %parallel_loop3A_1715, %parallel_loop3A_1716 : i32
        %parallel_loop3A_1718 = arith.index_cast %parallel_loop3A_1717 : i32 to index
        %parallel_loop3A_1719 = tpu.vector_load %arg6[%parallel_loop3A_1718] {strides = array<i32>} : memref<4096xi32, #tpu.memory_space<vmem>>, vector<16xi32>,
        %parallel_loop3A_1720 = arith.constant 16 : i32
        %parallel_loop3A_1721 = arith.muli %parallel_loop3A_1715, %parallel_loop3A_1720 : i32
        %parallel_loop3A_1722 = arith.constant 1024 : i32
        %parallel_loop3A_1723 = arith.addi %parallel_loop3A_1722, %parallel_loop3A_1721 : i32
        %parallel_loop3A_1724 = arith.index_cast %parallel_loop3A_1723 : i32 to index
        %parallel_loop3A_1725 = tpu.vector_load %arg6[%parallel_loop3A_1724] {strides = array<i32>} : memref<4096xi32, #tpu.memory_space<vmem>>, vector<16xi32>,
        %parallel_loop3A_1726 = arith.addi %parallel_loop3A_1719, %parallel_loop3A_1725 : vector<16xi32>
        %parallel_loop3A_1727 = arith.constant 16 : i32
        %parallel_loop3A_1728 = arith.muli %parallel_loop3A_1715, %parallel_loop3A_1727 : i32
        %parallel_loop3A_1729 = arith.constant 2048 : i32
        %parallel_loop3A_1730 = arith.addi %parallel_loop3A_1729, %parallel_loop3A_1728 : i32
        %parallel_loop3A_1731 = arith.index_cast %parallel_loop3A_1730 : i32 to index
        %parallel_loop3A_1732 = tpu.vector_load %arg6[%parallel_loop3A_1731] {strides = array<i32>} : memref<4096xi32, #tpu.memory_space<vmem>>, vector<16xi32>,
        %parallel_loop3A_1733 = arith.addi %parallel_loop3A_1726, %parallel_loop3A_1732 : vector<16xi32>
        %parallel_loop3A_1734 = arith.constant 16 : i32
        %parallel_loop3A_1735 = arith.muli %parallel_loop3A_1715, %parallel_loop3A_1734 : i32
        %parallel_loop3A_1736 = arith.constant 3072 : i32
        %parallel_loop3A_1737 = arith.addi %parallel_loop3A_1736, %parallel_loop3A_1735 : i32
        %parallel_loop3A_1738 = arith.index_cast %parallel_loop3A_1737 : i32 to index
        %parallel_loop3A_1739 = tpu.vector_load %arg6[%parallel_loop3A_1738] {strides = array<i32>} : memref<4096xi32, #tpu.memory_space<vmem>>, vector<16xi32>,
        %parallel_loop3A_1740 = arith.addi %parallel_loop3A_1733, %parallel_loop3A_1739 : vector<16xi32>
        %parallel_loop3A_1741 = arith.constant 16 : i32
        %parallel_loop3A_1742 = arith.muli %parallel_loop3A_1715, %parallel_loop3A_1741 : i32
        %parallel_loop3A_1743 = arith.index_cast %parallel_loop3A_1742 : i32 to index
        %parallel_loop3A_1744 = tpu.vector_load %arg6[%parallel_loop3A_1743] {strides = array<i32>} : memref<4096xi32, #tpu.memory_space<vmem>>, vector<16xi32>,
        tpu.vector_store %arg6[%parallel_loop3A_1743], %parallel_loop3A_1740 {strides = array<i32>} : memref<4096xi32, #tpu.memory_space<vmem>>, vector<16xi32>,
        %parallel_loop3A_1745 = arith.constant true
        %parallel_loop3A_1746 = vector.broadcast %parallel_loop3A_1745 : i1 to vector<16xi1>
        %parallel_loop3A_1747 = tpu.scan <sum>, %parallel_loop3A_1740 masked %parallel_loop3A_1746 : vector<16xi32>, vector<16xi1> -> vector<16xi32>
        %parallel_loop3A_1748 = arith.constant 15 : i32
        %parallel_loop3A_1749 = vector.broadcast %parallel_loop3A_1748 : i32 to vector<16xi32>
        %parallel_loop3A_1750 = tpu.iota {dimensions = array<i32: 0>} : vector<16xi32>
        %parallel_loop3A_1751 = arith.subi %parallel_loop3A_1749, %parallel_loop3A_1750 : vector<16xi32>
        %parallel_loop3A_1752 = tpu.dynamic_gather %parallel_loop3A_1747[%parallel_loop3A_1751] in [0] : vector<16xi32>, vector<16xi32> -> vector<16xi32>
        %parallel_loop3A_1753 = vector.broadcast %parallel_loop3A_1715 : i32 to vector<16xi32>
        tpu.vector_store_idx %arg7[%parallel_loop3A_1753], %parallel_loop3A_1752 masked %eq3A_7 : memref<512xi32, #tpu.memory_space<vmem>>[vector<16xi32>], vector<16xi32>, vector<16xi1>
      } {sc.loop_unroll_factor = 4 : i64, sc.parallel_access}
      %get3A = arith.constant 48 : index
      %get3A_72 = tpu.vector_load %arg7[%get3A] {strides = array<i32>} : memref<512xi32, #tpu.memory_space<vmem>>, vector<16xi32>,
      %rev3A = arith.constant 15 : i32
      %rev3A_73 = vector.broadcast %rev3A : i32 to vector<16xi32>
      %rev3A_74 = tpu.iota {dimensions = array<i32: 0>} : vector<16xi32>
      %rev3A_75 = arith.subi %rev3A_73, %rev3A_74 : vector<16xi32>
      %rev3A_76 = tpu.dynamic_gather %get3A_72[%rev3A_75] in [0] : vector<16xi32>, vector<16xi32> -> vector<16xi32>
      %broadcast_in_dim3A_77 = arith.constant true
      %broadcast_in_dim3A_78 = vector.broadcast %broadcast_in_dim3A_77 : i1 to vector<16xi1>
      %masked_cumsum3A = tpu.scan <sum>, %rev3A_76 masked %broadcast_in_dim3A_78 : vector<16xi32>, vector<16xi1> -> vector<16xi32>
      %rev3A_79 = arith.constant 15 : i32
      %rev3A_80 = vector.broadcast %rev3A_79 : i32 to vector<16xi32>
      %rev3A_81 = tpu.iota {dimensions = array<i32: 0>} : vector<16xi32>
      %rev3A_82 = arith.subi %rev3A_80, %rev3A_81 : vector<16xi32>
      %rev3A_83 = tpu.dynamic_gather %masked_cumsum3A[%rev3A_82] in [0] : vector<16xi32>, vector<16xi32> -> vector<16xi32>
      %add3A_84 = arith.constant 0 : i32
      %add3A_85 = vector.broadcast %add3A_84 : i32 to vector<16xi32>
      %add3A_86 = arith.addi %rev3A_83, %add3A_85 : vector<16xi32>
      %reduce_max3A = arith.constant true
      %reduce_max3A_87 = vector.broadcast %reduce_max3A : i1 to vector<16xi1>
      %reduce_max3A_88 = arith.constant -2147483648 : i32
      %reduce_max3A_89 = vector.broadcast %reduce_max3A_88 : i32 to vector<16xi32>
      %reduce_max3A_90 = arith.xori %add3A_86, %reduce_max3A_89 : vector<16xi32>
      %reduce_max3A_91 = tpu.scan <max>, %reduce_max3A_90 masked %reduce_max3A_87 : vector<16xi32>, vector<16xi1> -> vector<16xi32>
      %reduce_max3A_92 = arith.xori %reduce_max3A_91, %reduce_max3A_89 : vector<16xi32>
      %reduce_max3A_93 = vector.extract %reduce_max3A_92[15] : i32 from vector<16xi32>
      %get3A_94 = arith.constant 32 : index
      %get3A_95 = tpu.vector_load %arg7[%get3A_94] {strides = array<i32>} : memref<512xi32, #tpu.memory_space<vmem>>, vector<16xi32>,
      %rev3A_96 = arith.constant 15 : i32
      %rev3A_97 = vector.broadcast %rev3A_96 : i32 to vector<16xi32>
      %rev3A_98 = tpu.iota {dimensions = array<i32: 0>} : vector<16xi32>
      %rev3A_99 = arith.subi %rev3A_97, %rev3A_98 : vector<16xi32>
      %rev3A_100 = tpu.dynamic_gather %get3A_95[%rev3A_99] in [0] : vector<16xi32>, vector<16xi32> -> vector<16xi32>
      %broadcast_in_dim3A_101 = arith.constant true
      %broadcast_in_dim3A_102 = vector.broadcast %broadcast_in_dim3A_101 : i1 to vector<16xi1>
      %masked_cumsum3A_103 = tpu.scan <sum>, %rev3A_100 masked %broadcast_in_dim3A_102 : vector<16xi32>, vector<16xi1> -> vector<16xi32>
      %rev3A_104 = arith.constant 15 : i32
      %rev3A_105 = vector.broadcast %rev3A_104 : i32 to vector<16xi32>
      %rev3A_106 = tpu.iota {dimensions = array<i32: 0>} : vector<16xi32>
      %rev3A_107 = arith.subi %rev3A_105, %rev3A_106 : vector<16xi32>
      %rev3A_108 = tpu.dynamic_gather %masked_cumsum3A_103[%rev3A_107] in [0] : vector<16xi32>, vector<16xi32> -> vector<16xi32>
      %add3A_109 = vector.broadcast %reduce_max3A_93 : i32 to vector<16xi32>
      %add3A_110 = arith.addi %rev3A_108, %add3A_109 : vector<16xi32>
      %reduce_max3A_111 = arith.constant true
      %reduce_max3A_112 = vector.broadcast %reduce_max3A_111 : i1 to vector<16xi1>
      %reduce_max3A_113 = arith.constant -2147483648 : i32
      %reduce_max3A_114 = vector.broadcast %reduce_max3A_113 : i32 to vector<16xi32>
      %reduce_max3A_115 = arith.xori %add3A_110, %reduce_max3A_114 : vector<16xi32>
      %reduce_max3A_116 = tpu.scan <max>, %reduce_max3A_115 masked %reduce_max3A_112 : vector<16xi32>, vector<16xi1> -> vector<16xi32>
      %reduce_max3A_117 = arith.xori %reduce_max3A_116, %reduce_max3A_114 : vector<16xi32>
      %reduce_max3A_118 = vector.extract %reduce_max3A_117[15] : i32 from vector<16xi32>
      %get3A_119 = arith.constant 16 : index
      %get3A_120 = tpu.vector_load %arg7[%get3A_119] {strides = array<i32>} : memref<512xi32, #tpu.memory_space<vmem>>, vector<16xi32>,
      %rev3A_121 = arith.constant 15 : i32
      %rev3A_122 = vector.broadcast %rev3A_121 : i32 to vector<16xi32>
      %rev3A_123 = tpu.iota {dimensions = array<i32: 0>} : vector<16xi32>
      %rev3A_124 = arith.subi %rev3A_122, %rev3A_123 : vector<16xi32>
      %rev3A_125 = tpu.dynamic_gather %get3A_120[%rev3A_124] in [0] : vector<16xi32>, vector<16xi32> -> vector<16xi32>
      %broadcast_in_dim3A_126 = arith.constant true
      %broadcast_in_dim3A_127 = vector.broadcast %broadcast_in_dim3A_126 : i1 to vector<16xi1>
      %masked_cumsum3A_128 = tpu.scan <sum>, %rev3A_125 masked %broadcast_in_dim3A_127 : vector<16xi32>, vector<16xi1> -> vector<16xi32>
      %rev3A_129 = arith.constant 15 : i32
      %rev3A_130 = vector.broadcast %rev3A_129 : i32 to vector<16xi32>
      %rev3A_131 = tpu.iota {dimensions = array<i32: 0>} : vector<16xi32>
      %rev3A_132 = arith.subi %rev3A_130, %rev3A_131 : vector<16xi32>
      %rev3A_133 = tpu.dynamic_gather %masked_cumsum3A_128[%rev3A_132] in [0] : vector<16xi32>, vector<16xi32> -> vector<16xi32>
      %add3A_134 = vector.broadcast %reduce_max3A_118 : i32 to vector<16xi32>
      %add3A_135 = arith.addi %rev3A_133, %add3A_134 : vector<16xi32>
      %reduce_max3A_136 = arith.constant true
      %reduce_max3A_137 = vector.broadcast %reduce_max3A_136 : i1 to vector<16xi1>
      %reduce_max3A_138 = arith.constant -2147483648 : i32
      %reduce_max3A_139 = vector.broadcast %reduce_max3A_138 : i32 to vector<16xi32>
      %reduce_max3A_140 = arith.xori %add3A_135, %reduce_max3A_139 : vector<16xi32>
      %reduce_max3A_141 = tpu.scan <max>, %reduce_max3A_140 masked %reduce_max3A_137 : vector<16xi32>, vector<16xi1> -> vector<16xi32>
      %reduce_max3A_142 = arith.xori %reduce_max3A_141, %reduce_max3A_139 : vector<16xi32>
      %reduce_max3A_143 = vector.extract %reduce_max3A_142[15] : i32 from vector<16xi32>
      %get3A_144 = arith.constant 0 : index
      %get3A_145 = tpu.vector_load %arg7[%get3A_144] {strides = array<i32>} : memref<512xi32, #tpu.memory_space<vmem>>, vector<16xi32>,
      %rev3A_146 = arith.constant 15 : i32
      %rev3A_147 = vector.broadcast %rev3A_146 : i32 to vector<16xi32>
      %rev3A_148 = tpu.iota {dimensions = array<i32: 0>} : vector<16xi32>
      %rev3A_149 = arith.subi %rev3A_147, %rev3A_148 : vector<16xi32>
      %rev3A_150 = tpu.dynamic_gather %get3A_145[%rev3A_149] in [0] : vector<16xi32>, vector<16xi32> -> vector<16xi32>
      %broadcast_in_dim3A_151 = arith.constant true
      %broadcast_in_dim3A_152 = vector.broadcast %broadcast_in_dim3A_151 : i1 to vector<16xi1>
      %masked_cumsum3A_153 = tpu.scan <sum>, %rev3A_150 masked %broadcast_in_dim3A_152 : vector<16xi32>, vector<16xi1> -> vector<16xi32>
      %rev3A_154 = arith.constant 15 : i32
      %rev3A_155 = vector.broadcast %rev3A_154 : i32 to vector<16xi32>
      %rev3A_156 = tpu.iota {dimensions = array<i32: 0>} : vector<16xi32>
      %rev3A_157 = arith.subi %rev3A_155, %rev3A_156 : vector<16xi32>
      %rev3A_158 = tpu.dynamic_gather %masked_cumsum3A_153[%rev3A_157] in [0] : vector<16xi32>, vector<16xi32> -> vector<16xi32>
      %add3A_159 = vector.broadcast %reduce_max3A_143 : i32 to vector<16xi32>
      %add3A_160 = arith.addi %rev3A_158, %add3A_159 : vector<16xi32>
      %reduce_max3A_161 = arith.constant true
      %reduce_max3A_162 = vector.broadcast %reduce_max3A_161 : i1 to vector<16xi1>
      %reduce_max3A_163 = arith.constant -2147483648 : i32
      %reduce_max3A_164 = vector.broadcast %reduce_max3A_163 : i32 to vector<16xi32>
      %reduce_max3A_165 = arith.xori %add3A_160, %reduce_max3A_164 : vector<16xi32>
      %reduce_max3A_166 = tpu.scan <max>, %reduce_max3A_165 masked %reduce_max3A_162 : vector<16xi32>, vector<16xi1> -> vector<16xi32>
      %reduce_max3A_167 = arith.xori %reduce_max3A_166, %reduce_max3A_164 : vector<16xi32>
      %reduce_max3A_168 = vector.extract %reduce_max3A_167[15] : i32 from vector<16xi32>
      %ge3A = arith.constant 256 : i32
      %ge3A_169 = vector.broadcast %ge3A : i32 to vector<16xi32>
      %ge3A_170 = arith.cmpi sge, %add3A_160, %ge3A_169 : vector<16xi32>
      %add3A_171 = arith.constant 0 : i32
      %add3A_172 = vector.broadcast %add3A_171 : i32 to vector<16xi32>
      %add3A_173 = arith.addi %iota3A, %add3A_172 : vector<16xi32>
      %jit3A = arith.constant -1 : i32
      %broadcast_in_dim3A_174 = vector.broadcast %jit3A : i32 to vector<16xi32>
      %select_n3A = arith.select %ge3A_170, %add3A_173, %broadcast_in_dim3A_174 : vector<16xi1>, vector<16xi32>
      %reduce_max3A_175 = arith.constant true
      %reduce_max3A_176 = vector.broadcast %reduce_max3A_175 : i1 to vector<16xi1>
      %reduce_max3A_177 = arith.constant -2147483648 : i32
      %reduce_max3A_178 = vector.broadcast %reduce_max3A_177 : i32 to vector<16xi32>
      %reduce_max3A_179 = arith.xori %select_n3A, %reduce_max3A_178 : vector<16xi32>
      %reduce_max3A_180 = tpu.scan <max>, %reduce_max3A_179 masked %reduce_max3A_176 : vector<16xi32>, vector<16xi1> -> vector<16xi32>
      %reduce_max3A_181 = arith.xori %reduce_max3A_180, %reduce_max3A_178 : vector<16xi32>
      %reduce_max3A_182 = vector.extract %reduce_max3A_181[15] : i32 from vector<16xi32>
      %max3A = arith.constant -1 : i32
      %max3A_183 = arith.maxsi %max3A, %reduce_max3A_182 : i32
      %ge3A_184 = arith.constant 256 : i32
      %ge3A_185 = vector.broadcast %ge3A_184 : i32 to vector<16xi32>
      %ge3A_186 = arith.cmpi sge, %add3A_135, %ge3A_185 : vector<16xi32>
      %add3A_187 = arith.constant 16 : i32
      %add3A_188 = vector.broadcast %add3A_187 : i32 to vector<16xi32>
      %add3A_189 = arith.addi %iota3A, %add3A_188 : vector<16xi32>
      %jit3A_190 = arith.constant -1 : i32
      %broadcast_in_dim3A_191 = vector.broadcast %jit3A_190 : i32 to vector<16xi32>
      %select_n3A_192 = arith.select %ge3A_186, %add3A_189, %broadcast_in_dim3A_191 : vector<16xi1>, vector<16xi32>
      %reduce_max3A_193 = arith.constant true
      %reduce_max3A_194 = vector.broadcast %reduce_max3A_193 : i1 to vector<16xi1>
      %reduce_max3A_195 = arith.constant -2147483648 : i32
      %reduce_max3A_196 = vector.broadcast %reduce_max3A_195 : i32 to vector<16xi32>
      %reduce_max3A_197 = arith.xori %select_n3A_192, %reduce_max3A_196 : vector<16xi32>
      %reduce_max3A_198 = tpu.scan <max>, %reduce_max3A_197 masked %reduce_max3A_194 : vector<16xi32>, vector<16xi1> -> vector<16xi32>
      %reduce_max3A_199 = arith.xori %reduce_max3A_198, %reduce_max3A_196 : vector<16xi32>
      %reduce_max3A_200 = vector.extract %reduce_max3A_199[15] : i32 from vector<16xi32>
      %max3A_201 = arith.maxsi %max3A_183, %reduce_max3A_200 : i32
      %ge3A_202 = arith.constant 256 : i32
      %ge3A_203 = vector.broadcast %ge3A_202 : i32 to vector<16xi32>
      %ge3A_204 = arith.cmpi sge, %add3A_110, %ge3A_203 : vector<16xi32>
      %add3A_205 = arith.constant 32 : i32
      %add3A_206 = vector.broadcast %add3A_205 : i32 to vector<16xi32>
      %add3A_207 = arith.addi %iota3A, %add3A_206 : vector<16xi32>
      %jit3A_208 = arith.constant -1 : i32
      %broadcast_in_dim3A_209 = vector.broadcast %jit3A_208 : i32 to vector<16xi32>
      %select_n3A_210 = arith.select %ge3A_204, %add3A_207, %broadcast_in_dim3A_209 : vector<16xi1>, vector<16xi32>
      %reduce_max3A_211 = arith.constant true
      %reduce_max3A_212 = vector.broadcast %reduce_max3A_211 : i1 to vector<16xi1>
      %reduce_max3A_213 = arith.constant -2147483648 : i32
      %reduce_max3A_214 = vector.broadcast %reduce_max3A_213 : i32 to vector<16xi32>
      %reduce_max3A_215 = arith.xori %select_n3A_210, %reduce_max3A_214 : vector<16xi32>
      %reduce_max3A_216 = tpu.scan <max>, %reduce_max3A_215 masked %reduce_max3A_212 : vector<16xi32>, vector<16xi1> -> vector<16xi32>
      %reduce_max3A_217 = arith.xori %reduce_max3A_216, %reduce_max3A_214 : vector<16xi32>
      %reduce_max3A_218 = vector.extract %reduce_max3A_217[15] : i32 from vector<16xi32>
      %max3A_219 = arith.maxsi %max3A_201, %reduce_max3A_218 : i32
      %ge3A_220 = arith.constant 256 : i32
      %ge3A_221 = vector.broadcast %ge3A_220 : i32 to vector<16xi32>
      %ge3A_222 = arith.cmpi sge, %add3A_86, %ge3A_221 : vector<16xi32>
      %add3A_223 = arith.constant 48 : i32
      %add3A_224 = vector.broadcast %add3A_223 : i32 to vector<16xi32>
      %add3A_225 = arith.addi %iota3A, %add3A_224 : vector<16xi32>
      %jit3A_226 = arith.constant -1 : i32
      %broadcast_in_dim3A_227 = vector.broadcast %jit3A_226 : i32 to vector<16xi32>
      %select_n3A_228 = arith.select %ge3A_222, %add3A_225, %broadcast_in_dim3A_227 : vector<16xi1>, vector<16xi32>
      %reduce_max3A_229 = arith.constant true
      %reduce_max3A_230 = vector.broadcast %reduce_max3A_229 : i1 to vector<16xi1>
      %reduce_max3A_231 = arith.constant -2147483648 : i32
      %reduce_max3A_232 = vector.broadcast %reduce_max3A_231 : i32 to vector<16xi32>
      %reduce_max3A_233 = arith.xori %select_n3A_228, %reduce_max3A_232 : vector<16xi32>
      %reduce_max3A_234 = tpu.scan <max>, %reduce_max3A_233 masked %reduce_max3A_230 : vector<16xi32>, vector<16xi1> -> vector<16xi32>
      %reduce_max3A_235 = arith.xori %reduce_max3A_234, %reduce_max3A_232 : vector<16xi32>
      %reduce_max3A_236 = vector.extract %reduce_max3A_235[15] : i32 from vector<16xi32>
      %max3A_237 = arith.maxsi %max3A_219, %reduce_max3A_236 : i32
      %add3A_238 = arith.constant 0 : i32
      %add3A_239 = vector.broadcast %add3A_238 : i32 to vector<16xi32>
      %add3A_240 = arith.addi %iota3A, %add3A_239 : vector<16xi32>
      %eq3A_241 = vector.broadcast %max3A_237 : i32 to vector<16xi32>
      %eq3A_242 = arith.cmpi eq, %add3A_240, %eq3A_241 : vector<16xi32>
      %jit3A_243 = arith.constant 0 : i32
      %broadcast_in_dim3A_244 = vector.broadcast %jit3A_243 : i32 to vector<16xi32>
      %select_n3A_245 = arith.select %eq3A_242, %add3A_160, %broadcast_in_dim3A_244 : vector<16xi1>, vector<16xi32>
      %reduce_max3A_246 = arith.constant true
      %reduce_max3A_247 = vector.broadcast %reduce_max3A_246 : i1 to vector<16xi1>
      %reduce_max3A_248 = arith.constant -2147483648 : i32
      %reduce_max3A_249 = vector.broadcast %reduce_max3A_248 : i32 to vector<16xi32>
      %reduce_max3A_250 = arith.xori %select_n3A_245, %reduce_max3A_249 : vector<16xi32>
      %reduce_max3A_251 = tpu.scan <max>, %reduce_max3A_250 masked %reduce_max3A_247 : vector<16xi32>, vector<16xi1> -> vector<16xi32>
      %reduce_max3A_252 = arith.xori %reduce_max3A_251, %reduce_max3A_249 : vector<16xi32>
      %reduce_max3A_253 = vector.extract %reduce_max3A_252[15] : i32 from vector<16xi32>
      %add3A_254 = arith.constant 0 : i32
      %add3A_255 = arith.addi %add3A_254, %reduce_max3A_253 : i32
      %jit3A_256 = arith.constant 0 : i32
      %broadcast_in_dim3A_257 = vector.broadcast %jit3A_256 : i32 to vector<16xi32>
      %select_n3A_258 = arith.select %eq3A_242, %get3A_145, %broadcast_in_dim3A_257 : vector<16xi1>, vector<16xi32>
      %reduce_max3A_259 = arith.constant true
      %reduce_max3A_260 = vector.broadcast %reduce_max3A_259 : i1 to vector<16xi1>
      %reduce_max3A_261 = arith.constant -2147483648 : i32
      %reduce_max3A_262 = vector.broadcast %reduce_max3A_261 : i32 to vector<16xi32>
      %reduce_max3A_263 = arith.xori %select_n3A_258, %reduce_max3A_262 : vector<16xi32>
      %reduce_max3A_264 = tpu.scan <max>, %reduce_max3A_263 masked %reduce_max3A_260 : vector<16xi32>, vector<16xi1> -> vector<16xi32>
      %reduce_max3A_265 = arith.xori %reduce_max3A_264, %reduce_max3A_262 : vector<16xi32>
      %reduce_max3A_266 = vector.extract %reduce_max3A_265[15] : i32 from vector<16xi32>
      %add3A_267 = arith.constant 0 : i32
      %add3A_268 = arith.addi %add3A_267, %reduce_max3A_266 : i32
      %add3A_269 = arith.constant 16 : i32
      %add3A_270 = vector.broadcast %add3A_269 : i32 to vector<16xi32>
      %add3A_271 = arith.addi %iota3A, %add3A_270 : vector<16xi32>
      %eq3A_272 = vector.broadcast %max3A_237 : i32 to vector<16xi32>
      %eq3A_273 = arith.cmpi eq, %add3A_271, %eq3A_272 : vector<16xi32>
      %jit3A_274 = arith.constant 0 : i32
      %broadcast_in_dim3A_275 = vector.broadcast %jit3A_274 : i32 to vector<16xi32>
      %select_n3A_276 = arith.select %eq3A_273, %add3A_135, %broadcast_in_dim3A_275 : vector<16xi1>, vector<16xi32>
      %reduce_max3A_277 = arith.constant true
      %reduce_max3A_278 = vector.broadcast %reduce_max3A_277 : i1 to vector<16xi1>
      %reduce_max3A_279 = arith.constant -2147483648 : i32
      %reduce_max3A_280 = vector.broadcast %reduce_max3A_279 : i32 to vector<16xi32>
      %reduce_max3A_281 = arith.xori %select_n3A_276, %reduce_max3A_280 : vector<16xi32>
      %reduce_max3A_282 = tpu.scan <max>, %reduce_max3A_281 masked %reduce_max3A_278 : vector<16xi32>, vector<16xi1> -> vector<16xi32>
      %reduce_max3A_283 = arith.xori %reduce_max3A_282, %reduce_max3A_280 : vector<16xi32>
      %reduce_max3A_284 = vector.extract %reduce_max3A_283[15] : i32 from vector<16xi32>
      %add3A_285 = arith.addi %add3A_255, %reduce_max3A_284 : i32
      %jit3A_286 = arith.constant 0 : i32
      %broadcast_in_dim3A_287 = vector.broadcast %jit3A_286 : i32 to vector<16xi32>
      %select_n3A_288 = arith.select %eq3A_273, %get3A_120, %broadcast_in_dim3A_287 : vector<16xi1>, vector<16xi32>
      %reduce_max3A_289 = arith.constant true
      %reduce_max3A_290 = vector.broadcast %reduce_max3A_289 : i1 to vector<16xi1>
      %reduce_max3A_291 = arith.constant -2147483648 : i32
      %reduce_max3A_292 = vector.broadcast %reduce_max3A_291 : i32 to vector<16xi32>
      %reduce_max3A_293 = arith.xori %select_n3A_288, %reduce_max3A_292 : vector<16xi32>
      %reduce_max3A_294 = tpu.scan <max>, %reduce_max3A_293 masked %reduce_max3A_290 : vector<16xi32>, vector<16xi1> -> vector<16xi32>
      %reduce_max3A_295 = arith.xori %reduce_max3A_294, %reduce_max3A_292 : vector<16xi32>
      %reduce_max3A_296 = vector.extract %reduce_max3A_295[15] : i32 from vector<16xi32>
      %add3A_297 = arith.addi %add3A_268, %reduce_max3A_296 : i32
      %add3A_298 = arith.constant 32 : i32
      %add3A_299 = vector.broadcast %add3A_298 : i32 to vector<16xi32>
      %add3A_300 = arith.addi %iota3A, %add3A_299 : vector<16xi32>
      %eq3A_301 = vector.broadcast %max3A_237 : i32 to vector<16xi32>
      %eq3A_302 = arith.cmpi eq, %add3A_300, %eq3A_301 : vector<16xi32>
      %jit3A_303 = arith.constant 0 : i32
      %broadcast_in_dim3A_304 = vector.broadcast %jit3A_303 : i32 to vector<16xi32>
      %select_n3A_305 = arith.select %eq3A_302, %add3A_110, %broadcast_in_dim3A_304 : vector<16xi1>, vector<16xi32>
      %reduce_max3A_306 = arith.constant true
      %reduce_max3A_307 = vector.broadcast %reduce_max3A_306 : i1 to vector<16xi1>
      %reduce_max3A_308 = arith.constant -2147483648 : i32
      %reduce_max3A_309 = vector.broadcast %reduce_max3A_308 : i32 to vector<16xi32>
      %reduce_max3A_310 = arith.xori %select_n3A_305, %reduce_max3A_309 : vector<16xi32>
      %reduce_max3A_311 = tpu.scan <max>, %reduce_max3A_310 masked %reduce_max3A_307 : vector<16xi32>, vector<16xi1> -> vector<16xi32>
      %reduce_max3A_312 = arith.xori %reduce_max3A_311, %reduce_max3A_309 : vector<16xi32>
      %reduce_max3A_313 = vector.extract %reduce_max3A_312[15] : i32 from vector<16xi32>
      %add3A_314 = arith.addi %add3A_285, %reduce_max3A_313 : i32
      %jit3A_315 = arith.constant 0 : i32
      %broadcast_in_dim3A_316 = vector.broadcast %jit3A_315 : i32 to vector<16xi32>
      %select_n3A_317 = arith.select %eq3A_302, %get3A_95, %broadcast_in_dim3A_316 : vector<16xi1>, vector<16xi32>
      %reduce_max3A_318 = arith.constant true
      %reduce_max3A_319 = vector.broadcast %reduce_max3A_318 : i1 to vector<16xi1>
      %reduce_max3A_320 = arith.constant -2147483648 : i32
      %reduce_max3A_321 = vector.broadcast %reduce_max3A_320 : i32 to vector<16xi32>
      %reduce_max3A_322 = arith.xori %select_n3A_317, %reduce_max3A_321 : vector<16xi32>
      %reduce_max3A_323 = tpu.scan <max>, %reduce_max3A_322 masked %reduce_max3A_319 : vector<16xi32>, vector<16xi1> -> vector<16xi32>
      %reduce_max3A_324 = arith.xori %reduce_max3A_323, %reduce_max3A_321 : vector<16xi32>
      %reduce_max3A_325 = vector.extract %reduce_max3A_324[15] : i32 from vector<16xi32>
      %add3A_326 = arith.addi %add3A_297, %reduce_max3A_325 : i32
      %add3A_327 = arith.constant 48 : i32
      %add3A_328 = vector.broadcast %add3A_327 : i32 to vector<16xi32>
      %add3A_329 = arith.addi %iota3A, %add3A_328 : vector<16xi32>
      %eq3A_330 = vector.broadcast %max3A_237 : i32 to vector<16xi32>
      %eq3A_331 = arith.cmpi eq, %add3A_329, %eq3A_330 : vector<16xi32>
      %jit3A_332 = arith.constant 0 : i32
      %broadcast_in_dim3A_333 = vector.broadcast %jit3A_332 : i32 to vector<16xi32>
      %select_n3A_334 = arith.select %eq3A_331, %add3A_86, %broadcast_in_dim3A_333 : vector<16xi1>, vector<16xi32>
      %reduce_max3A_335 = arith.constant true
      %reduce_max3A_336 = vector.broadcast %reduce_max3A_335 : i1 to vector<16xi1>
      %reduce_max3A_337 = arith.constant -2147483648 : i32
      %reduce_max3A_338 = vector.broadcast %reduce_max3A_337 : i32 to vector<16xi32>
      %reduce_max3A_339 = arith.xori %select_n3A_334, %reduce_max3A_338 : vector<16xi32>
      %reduce_max3A_340 = tpu.scan <max>, %reduce_max3A_339 masked %reduce_max3A_336 : vector<16xi32>, vector<16xi1> -> vector<16xi32>
      %reduce_max3A_341 = arith.xori %reduce_max3A_340, %reduce_max3A_338 : vector<16xi32>
      %reduce_max3A_342 = vector.extract %reduce_max3A_341[15] : i32 from vector<16xi32>
      %add3A_343 = arith.addi %add3A_314, %reduce_max3A_342 : i32
      %jit3A_344 = arith.constant 0 : i32
      %broadcast_in_dim3A_345 = vector.broadcast %jit3A_344 : i32 to vector<16xi32>
      %select_n3A_346 = arith.select %eq3A_331, %get3A_72, %broadcast_in_dim3A_345 : vector<16xi1>, vector<16xi32>
      %reduce_max3A_347 = arith.constant true
      %reduce_max3A_348 = vector.broadcast %reduce_max3A_347 : i1 to vector<16xi1>
      %reduce_max3A_349 = arith.constant -2147483648 : i32
      %reduce_max3A_350 = vector.broadcast %reduce_max3A_349 : i32 to vector<16xi32>
      %reduce_max3A_351 = arith.xori %select_n3A_346, %reduce_max3A_350 : vector<16xi32>
      %reduce_max3A_352 = tpu.scan <max>, %reduce_max3A_351 masked %reduce_max3A_348 : vector<16xi32>, vector<16xi1> -> vector<16xi32>
      %reduce_max3A_353 = arith.xori %reduce_max3A_352, %reduce_max3A_350 : vector<16xi32>
      %reduce_max3A_354 = vector.extract %reduce_max3A_353[15] : i32 from vector<16xi32>
      %add3A_355 = arith.addi %add3A_326, %reduce_max3A_354 : i32
      %sub3A_356 = arith.subi %add3A_343, %add3A_355 : i32
      %mul3A_357 = arith.constant 16 : i32
      %mul3A_358 = arith.muli %max3A_237, %mul3A_357 : i32
      %get3A_359 = arith.index_cast %mul3A_358 : i32 to index
      %get3A_360 = tpu.vector_load %arg6[%get3A_359] {strides = array<i32>} : memref<4096xi32, #tpu.memory_space<vmem>>, vector<16xi32>,
      %rev3A_361 = arith.constant 15 : i32
      %rev3A_362 = vector.broadcast %rev3A_361 : i32 to vector<16xi32>
      %rev3A_363 = tpu.iota {dimensions = array<i32: 0>} : vector<16xi32>
      %rev3A_364 = arith.subi %rev3A_362, %rev3A_363 : vector<16xi32>
      %rev3A_365 = tpu.dynamic_gather %get3A_360[%rev3A_364] in [0] : vector<16xi32>, vector<16xi32> -> vector<16xi32>
      %broadcast_in_dim3A_366 = arith.constant true
      %broadcast_in_dim3A_367 = vector.broadcast %broadcast_in_dim3A_366 : i1 to vector<16xi1>
      %masked_cumsum3A_368 = tpu.scan <sum>, %rev3A_365 masked %broadcast_in_dim3A_367 : vector<16xi32>, vector<16xi1> -> vector<16xi32>
      %rev3A_369 = arith.constant 15 : i32
      %rev3A_370 = vector.broadcast %rev3A_369 : i32 to vector<16xi32>
      %rev3A_371 = tpu.iota {dimensions = array<i32: 0>} : vector<16xi32>
      %rev3A_372 = arith.subi %rev3A_370, %rev3A_371 : vector<16xi32>
      %rev3A_373 = tpu.dynamic_gather %masked_cumsum3A_368[%rev3A_372] in [0] : vector<16xi32>, vector<16xi32> -> vector<16xi32>
      %add3A_374 = vector.broadcast %sub3A_356 : i32 to vector<16xi32>
      %add3A_375 = arith.addi %rev3A_373, %add3A_374 : vector<16xi32>
      %mul3A_376 = arith.constant 16 : i32
      %mul3A_377 = arith.muli %max3A_237, %mul3A_376 : i32
      %ge3A_378 = arith.constant 256 : i32
      %ge3A_379 = vector.broadcast %ge3A_378 : i32 to vector<16xi32>
      %ge3A_380 = arith.cmpi sge, %add3A_375, %ge3A_379 : vector<16xi32>
      %jit3A_381 = arith.constant -1 : i32
      %broadcast_in_dim3A_382 = vector.broadcast %jit3A_381 : i32 to vector<16xi32>
      %select_n3A_383 = arith.select %ge3A_380, %iota3A, %broadcast_in_dim3A_382 : vector<16xi1>, vector<16xi32>
      %reduce_max3A_384 = arith.constant true
      %reduce_max3A_385 = vector.broadcast %reduce_max3A_384 : i1 to vector<16xi1>
      %reduce_max3A_386 = arith.constant -2147483648 : i32
      %reduce_max3A_387 = vector.broadcast %reduce_max3A_386 : i32 to vector<16xi32>
      %reduce_max3A_388 = arith.xori %select_n3A_383, %reduce_max3A_387 : vector<16xi32>
      %reduce_max3A_389 = tpu.scan <max>, %reduce_max3A_388 masked %reduce_max3A_385 : vector<16xi32>, vector<16xi1> -> vector<16xi32>
      %reduce_max3A_390 = arith.xori %reduce_max3A_389, %reduce_max3A_387 : vector<16xi32>
      %reduce_max3A_391 = vector.extract %reduce_max3A_390[15] : i32 from vector<16xi32>
      %add3A_392 = arith.addi %mul3A_377, %reduce_max3A_391 : i32
      %parallel_loop3A_393 = arith.constant 0 : i32
      %parallel_loop3A_394 = arith.constant 512 : i32
      %parallel_loop3A_395 = arith.constant 1 : i32
      scf.for %parallel_loop3A_1715 = %parallel_loop3A_393 to %parallel_loop3A_394 step %parallel_loop3A_395  : i32 {
        %parallel_loop3A_1716 = arith.constant 16 : i32
        %parallel_loop3A_1717 = arith.muli %parallel_loop3A_1715, %parallel_loop3A_1716 : i32
        %parallel_loop3A_1718 = arith.index_cast %parallel_loop3A_1717 : i32 to index
        %parallel_loop3A_1719 = tpu.vector_load %arg5[%parallel_loop3A_1718] {strides = array<i32>} : memref<8192xi32, #tpu.memory_space<vmem>>, vector<16xi32>,
        %parallel_loop3A_1720 = arith.constant 22 : i32
        %parallel_loop3A_1721 = vector.broadcast %parallel_loop3A_1720 : i32 to vector<16xi32>
        %parallel_loop3A_1722 = arith.shrsi %parallel_loop3A_1719, %parallel_loop3A_1721 : vector<16xi32>
        %parallel_loop3A_1723 = arith.constant 1023 : i32
        %parallel_loop3A_1724 = vector.broadcast %parallel_loop3A_1723 : i32 to vector<16xi32>
        %parallel_loop3A_1725 = arith.andi %parallel_loop3A_1722, %parallel_loop3A_1724 : vector<16xi32>
        %parallel_loop3A_1726 = vector.broadcast %add3A_392 : i32 to vector<16xi32>
        %parallel_loop3A_1727 = arith.cmpi sge, %parallel_loop3A_1725, %parallel_loop3A_1726 : vector<16xi32>
        %parallel_loop3A_1728 = arith.constant 1 : i32
        %parallel_loop3A_1729 = arith.constant 0 : i32
        %parallel_loop3A_1730 = vector.broadcast %parallel_loop3A_1728 : i32 to vector<16xi32>
        %parallel_loop3A_1731 = vector.broadcast %parallel_loop3A_1729 : i32 to vector<16xi32>
        %parallel_loop3A_1732 = arith.select %parallel_loop3A_1727, %parallel_loop3A_1730, %parallel_loop3A_1731 : vector<16xi1>, vector<16xi32>
        %parallel_loop3A_1733 = arith.constant true
        %parallel_loop3A_1734 = vector.broadcast %parallel_loop3A_1733 : i1 to vector<16xi1>
        %parallel_loop3A_1735 = tpu.scan <sum>, %parallel_loop3A_1732 masked %parallel_loop3A_1734 : vector<16xi32>, vector<16xi1> -> vector<16xi32>
        %parallel_loop3A_1736 = arith.constant 15 : i32
        %parallel_loop3A_1737 = vector.broadcast %parallel_loop3A_1736 : i32 to vector<16xi32>
        %parallel_loop3A_1738 = tpu.iota {dimensions = array<i32: 0>} : vector<16xi32>
        %parallel_loop3A_1739 = arith.subi %parallel_loop3A_1737, %parallel_loop3A_1738 : vector<16xi32>
        %parallel_loop3A_1740 = tpu.dynamic_gather %parallel_loop3A_1735[%parallel_loop3A_1739] in [0] : vector<16xi32>, vector<16xi32> -> vector<16xi32>
        %parallel_loop3A_1741 = vector.broadcast %parallel_loop3A_1715 : i32 to vector<16xi32>
        tpu.vector_store_idx %arg7[%parallel_loop3A_1741], %parallel_loop3A_1740 masked %eq3A_7 : memref<512xi32, #tpu.memory_space<vmem>>[vector<16xi32>], vector<16xi32>, vector<16xi1>
      } {sc.loop_unroll_factor = 8 : i64, sc.parallel_access}
      %scan3A_396 = arith.constant 0 : i32
      %scan3A_397 = arith.constant 0 : i32
      %scan3A_398 = arith.constant 32 : i32
      %scan3A_399 = arith.addi %scan3A_397, %scan3A_398 : i32
      %scan3A_400 = arith.constant 1 : i32
      %scan3A_401 = scf.for %scan3A_1715 = %scan3A_397 to %scan3A_399 step %scan3A_400 iter_args(%scan3A_1716 = %scan3A_396) -> (i32)  : i32 {
        %mul3A_1717 = arith.constant 16 : i32
        %mul3A_1718 = arith.muli %scan3A_1715, %mul3A_1717 : i32
        %get3A_1719 = arith.index_cast %mul3A_1718 : i32 to index
        %get3A_1720 = tpu.vector_load %arg7[%get3A_1719] {strides = array<i32>} : memref<512xi32, #tpu.memory_space<vmem>>, vector<16xi32>,
        %broadcast_in_dim3A_1721 = arith.constant true
        %broadcast_in_dim3A_1722 = vector.broadcast %broadcast_in_dim3A_1721 : i1 to vector<16xi1>
        %masked_cumsum3A_1723 = tpu.scan <sum>, %get3A_1720 masked %broadcast_in_dim3A_1722 : vector<16xi32>, vector<16xi1> -> vector<16xi32>
        %add3A_1724 = vector.broadcast %scan3A_1716 : i32 to vector<16xi32>
        %add3A_1725 = arith.addi %add3A_1724, %masked_cumsum3A_1723 : vector<16xi32>
        %sub3A_1726 = arith.subi %add3A_1725, %get3A_1720 : vector<16xi32>
        %mul3A_1727 = arith.constant 16 : i32
        %mul3A_1728 = arith.muli %scan3A_1715, %mul3A_1727 : i32
        %swap3A_1729 = arith.index_cast %mul3A_1728 : i32 to index
        %swap3A_1730 = tpu.vector_load %arg8[%swap3A_1729] {strides = array<i32>} : memref<512xi32, #tpu.memory_space<vmem>>, vector<16xi32>,
        tpu.vector_store %arg8[%swap3A_1729], %sub3A_1726 {strides = array<i32>} : memref<512xi32, #tpu.memory_space<vmem>>, vector<16xi32>,
        %reduce_max3A_1731 = arith.constant true
        %reduce_max3A_1732 = vector.broadcast %reduce_max3A_1731 : i1 to vector<16xi1>
        %reduce_max3A_1733 = arith.constant -2147483648 : i32
        %reduce_max3A_1734 = vector.broadcast %reduce_max3A_1733 : i32 to vector<16xi32>
        %reduce_max3A_1735 = arith.xori %masked_cumsum3A_1723, %reduce_max3A_1734 : vector<16xi32>
        %reduce_max3A_1736 = tpu.scan <max>, %reduce_max3A_1735 masked %reduce_max3A_1732 : vector<16xi32>, vector<16xi1> -> vector<16xi32>
        %reduce_max3A_1737 = arith.xori %reduce_max3A_1736, %reduce_max3A_1734 : vector<16xi32>
        %reduce_max3A_1738 = vector.extract %reduce_max3A_1737[15] : i32 from vector<16xi32>
        %add3A_1739 = arith.addi %scan3A_1716, %reduce_max3A_1738 : i32
        scf.yield %add3A_1739 : i32
      }
      %scan3A_402 = arith.constant 32 : i32
      %parallel_loop3A_403 = arith.constant 0 : i32
      %parallel_loop3A_404 = arith.constant 512 : i32
      %parallel_loop3A_405 = arith.constant 1 : i32
      scf.for %parallel_loop3A_1715 = %parallel_loop3A_403 to %parallel_loop3A_404 step %parallel_loop3A_405  : i32 {
        %parallel_loop3A_1716 = arith.constant 16 : i32
        %parallel_loop3A_1717 = arith.muli %parallel_loop3A_1715, %parallel_loop3A_1716 : i32
        %parallel_loop3A_1718 = arith.index_cast %parallel_loop3A_1717 : i32 to index
        %parallel_loop3A_1719 = tpu.vector_load %arg5[%parallel_loop3A_1718] {strides = array<i32>} : memref<8192xi32, #tpu.memory_space<vmem>>, vector<16xi32>,
        %parallel_loop3A_1720 = arith.constant 22 : i32
        %parallel_loop3A_1721 = vector.broadcast %parallel_loop3A_1720 : i32 to vector<16xi32>
        %parallel_loop3A_1722 = arith.shrsi %parallel_loop3A_1719, %parallel_loop3A_1721 : vector<16xi32>
        %parallel_loop3A_1723 = arith.constant 1023 : i32
        %parallel_loop3A_1724 = vector.broadcast %parallel_loop3A_1723 : i32 to vector<16xi32>
        %parallel_loop3A_1725 = arith.andi %parallel_loop3A_1722, %parallel_loop3A_1724 : vector<16xi32>
        %parallel_loop3A_1726 = vector.broadcast %add3A_392 : i32 to vector<16xi32>
        %parallel_loop3A_1727 = arith.cmpi sge, %parallel_loop3A_1725, %parallel_loop3A_1726 : vector<16xi32>
        %parallel_loop3A_1728 = arith.constant 1 : i32
        %parallel_loop3A_1729 = arith.constant 0 : i32
        %parallel_loop3A_1730 = vector.broadcast %parallel_loop3A_1728 : i32 to vector<16xi32>
        %parallel_loop3A_1731 = vector.broadcast %parallel_loop3A_1729 : i32 to vector<16xi32>
        %parallel_loop3A_1732 = arith.select %parallel_loop3A_1727, %parallel_loop3A_1730, %parallel_loop3A_1731 : vector<16xi1>, vector<16xi32>
        %parallel_loop3A_1733 = arith.constant true
        %parallel_loop3A_1734 = vector.broadcast %parallel_loop3A_1733 : i1 to vector<16xi1>
        %parallel_loop3A_1735 = tpu.scan <sum>, %parallel_loop3A_1732 masked %parallel_loop3A_1734 : vector<16xi32>, vector<16xi1> -> vector<16xi32>
        %parallel_loop3A_1736 = vector.broadcast %parallel_loop3A_1715 : i32 to vector<16xi32>
        %parallel_loop3A_1737 = tpu.vector_load_idx %arg8[%parallel_loop3A_1736] : memref<512xi32, #tpu.memory_space<vmem>>[vector<16xi32>], vector<16xi32>,
        %parallel_loop3A_1738 = arith.addi %parallel_loop3A_1737, %parallel_loop3A_1735 : vector<16xi32>
        %parallel_loop3A_1739 = arith.constant 1 : i32
        %parallel_loop3A_1740 = vector.broadcast %parallel_loop3A_1739 : i32 to vector<16xi32>
        %parallel_loop3A_1741 = arith.subi %parallel_loop3A_1738, %parallel_loop3A_1740 : vector<16xi32>
        %parallel_loop3A_1742 = arith.constant 8207 : i32
        %parallel_loop3A_1743 = vector.broadcast %parallel_loop3A_1742 : i32 to vector<16xi32>
        %parallel_loop3A_1744 = arith.select %parallel_loop3A_1727, %parallel_loop3A_1741, %parallel_loop3A_1743 : vector<16xi1>, vector<16xi32>
        tpu.vector_store_idx %arg9[%parallel_loop3A_1744], %parallel_loop3A_1719 : memref<8208xi32, #tpu.memory_space<vmem>>[vector<16xi32>], vector<16xi32>,
        %parallel_loop3A_1745 = arith.constant 16 : i32
        %parallel_loop3A_1746 = arith.muli %parallel_loop3A_1715, %parallel_loop3A_1745 : i32
        %parallel_loop3A_1747 = vector.broadcast %parallel_loop3A_1746 : i32 to vector<16xi32>
        %parallel_loop3A_1748 = arith.addi %parallel_loop3A_1747, %iota3A : vector<16xi32>
        tpu.vector_store_idx %arg10[%parallel_loop3A_1744], %parallel_loop3A_1748 : memref<8208xi32, #tpu.memory_space<vmem>>[vector<16xi32>], vector<16xi32>,
      } {sc.loop_unroll_factor = 8 : i64, sc.parallel_access}
      %swap3A = arith.index_cast %scan3A_401 : i32 to index
      %swap3A_406 = tpu.vector_load %arg9[%swap3A] {strides = array<i32>} : memref<8208xi32, #tpu.memory_space<vmem>>, vector<16xi32>,
      tpu.vector_store %arg9[%swap3A], %broadcast_in_dim3A_3 {strides = array<i32>} : memref<8208xi32, #tpu.memory_space<vmem>>, vector<16xi32>,
      %swap3A_407 = arith.index_cast %scan3A_401 : i32 to index
      %swap3A_408 = tpu.vector_load %arg10[%swap3A_407] {strides = array<i32>} : memref<8208xi32, #tpu.memory_space<vmem>>, vector<16xi32>,
      tpu.vector_store %arg10[%swap3A_407], %broadcast_in_dim3A_3 {strides = array<i32>} : memref<8208xi32, #tpu.memory_space<vmem>>, vector<16xi32>,
      %add3A_409 = arith.constant 15 : i32
      %add3A_410 = arith.addi %scan3A_401, %add3A_409 : i32
      %shift_right_arithmetic3A = arith.constant 4 : i32
      %shift_right_arithmetic3A_411 = arith.shrsi %add3A_410, %shift_right_arithmetic3A : i32
      %swap3A_412 = arith.constant 0 : index
      %swap3A_413 = tpu.vector_load %arg6[%swap3A_412] {strides = array<i32>} : memref<4096xi32, #tpu.memory_space<vmem>>, vector<16xi32>,
      tpu.vector_store %arg6[%swap3A_412], %broadcast_in_dim3A_3 {strides = array<i32>} : memref<4096xi32, #tpu.memory_space<vmem>>, vector<16xi32>,
      %swap3A_414 = arith.constant 16 : index
      %swap3A_415 = tpu.vector_load %arg6[%swap3A_414] {strides = array<i32>} : memref<4096xi32, #tpu.memory_space<vmem>>, vector<16xi32>,
      tpu.vector_store %arg6[%swap3A_414], %broadcast_in_dim3A_3 {strides = array<i32>} : memref<4096xi32, #tpu.memory_space<vmem>>, vector<16xi32>,
      %parallel_loop3A_416 = arith.constant 0 : i32
      %parallel_loop3A_417 = arith.constant 1 : i32
      scf.for %parallel_loop3A_1715 = %parallel_loop3A_416 to %shift_right_arithmetic3A_411 step %parallel_loop3A_417  : i32 {
        %parallel_loop3A_1716 = arith.constant 16 : i32
        %parallel_loop3A_1717 = arith.muli %parallel_loop3A_1715, %parallel_loop3A_1716 : i32
        %parallel_loop3A_1718 = arith.index_cast %parallel_loop3A_1717 : i32 to index
        %parallel_loop3A_1719 = tpu.vector_load %arg9[%parallel_loop3A_1718] {strides = array<i32>} : memref<8208xi32, #tpu.memory_space<vmem>>, vector<16xi32>,
        %parallel_loop3A_1720 = arith.constant 0 : i32
        %parallel_loop3A_1721 = vector.broadcast %parallel_loop3A_1720 : i32 to vector<16xi32>
        %parallel_loop3A_1722 = arith.shrsi %parallel_loop3A_1719, %parallel_loop3A_1721 : vector<16xi32>
        %parallel_loop3A_1723 = arith.constant 31 : i32
        %parallel_loop3A_1724 = vector.broadcast %parallel_loop3A_1723 : i32 to vector<16xi32>
        %parallel_loop3A_1725 = arith.andi %parallel_loop3A_1722, %parallel_loop3A_1724 : vector<16xi32>
        tpu.vector_store_idx %arg6[%parallel_loop3A_1725], %broadcast_in_dim3A_5 {add = true} : memref<4096xi32, #tpu.memory_space<vmem>>[vector<16xi32>], vector<16xi32>,
      } {sc.loop_unroll_factor = 1 : i64, sc.parallel_access}
      %get3A_418 = arith.constant 0 : index
      %get3A_419 = tpu.vector_load %arg6[%get3A_418] {strides = array<i32>} : memref<4096xi32, #tpu.memory_space<vmem>>, vector<16xi32>,
      %get3A_420 = arith.constant 16 : index
      %get3A_421 = tpu.vector_load %arg6[%get3A_420] {strides = array<i32>} : memref<4096xi32, #tpu.memory_space<vmem>>, vector<16xi32>,
      %rev3A_422 = arith.constant 15 : i32
      %rev3A_423 = vector.broadcast %rev3A_422 : i32 to vector<16xi32>
      %rev3A_424 = tpu.iota {dimensions = array<i32: 0>} : vector<16xi32>
      %rev3A_425 = arith.subi %rev3A_423, %rev3A_424 : vector<16xi32>
      %rev3A_426 = tpu.dynamic_gather %get3A_421[%rev3A_425] in [0] : vector<16xi32>, vector<16xi32> -> vector<16xi32>
      %broadcast_in_dim3A_427 = arith.constant true
      %broadcast_in_dim3A_428 = vector.broadcast %broadcast_in_dim3A_427 : i1 to vector<16xi1>
      %masked_cumsum3A_429 = tpu.scan <sum>, %rev3A_426 masked %broadcast_in_dim3A_428 : vector<16xi32>, vector<16xi1> -> vector<16xi32>
      %rev3A_430 = arith.constant 15 : i32
      %rev3A_431 = vector.broadcast %rev3A_430 : i32 to vector<16xi32>
      %rev3A_432 = tpu.iota {dimensions = array<i32: 0>} : vector<16xi32>
      %rev3A_433 = arith.subi %rev3A_431, %rev3A_432 : vector<16xi32>
      %rev3A_434 = tpu.dynamic_gather %masked_cumsum3A_429[%rev3A_433] in [0] : vector<16xi32>, vector<16xi32> -> vector<16xi32>
      %reduce_max3A_435 = arith.constant true
      %reduce_max3A_436 = vector.broadcast %reduce_max3A_435 : i1 to vector<16xi1>
      %reduce_max3A_437 = arith.constant -2147483648 : i32
      %reduce_max3A_438 = vector.broadcast %reduce_max3A_437 : i32 to vector<16xi32>
      %reduce_max3A_439 = arith.xori %masked_cumsum3A_429, %reduce_max3A_438 : vector<16xi32>
      %reduce_max3A_440 = tpu.scan <max>, %reduce_max3A_439 masked %reduce_max3A_436 : vector<16xi32>, vector<16xi1> -> vector<16xi32>
      %reduce_max3A_441 = arith.xori %reduce_max3A_440, %reduce_max3A_438 : vector<16xi32>
      %reduce_max3A_442 = vector.extract %reduce_max3A_441[15] : i32 from vector<16xi32>
      %rev3A_443 = arith.constant 15 : i32
      %rev3A_444 = vector.broadcast %rev3A_443 : i32 to vector<16xi32>
      %rev3A_445 = tpu.iota {dimensions = array<i32: 0>} : vector<16xi32>
      %rev3A_446 = arith.subi %rev3A_444, %rev3A_445 : vector<16xi32>
      %rev3A_447 = tpu.dynamic_gather %get3A_419[%rev3A_446] in [0] : vector<16xi32>, vector<16xi32> -> vector<16xi32>
      %broadcast_in_dim3A_448 = arith.constant true
      %broadcast_in_dim3A_449 = vector.broadcast %broadcast_in_dim3A_448 : i1 to vector<16xi1>
      %masked_cumsum3A_450 = tpu.scan <sum>, %rev3A_447 masked %broadcast_in_dim3A_449 : vector<16xi32>, vector<16xi1> -> vector<16xi32>
      %rev3A_451 = arith.constant 15 : i32
      %rev3A_452 = vector.broadcast %rev3A_451 : i32 to vector<16xi32>
      %rev3A_453 = tpu.iota {dimensions = array<i32: 0>} : vector<16xi32>
      %rev3A_454 = arith.subi %rev3A_452, %rev3A_453 : vector<16xi32>
      %rev3A_455 = tpu.dynamic_gather %masked_cumsum3A_450[%rev3A_454] in [0] : vector<16xi32>, vector<16xi32> -> vector<16xi32>
      %add3A_456 = vector.broadcast %reduce_max3A_442 : i32 to vector<16xi32>
      %add3A_457 = arith.addi %rev3A_455, %add3A_456 : vector<16xi32>
      %sub3A_458 = arith.subi %add3A_457, %get3A_419 : vector<16xi32>
      %swap3A_459 = arith.constant 0 : index
      %swap3A_460 = tpu.vector_load %arg6[%swap3A_459] {strides = array<i32>} : memref<4096xi32, #tpu.memory_space<vmem>>, vector<16xi32>,
      tpu.vector_store %arg6[%swap3A_459], %sub3A_458 {strides = array<i32>} : memref<4096xi32, #tpu.memory_space<vmem>>, vector<16xi32>,
      %sub3A_461 = arith.subi %rev3A_434, %get3A_421 : vector<16xi32>
      %swap3A_462 = arith.constant 16 : index
      %swap3A_463 = tpu.vector_load %arg6[%swap3A_462] {strides = array<i32>} : memref<4096xi32, #tpu.memory_space<vmem>>, vector<16xi32>,
      tpu.vector_store %arg6[%swap3A_462], %sub3A_461 {strides = array<i32>} : memref<4096xi32, #tpu.memory_space<vmem>>, vector<16xi32>,
      %while3A = arith.constant 0 : i32
      %while3A_464 = arith.constant 0 : i32
      %while3A_465 = arith.subi %shift_right_arithmetic3A_411, %while3A : i32
      %while3A_466 = arith.addi %while3A, %while3A_465 : i32
      %while3A_467 = arith.constant 1 : i32
      %while3A_468 = arith.divsi %while3A_465, %while3A_467 : i32
      %while3A_469 = arith.muli %while3A_468, %while3A_467 : i32
      %while3A_470 = arith.addi %while3A, %while3A_469 : i32
      %while3A_471 = arith.constant 1 : i32
      %while3A_472 = scf.for %while3A_1715 = %while3A to %while3A_470 step %while3A_471 iter_args(%while3A_1716 = %while3A_464) -> (i32)  : i32 {
        %mul3A_1717 = arith.constant 16 : i32
        %mul3A_1718 = arith.muli %while3A_1715, %mul3A_1717 : i32
        %get3A_1719 = arith.index_cast %mul3A_1718 : i32 to index
        %get3A_1720 = tpu.vector_load %arg9[%get3A_1719] {strides = array<i32>} : memref<8208xi32, #tpu.memory_space<vmem>>, vector<16xi32>,
        %mul3A_1721 = arith.constant 16 : i32
        %mul3A_1722 = arith.muli %while3A_1715, %mul3A_1721 : i32
        %get3A_1723 = arith.index_cast %mul3A_1722 : i32 to index
        %get3A_1724 = tpu.vector_load %arg10[%get3A_1723] {strides = array<i32>} : memref<8208xi32, #tpu.memory_space<vmem>>, vector<16xi32>,
        %shift_right_arithmetic3A_1725 = arith.constant 0 : i32
        %shift_right_arithmetic3A_1726 = vector.broadcast %shift_right_arithmetic3A_1725 : i32 to vector<16xi32>
        %shift_right_arithmetic3A_1727 = arith.shrsi %get3A_1720, %shift_right_arithmetic3A_1726 : vector<16xi32>
        %and3A = arith.constant 31 : i32
        %and3A_1728 = vector.broadcast %and3A : i32 to vector<16xi32>
        %and3A_1729 = arith.andi %shift_right_arithmetic3A_1727, %and3A_1728 : vector<16xi32>
        %broadcast_in_dim3A_1730 = arith.constant true
        %broadcast_in_dim3A_1731 = vector.broadcast %broadcast_in_dim3A_1730 : i1 to vector<16xi1>
        %unique3A, %unique3A_1732 = tpu.scan_count mask(%broadcast_in_dim3A_1731 : vector<16xi1>) value(%and3A_1729 : vector<16xi32>) : vector<16xi1>, vector<16xi32>
        %gather3A = tpu.vector_load_idx %arg6[%and3A_1729] : memref<4096xi32, #tpu.memory_space<vmem>>[vector<16xi32>], vector<16xi32>,
        %add3A_1733 = arith.addi %gather3A, %unique3A_1732 : vector<16xi32>
        %sub3A_1734 = arith.constant 1 : i32
        %sub3A_1735 = vector.broadcast %sub3A_1734 : i32 to vector<16xi32>
        %sub3A_1736 = arith.subi %add3A_1733, %sub3A_1735 : vector<16xi32>
        tpu.vector_store_idx %arg11[%sub3A_1736], %get3A_1720 : memref<8208xi32, #tpu.memory_space<vmem>>[vector<16xi32>], vector<16xi32>,
        tpu.vector_store_idx %arg12[%sub3A_1736], %get3A_1724 : memref<8208xi32, #tpu.memory_space<vmem>>[vector<16xi32>], vector<16xi32>,
        tpu.vector_store_idx %arg6[%and3A_1729], %unique3A_1732 masked %unique3A {add = true} : memref<4096xi32, #tpu.memory_space<vmem>>[vector<16xi32>], vector<16xi32>, vector<16xi1>
        %while3A_1737 = arith.constant 0 : i32
        scf.yield %while3A_1737 : i32
      }
      %while3A_473 = arith.constant 1 : i32
      %while3A_474 = scf.for %while3A_1715 = %while3A_470 to %while3A_466 step %while3A_473 iter_args(%while3A_1716 = %while3A_472) -> (i32)  : i32 {
        %mul3A_1717 = arith.constant 16 : i32
        %mul3A_1718 = arith.muli %while3A_1715, %mul3A_1717 : i32
        %get3A_1719 = arith.index_cast %mul3A_1718 : i32 to index
        %get3A_1720 = tpu.vector_load %arg9[%get3A_1719] {strides = array<i32>} : memref<8208xi32, #tpu.memory_space<vmem>>, vector<16xi32>,
        %mul3A_1721 = arith.constant 16 : i32
        %mul3A_1722 = arith.muli %while3A_1715, %mul3A_1721 : i32
        %get3A_1723 = arith.index_cast %mul3A_1722 : i32 to index
        %get3A_1724 = tpu.vector_load %arg10[%get3A_1723] {strides = array<i32>} : memref<8208xi32, #tpu.memory_space<vmem>>, vector<16xi32>,
        %shift_right_arithmetic3A_1725 = arith.constant 0 : i32
        %shift_right_arithmetic3A_1726 = vector.broadcast %shift_right_arithmetic3A_1725 : i32 to vector<16xi32>
        %shift_right_arithmetic3A_1727 = arith.shrsi %get3A_1720, %shift_right_arithmetic3A_1726 : vector<16xi32>
        %and3A = arith.constant 31 : i32
        %and3A_1728 = vector.broadcast %and3A : i32 to vector<16xi32>
        %and3A_1729 = arith.andi %shift_right_arithmetic3A_1727, %and3A_1728 : vector<16xi32>
        %broadcast_in_dim3A_1730 = arith.constant true
        %broadcast_in_dim3A_1731 = vector.broadcast %broadcast_in_dim3A_1730 : i1 to vector<16xi1>
        %unique3A, %unique3A_1732 = tpu.scan_count mask(%broadcast_in_dim3A_1731 : vector<16xi1>) value(%and3A_1729 : vector<16xi32>) : vector<16xi1>, vector<16xi32>
        %gather3A = tpu.vector_load_idx %arg6[%and3A_1729] : memref<4096xi32, #tpu.memory_space<vmem>>[vector<16xi32>], vector<16xi32>,
        %add3A_1733 = arith.addi %gather3A, %unique3A_1732 : vector<16xi32>
        %sub3A_1734 = arith.constant 1 : i32
        %sub3A_1735 = vector.broadcast %sub3A_1734 : i32 to vector<16xi32>
        %sub3A_1736 = arith.subi %add3A_1733, %sub3A_1735 : vector<16xi32>
        tpu.vector_store_idx %arg11[%sub3A_1736], %get3A_1720 : memref<8208xi32, #tpu.memory_space<vmem>>[vector<16xi32>], vector<16xi32>,
        tpu.vector_store_idx %arg12[%sub3A_1736], %get3A_1724 : memref<8208xi32, #tpu.memory_space<vmem>>[vector<16xi32>], vector<16xi32>,
        tpu.vector_store_idx %arg6[%and3A_1729], %unique3A_1732 masked %unique3A {add = true} : memref<4096xi32, #tpu.memory_space<vmem>>[vector<16xi32>], vector<16xi32>, vector<16xi1>
        %while3A_1737 = arith.constant 0 : i32
        scf.yield %while3A_1737 : i32
      }
      %swap3A_475 = arith.constant 0 : index
      %swap3A_476 = tpu.vector_load %arg6[%swap3A_475] {strides = array<i32>} : memref<4096xi32, #tpu.memory_space<vmem>>, vector<16xi32>,
      tpu.vector_store %arg6[%swap3A_475], %broadcast_in_dim3A_3 {strides = array<i32>} : memref<4096xi32, #tpu.memory_space<vmem>>, vector<16xi32>,
      %swap3A_477 = arith.constant 16 : index
      %swap3A_478 = tpu.vector_load %arg6[%swap3A_477] {strides = array<i32>} : memref<4096xi32, #tpu.memory_space<vmem>>, vector<16xi32>,
      tpu.vector_store %arg6[%swap3A_477], %broadcast_in_dim3A_3 {strides = array<i32>} : memref<4096xi32, #tpu.memory_space<vmem>>, vector<16xi32>,
      %parallel_loop3A_479 = arith.constant 0 : i32
      %parallel_loop3A_480 = arith.constant 1 : i32
      scf.for %parallel_loop3A_1715 = %parallel_loop3A_479 to %shift_right_arithmetic3A_411 step %parallel_loop3A_480  : i32 {
        %parallel_loop3A_1716 = arith.constant 16 : i32
        %parallel_loop3A_1717 = arith.muli %parallel_loop3A_1715, %parallel_loop3A_1716 : i32
        %parallel_loop3A_1718 = arith.index_cast %parallel_loop3A_1717 : i32 to index
        %parallel_loop3A_1719 = tpu.vector_load %arg11[%parallel_loop3A_1718] {strides = array<i32>} : memref<8208xi32, #tpu.memory_space<vmem>>, vector<16xi32>,
        %parallel_loop3A_1720 = arith.constant 5 : i32
        %parallel_loop3A_1721 = vector.broadcast %parallel_loop3A_1720 : i32 to vector<16xi32>
        %parallel_loop3A_1722 = arith.shrsi %parallel_loop3A_1719, %parallel_loop3A_1721 : vector<16xi32>
        %parallel_loop3A_1723 = arith.constant 31 : i32
        %parallel_loop3A_1724 = vector.broadcast %parallel_loop3A_1723 : i32 to vector<16xi32>
        %parallel_loop3A_1725 = arith.andi %parallel_loop3A_1722, %parallel_loop3A_1724 : vector<16xi32>
        tpu.vector_store_idx %arg6[%parallel_loop3A_1725], %broadcast_in_dim3A_5 {add = true} : memref<4096xi32, #tpu.memory_space<vmem>>[vector<16xi32>], vector<16xi32>,
      } {sc.loop_unroll_factor = 1 : i64, sc.parallel_access}
      %get3A_481 = arith.constant 0 : index
      %get3A_482 = tpu.vector_load %arg6[%get3A_481] {strides = array<i32>} : memref<4096xi32, #tpu.memory_space<vmem>>, vector<16xi32>,
      %get3A_483 = arith.constant 16 : index
      %get3A_484 = tpu.vector_load %arg6[%get3A_483] {strides = array<i32>} : memref<4096xi32, #tpu.memory_space<vmem>>, vector<16xi32>,
      %rev3A_485 = arith.constant 15 : i32
      %rev3A_486 = vector.broadcast %rev3A_485 : i32 to vector<16xi32>
      %rev3A_487 = tpu.iota {dimensions = array<i32: 0>} : vector<16xi32>
      %rev3A_488 = arith.subi %rev3A_486, %rev3A_487 : vector<16xi32>
      %rev3A_489 = tpu.dynamic_gather %get3A_484[%rev3A_488] in [0] : vector<16xi32>, vector<16xi32> -> vector<16xi32>
      %broadcast_in_dim3A_490 = arith.constant true
      %broadcast_in_dim3A_491 = vector.broadcast %broadcast_in_dim3A_490 : i1 to vector<16xi1>
      %masked_cumsum3A_492 = tpu.scan <sum>, %rev3A_489 masked %broadcast_in_dim3A_491 : vector<16xi32>, vector<16xi1> -> vector<16xi32>
      %rev3A_493 = arith.constant 15 : i32
      %rev3A_494 = vector.broadcast %rev3A_493 : i32 to vector<16xi32>
      %rev3A_495 = tpu.iota {dimensions = array<i32: 0>} : vector<16xi32>
      %rev3A_496 = arith.subi %rev3A_494, %rev3A_495 : vector<16xi32>
      %rev3A_497 = tpu.dynamic_gather %masked_cumsum3A_492[%rev3A_496] in [0] : vector<16xi32>, vector<16xi32> -> vector<16xi32>
      %reduce_max3A_498 = arith.constant true
      %reduce_max3A_499 = vector.broadcast %reduce_max3A_498 : i1 to vector<16xi1>
      %reduce_max3A_500 = arith.constant -2147483648 : i32
      %reduce_max3A_501 = vector.broadcast %reduce_max3A_500 : i32 to vector<16xi32>
      %reduce_max3A_502 = arith.xori %masked_cumsum3A_492, %reduce_max3A_501 : vector<16xi32>
      %reduce_max3A_503 = tpu.scan <max>, %reduce_max3A_502 masked %reduce_max3A_499 : vector<16xi32>, vector<16xi1> -> vector<16xi32>
      %reduce_max3A_504 = arith.xori %reduce_max3A_503, %reduce_max3A_501 : vector<16xi32>
      %reduce_max3A_505 = vector.extract %reduce_max3A_504[15] : i32 from vector<16xi32>
      %rev3A_506 = arith.constant 15 : i32
      %rev3A_507 = vector.broadcast %rev3A_506 : i32 to vector<16xi32>
      %rev3A_508 = tpu.iota {dimensions = array<i32: 0>} : vector<16xi32>
      %rev3A_509 = arith.subi %rev3A_507, %rev3A_508 : vector<16xi32>
      %rev3A_510 = tpu.dynamic_gather %get3A_482[%rev3A_509] in [0] : vector<16xi32>, vector<16xi32> -> vector<16xi32>
      %broadcast_in_dim3A_511 = arith.constant true
      %broadcast_in_dim3A_512 = vector.broadcast %broadcast_in_dim3A_511 : i1 to vector<16xi1>
      %masked_cumsum3A_513 = tpu.scan <sum>, %rev3A_510 masked %broadcast_in_dim3A_512 : vector<16xi32>, vector<16xi1> -> vector<16xi32>
      %rev3A_514 = arith.constant 15 : i32
      %rev3A_515 = vector.broadcast %rev3A_514 : i32 to vector<16xi32>
      %rev3A_516 = tpu.iota {dimensions = array<i32: 0>} : vector<16xi32>
      %rev3A_517 = arith.subi %rev3A_515, %rev3A_516 : vector<16xi32>
      %rev3A_518 = tpu.dynamic_gather %masked_cumsum3A_513[%rev3A_517] in [0] : vector<16xi32>, vector<16xi32> -> vector<16xi32>
      %add3A_519 = vector.broadcast %reduce_max3A_505 : i32 to vector<16xi32>
      %add3A_520 = arith.addi %rev3A_518, %add3A_519 : vector<16xi32>
      %sub3A_521 = arith.subi %add3A_520, %get3A_482 : vector<16xi32>
      %swap3A_522 = arith.constant 0 : index
      %swap3A_523 = tpu.vector_load %arg6[%swap3A_522] {strides = array<i32>} : memref<4096xi32, #tpu.memory_space<vmem>>, vector<16xi32>,
      tpu.vector_store %arg6[%swap3A_522], %sub3A_521 {strides = array<i32>} : memref<4096xi32, #tpu.memory_space<vmem>>, vector<16xi32>,
      %sub3A_524 = arith.subi %rev3A_497, %get3A_484 : vector<16xi32>
      %swap3A_525 = arith.constant 16 : index
      %swap3A_526 = tpu.vector_load %arg6[%swap3A_525] {strides = array<i32>} : memref<4096xi32, #tpu.memory_space<vmem>>, vector<16xi32>,
      tpu.vector_store %arg6[%swap3A_525], %sub3A_524 {strides = array<i32>} : memref<4096xi32, #tpu.memory_space<vmem>>, vector<16xi32>,
      %while3A_527 = arith.constant 0 : i32
      %while3A_528 = arith.constant 0 : i32
      %while3A_529 = arith.subi %shift_right_arithmetic3A_411, %while3A_527 : i32
      %while3A_530 = arith.addi %while3A_527, %while3A_529 : i32
      %while3A_531 = arith.constant 1 : i32
      %while3A_532 = arith.divsi %while3A_529, %while3A_531 : i32
      %while3A_533 = arith.muli %while3A_532, %while3A_531 : i32
      %while3A_534 = arith.addi %while3A_527, %while3A_533 : i32
      %while3A_535 = arith.constant 1 : i32
      %while3A_536 = scf.for %while3A_1715 = %while3A_527 to %while3A_534 step %while3A_535 iter_args(%while3A_1716 = %while3A_528) -> (i32)  : i32 {
        %mul3A_1717 = arith.constant 16 : i32
        %mul3A_1718 = arith.muli %while3A_1715, %mul3A_1717 : i32
        %get3A_1719 = arith.index_cast %mul3A_1718 : i32 to index
        %get3A_1720 = tpu.vector_load %arg11[%get3A_1719] {strides = array<i32>} : memref<8208xi32, #tpu.memory_space<vmem>>, vector<16xi32>,
        %mul3A_1721 = arith.constant 16 : i32
        %mul3A_1722 = arith.muli %while3A_1715, %mul3A_1721 : i32
        %get3A_1723 = arith.index_cast %mul3A_1722 : i32 to index
        %get3A_1724 = tpu.vector_load %arg12[%get3A_1723] {strides = array<i32>} : memref<8208xi32, #tpu.memory_space<vmem>>, vector<16xi32>,
        %shift_right_arithmetic3A_1725 = arith.constant 5 : i32
        %shift_right_arithmetic3A_1726 = vector.broadcast %shift_right_arithmetic3A_1725 : i32 to vector<16xi32>
        %shift_right_arithmetic3A_1727 = arith.shrsi %get3A_1720, %shift_right_arithmetic3A_1726 : vector<16xi32>
        %and3A = arith.constant 31 : i32
        %and3A_1728 = vector.broadcast %and3A : i32 to vector<16xi32>
        %and3A_1729 = arith.andi %shift_right_arithmetic3A_1727, %and3A_1728 : vector<16xi32>
        %broadcast_in_dim3A_1730 = arith.constant true
        %broadcast_in_dim3A_1731 = vector.broadcast %broadcast_in_dim3A_1730 : i1 to vector<16xi1>
        %unique3A, %unique3A_1732 = tpu.scan_count mask(%broadcast_in_dim3A_1731 : vector<16xi1>) value(%and3A_1729 : vector<16xi32>) : vector<16xi1>, vector<16xi32>
        %gather3A = tpu.vector_load_idx %arg6[%and3A_1729] : memref<4096xi32, #tpu.memory_space<vmem>>[vector<16xi32>], vector<16xi32>,
        %add3A_1733 = arith.addi %gather3A, %unique3A_1732 : vector<16xi32>
        %sub3A_1734 = arith.constant 1 : i32
        %sub3A_1735 = vector.broadcast %sub3A_1734 : i32 to vector<16xi32>
        %sub3A_1736 = arith.subi %add3A_1733, %sub3A_1735 : vector<16xi32>
        tpu.vector_store_idx %arg9[%sub3A_1736], %get3A_1720 : memref<8208xi32, #tpu.memory_space<vmem>>[vector<16xi32>], vector<16xi32>,
        tpu.vector_store_idx %arg10[%sub3A_1736], %get3A_1724 : memref<8208xi32, #tpu.memory_space<vmem>>[vector<16xi32>], vector<16xi32>,
        tpu.vector_store_idx %arg6[%and3A_1729], %unique3A_1732 masked %unique3A {add = true} : memref<4096xi32, #tpu.memory_space<vmem>>[vector<16xi32>], vector<16xi32>, vector<16xi1>
        %while3A_1737 = arith.constant 0 : i32
        scf.yield %while3A_1737 : i32
      }
      %while3A_537 = arith.constant 1 : i32
      %while3A_538 = scf.for %while3A_1715 = %while3A_534 to %while3A_530 step %while3A_537 iter_args(%while3A_1716 = %while3A_536) -> (i32)  : i32 {
        %mul3A_1717 = arith.constant 16 : i32
        %mul3A_1718 = arith.muli %while3A_1715, %mul3A_1717 : i32
        %get3A_1719 = arith.index_cast %mul3A_1718 : i32 to index
        %get3A_1720 = tpu.vector_load %arg11[%get3A_1719] {strides = array<i32>} : memref<8208xi32, #tpu.memory_space<vmem>>, vector<16xi32>,
        %mul3A_1721 = arith.constant 16 : i32
        %mul3A_1722 = arith.muli %while3A_1715, %mul3A_1721 : i32
        %get3A_1723 = arith.index_cast %mul3A_1722 : i32 to index
        %get3A_1724 = tpu.vector_load %arg12[%get3A_1723] {strides = array<i32>} : memref<8208xi32, #tpu.memory_space<vmem>>, vector<16xi32>,
        %shift_right_arithmetic3A_1725 = arith.constant 5 : i32
        %shift_right_arithmetic3A_1726 = vector.broadcast %shift_right_arithmetic3A_1725 : i32 to vector<16xi32>
        %shift_right_arithmetic3A_1727 = arith.shrsi %get3A_1720, %shift_right_arithmetic3A_1726 : vector<16xi32>
        %and3A = arith.constant 31 : i32
        %and3A_1728 = vector.broadcast %and3A : i32 to vector<16xi32>
        %and3A_1729 = arith.andi %shift_right_arithmetic3A_1727, %and3A_1728 : vector<16xi32>
        %broadcast_in_dim3A_1730 = arith.constant true
        %broadcast_in_dim3A_1731 = vector.broadcast %broadcast_in_dim3A_1730 : i1 to vector<16xi1>
        %unique3A, %unique3A_1732 = tpu.scan_count mask(%broadcast_in_dim3A_1731 : vector<16xi1>) value(%and3A_1729 : vector<16xi32>) : vector<16xi1>, vector<16xi32>
        %gather3A = tpu.vector_load_idx %arg6[%and3A_1729] : memref<4096xi32, #tpu.memory_space<vmem>>[vector<16xi32>], vector<16xi32>,
        %add3A_1733 = arith.addi %gather3A, %unique3A_1732 : vector<16xi32>
        %sub3A_1734 = arith.constant 1 : i32
        %sub3A_1735 = vector.broadcast %sub3A_1734 : i32 to vector<16xi32>
        %sub3A_1736 = arith.subi %add3A_1733, %sub3A_1735 : vector<16xi32>
        tpu.vector_store_idx %arg9[%sub3A_1736], %get3A_1720 : memref<8208xi32, #tpu.memory_space<vmem>>[vector<16xi32>], vector<16xi32>,
        tpu.vector_store_idx %arg10[%sub3A_1736], %get3A_1724 : memref<8208xi32, #tpu.memory_space<vmem>>[vector<16xi32>], vector<16xi32>,
        tpu.vector_store_idx %arg6[%and3A_1729], %unique3A_1732 masked %unique3A {add = true} : memref<4096xi32, #tpu.memory_space<vmem>>[vector<16xi32>], vector<16xi32>, vector<16xi1>
        %while3A_1737 = arith.constant 0 : i32
        scf.yield %while3A_1737 : i32
      }
      %swap3A_539 = arith.constant 0 : index
      %swap3A_540 = tpu.vector_load %arg6[%swap3A_539] {strides = array<i32>} : memref<4096xi32, #tpu.memory_space<vmem>>, vector<16xi32>,
      tpu.vector_store %arg6[%swap3A_539], %broadcast_in_dim3A_3 {strides = array<i32>} : memref<4096xi32, #tpu.memory_space<vmem>>, vector<16xi32>,
      %swap3A_541 = arith.constant 16 : index
      %swap3A_542 = tpu.vector_load %arg6[%swap3A_541] {strides = array<i32>} : memref<4096xi32, #tpu.memory_space<vmem>>, vector<16xi32>,
      tpu.vector_store %arg6[%swap3A_541], %broadcast_in_dim3A_3 {strides = array<i32>} : memref<4096xi32, #tpu.memory_space<vmem>>, vector<16xi32>,
      %parallel_loop3A_543 = arith.constant 0 : i32
      %parallel_loop3A_544 = arith.constant 1 : i32
      scf.for %parallel_loop3A_1715 = %parallel_loop3A_543 to %shift_right_arithmetic3A_411 step %parallel_loop3A_544  : i32 {
        %parallel_loop3A_1716 = arith.constant 16 : i32
        %parallel_loop3A_1717 = arith.muli %parallel_loop3A_1715, %parallel_loop3A_1716 : i32
        %parallel_loop3A_1718 = arith.index_cast %parallel_loop3A_1717 : i32 to index
        %parallel_loop3A_1719 = tpu.vector_load %arg9[%parallel_loop3A_1718] {strides = array<i32>} : memref<8208xi32, #tpu.memory_space<vmem>>, vector<16xi32>,
        %parallel_loop3A_1720 = arith.constant 10 : i32
        %parallel_loop3A_1721 = vector.broadcast %parallel_loop3A_1720 : i32 to vector<16xi32>
        %parallel_loop3A_1722 = arith.shrsi %parallel_loop3A_1719, %parallel_loop3A_1721 : vector<16xi32>
        %parallel_loop3A_1723 = arith.constant 31 : i32
        %parallel_loop3A_1724 = vector.broadcast %parallel_loop3A_1723 : i32 to vector<16xi32>
        %parallel_loop3A_1725 = arith.andi %parallel_loop3A_1722, %parallel_loop3A_1724 : vector<16xi32>
        tpu.vector_store_idx %arg6[%parallel_loop3A_1725], %broadcast_in_dim3A_5 {add = true} : memref<4096xi32, #tpu.memory_space<vmem>>[vector<16xi32>], vector<16xi32>,
      } {sc.loop_unroll_factor = 1 : i64, sc.parallel_access}
      %get3A_545 = arith.constant 0 : index
      %get3A_546 = tpu.vector_load %arg6[%get3A_545] {strides = array<i32>} : memref<4096xi32, #tpu.memory_space<vmem>>, vector<16xi32>,
      %get3A_547 = arith.constant 16 : index
      %get3A_548 = tpu.vector_load %arg6[%get3A_547] {strides = array<i32>} : memref<4096xi32, #tpu.memory_space<vmem>>, vector<16xi32>,
      %rev3A_549 = arith.constant 15 : i32
      %rev3A_550 = vector.broadcast %rev3A_549 : i32 to vector<16xi32>
      %rev3A_551 = tpu.iota {dimensions = array<i32: 0>} : vector<16xi32>
      %rev3A_552 = arith.subi %rev3A_550, %rev3A_551 : vector<16xi32>
      %rev3A_553 = tpu.dynamic_gather %get3A_548[%rev3A_552] in [0] : vector<16xi32>, vector<16xi32> -> vector<16xi32>
      %broadcast_in_dim3A_554 = arith.constant true
      %broadcast_in_dim3A_555 = vector.broadcast %broadcast_in_dim3A_554 : i1 to vector<16xi1>
      %masked_cumsum3A_556 = tpu.scan <sum>, %rev3A_553 masked %broadcast_in_dim3A_555 : vector<16xi32>, vector<16xi1> -> vector<16xi32>
      %rev3A_557 = arith.constant 15 : i32
      %rev3A_558 = vector.broadcast %rev3A_557 : i32 to vector<16xi32>
      %rev3A_559 = tpu.iota {dimensions = array<i32: 0>} : vector<16xi32>
      %rev3A_560 = arith.subi %rev3A_558, %rev3A_559 : vector<16xi32>
      %rev3A_561 = tpu.dynamic_gather %masked_cumsum3A_556[%rev3A_560] in [0] : vector<16xi32>, vector<16xi32> -> vector<16xi32>
      %reduce_max3A_562 = arith.constant true
      %reduce_max3A_563 = vector.broadcast %reduce_max3A_562 : i1 to vector<16xi1>
      %reduce_max3A_564 = arith.constant -2147483648 : i32
      %reduce_max3A_565 = vector.broadcast %reduce_max3A_564 : i32 to vector<16xi32>
      %reduce_max3A_566 = arith.xori %masked_cumsum3A_556, %reduce_max3A_565 : vector<16xi32>
      %reduce_max3A_567 = tpu.scan <max>, %reduce_max3A_566 masked %reduce_max3A_563 : vector<16xi32>, vector<16xi1> -> vector<16xi32>
      %reduce_max3A_568 = arith.xori %reduce_max3A_567, %reduce_max3A_565 : vector<16xi32>
      %reduce_max3A_569 = vector.extract %reduce_max3A_568[15] : i32 from vector<16xi32>
      %rev3A_570 = arith.constant 15 : i32
      %rev3A_571 = vector.broadcast %rev3A_570 : i32 to vector<16xi32>
      %rev3A_572 = tpu.iota {dimensions = array<i32: 0>} : vector<16xi32>
      %rev3A_573 = arith.subi %rev3A_571, %rev3A_572 : vector<16xi32>
      %rev3A_574 = tpu.dynamic_gather %get3A_546[%rev3A_573] in [0] : vector<16xi32>, vector<16xi32> -> vector<16xi32>
      %broadcast_in_dim3A_575 = arith.constant true
      %broadcast_in_dim3A_576 = vector.broadcast %broadcast_in_dim3A_575 : i1 to vector<16xi1>
      %masked_cumsum3A_577 = tpu.scan <sum>, %rev3A_574 masked %broadcast_in_dim3A_576 : vector<16xi32>, vector<16xi1> -> vector<16xi32>
      %rev3A_578 = arith.constant 15 : i32
      %rev3A_579 = vector.broadcast %rev3A_578 : i32 to vector<16xi32>
      %rev3A_580 = tpu.iota {dimensions = array<i32: 0>} : vector<16xi32>
      %rev3A_581 = arith.subi %rev3A_579, %rev3A_580 : vector<16xi32>
      %rev3A_582 = tpu.dynamic_gather %masked_cumsum3A_577[%rev3A_581] in [0] : vector<16xi32>, vector<16xi32> -> vector<16xi32>
      %add3A_583 = vector.broadcast %reduce_max3A_569 : i32 to vector<16xi32>
      %add3A_584 = arith.addi %rev3A_582, %add3A_583 : vector<16xi32>
      %sub3A_585 = arith.subi %add3A_584, %get3A_546 : vector<16xi32>
      %swap3A_586 = arith.constant 0 : index
      %swap3A_587 = tpu.vector_load %arg6[%swap3A_586] {strides = array<i32>} : memref<4096xi32, #tpu.memory_space<vmem>>, vector<16xi32>,
      tpu.vector_store %arg6[%swap3A_586], %sub3A_585 {strides = array<i32>} : memref<4096xi32, #tpu.memory_space<vmem>>, vector<16xi32>,
      %sub3A_588 = arith.subi %rev3A_561, %get3A_548 : vector<16xi32>
      %swap3A_589 = arith.constant 16 : index
      %swap3A_590 = tpu.vector_load %arg6[%swap3A_589] {strides = array<i32>} : memref<4096xi32, #tpu.memory_space<vmem>>, vector<16xi32>,
      tpu.vector_store %arg6[%swap3A_589], %sub3A_588 {strides = array<i32>} : memref<4096xi32, #tpu.memory_space<vmem>>, vector<16xi32>,
      %while3A_591 = arith.constant 0 : i32
      %while3A_592 = arith.constant 0 : i32
      %while3A_593 = arith.subi %shift_right_arithmetic3A_411, %while3A_591 : i32
      %while3A_594 = arith.addi %while3A_591, %while3A_593 : i32
      %while3A_595 = arith.constant 1 : i32
      %while3A_596 = arith.divsi %while3A_593, %while3A_595 : i32
      %while3A_597 = arith.muli %while3A_596, %while3A_595 : i32
      %while3A_598 = arith.addi %while3A_591, %while3A_597 : i32
      %while3A_599 = arith.constant 1 : i32
      %while3A_600 = scf.for %while3A_1715 = %while3A_591 to %while3A_598 step %while3A_599 iter_args(%while3A_1716 = %while3A_592) -> (i32)  : i32 {
        %mul3A_1717 = arith.constant 16 : i32
        %mul3A_1718 = arith.muli %while3A_1715, %mul3A_1717 : i32
        %get3A_1719 = arith.index_cast %mul3A_1718 : i32 to index
        %get3A_1720 = tpu.vector_load %arg9[%get3A_1719] {strides = array<i32>} : memref<8208xi32, #tpu.memory_space<vmem>>, vector<16xi32>,
        %mul3A_1721 = arith.constant 16 : i32
        %mul3A_1722 = arith.muli %while3A_1715, %mul3A_1721 : i32
        %get3A_1723 = arith.index_cast %mul3A_1722 : i32 to index
        %get3A_1724 = tpu.vector_load %arg10[%get3A_1723] {strides = array<i32>} : memref<8208xi32, #tpu.memory_space<vmem>>, vector<16xi32>,
        %shift_right_arithmetic3A_1725 = arith.constant 10 : i32
        %shift_right_arithmetic3A_1726 = vector.broadcast %shift_right_arithmetic3A_1725 : i32 to vector<16xi32>
        %shift_right_arithmetic3A_1727 = arith.shrsi %get3A_1720, %shift_right_arithmetic3A_1726 : vector<16xi32>
        %and3A = arith.constant 31 : i32
        %and3A_1728 = vector.broadcast %and3A : i32 to vector<16xi32>
        %and3A_1729 = arith.andi %shift_right_arithmetic3A_1727, %and3A_1728 : vector<16xi32>
        %broadcast_in_dim3A_1730 = arith.constant true
        %broadcast_in_dim3A_1731 = vector.broadcast %broadcast_in_dim3A_1730 : i1 to vector<16xi1>
        %unique3A, %unique3A_1732 = tpu.scan_count mask(%broadcast_in_dim3A_1731 : vector<16xi1>) value(%and3A_1729 : vector<16xi32>) : vector<16xi1>, vector<16xi32>
        %gather3A = tpu.vector_load_idx %arg6[%and3A_1729] : memref<4096xi32, #tpu.memory_space<vmem>>[vector<16xi32>], vector<16xi32>,
        %add3A_1733 = arith.addi %gather3A, %unique3A_1732 : vector<16xi32>
        %sub3A_1734 = arith.constant 1 : i32
        %sub3A_1735 = vector.broadcast %sub3A_1734 : i32 to vector<16xi32>
        %sub3A_1736 = arith.subi %add3A_1733, %sub3A_1735 : vector<16xi32>
        tpu.vector_store_idx %arg11[%sub3A_1736], %get3A_1720 : memref<8208xi32, #tpu.memory_space<vmem>>[vector<16xi32>], vector<16xi32>,
        tpu.vector_store_idx %arg12[%sub3A_1736], %get3A_1724 : memref<8208xi32, #tpu.memory_space<vmem>>[vector<16xi32>], vector<16xi32>,
        tpu.vector_store_idx %arg6[%and3A_1729], %unique3A_1732 masked %unique3A {add = true} : memref<4096xi32, #tpu.memory_space<vmem>>[vector<16xi32>], vector<16xi32>, vector<16xi1>
        %while3A_1737 = arith.constant 0 : i32
        scf.yield %while3A_1737 : i32
      }
      %while3A_601 = arith.constant 1 : i32
      %while3A_602 = scf.for %while3A_1715 = %while3A_598 to %while3A_594 step %while3A_601 iter_args(%while3A_1716 = %while3A_600) -> (i32)  : i32 {
        %mul3A_1717 = arith.constant 16 : i32
        %mul3A_1718 = arith.muli %while3A_1715, %mul3A_1717 : i32
        %get3A_1719 = arith.index_cast %mul3A_1718 : i32 to index
        %get3A_1720 = tpu.vector_load %arg9[%get3A_1719] {strides = array<i32>} : memref<8208xi32, #tpu.memory_space<vmem>>, vector<16xi32>,
        %mul3A_1721 = arith.constant 16 : i32
        %mul3A_1722 = arith.muli %while3A_1715, %mul3A_1721 : i32
        %get3A_1723 = arith.index_cast %mul3A_1722 : i32 to index
        %get3A_1724 = tpu.vector_load %arg10[%get3A_1723] {strides = array<i32>} : memref<8208xi32, #tpu.memory_space<vmem>>, vector<16xi32>,
        %shift_right_arithmetic3A_1725 = arith.constant 10 : i32
        %shift_right_arithmetic3A_1726 = vector.broadcast %shift_right_arithmetic3A_1725 : i32 to vector<16xi32>
        %shift_right_arithmetic3A_1727 = arith.shrsi %get3A_1720, %shift_right_arithmetic3A_1726 : vector<16xi32>
        %and3A = arith.constant 31 : i32
        %and3A_1728 = vector.broadcast %and3A : i32 to vector<16xi32>
        %and3A_1729 = arith.andi %shift_right_arithmetic3A_1727, %and3A_1728 : vector<16xi32>
        %broadcast_in_dim3A_1730 = arith.constant true
        %broadcast_in_dim3A_1731 = vector.broadcast %broadcast_in_dim3A_1730 : i1 to vector<16xi1>
        %unique3A, %unique3A_1732 = tpu.scan_count mask(%broadcast_in_dim3A_1731 : vector<16xi1>) value(%and3A_1729 : vector<16xi32>) : vector<16xi1>, vector<16xi32>
        %gather3A = tpu.vector_load_idx %arg6[%and3A_1729] : memref<4096xi32, #tpu.memory_space<vmem>>[vector<16xi32>], vector<16xi32>,
        %add3A_1733 = arith.addi %gather3A, %unique3A_1732 : vector<16xi32>
        %sub3A_1734 = arith.constant 1 : i32
        %sub3A_1735 = vector.broadcast %sub3A_1734 : i32 to vector<16xi32>
        %sub3A_1736 = arith.subi %add3A_1733, %sub3A_1735 : vector<16xi32>
        tpu.vector_store_idx %arg11[%sub3A_1736], %get3A_1720 : memref<8208xi32, #tpu.memory_space<vmem>>[vector<16xi32>], vector<16xi32>,
        tpu.vector_store_idx %arg12[%sub3A_1736], %get3A_1724 : memref<8208xi32, #tpu.memory_space<vmem>>[vector<16xi32>], vector<16xi32>,
        tpu.vector_store_idx %arg6[%and3A_1729], %unique3A_1732 masked %unique3A {add = true} : memref<4096xi32, #tpu.memory_space<vmem>>[vector<16xi32>], vector<16xi32>, vector<16xi1>
        %while3A_1737 = arith.constant 0 : i32
        scf.yield %while3A_1737 : i32
      }
      %swap3A_603 = arith.constant 0 : index
      %swap3A_604 = tpu.vector_load %arg6[%swap3A_603] {strides = array<i32>} : memref<4096xi32, #tpu.memory_space<vmem>>, vector<16xi32>,
      tpu.vector_store %arg6[%swap3A_603], %broadcast_in_dim3A_3 {strides = array<i32>} : memref<4096xi32, #tpu.memory_space<vmem>>, vector<16xi32>,
      %swap3A_605 = arith.constant 16 : index
      %swap3A_606 = tpu.vector_load %arg6[%swap3A_605] {strides = array<i32>} : memref<4096xi32, #tpu.memory_space<vmem>>, vector<16xi32>,
      tpu.vector_store %arg6[%swap3A_605], %broadcast_in_dim3A_3 {strides = array<i32>} : memref<4096xi32, #tpu.memory_space<vmem>>, vector<16xi32>,
      %parallel_loop3A_607 = arith.constant 0 : i32
      %parallel_loop3A_608 = arith.constant 1 : i32
      scf.for %parallel_loop3A_1715 = %parallel_loop3A_607 to %shift_right_arithmetic3A_411 step %parallel_loop3A_608  : i32 {
        %parallel_loop3A_1716 = arith.constant 16 : i32
        %parallel_loop3A_1717 = arith.muli %parallel_loop3A_1715, %parallel_loop3A_1716 : i32
        %parallel_loop3A_1718 = arith.index_cast %parallel_loop3A_1717 : i32 to index
        %parallel_loop3A_1719 = tpu.vector_load %arg11[%parallel_loop3A_1718] {strides = array<i32>} : memref<8208xi32, #tpu.memory_space<vmem>>, vector<16xi32>,
        %parallel_loop3A_1720 = arith.constant 15 : i32
        %parallel_loop3A_1721 = vector.broadcast %parallel_loop3A_1720 : i32 to vector<16xi32>
        %parallel_loop3A_1722 = arith.shrsi %parallel_loop3A_1719, %parallel_loop3A_1721 : vector<16xi32>
        %parallel_loop3A_1723 = arith.constant 31 : i32
        %parallel_loop3A_1724 = vector.broadcast %parallel_loop3A_1723 : i32 to vector<16xi32>
        %parallel_loop3A_1725 = arith.andi %parallel_loop3A_1722, %parallel_loop3A_1724 : vector<16xi32>
        tpu.vector_store_idx %arg6[%parallel_loop3A_1725], %broadcast_in_dim3A_5 {add = true} : memref<4096xi32, #tpu.memory_space<vmem>>[vector<16xi32>], vector<16xi32>,
      } {sc.loop_unroll_factor = 1 : i64, sc.parallel_access}
      %get3A_609 = arith.constant 0 : index
      %get3A_610 = tpu.vector_load %arg6[%get3A_609] {strides = array<i32>} : memref<4096xi32, #tpu.memory_space<vmem>>, vector<16xi32>,
      %get3A_611 = arith.constant 16 : index
      %get3A_612 = tpu.vector_load %arg6[%get3A_611] {strides = array<i32>} : memref<4096xi32, #tpu.memory_space<vmem>>, vector<16xi32>,
      %rev3A_613 = arith.constant 15 : i32
      %rev3A_614 = vector.broadcast %rev3A_613 : i32 to vector<16xi32>
      %rev3A_615 = tpu.iota {dimensions = array<i32: 0>} : vector<16xi32>
      %rev3A_616 = arith.subi %rev3A_614, %rev3A_615 : vector<16xi32>
      %rev3A_617 = tpu.dynamic_gather %get3A_612[%rev3A_616] in [0] : vector<16xi32>, vector<16xi32> -> vector<16xi32>
      %broadcast_in_dim3A_618 = arith.constant true
      %broadcast_in_dim3A_619 = vector.broadcast %broadcast_in_dim3A_618 : i1 to vector<16xi1>
      %masked_cumsum3A_620 = tpu.scan <sum>, %rev3A_617 masked %broadcast_in_dim3A_619 : vector<16xi32>, vector<16xi1> -> vector<16xi32>
      %rev3A_621 = arith.constant 15 : i32
      %rev3A_622 = vector.broadcast %rev3A_621 : i32 to vector<16xi32>
      %rev3A_623 = tpu.iota {dimensions = array<i32: 0>} : vector<16xi32>
      %rev3A_624 = arith.subi %rev3A_622, %rev3A_623 : vector<16xi32>
      %rev3A_625 = tpu.dynamic_gather %masked_cumsum3A_620[%rev3A_624] in [0] : vector<16xi32>, vector<16xi32> -> vector<16xi32>
      %reduce_max3A_626 = arith.constant true
      %reduce_max3A_627 = vector.broadcast %reduce_max3A_626 : i1 to vector<16xi1>
      %reduce_max3A_628 = arith.constant -2147483648 : i32
      %reduce_max3A_629 = vector.broadcast %reduce_max3A_628 : i32 to vector<16xi32>
      %reduce_max3A_630 = arith.xori %masked_cumsum3A_620, %reduce_max3A_629 : vector<16xi32>
      %reduce_max3A_631 = tpu.scan <max>, %reduce_max3A_630 masked %reduce_max3A_627 : vector<16xi32>, vector<16xi1> -> vector<16xi32>
      %reduce_max3A_632 = arith.xori %reduce_max3A_631, %reduce_max3A_629 : vector<16xi32>
      %reduce_max3A_633 = vector.extract %reduce_max3A_632[15] : i32 from vector<16xi32>
      %rev3A_634 = arith.constant 15 : i32
      %rev3A_635 = vector.broadcast %rev3A_634 : i32 to vector<16xi32>
      %rev3A_636 = tpu.iota {dimensions = array<i32: 0>} : vector<16xi32>
      %rev3A_637 = arith.subi %rev3A_635, %rev3A_636 : vector<16xi32>
      %rev3A_638 = tpu.dynamic_gather %get3A_610[%rev3A_637] in [0] : vector<16xi32>, vector<16xi32> -> vector<16xi32>
      %broadcast_in_dim3A_639 = arith.constant true
      %broadcast_in_dim3A_640 = vector.broadcast %broadcast_in_dim3A_639 : i1 to vector<16xi1>
      %masked_cumsum3A_641 = tpu.scan <sum>, %rev3A_638 masked %broadcast_in_dim3A_640 : vector<16xi32>, vector<16xi1> -> vector<16xi32>
      %rev3A_642 = arith.constant 15 : i32
      %rev3A_643 = vector.broadcast %rev3A_642 : i32 to vector<16xi32>
      %rev3A_644 = tpu.iota {dimensions = array<i32: 0>} : vector<16xi32>
      %rev3A_645 = arith.subi %rev3A_643, %rev3A_644 : vector<16xi32>
      %rev3A_646 = tpu.dynamic_gather %masked_cumsum3A_641[%rev3A_645] in [0] : vector<16xi32>, vector<16xi32> -> vector<16xi32>
      %add3A_647 = vector.broadcast %reduce_max3A_633 : i32 to vector<16xi32>
      %add3A_648 = arith.addi %rev3A_646, %add3A_647 : vector<16xi32>
      %sub3A_649 = arith.subi %add3A_648, %get3A_610 : vector<16xi32>
      %swap3A_650 = arith.constant 0 : index
      %swap3A_651 = tpu.vector_load %arg6[%swap3A_650] {strides = array<i32>} : memref<4096xi32, #tpu.memory_space<vmem>>, vector<16xi32>,
      tpu.vector_store %arg6[%swap3A_650], %sub3A_649 {strides = array<i32>} : memref<4096xi32, #tpu.memory_space<vmem>>, vector<16xi32>,
      %sub3A_652 = arith.subi %rev3A_625, %get3A_612 : vector<16xi32>
      %swap3A_653 = arith.constant 16 : index
      %swap3A_654 = tpu.vector_load %arg6[%swap3A_653] {strides = array<i32>} : memref<4096xi32, #tpu.memory_space<vmem>>, vector<16xi32>,
      tpu.vector_store %arg6[%swap3A_653], %sub3A_652 {strides = array<i32>} : memref<4096xi32, #tpu.memory_space<vmem>>, vector<16xi32>,
      %while3A_655 = arith.constant 0 : i32
      %while3A_656 = arith.constant 0 : i32
      %while3A_657 = arith.subi %shift_right_arithmetic3A_411, %while3A_655 : i32
      %while3A_658 = arith.addi %while3A_655, %while3A_657 : i32
      %while3A_659 = arith.constant 1 : i32
      %while3A_660 = arith.divsi %while3A_657, %while3A_659 : i32
      %while3A_661 = arith.muli %while3A_660, %while3A_659 : i32
      %while3A_662 = arith.addi %while3A_655, %while3A_661 : i32
      %while3A_663 = arith.constant 1 : i32
      %while3A_664 = scf.for %while3A_1715 = %while3A_655 to %while3A_662 step %while3A_663 iter_args(%while3A_1716 = %while3A_656) -> (i32)  : i32 {
        %mul3A_1717 = arith.constant 16 : i32
        %mul3A_1718 = arith.muli %while3A_1715, %mul3A_1717 : i32
        %get3A_1719 = arith.index_cast %mul3A_1718 : i32 to index
        %get3A_1720 = tpu.vector_load %arg11[%get3A_1719] {strides = array<i32>} : memref<8208xi32, #tpu.memory_space<vmem>>, vector<16xi32>,
        %mul3A_1721 = arith.constant 16 : i32
        %mul3A_1722 = arith.muli %while3A_1715, %mul3A_1721 : i32
        %get3A_1723 = arith.index_cast %mul3A_1722 : i32 to index
        %get3A_1724 = tpu.vector_load %arg12[%get3A_1723] {strides = array<i32>} : memref<8208xi32, #tpu.memory_space<vmem>>, vector<16xi32>,
        %shift_right_arithmetic3A_1725 = arith.constant 15 : i32
        %shift_right_arithmetic3A_1726 = vector.broadcast %shift_right_arithmetic3A_1725 : i32 to vector<16xi32>
        %shift_right_arithmetic3A_1727 = arith.shrsi %get3A_1720, %shift_right_arithmetic3A_1726 : vector<16xi32>
        %and3A = arith.constant 31 : i32
        %and3A_1728 = vector.broadcast %and3A : i32 to vector<16xi32>
        %and3A_1729 = arith.andi %shift_right_arithmetic3A_1727, %and3A_1728 : vector<16xi32>
        %broadcast_in_dim3A_1730 = arith.constant true
        %broadcast_in_dim3A_1731 = vector.broadcast %broadcast_in_dim3A_1730 : i1 to vector<16xi1>
        %unique3A, %unique3A_1732 = tpu.scan_count mask(%broadcast_in_dim3A_1731 : vector<16xi1>) value(%and3A_1729 : vector<16xi32>) : vector<16xi1>, vector<16xi32>
        %gather3A = tpu.vector_load_idx %arg6[%and3A_1729] : memref<4096xi32, #tpu.memory_space<vmem>>[vector<16xi32>], vector<16xi32>,
        %add3A_1733 = arith.addi %gather3A, %unique3A_1732 : vector<16xi32>
        %sub3A_1734 = arith.constant 1 : i32
        %sub3A_1735 = vector.broadcast %sub3A_1734 : i32 to vector<16xi32>
        %sub3A_1736 = arith.subi %add3A_1733, %sub3A_1735 : vector<16xi32>
        tpu.vector_store_idx %arg9[%sub3A_1736], %get3A_1720 : memref<8208xi32, #tpu.memory_space<vmem>>[vector<16xi32>], vector<16xi32>,
        tpu.vector_store_idx %arg10[%sub3A_1736], %get3A_1724 : memref<8208xi32, #tpu.memory_space<vmem>>[vector<16xi32>], vector<16xi32>,
        tpu.vector_store_idx %arg6[%and3A_1729], %unique3A_1732 masked %unique3A {add = true} : memref<4096xi32, #tpu.memory_space<vmem>>[vector<16xi32>], vector<16xi32>, vector<16xi1>
        %while3A_1737 = arith.constant 0 : i32
        scf.yield %while3A_1737 : i32
      }
      %while3A_665 = arith.constant 1 : i32
      %while3A_666 = scf.for %while3A_1715 = %while3A_662 to %while3A_658 step %while3A_665 iter_args(%while3A_1716 = %while3A_664) -> (i32)  : i32 {
        %mul3A_1717 = arith.constant 16 : i32
        %mul3A_1718 = arith.muli %while3A_1715, %mul3A_1717 : i32
        %get3A_1719 = arith.index_cast %mul3A_1718 : i32 to index
        %get3A_1720 = tpu.vector_load %arg11[%get3A_1719] {strides = array<i32>} : memref<8208xi32, #tpu.memory_space<vmem>>, vector<16xi32>,
        %mul3A_1721 = arith.constant 16 : i32
        %mul3A_1722 = arith.muli %while3A_1715, %mul3A_1721 : i32
        %get3A_1723 = arith.index_cast %mul3A_1722 : i32 to index
        %get3A_1724 = tpu.vector_load %arg12[%get3A_1723] {strides = array<i32>} : memref<8208xi32, #tpu.memory_space<vmem>>, vector<16xi32>,
        %shift_right_arithmetic3A_1725 = arith.constant 15 : i32
        %shift_right_arithmetic3A_1726 = vector.broadcast %shift_right_arithmetic3A_1725 : i32 to vector<16xi32>
        %shift_right_arithmetic3A_1727 = arith.shrsi %get3A_1720, %shift_right_arithmetic3A_1726 : vector<16xi32>
        %and3A = arith.constant 31 : i32
        %and3A_1728 = vector.broadcast %and3A : i32 to vector<16xi32>
        %and3A_1729 = arith.andi %shift_right_arithmetic3A_1727, %and3A_1728 : vector<16xi32>
        %broadcast_in_dim3A_1730 = arith.constant true
        %broadcast_in_dim3A_1731 = vector.broadcast %broadcast_in_dim3A_1730 : i1 to vector<16xi1>
        %unique3A, %unique3A_1732 = tpu.scan_count mask(%broadcast_in_dim3A_1731 : vector<16xi1>) value(%and3A_1729 : vector<16xi32>) : vector<16xi1>, vector<16xi32>
        %gather3A = tpu.vector_load_idx %arg6[%and3A_1729] : memref<4096xi32, #tpu.memory_space<vmem>>[vector<16xi32>], vector<16xi32>,
        %add3A_1733 = arith.addi %gather3A, %unique3A_1732 : vector<16xi32>
        %sub3A_1734 = arith.constant 1 : i32
        %sub3A_1735 = vector.broadcast %sub3A_1734 : i32 to vector<16xi32>
        %sub3A_1736 = arith.subi %add3A_1733, %sub3A_1735 : vector<16xi32>
        tpu.vector_store_idx %arg9[%sub3A_1736], %get3A_1720 : memref<8208xi32, #tpu.memory_space<vmem>>[vector<16xi32>], vector<16xi32>,
        tpu.vector_store_idx %arg10[%sub3A_1736], %get3A_1724 : memref<8208xi32, #tpu.memory_space<vmem>>[vector<16xi32>], vector<16xi32>,
        tpu.vector_store_idx %arg6[%and3A_1729], %unique3A_1732 masked %unique3A {add = true} : memref<4096xi32, #tpu.memory_space<vmem>>[vector<16xi32>], vector<16xi32>, vector<16xi1>
        %while3A_1737 = arith.constant 0 : i32
        scf.yield %while3A_1737 : i32
      }
      %swap3A_667 = arith.constant 0 : index
      %swap3A_668 = tpu.vector_load %arg6[%swap3A_667] {strides = array<i32>} : memref<4096xi32, #tpu.memory_space<vmem>>, vector<16xi32>,
      tpu.vector_store %arg6[%swap3A_667], %broadcast_in_dim3A_3 {strides = array<i32>} : memref<4096xi32, #tpu.memory_space<vmem>>, vector<16xi32>,
      %swap3A_669 = arith.constant 16 : index
      %swap3A_670 = tpu.vector_load %arg6[%swap3A_669] {strides = array<i32>} : memref<4096xi32, #tpu.memory_space<vmem>>, vector<16xi32>,
      tpu.vector_store %arg6[%swap3A_669], %broadcast_in_dim3A_3 {strides = array<i32>} : memref<4096xi32, #tpu.memory_space<vmem>>, vector<16xi32>,
      %parallel_loop3A_671 = arith.constant 0 : i32
      %parallel_loop3A_672 = arith.constant 1 : i32
      scf.for %parallel_loop3A_1715 = %parallel_loop3A_671 to %shift_right_arithmetic3A_411 step %parallel_loop3A_672  : i32 {
        %parallel_loop3A_1716 = arith.constant 16 : i32
        %parallel_loop3A_1717 = arith.muli %parallel_loop3A_1715, %parallel_loop3A_1716 : i32
        %parallel_loop3A_1718 = arith.index_cast %parallel_loop3A_1717 : i32 to index
        %parallel_loop3A_1719 = tpu.vector_load %arg9[%parallel_loop3A_1718] {strides = array<i32>} : memref<8208xi32, #tpu.memory_space<vmem>>, vector<16xi32>,
        %parallel_loop3A_1720 = arith.constant 20 : i32
        %parallel_loop3A_1721 = vector.broadcast %parallel_loop3A_1720 : i32 to vector<16xi32>
        %parallel_loop3A_1722 = arith.shrsi %parallel_loop3A_1719, %parallel_loop3A_1721 : vector<16xi32>
        %parallel_loop3A_1723 = arith.constant 31 : i32
        %parallel_loop3A_1724 = vector.broadcast %parallel_loop3A_1723 : i32 to vector<16xi32>
        %parallel_loop3A_1725 = arith.andi %parallel_loop3A_1722, %parallel_loop3A_1724 : vector<16xi32>
        tpu.vector_store_idx %arg6[%parallel_loop3A_1725], %broadcast_in_dim3A_5 {add = true} : memref<4096xi32, #tpu.memory_space<vmem>>[vector<16xi32>], vector<16xi32>,
      } {sc.loop_unroll_factor = 1 : i64, sc.parallel_access}
      %get3A_673 = arith.constant 0 : index
      %get3A_674 = tpu.vector_load %arg6[%get3A_673] {strides = array<i32>} : memref<4096xi32, #tpu.memory_space<vmem>>, vector<16xi32>,
      %get3A_675 = arith.constant 16 : index
      %get3A_676 = tpu.vector_load %arg6[%get3A_675] {strides = array<i32>} : memref<4096xi32, #tpu.memory_space<vmem>>, vector<16xi32>,
      %rev3A_677 = arith.constant 15 : i32
      %rev3A_678 = vector.broadcast %rev3A_677 : i32 to vector<16xi32>
      %rev3A_679 = tpu.iota {dimensions = array<i32: 0>} : vector<16xi32>
      %rev3A_680 = arith.subi %rev3A_678, %rev3A_679 : vector<16xi32>
      %rev3A_681 = tpu.dynamic_gather %get3A_676[%rev3A_680] in [0] : vector<16xi32>, vector<16xi32> -> vector<16xi32>
      %broadcast_in_dim3A_682 = arith.constant true
      %broadcast_in_dim3A_683 = vector.broadcast %broadcast_in_dim3A_682 : i1 to vector<16xi1>
      %masked_cumsum3A_684 = tpu.scan <sum>, %rev3A_681 masked %broadcast_in_dim3A_683 : vector<16xi32>, vector<16xi1> -> vector<16xi32>
      %rev3A_685 = arith.constant 15 : i32
      %rev3A_686 = vector.broadcast %rev3A_685 : i32 to vector<16xi32>
      %rev3A_687 = tpu.iota {dimensions = array<i32: 0>} : vector<16xi32>
      %rev3A_688 = arith.subi %rev3A_686, %rev3A_687 : vector<16xi32>
      %rev3A_689 = tpu.dynamic_gather %masked_cumsum3A_684[%rev3A_688] in [0] : vector<16xi32>, vector<16xi32> -> vector<16xi32>
      %reduce_max3A_690 = arith.constant true
      %reduce_max3A_691 = vector.broadcast %reduce_max3A_690 : i1 to vector<16xi1>
      %reduce_max3A_692 = arith.constant -2147483648 : i32
      %reduce_max3A_693 = vector.broadcast %reduce_max3A_692 : i32 to vector<16xi32>
      %reduce_max3A_694 = arith.xori %masked_cumsum3A_684, %reduce_max3A_693 : vector<16xi32>
      %reduce_max3A_695 = tpu.scan <max>, %reduce_max3A_694 masked %reduce_max3A_691 : vector<16xi32>, vector<16xi1> -> vector<16xi32>
      %reduce_max3A_696 = arith.xori %reduce_max3A_695, %reduce_max3A_693 : vector<16xi32>
      %reduce_max3A_697 = vector.extract %reduce_max3A_696[15] : i32 from vector<16xi32>
      %rev3A_698 = arith.constant 15 : i32
      %rev3A_699 = vector.broadcast %rev3A_698 : i32 to vector<16xi32>
      %rev3A_700 = tpu.iota {dimensions = array<i32: 0>} : vector<16xi32>
      %rev3A_701 = arith.subi %rev3A_699, %rev3A_700 : vector<16xi32>
      %rev3A_702 = tpu.dynamic_gather %get3A_674[%rev3A_701] in [0] : vector<16xi32>, vector<16xi32> -> vector<16xi32>
      %broadcast_in_dim3A_703 = arith.constant true
      %broadcast_in_dim3A_704 = vector.broadcast %broadcast_in_dim3A_703 : i1 to vector<16xi1>
      %masked_cumsum3A_705 = tpu.scan <sum>, %rev3A_702 masked %broadcast_in_dim3A_704 : vector<16xi32>, vector<16xi1> -> vector<16xi32>
      %rev3A_706 = arith.constant 15 : i32
      %rev3A_707 = vector.broadcast %rev3A_706 : i32 to vector<16xi32>
      %rev3A_708 = tpu.iota {dimensions = array<i32: 0>} : vector<16xi32>
      %rev3A_709 = arith.subi %rev3A_707, %rev3A_708 : vector<16xi32>
      %rev3A_710 = tpu.dynamic_gather %masked_cumsum3A_705[%rev3A_709] in [0] : vector<16xi32>, vector<16xi32> -> vector<16xi32>
      %add3A_711 = vector.broadcast %reduce_max3A_697 : i32 to vector<16xi32>
      %add3A_712 = arith.addi %rev3A_710, %add3A_711 : vector<16xi32>
      %sub3A_713 = arith.subi %add3A_712, %get3A_674 : vector<16xi32>
      %swap3A_714 = arith.constant 0 : index
      %swap3A_715 = tpu.vector_load %arg6[%swap3A_714] {strides = array<i32>} : memref<4096xi32, #tpu.memory_space<vmem>>, vector<16xi32>,
      tpu.vector_store %arg6[%swap3A_714], %sub3A_713 {strides = array<i32>} : memref<4096xi32, #tpu.memory_space<vmem>>, vector<16xi32>,
      %sub3A_716 = arith.subi %rev3A_689, %get3A_676 : vector<16xi32>
      %swap3A_717 = arith.constant 16 : index
      %swap3A_718 = tpu.vector_load %arg6[%swap3A_717] {strides = array<i32>} : memref<4096xi32, #tpu.memory_space<vmem>>, vector<16xi32>,
      tpu.vector_store %arg6[%swap3A_717], %sub3A_716 {strides = array<i32>} : memref<4096xi32, #tpu.memory_space<vmem>>, vector<16xi32>,
      %while3A_719 = arith.constant 0 : i32
      %while3A_720 = arith.constant 0 : i32
      %while3A_721 = arith.subi %shift_right_arithmetic3A_411, %while3A_719 : i32
      %while3A_722 = arith.addi %while3A_719, %while3A_721 : i32
      %while3A_723 = arith.constant 1 : i32
      %while3A_724 = arith.divsi %while3A_721, %while3A_723 : i32
      %while3A_725 = arith.muli %while3A_724, %while3A_723 : i32
      %while3A_726 = arith.addi %while3A_719, %while3A_725 : i32
      %while3A_727 = arith.constant 1 : i32
      %while3A_728 = scf.for %while3A_1715 = %while3A_719 to %while3A_726 step %while3A_727 iter_args(%while3A_1716 = %while3A_720) -> (i32)  : i32 {
        %mul3A_1717 = arith.constant 16 : i32
        %mul3A_1718 = arith.muli %while3A_1715, %mul3A_1717 : i32
        %get3A_1719 = arith.index_cast %mul3A_1718 : i32 to index
        %get3A_1720 = tpu.vector_load %arg9[%get3A_1719] {strides = array<i32>} : memref<8208xi32, #tpu.memory_space<vmem>>, vector<16xi32>,
        %mul3A_1721 = arith.constant 16 : i32
        %mul3A_1722 = arith.muli %while3A_1715, %mul3A_1721 : i32
        %get3A_1723 = arith.index_cast %mul3A_1722 : i32 to index
        %get3A_1724 = tpu.vector_load %arg10[%get3A_1723] {strides = array<i32>} : memref<8208xi32, #tpu.memory_space<vmem>>, vector<16xi32>,
        %shift_right_arithmetic3A_1725 = arith.constant 20 : i32
        %shift_right_arithmetic3A_1726 = vector.broadcast %shift_right_arithmetic3A_1725 : i32 to vector<16xi32>
        %shift_right_arithmetic3A_1727 = arith.shrsi %get3A_1720, %shift_right_arithmetic3A_1726 : vector<16xi32>
        %and3A = arith.constant 31 : i32
        %and3A_1728 = vector.broadcast %and3A : i32 to vector<16xi32>
        %and3A_1729 = arith.andi %shift_right_arithmetic3A_1727, %and3A_1728 : vector<16xi32>
        %broadcast_in_dim3A_1730 = arith.constant true
        %broadcast_in_dim3A_1731 = vector.broadcast %broadcast_in_dim3A_1730 : i1 to vector<16xi1>
        %unique3A, %unique3A_1732 = tpu.scan_count mask(%broadcast_in_dim3A_1731 : vector<16xi1>) value(%and3A_1729 : vector<16xi32>) : vector<16xi1>, vector<16xi32>
        %gather3A = tpu.vector_load_idx %arg6[%and3A_1729] : memref<4096xi32, #tpu.memory_space<vmem>>[vector<16xi32>], vector<16xi32>,
        %add3A_1733 = arith.addi %gather3A, %unique3A_1732 : vector<16xi32>
        %sub3A_1734 = arith.constant 1 : i32
        %sub3A_1735 = vector.broadcast %sub3A_1734 : i32 to vector<16xi32>
        %sub3A_1736 = arith.subi %add3A_1733, %sub3A_1735 : vector<16xi32>
        tpu.vector_store_idx %arg11[%sub3A_1736], %get3A_1720 : memref<8208xi32, #tpu.memory_space<vmem>>[vector<16xi32>], vector<16xi32>,
        tpu.vector_store_idx %arg12[%sub3A_1736], %get3A_1724 : memref<8208xi32, #tpu.memory_space<vmem>>[vector<16xi32>], vector<16xi32>,
        tpu.vector_store_idx %arg6[%and3A_1729], %unique3A_1732 masked %unique3A {add = true} : memref<4096xi32, #tpu.memory_space<vmem>>[vector<16xi32>], vector<16xi32>, vector<16xi1>
        %while3A_1737 = arith.constant 0 : i32
        scf.yield %while3A_1737 : i32
      }
      %while3A_729 = arith.constant 1 : i32
      %while3A_730 = scf.for %while3A_1715 = %while3A_726 to %while3A_722 step %while3A_729 iter_args(%while3A_1716 = %while3A_728) -> (i32)  : i32 {
        %mul3A_1717 = arith.constant 16 : i32
        %mul3A_1718 = arith.muli %while3A_1715, %mul3A_1717 : i32
        %get3A_1719 = arith.index_cast %mul3A_1718 : i32 to index
        %get3A_1720 = tpu.vector_load %arg9[%get3A_1719] {strides = array<i32>} : memref<8208xi32, #tpu.memory_space<vmem>>, vector<16xi32>,
        %mul3A_1721 = arith.constant 16 : i32
        %mul3A_1722 = arith.muli %while3A_1715, %mul3A_1721 : i32
        %get3A_1723 = arith.index_cast %mul3A_1722 : i32 to index
        %get3A_1724 = tpu.vector_load %arg10[%get3A_1723] {strides = array<i32>} : memref<8208xi32, #tpu.memory_space<vmem>>, vector<16xi32>,
        %shift_right_arithmetic3A_1725 = arith.constant 20 : i32
        %shift_right_arithmetic3A_1726 = vector.broadcast %shift_right_arithmetic3A_1725 : i32 to vector<16xi32>
        %shift_right_arithmetic3A_1727 = arith.shrsi %get3A_1720, %shift_right_arithmetic3A_1726 : vector<16xi32>
        %and3A = arith.constant 31 : i32
        %and3A_1728 = vector.broadcast %and3A : i32 to vector<16xi32>
        %and3A_1729 = arith.andi %shift_right_arithmetic3A_1727, %and3A_1728 : vector<16xi32>
        %broadcast_in_dim3A_1730 = arith.constant true
        %broadcast_in_dim3A_1731 = vector.broadcast %broadcast_in_dim3A_1730 : i1 to vector<16xi1>
        %unique3A, %unique3A_1732 = tpu.scan_count mask(%broadcast_in_dim3A_1731 : vector<16xi1>) value(%and3A_1729 : vector<16xi32>) : vector<16xi1>, vector<16xi32>
        %gather3A = tpu.vector_load_idx %arg6[%and3A_1729] : memref<4096xi32, #tpu.memory_space<vmem>>[vector<16xi32>], vector<16xi32>,
        %add3A_1733 = arith.addi %gather3A, %unique3A_1732 : vector<16xi32>
        %sub3A_1734 = arith.constant 1 : i32
        %sub3A_1735 = vector.broadcast %sub3A_1734 : i32 to vector<16xi32>
        %sub3A_1736 = arith.subi %add3A_1733, %sub3A_1735 : vector<16xi32>
        tpu.vector_store_idx %arg11[%sub3A_1736], %get3A_1720 : memref<8208xi32, #tpu.memory_space<vmem>>[vector<16xi32>], vector<16xi32>,
        tpu.vector_store_idx %arg12[%sub3A_1736], %get3A_1724 : memref<8208xi32, #tpu.memory_space<vmem>>[vector<16xi32>], vector<16xi32>,
        tpu.vector_store_idx %arg6[%and3A_1729], %unique3A_1732 masked %unique3A {add = true} : memref<4096xi32, #tpu.memory_space<vmem>>[vector<16xi32>], vector<16xi32>, vector<16xi1>
        %while3A_1737 = arith.constant 0 : i32
        scf.yield %while3A_1737 : i32
      }
      %swap3A_731 = arith.constant 0 : index
      %swap3A_732 = tpu.vector_load %arg6[%swap3A_731] {strides = array<i32>} : memref<4096xi32, #tpu.memory_space<vmem>>, vector<16xi32>,
      tpu.vector_store %arg6[%swap3A_731], %broadcast_in_dim3A_3 {strides = array<i32>} : memref<4096xi32, #tpu.memory_space<vmem>>, vector<16xi32>,
      %swap3A_733 = arith.constant 16 : index
      %swap3A_734 = tpu.vector_load %arg6[%swap3A_733] {strides = array<i32>} : memref<4096xi32, #tpu.memory_space<vmem>>, vector<16xi32>,
      tpu.vector_store %arg6[%swap3A_733], %broadcast_in_dim3A_3 {strides = array<i32>} : memref<4096xi32, #tpu.memory_space<vmem>>, vector<16xi32>,
      %parallel_loop3A_735 = arith.constant 0 : i32
      %parallel_loop3A_736 = arith.constant 1 : i32
      scf.for %parallel_loop3A_1715 = %parallel_loop3A_735 to %shift_right_arithmetic3A_411 step %parallel_loop3A_736  : i32 {
        %parallel_loop3A_1716 = arith.constant 16 : i32
        %parallel_loop3A_1717 = arith.muli %parallel_loop3A_1715, %parallel_loop3A_1716 : i32
        %parallel_loop3A_1718 = arith.index_cast %parallel_loop3A_1717 : i32 to index
        %parallel_loop3A_1719 = tpu.vector_load %arg11[%parallel_loop3A_1718] {strides = array<i32>} : memref<8208xi32, #tpu.memory_space<vmem>>, vector<16xi32>,
        %parallel_loop3A_1720 = arith.constant 25 : i32
        %parallel_loop3A_1721 = vector.broadcast %parallel_loop3A_1720 : i32 to vector<16xi32>
        %parallel_loop3A_1722 = arith.shrsi %parallel_loop3A_1719, %parallel_loop3A_1721 : vector<16xi32>
        %parallel_loop3A_1723 = arith.constant 31 : i32
        %parallel_loop3A_1724 = vector.broadcast %parallel_loop3A_1723 : i32 to vector<16xi32>
        %parallel_loop3A_1725 = arith.andi %parallel_loop3A_1722, %parallel_loop3A_1724 : vector<16xi32>
        tpu.vector_store_idx %arg6[%parallel_loop3A_1725], %broadcast_in_dim3A_5 {add = true} : memref<4096xi32, #tpu.memory_space<vmem>>[vector<16xi32>], vector<16xi32>,
      } {sc.loop_unroll_factor = 1 : i64, sc.parallel_access}
      %get3A_737 = arith.constant 0 : index
      %get3A_738 = tpu.vector_load %arg6[%get3A_737] {strides = array<i32>} : memref<4096xi32, #tpu.memory_space<vmem>>, vector<16xi32>,
      %get3A_739 = arith.constant 16 : index
      %get3A_740 = tpu.vector_load %arg6[%get3A_739] {strides = array<i32>} : memref<4096xi32, #tpu.memory_space<vmem>>, vector<16xi32>,
      %rev3A_741 = arith.constant 15 : i32
      %rev3A_742 = vector.broadcast %rev3A_741 : i32 to vector<16xi32>
      %rev3A_743 = tpu.iota {dimensions = array<i32: 0>} : vector<16xi32>
      %rev3A_744 = arith.subi %rev3A_742, %rev3A_743 : vector<16xi32>
      %rev3A_745 = tpu.dynamic_gather %get3A_740[%rev3A_744] in [0] : vector<16xi32>, vector<16xi32> -> vector<16xi32>
      %broadcast_in_dim3A_746 = arith.constant true
      %broadcast_in_dim3A_747 = vector.broadcast %broadcast_in_dim3A_746 : i1 to vector<16xi1>
      %masked_cumsum3A_748 = tpu.scan <sum>, %rev3A_745 masked %broadcast_in_dim3A_747 : vector<16xi32>, vector<16xi1> -> vector<16xi32>
      %rev3A_749 = arith.constant 15 : i32
      %rev3A_750 = vector.broadcast %rev3A_749 : i32 to vector<16xi32>
      %rev3A_751 = tpu.iota {dimensions = array<i32: 0>} : vector<16xi32>
      %rev3A_752 = arith.subi %rev3A_750, %rev3A_751 : vector<16xi32>
      %rev3A_753 = tpu.dynamic_gather %masked_cumsum3A_748[%rev3A_752] in [0] : vector<16xi32>, vector<16xi32> -> vector<16xi32>
      %reduce_max3A_754 = arith.constant true
      %reduce_max3A_755 = vector.broadcast %reduce_max3A_754 : i1 to vector<16xi1>
      %reduce_max3A_756 = arith.constant -2147483648 : i32
      %reduce_max3A_757 = vector.broadcast %reduce_max3A_756 : i32 to vector<16xi32>
      %reduce_max3A_758 = arith.xori %masked_cumsum3A_748, %reduce_max3A_757 : vector<16xi32>
      %reduce_max3A_759 = tpu.scan <max>, %reduce_max3A_758 masked %reduce_max3A_755 : vector<16xi32>, vector<16xi1> -> vector<16xi32>
      %reduce_max3A_760 = arith.xori %reduce_max3A_759, %reduce_max3A_757 : vector<16xi32>
      %reduce_max3A_761 = vector.extract %reduce_max3A_760[15] : i32 from vector<16xi32>
      %rev3A_762 = arith.constant 15 : i32
      %rev3A_763 = vector.broadcast %rev3A_762 : i32 to vector<16xi32>
      %rev3A_764 = tpu.iota {dimensions = array<i32: 0>} : vector<16xi32>
      %rev3A_765 = arith.subi %rev3A_763, %rev3A_764 : vector<16xi32>
      %rev3A_766 = tpu.dynamic_gather %get3A_738[%rev3A_765] in [0] : vector<16xi32>, vector<16xi32> -> vector<16xi32>
      %broadcast_in_dim3A_767 = arith.constant true
      %broadcast_in_dim3A_768 = vector.broadcast %broadcast_in_dim3A_767 : i1 to vector<16xi1>
      %masked_cumsum3A_769 = tpu.scan <sum>, %rev3A_766 masked %broadcast_in_dim3A_768 : vector<16xi32>, vector<16xi1> -> vector<16xi32>
      %rev3A_770 = arith.constant 15 : i32
      %rev3A_771 = vector.broadcast %rev3A_770 : i32 to vector<16xi32>
      %rev3A_772 = tpu.iota {dimensions = array<i32: 0>} : vector<16xi32>
      %rev3A_773 = arith.subi %rev3A_771, %rev3A_772 : vector<16xi32>
      %rev3A_774 = tpu.dynamic_gather %masked_cumsum3A_769[%rev3A_773] in [0] : vector<16xi32>, vector<16xi32> -> vector<16xi32>
      %add3A_775 = vector.broadcast %reduce_max3A_761 : i32 to vector<16xi32>
      %add3A_776 = arith.addi %rev3A_774, %add3A_775 : vector<16xi32>
      %sub3A_777 = arith.subi %add3A_776, %get3A_738 : vector<16xi32>
      %swap3A_778 = arith.constant 0 : index
      %swap3A_779 = tpu.vector_load %arg6[%swap3A_778] {strides = array<i32>} : memref<4096xi32, #tpu.memory_space<vmem>>, vector<16xi32>,
      tpu.vector_store %arg6[%swap3A_778], %sub3A_777 {strides = array<i32>} : memref<4096xi32, #tpu.memory_space<vmem>>, vector<16xi32>,
      %sub3A_780 = arith.subi %rev3A_753, %get3A_740 : vector<16xi32>
      %swap3A_781 = arith.constant 16 : index
      %swap3A_782 = tpu.vector_load %arg6[%swap3A_781] {strides = array<i32>} : memref<4096xi32, #tpu.memory_space<vmem>>, vector<16xi32>,
      tpu.vector_store %arg6[%swap3A_781], %sub3A_780 {strides = array<i32>} : memref<4096xi32, #tpu.memory_space<vmem>>, vector<16xi32>,
      %while3A_783 = arith.constant 0 : i32
      %while3A_784 = arith.constant 0 : i32
      %while3A_785 = arith.subi %shift_right_arithmetic3A_411, %while3A_783 : i32
      %while3A_786 = arith.addi %while3A_783, %while3A_785 : i32
      %while3A_787 = arith.constant 1 : i32
      %while3A_788 = arith.divsi %while3A_785, %while3A_787 : i32
      %while3A_789 = arith.muli %while3A_788, %while3A_787 : i32
      %while3A_790 = arith.addi %while3A_783, %while3A_789 : i32
      %while3A_791 = arith.constant 1 : i32
      %while3A_792 = scf.for %while3A_1715 = %while3A_783 to %while3A_790 step %while3A_791 iter_args(%while3A_1716 = %while3A_784) -> (i32)  : i32 {
        %mul3A_1717 = arith.constant 16 : i32
        %mul3A_1718 = arith.muli %while3A_1715, %mul3A_1717 : i32
        %get3A_1719 = arith.index_cast %mul3A_1718 : i32 to index
        %get3A_1720 = tpu.vector_load %arg11[%get3A_1719] {strides = array<i32>} : memref<8208xi32, #tpu.memory_space<vmem>>, vector<16xi32>,
        %mul3A_1721 = arith.constant 16 : i32
        %mul3A_1722 = arith.muli %while3A_1715, %mul3A_1721 : i32
        %get3A_1723 = arith.index_cast %mul3A_1722 : i32 to index
        %get3A_1724 = tpu.vector_load %arg12[%get3A_1723] {strides = array<i32>} : memref<8208xi32, #tpu.memory_space<vmem>>, vector<16xi32>,
        %shift_right_arithmetic3A_1725 = arith.constant 25 : i32
        %shift_right_arithmetic3A_1726 = vector.broadcast %shift_right_arithmetic3A_1725 : i32 to vector<16xi32>
        %shift_right_arithmetic3A_1727 = arith.shrsi %get3A_1720, %shift_right_arithmetic3A_1726 : vector<16xi32>
        %and3A = arith.constant 31 : i32
        %and3A_1728 = vector.broadcast %and3A : i32 to vector<16xi32>
        %and3A_1729 = arith.andi %shift_right_arithmetic3A_1727, %and3A_1728 : vector<16xi32>
        %broadcast_in_dim3A_1730 = arith.constant true
        %broadcast_in_dim3A_1731 = vector.broadcast %broadcast_in_dim3A_1730 : i1 to vector<16xi1>
        %unique3A, %unique3A_1732 = tpu.scan_count mask(%broadcast_in_dim3A_1731 : vector<16xi1>) value(%and3A_1729 : vector<16xi32>) : vector<16xi1>, vector<16xi32>
        %gather3A = tpu.vector_load_idx %arg6[%and3A_1729] : memref<4096xi32, #tpu.memory_space<vmem>>[vector<16xi32>], vector<16xi32>,
        %add3A_1733 = arith.addi %gather3A, %unique3A_1732 : vector<16xi32>
        %sub3A_1734 = arith.constant 1 : i32
        %sub3A_1735 = vector.broadcast %sub3A_1734 : i32 to vector<16xi32>
        %sub3A_1736 = arith.subi %add3A_1733, %sub3A_1735 : vector<16xi32>
        tpu.vector_store_idx %arg9[%sub3A_1736], %get3A_1720 : memref<8208xi32, #tpu.memory_space<vmem>>[vector<16xi32>], vector<16xi32>,
        tpu.vector_store_idx %arg10[%sub3A_1736], %get3A_1724 : memref<8208xi32, #tpu.memory_space<vmem>>[vector<16xi32>], vector<16xi32>,
        tpu.vector_store_idx %arg6[%and3A_1729], %unique3A_1732 masked %unique3A {add = true} : memref<4096xi32, #tpu.memory_space<vmem>>[vector<16xi32>], vector<16xi32>, vector<16xi1>
        %while3A_1737 = arith.constant 0 : i32
        scf.yield %while3A_1737 : i32
      }
      %while3A_793 = arith.constant 1 : i32
      %while3A_794 = scf.for %while3A_1715 = %while3A_790 to %while3A_786 step %while3A_793 iter_args(%while3A_1716 = %while3A_792) -> (i32)  : i32 {
        %mul3A_1717 = arith.constant 16 : i32
        %mul3A_1718 = arith.muli %while3A_1715, %mul3A_1717 : i32
        %get3A_1719 = arith.index_cast %mul3A_1718 : i32 to index
        %get3A_1720 = tpu.vector_load %arg11[%get3A_1719] {strides = array<i32>} : memref<8208xi32, #tpu.memory_space<vmem>>, vector<16xi32>,
        %mul3A_1721 = arith.constant 16 : i32
        %mul3A_1722 = arith.muli %while3A_1715, %mul3A_1721 : i32
        %get3A_1723 = arith.index_cast %mul3A_1722 : i32 to index
        %get3A_1724 = tpu.vector_load %arg12[%get3A_1723] {strides = array<i32>} : memref<8208xi32, #tpu.memory_space<vmem>>, vector<16xi32>,
        %shift_right_arithmetic3A_1725 = arith.constant 25 : i32
        %shift_right_arithmetic3A_1726 = vector.broadcast %shift_right_arithmetic3A_1725 : i32 to vector<16xi32>
        %shift_right_arithmetic3A_1727 = arith.shrsi %get3A_1720, %shift_right_arithmetic3A_1726 : vector<16xi32>
        %and3A = arith.constant 31 : i32
        %and3A_1728 = vector.broadcast %and3A : i32 to vector<16xi32>
        %and3A_1729 = arith.andi %shift_right_arithmetic3A_1727, %and3A_1728 : vector<16xi32>
        %broadcast_in_dim3A_1730 = arith.constant true
        %broadcast_in_dim3A_1731 = vector.broadcast %broadcast_in_dim3A_1730 : i1 to vector<16xi1>
        %unique3A, %unique3A_1732 = tpu.scan_count mask(%broadcast_in_dim3A_1731 : vector<16xi1>) value(%and3A_1729 : vector<16xi32>) : vector<16xi1>, vector<16xi32>
        %gather3A = tpu.vector_load_idx %arg6[%and3A_1729] : memref<4096xi32, #tpu.memory_space<vmem>>[vector<16xi32>], vector<16xi32>,
        %add3A_1733 = arith.addi %gather3A, %unique3A_1732 : vector<16xi32>
        %sub3A_1734 = arith.constant 1 : i32
        %sub3A_1735 = vector.broadcast %sub3A_1734 : i32 to vector<16xi32>
        %sub3A_1736 = arith.subi %add3A_1733, %sub3A_1735 : vector<16xi32>
        tpu.vector_store_idx %arg9[%sub3A_1736], %get3A_1720 : memref<8208xi32, #tpu.memory_space<vmem>>[vector<16xi32>], vector<16xi32>,
        tpu.vector_store_idx %arg10[%sub3A_1736], %get3A_1724 : memref<8208xi32, #tpu.memory_space<vmem>>[vector<16xi32>], vector<16xi32>,
        tpu.vector_store_idx %arg6[%and3A_1729], %unique3A_1732 masked %unique3A {add = true} : memref<4096xi32, #tpu.memory_space<vmem>>[vector<16xi32>], vector<16xi32>, vector<16xi1>
        %while3A_1737 = arith.constant 0 : i32
        scf.yield %while3A_1737 : i32
      }
      %swap3A_795 = arith.constant 0 : index
      %swap3A_796 = tpu.vector_load %arg6[%swap3A_795] {strides = array<i32>} : memref<4096xi32, #tpu.memory_space<vmem>>, vector<16xi32>,
      tpu.vector_store %arg6[%swap3A_795], %broadcast_in_dim3A_3 {strides = array<i32>} : memref<4096xi32, #tpu.memory_space<vmem>>, vector<16xi32>,
      %swap3A_797 = arith.constant 16 : index
      %swap3A_798 = tpu.vector_load %arg6[%swap3A_797] {strides = array<i32>} : memref<4096xi32, #tpu.memory_space<vmem>>, vector<16xi32>,
      tpu.vector_store %arg6[%swap3A_797], %broadcast_in_dim3A_3 {strides = array<i32>} : memref<4096xi32, #tpu.memory_space<vmem>>, vector<16xi32>,
      %parallel_loop3A_799 = arith.constant 0 : i32
      %parallel_loop3A_800 = arith.constant 1 : i32
      scf.for %parallel_loop3A_1715 = %parallel_loop3A_799 to %shift_right_arithmetic3A_411 step %parallel_loop3A_800  : i32 {
        %parallel_loop3A_1716 = arith.constant 16 : i32
        %parallel_loop3A_1717 = arith.muli %parallel_loop3A_1715, %parallel_loop3A_1716 : i32
        %parallel_loop3A_1718 = arith.index_cast %parallel_loop3A_1717 : i32 to index
        %parallel_loop3A_1719 = tpu.vector_load %arg9[%parallel_loop3A_1718] {strides = array<i32>} : memref<8208xi32, #tpu.memory_space<vmem>>, vector<16xi32>,
        %parallel_loop3A_1720 = arith.constant 30 : i32
        %parallel_loop3A_1721 = vector.broadcast %parallel_loop3A_1720 : i32 to vector<16xi32>
        %parallel_loop3A_1722 = arith.shrsi %parallel_loop3A_1719, %parallel_loop3A_1721 : vector<16xi32>
        %parallel_loop3A_1723 = arith.constant 31 : i32
        %parallel_loop3A_1724 = vector.broadcast %parallel_loop3A_1723 : i32 to vector<16xi32>
        %parallel_loop3A_1725 = arith.andi %parallel_loop3A_1722, %parallel_loop3A_1724 : vector<16xi32>
        tpu.vector_store_idx %arg6[%parallel_loop3A_1725], %broadcast_in_dim3A_5 {add = true} : memref<4096xi32, #tpu.memory_space<vmem>>[vector<16xi32>], vector<16xi32>,
      } {sc.loop_unroll_factor = 1 : i64, sc.parallel_access}
      %get3A_801 = arith.constant 0 : index
      %get3A_802 = tpu.vector_load %arg6[%get3A_801] {strides = array<i32>} : memref<4096xi32, #tpu.memory_space<vmem>>, vector<16xi32>,
      %get3A_803 = arith.constant 16 : index
      %get3A_804 = tpu.vector_load %arg6[%get3A_803] {strides = array<i32>} : memref<4096xi32, #tpu.memory_space<vmem>>, vector<16xi32>,
      %rev3A_805 = arith.constant 15 : i32
      %rev3A_806 = vector.broadcast %rev3A_805 : i32 to vector<16xi32>
      %rev3A_807 = tpu.iota {dimensions = array<i32: 0>} : vector<16xi32>
      %rev3A_808 = arith.subi %rev3A_806, %rev3A_807 : vector<16xi32>
      %rev3A_809 = tpu.dynamic_gather %get3A_804[%rev3A_808] in [0] : vector<16xi32>, vector<16xi32> -> vector<16xi32>
      %broadcast_in_dim3A_810 = arith.constant true
      %broadcast_in_dim3A_811 = vector.broadcast %broadcast_in_dim3A_810 : i1 to vector<16xi1>
      %masked_cumsum3A_812 = tpu.scan <sum>, %rev3A_809 masked %broadcast_in_dim3A_811 : vector<16xi32>, vector<16xi1> -> vector<16xi32>
      %rev3A_813 = arith.constant 15 : i32
      %rev3A_814 = vector.broadcast %rev3A_813 : i32 to vector<16xi32>
      %rev3A_815 = tpu.iota {dimensions = array<i32: 0>} : vector<16xi32>
      %rev3A_816 = arith.subi %rev3A_814, %rev3A_815 : vector<16xi32>
      %rev3A_817 = tpu.dynamic_gather %masked_cumsum3A_812[%rev3A_816] in [0] : vector<16xi32>, vector<16xi32> -> vector<16xi32>
      %reduce_max3A_818 = arith.constant true
      %reduce_max3A_819 = vector.broadcast %reduce_max3A_818 : i1 to vector<16xi1>
      %reduce_max3A_820 = arith.constant -2147483648 : i32
      %reduce_max3A_821 = vector.broadcast %reduce_max3A_820 : i32 to vector<16xi32>
      %reduce_max3A_822 = arith.xori %masked_cumsum3A_812, %reduce_max3A_821 : vector<16xi32>
      %reduce_max3A_823 = tpu.scan <max>, %reduce_max3A_822 masked %reduce_max3A_819 : vector<16xi32>, vector<16xi1> -> vector<16xi32>
      %reduce_max3A_824 = arith.xori %reduce_max3A_823, %reduce_max3A_821 : vector<16xi32>
      %reduce_max3A_825 = vector.extract %reduce_max3A_824[15] : i32 from vector<16xi32>
      %rev3A_826 = arith.constant 15 : i32
      %rev3A_827 = vector.broadcast %rev3A_826 : i32 to vector<16xi32>
      %rev3A_828 = tpu.iota {dimensions = array<i32: 0>} : vector<16xi32>
      %rev3A_829 = arith.subi %rev3A_827, %rev3A_828 : vector<16xi32>
      %rev3A_830 = tpu.dynamic_gather %get3A_802[%rev3A_829] in [0] : vector<16xi32>, vector<16xi32> -> vector<16xi32>
      %broadcast_in_dim3A_831 = arith.constant true
      %broadcast_in_dim3A_832 = vector.broadcast %broadcast_in_dim3A_831 : i1 to vector<16xi1>
      %masked_cumsum3A_833 = tpu.scan <sum>, %rev3A_830 masked %broadcast_in_dim3A_832 : vector<16xi32>, vector<16xi1> -> vector<16xi32>
      %rev3A_834 = arith.constant 15 : i32
      %rev3A_835 = vector.broadcast %rev3A_834 : i32 to vector<16xi32>
      %rev3A_836 = tpu.iota {dimensions = array<i32: 0>} : vector<16xi32>
      %rev3A_837 = arith.subi %rev3A_835, %rev3A_836 : vector<16xi32>
      %rev3A_838 = tpu.dynamic_gather %masked_cumsum3A_833[%rev3A_837] in [0] : vector<16xi32>, vector<16xi32> -> vector<16xi32>
      %add3A_839 = vector.broadcast %reduce_max3A_825 : i32 to vector<16xi32>
      %add3A_840 = arith.addi %rev3A_838, %add3A_839 : vector<16xi32>
      %sub3A_841 = arith.subi %add3A_840, %get3A_802 : vector<16xi32>
      %swap3A_842 = arith.constant 0 : index
      %swap3A_843 = tpu.vector_load %arg6[%swap3A_842] {strides = array<i32>} : memref<4096xi32, #tpu.memory_space<vmem>>, vector<16xi32>,
      tpu.vector_store %arg6[%swap3A_842], %sub3A_841 {strides = array<i32>} : memref<4096xi32, #tpu.memory_space<vmem>>, vector<16xi32>,
      %sub3A_844 = arith.subi %rev3A_817, %get3A_804 : vector<16xi32>
      %swap3A_845 = arith.constant 16 : index
      %swap3A_846 = tpu.vector_load %arg6[%swap3A_845] {strides = array<i32>} : memref<4096xi32, #tpu.memory_space<vmem>>, vector<16xi32>,
      tpu.vector_store %arg6[%swap3A_845], %sub3A_844 {strides = array<i32>} : memref<4096xi32, #tpu.memory_space<vmem>>, vector<16xi32>,
      %while3A_847 = arith.constant 0 : i32
      %while3A_848 = arith.constant 0 : i32
      %while3A_849 = arith.subi %shift_right_arithmetic3A_411, %while3A_847 : i32
      %while3A_850 = arith.addi %while3A_847, %while3A_849 : i32
      %while3A_851 = arith.constant 1 : i32
      %while3A_852 = arith.divsi %while3A_849, %while3A_851 : i32
      %while3A_853 = arith.muli %while3A_852, %while3A_851 : i32
      %while3A_854 = arith.addi %while3A_847, %while3A_853 : i32
      %while3A_855 = arith.constant 1 : i32
      %while3A_856 = scf.for %while3A_1715 = %while3A_847 to %while3A_854 step %while3A_855 iter_args(%while3A_1716 = %while3A_848) -> (i32)  : i32 {
        %mul3A_1717 = arith.constant 16 : i32
        %mul3A_1718 = arith.muli %while3A_1715, %mul3A_1717 : i32
        %get3A_1719 = arith.index_cast %mul3A_1718 : i32 to index
        %get3A_1720 = tpu.vector_load %arg9[%get3A_1719] {strides = array<i32>} : memref<8208xi32, #tpu.memory_space<vmem>>, vector<16xi32>,
        %mul3A_1721 = arith.constant 16 : i32
        %mul3A_1722 = arith.muli %while3A_1715, %mul3A_1721 : i32
        %get3A_1723 = arith.index_cast %mul3A_1722 : i32 to index
        %get3A_1724 = tpu.vector_load %arg10[%get3A_1723] {strides = array<i32>} : memref<8208xi32, #tpu.memory_space<vmem>>, vector<16xi32>,
        %shift_right_arithmetic3A_1725 = arith.constant 30 : i32
        %shift_right_arithmetic3A_1726 = vector.broadcast %shift_right_arithmetic3A_1725 : i32 to vector<16xi32>
        %shift_right_arithmetic3A_1727 = arith.shrsi %get3A_1720, %shift_right_arithmetic3A_1726 : vector<16xi32>
        %and3A = arith.constant 31 : i32
        %and3A_1728 = vector.broadcast %and3A : i32 to vector<16xi32>
        %and3A_1729 = arith.andi %shift_right_arithmetic3A_1727, %and3A_1728 : vector<16xi32>
        %broadcast_in_dim3A_1730 = arith.constant true
        %broadcast_in_dim3A_1731 = vector.broadcast %broadcast_in_dim3A_1730 : i1 to vector<16xi1>
        %unique3A, %unique3A_1732 = tpu.scan_count mask(%broadcast_in_dim3A_1731 : vector<16xi1>) value(%and3A_1729 : vector<16xi32>) : vector<16xi1>, vector<16xi32>
        %gather3A = tpu.vector_load_idx %arg6[%and3A_1729] : memref<4096xi32, #tpu.memory_space<vmem>>[vector<16xi32>], vector<16xi32>,
        %add3A_1733 = arith.addi %gather3A, %unique3A_1732 : vector<16xi32>
        %sub3A_1734 = arith.constant 1 : i32
        %sub3A_1735 = vector.broadcast %sub3A_1734 : i32 to vector<16xi32>
        %sub3A_1736 = arith.subi %add3A_1733, %sub3A_1735 : vector<16xi32>
        tpu.vector_store_idx %arg11[%sub3A_1736], %get3A_1720 : memref<8208xi32, #tpu.memory_space<vmem>>[vector<16xi32>], vector<16xi32>,
        tpu.vector_store_idx %arg12[%sub3A_1736], %get3A_1724 : memref<8208xi32, #tpu.memory_space<vmem>>[vector<16xi32>], vector<16xi32>,
        tpu.vector_store_idx %arg6[%and3A_1729], %unique3A_1732 masked %unique3A {add = true} : memref<4096xi32, #tpu.memory_space<vmem>>[vector<16xi32>], vector<16xi32>, vector<16xi1>
        %while3A_1737 = arith.constant 0 : i32
        scf.yield %while3A_1737 : i32
      }
      %while3A_857 = arith.constant 1 : i32
      %while3A_858 = scf.for %while3A_1715 = %while3A_854 to %while3A_850 step %while3A_857 iter_args(%while3A_1716 = %while3A_856) -> (i32)  : i32 {
        %mul3A_1717 = arith.constant 16 : i32
        %mul3A_1718 = arith.muli %while3A_1715, %mul3A_1717 : i32
        %get3A_1719 = arith.index_cast %mul3A_1718 : i32 to index
        %get3A_1720 = tpu.vector_load %arg9[%get3A_1719] {strides = array<i32>} : memref<8208xi32, #tpu.memory_space<vmem>>, vector<16xi32>,
        %mul3A_1721 = arith.constant 16 : i32
        %mul3A_1722 = arith.muli %while3A_1715, %mul3A_1721 : i32
        %get3A_1723 = arith.index_cast %mul3A_1722 : i32 to index
        %get3A_1724 = tpu.vector_load %arg10[%get3A_1723] {strides = array<i32>} : memref<8208xi32, #tpu.memory_space<vmem>>, vector<16xi32>,
        %shift_right_arithmetic3A_1725 = arith.constant 30 : i32
        %shift_right_arithmetic3A_1726 = vector.broadcast %shift_right_arithmetic3A_1725 : i32 to vector<16xi32>
        %shift_right_arithmetic3A_1727 = arith.shrsi %get3A_1720, %shift_right_arithmetic3A_1726 : vector<16xi32>
        %and3A = arith.constant 31 : i32
        %and3A_1728 = vector.broadcast %and3A : i32 to vector<16xi32>
        %and3A_1729 = arith.andi %shift_right_arithmetic3A_1727, %and3A_1728 : vector<16xi32>
        %broadcast_in_dim3A_1730 = arith.constant true
        %broadcast_in_dim3A_1731 = vector.broadcast %broadcast_in_dim3A_1730 : i1 to vector<16xi1>
        %unique3A, %unique3A_1732 = tpu.scan_count mask(%broadcast_in_dim3A_1731 : vector<16xi1>) value(%and3A_1729 : vector<16xi32>) : vector<16xi1>, vector<16xi32>
        %gather3A = tpu.vector_load_idx %arg6[%and3A_1729] : memref<4096xi32, #tpu.memory_space<vmem>>[vector<16xi32>], vector<16xi32>,
        %add3A_1733 = arith.addi %gather3A, %unique3A_1732 : vector<16xi32>
        %sub3A_1734 = arith.constant 1 : i32
        %sub3A_1735 = vector.broadcast %sub3A_1734 : i32 to vector<16xi32>
        %sub3A_1736 = arith.subi %add3A_1733, %sub3A_1735 : vector<16xi32>
        tpu.vector_store_idx %arg11[%sub3A_1736], %get3A_1720 : memref<8208xi32, #tpu.memory_space<vmem>>[vector<16xi32>], vector<16xi32>,
        tpu.vector_store_idx %arg12[%sub3A_1736], %get3A_1724 : memref<8208xi32, #tpu.memory_space<vmem>>[vector<16xi32>], vector<16xi32>,
        tpu.vector_store_idx %arg6[%and3A_1729], %unique3A_1732 masked %unique3A {add = true} : memref<4096xi32, #tpu.memory_space<vmem>>[vector<16xi32>], vector<16xi32>, vector<16xi1>
        %while3A_1737 = arith.constant 0 : i32
        scf.yield %while3A_1737 : i32
      }
      %ge3A_859 = arith.constant 2 : i32
      %ge3A_860 = arith.cmpi sge, %add3A_50, %ge3A_859 : i32
      %convert_element_type3A_861 = arith.extui %ge3A_860 : i1 to i32
      %cond3A_862 = arith.constant 0 : i32
      %cond3A_863 = arith.cmpi ne, %convert_element_type3A_861, %cond3A_862 : i32
      scf.if %cond3A_863 {
        %sub3A_1715 = arith.constant 2 : i32
        %sub3A_1716 = arith.subi %add3A_51, %sub3A_1715 : i32
        %dma_wait3A_1717 = arith.constant 0 : i32
        %dma_wait3A_1718 = tpu.memref_slice %arg3[%sub3A_1716, %dma_wait3A_1717] : memref<1024x512xf32, #tpu.memory_space<hbm>> -> memref<1x512xf32, #tpu.memory_space<hbm>>
        %dma_wait3A_1719 = tpu.memref_squeeze %dma_wait3A_1718 : memref<1x512xf32, #tpu.memory_space<hbm>> -> memref<512xf32, #tpu.memory_space<hbm>>
        %dma_wait3A_1720 = arith.constant 0 : i32
        %dma_wait3A_1721 = tpu.memref_slice %arg3[%sub3A_1716, %dma_wait3A_1720] : memref<1024x512xf32, #tpu.memory_space<hbm>> -> memref<1x512xf32, #tpu.memory_space<hbm>>
        %dma_wait3A_1722 = tpu.memref_squeeze %dma_wait3A_1721 : memref<1x512xf32, #tpu.memory_space<hbm>> -> memref<512xf32, #tpu.memory_space<hbm>>
        tpu.wait_dma2 semaphore(%arg17 : memref<!tpu.dma_semaphore, #tpu.memory_space<semaphore_mem>>) src(%arg13 : memref<512xf32, #tpu.memory_space<vmem>>) dst(%dma_wait3A_1722 : memref<512xf32, #tpu.memory_space<hbm>>)
      } else {
      }
      %parallel_loop3A_864 = arith.constant 0 : i32
      %parallel_loop3A_865 = arith.constant 16 : i32
      %parallel_loop3A_866 = arith.constant 1 : i32
      scf.for %parallel_loop3A_1715 = %parallel_loop3A_864 to %parallel_loop3A_865 step %parallel_loop3A_866  : i32 {
        %parallel_loop3A_1716 = arith.constant 16 : i32
        %parallel_loop3A_1717 = arith.muli %parallel_loop3A_1715, %parallel_loop3A_1716 : i32
        %parallel_loop3A_1718 = vector.broadcast %parallel_loop3A_1717 : i32 to vector<16xi32>
        %parallel_loop3A_1719 = arith.addi %parallel_loop3A_1718, %iota3A : vector<16xi32>
        %parallel_loop3A_1720 = arith.constant 16 : i32
        %parallel_loop3A_1721 = arith.muli %parallel_loop3A_1715, %parallel_loop3A_1720 : i32
        %parallel_loop3A_1722 = arith.index_cast %parallel_loop3A_1721 : i32 to index
        %parallel_loop3A_1723 = tpu.vector_load %arg12[%parallel_loop3A_1722] {strides = array<i32>} : memref<8208xi32, #tpu.memory_space<vmem>>, vector<16xi32>,
        %parallel_loop3A_1724 = arith.constant 2 : i32
        %parallel_loop3A_1725 = vector.broadcast %parallel_loop3A_1724 : i32 to vector<16xi32>
        %parallel_loop3A_1726 = arith.muli %parallel_loop3A_1723, %parallel_loop3A_1725 : vector<16xi32>
        %parallel_loop3A_1727 = arith.constant 0 : i32
        %parallel_loop3A_1728 = tpu.memref_slice %arg4[%parallel_loop3A_1727] : memref<32768xf32, #tpu.memory_space<vmem>> -> memref<16384xf32, #tpu.memory_space<vmem>>
        %parallel_loop3A_1729 = tpu.vector_load_idx %parallel_loop3A_1728[%parallel_loop3A_1726] : memref<16384xf32, #tpu.memory_space<vmem>>[vector<16xi32>], vector<16xf32>,
        %parallel_loop3A_1730 = arith.constant 1 : i32
        %parallel_loop3A_1731 = vector.broadcast %parallel_loop3A_1730 : i32 to vector<16xi32>
        %parallel_loop3A_1732 = arith.addi %parallel_loop3A_1726, %parallel_loop3A_1731 : vector<16xi32>
        %parallel_loop3A_1733 = arith.constant 0 : i32
        %parallel_loop3A_1734 = tpu.memref_slice %arg4[%parallel_loop3A_1733] : memref<32768xf32, #tpu.memory_space<vmem>> -> memref<16384xf32, #tpu.memory_space<vmem>>
        %parallel_loop3A_1735 = tpu.vector_load_idx %parallel_loop3A_1734[%parallel_loop3A_1732] : memref<16384xf32, #tpu.memory_space<vmem>>[vector<16xi32>], vector<16xf32>,
        %parallel_loop3A_1736 = arith.constant 2 : i32
        %parallel_loop3A_1737 = vector.broadcast %parallel_loop3A_1736 : i32 to vector<16xi32>
        %parallel_loop3A_1738 = arith.muli %parallel_loop3A_1737, %parallel_loop3A_1719 : vector<16xi32>
        tpu.vector_store_idx %arg13[%parallel_loop3A_1738], %parallel_loop3A_1729 : memref<512xf32, #tpu.memory_space<vmem>>[vector<16xi32>], vector<16xf32>,
        %parallel_loop3A_1739 = arith.constant 2 : i32
        %parallel_loop3A_1740 = vector.broadcast %parallel_loop3A_1739 : i32 to vector<16xi32>
        %parallel_loop3A_1741 = arith.muli %parallel_loop3A_1740, %parallel_loop3A_1719 : vector<16xi32>
        %parallel_loop3A_1742 = arith.constant 1 : i32
        %parallel_loop3A_1743 = vector.broadcast %parallel_loop3A_1742 : i32 to vector<16xi32>
        %parallel_loop3A_1744 = arith.addi %parallel_loop3A_1741, %parallel_loop3A_1743 : vector<16xi32>
        tpu.vector_store_idx %arg13[%parallel_loop3A_1744], %parallel_loop3A_1735 : memref<512xf32, #tpu.memory_space<vmem>>[vector<16xi32>], vector<16xf32>,
      } {sc.loop_unroll_factor = 4 : i64, sc.parallel_access}
      %dma_start3A_867 = arith.constant 0 : i32
      %dma_start3A_868 = tpu.memref_slice %arg3[%add3A_51, %dma_start3A_867] : memref<1024x512xf32, #tpu.memory_space<hbm>> -> memref<1x512xf32, #tpu.memory_space<hbm>>
      %dma_start3A_869 = tpu.memref_squeeze %dma_start3A_868 : memref<1x512xf32, #tpu.memory_space<hbm>> -> memref<512xf32, #tpu.memory_space<hbm>>
      %dma_start3A_870 = arith.constant 0 : i32
      %dma_start3A_871 = tpu.memref_slice %arg3[%add3A_51, %dma_start3A_870] : memref<1024x512xf32, #tpu.memory_space<hbm>> -> memref<1x512xf32, #tpu.memory_space<hbm>>
      %dma_start3A_872 = tpu.memref_squeeze %dma_start3A_871 : memref<1x512xf32, #tpu.memory_space<hbm>> -> memref<512xf32, #tpu.memory_space<hbm>>
      tpu.enqueue_dma source(%arg13 : memref<512xf32, #tpu.memory_space<vmem>>) target(%dma_start3A_872 : memref<512xf32, #tpu.memory_space<hbm>>) target_semaphore(%arg17 : memref<!tpu.dma_semaphore, #tpu.memory_space<semaphore_mem>>)
      %mul3A_873 = arith.constant 2 : i32
      %mul3A_874 = arith.muli %mul3A_873, %scan3A_45 : i32
      %add3A_875 = arith.constant 1 : i32
      %add3A_876 = arith.addi %mul3A_874, %add3A_875 : i32
      %add3A_877 = arith.addi %mul3A_2, %add3A_876 : i32
      %dma_wait3A_878 = arith.constant 16384 : i32
      %dma_wait3A_879 = tpu.memref_slice %arg4[%dma_wait3A_878] : memref<32768xf32, #tpu.memory_space<vmem>> -> memref<16384xf32, #tpu.memory_space<vmem>>
      %dma_wait3A_880 = arith.constant 0 : i32
      %dma_wait3A_881 = tpu.memref_slice %arg2[%add3A_877, %dma_wait3A_880] : memref<1024x16384xf32, #tpu.memory_space<hbm>> -> memref<1x16384xf32, #tpu.memory_space<hbm>>
      %dma_wait3A_882 = tpu.memref_squeeze %dma_wait3A_881 : memref<1x16384xf32, #tpu.memory_space<hbm>> -> memref<16384xf32, #tpu.memory_space<hbm>>
      %dma_wait3A_883 = arith.constant 16384 : i32
      %dma_wait3A_884 = tpu.memref_slice %arg4[%dma_wait3A_883] : memref<32768xf32, #tpu.memory_space<vmem>> -> memref<16384xf32, #tpu.memory_space<vmem>>
      %dma_wait3A_885 = arith.constant 0 : i32
      %dma_wait3A_886 = tpu.memref_slice %arg2[%add3A_877, %dma_wait3A_885] : memref<1024x16384xf32, #tpu.memory_space<hbm>> -> memref<1x16384xf32, #tpu.memory_space<hbm>>
      %dma_wait3A_887 = tpu.memref_squeeze %dma_wait3A_886 : memref<1x16384xf32, #tpu.memory_space<hbm>> -> memref<16384xf32, #tpu.memory_space<hbm>>
      tpu.wait_dma2 semaphore(%arg16 : memref<!tpu.dma_semaphore, #tpu.memory_space<semaphore_mem>>) src(%dma_wait3A_887 : memref<16384xf32, #tpu.memory_space<hbm>>) dst(%dma_wait3A_884 : memref<16384xf32, #tpu.memory_space<vmem>>)
      %lt3A_888 = arith.constant 31 : i32
      %lt3A_889 = arith.cmpi slt, %add3A_876, %lt3A_888 : i32
      %convert_element_type3A_890 = arith.extui %lt3A_889 : i1 to i32
      %cond3A_891 = arith.constant 0 : i32
      %cond3A_892 = arith.cmpi ne, %convert_element_type3A_890, %cond3A_891 : i32
      scf.if %cond3A_892 {
        %add3A_1715 = arith.constant 1 : i32
        %add3A_1716 = arith.addi %add3A_877, %add3A_1715 : i32
        %dma_start3A_1717 = arith.constant 0 : i32
        %dma_start3A_1718 = tpu.memref_slice %arg4[%dma_start3A_1717] : memref<32768xf32, #tpu.memory_space<vmem>> -> memref<16384xf32, #tpu.memory_space<vmem>>
        %dma_start3A_1719 = arith.constant 0 : i32
        %dma_start3A_1720 = tpu.memref_slice %arg2[%add3A_1716, %dma_start3A_1719] : memref<1024x16384xf32, #tpu.memory_space<hbm>> -> memref<1x16384xf32, #tpu.memory_space<hbm>>
        %dma_start3A_1721 = tpu.memref_squeeze %dma_start3A_1720 : memref<1x16384xf32, #tpu.memory_space<hbm>> -> memref<16384xf32, #tpu.memory_space<hbm>>
        %dma_start3A_1722 = arith.constant 0 : i32
        %dma_start3A_1723 = tpu.memref_slice %arg4[%dma_start3A_1722] : memref<32768xf32, #tpu.memory_space<vmem>> -> memref<16384xf32, #tpu.memory_space<vmem>>
        %dma_start3A_1724 = arith.constant 0 : i32
        %dma_start3A_1725 = tpu.memref_slice %arg2[%add3A_1716, %dma_start3A_1724] : memref<1024x16384xf32, #tpu.memory_space<hbm>> -> memref<1x16384xf32, #tpu.memory_space<hbm>>
        %dma_start3A_1726 = tpu.memref_squeeze %dma_start3A_1725 : memref<1x16384xf32, #tpu.memory_space<hbm>> -> memref<16384xf32, #tpu.memory_space<hbm>>
        tpu.enqueue_dma source(%dma_start3A_1726 : memref<16384xf32, #tpu.memory_space<hbm>>) target(%dma_start3A_1723 : memref<16384xf32, #tpu.memory_space<vmem>>) target_semaphore(%arg15 : memref<!tpu.dma_semaphore, #tpu.memory_space<semaphore_mem>>)
      } else {
      }
      %parallel_loop3A_893 = arith.constant 0 : i32
      %parallel_loop3A_894 = arith.constant 256 : i32
      %parallel_loop3A_895 = arith.constant 1 : i32
      scf.for %parallel_loop3A_1715 = %parallel_loop3A_893 to %parallel_loop3A_894 step %parallel_loop3A_895  : i32 {
        %parallel_loop3A_1716 = arith.constant 16 : i32
        %parallel_loop3A_1717 = arith.muli %parallel_loop3A_1715, %parallel_loop3A_1716 : i32
        %parallel_loop3A_1718 = arith.index_cast %parallel_loop3A_1717 : i32 to index
        %parallel_loop3A_1719 = tpu.vector_load %arg6[%parallel_loop3A_1718] {strides = array<i32>} : memref<4096xi32, #tpu.memory_space<vmem>>, vector<16xi32>,
        tpu.vector_store %arg6[%parallel_loop3A_1718], %broadcast_in_dim3A_3 {strides = array<i32>} : memref<4096xi32, #tpu.memory_space<vmem>>, vector<16xi32>,
      } {sc.loop_unroll_factor = 4 : i64, sc.parallel_access}
      %parallel_loop3A_896 = arith.constant 0 : i32
      %parallel_loop3A_897 = arith.constant 512 : i32
      %parallel_loop3A_898 = arith.constant 1 : i32
      scf.for %parallel_loop3A_1715 = %parallel_loop3A_896 to %parallel_loop3A_897 step %parallel_loop3A_898  : i32 {
        %parallel_loop3A_1716 = arith.constant 16 : i32
        %parallel_loop3A_1717 = arith.muli %parallel_loop3A_1715, %parallel_loop3A_1716 : i32
        %parallel_loop3A_1718 = vector.broadcast %parallel_loop3A_1717 : i32 to vector<16xi32>
        %parallel_loop3A_1719 = arith.addi %parallel_loop3A_1718, %iota3A : vector<16xi32>
        %parallel_loop3A_1720 = arith.constant 2 : i32
        %parallel_loop3A_1721 = vector.broadcast %parallel_loop3A_1720 : i32 to vector<16xi32>
        %parallel_loop3A_1722 = arith.muli %parallel_loop3A_1719, %parallel_loop3A_1721 : vector<16xi32>
        %parallel_loop3A_1723 = arith.constant 16384 : i32
        %parallel_loop3A_1724 = tpu.memref_slice %arg4[%parallel_loop3A_1723] : memref<32768xf32, #tpu.memory_space<vmem>> -> memref<16384xf32, #tpu.memory_space<vmem>>
        %parallel_loop3A_1725 = tpu.vector_load_idx %parallel_loop3A_1724[%parallel_loop3A_1722] : memref<16384xf32, #tpu.memory_space<vmem>>[vector<16xi32>], vector<16xf32>,
        %parallel_loop3A_1726 = arith.constant 1 : i32
        %parallel_loop3A_1727 = vector.broadcast %parallel_loop3A_1726 : i32 to vector<16xi32>
        %parallel_loop3A_1728 = arith.addi %parallel_loop3A_1722, %parallel_loop3A_1727 : vector<16xi32>
        %parallel_loop3A_1729 = arith.constant 16384 : i32
        %parallel_loop3A_1730 = tpu.memref_slice %arg4[%parallel_loop3A_1729] : memref<32768xf32, #tpu.memory_space<vmem>> -> memref<16384xf32, #tpu.memory_space<vmem>>
        %parallel_loop3A_1731 = tpu.vector_load_idx %parallel_loop3A_1730[%parallel_loop3A_1728] : memref<16384xf32, #tpu.memory_space<vmem>>[vector<16xi32>], vector<16xf32>,
        %parallel_loop3A_1732 = arith.subf %parallel_loop3A_1731, %parallel_loop3A_1725 : vector<16xf32>
        %parallel_loop3A_1733 = vector.bitcast %parallel_loop3A_1732 : vector<16xf32> to vector<16xi32>
        %parallel_loop3A_1734 = arith.constant 31 : i32
        %parallel_loop3A_1735 = vector.broadcast %parallel_loop3A_1734 : i32 to vector<16xi32>
        %parallel_loop3A_1736 = arith.shrsi %parallel_loop3A_1733, %parallel_loop3A_1735 : vector<16xi32>
        %parallel_loop3A_1737 = arith.constant -2147483648 : i32
        %parallel_loop3A_1738 = vector.broadcast %parallel_loop3A_1737 : i32 to vector<16xi32>
        %parallel_loop3A_1739 = arith.ori %parallel_loop3A_1736, %parallel_loop3A_1738 : vector<16xi32>
        %parallel_loop3A_1740 = arith.xori %parallel_loop3A_1733, %parallel_loop3A_1739 : vector<16xi32>
        %parallel_loop3A_1741 = arith.index_cast %parallel_loop3A_1717 : i32 to index
        %parallel_loop3A_1742 = tpu.vector_load %arg5[%parallel_loop3A_1741] {strides = array<i32>} : memref<8192xi32, #tpu.memory_space<vmem>>, vector<16xi32>,
        tpu.vector_store %arg5[%parallel_loop3A_1741], %parallel_loop3A_1740 {strides = array<i32>} : memref<8192xi32, #tpu.memory_space<vmem>>, vector<16xi32>,
        %parallel_loop3A_1743 = arith.constant 22 : i32
        %parallel_loop3A_1744 = vector.broadcast %parallel_loop3A_1743 : i32 to vector<16xi32>
        %parallel_loop3A_1745 = arith.shrsi %parallel_loop3A_1740, %parallel_loop3A_1744 : vector<16xi32>
        %parallel_loop3A_1746 = arith.constant 1023 : i32
        %parallel_loop3A_1747 = vector.broadcast %parallel_loop3A_1746 : i32 to vector<16xi32>
        %parallel_loop3A_1748 = arith.andi %parallel_loop3A_1745, %parallel_loop3A_1747 : vector<16xi32>
        %parallel_loop3A_1749 = arith.constant 3 : i32
        %parallel_loop3A_1750 = arith.andi %parallel_loop3A_1715, %parallel_loop3A_1749 : i32
        %parallel_loop3A_1751 = arith.constant 10 : i32
        %parallel_loop3A_1752 = arith.shli %parallel_loop3A_1750, %parallel_loop3A_1751 : i32
        %parallel_loop3A_1753 = vector.broadcast %parallel_loop3A_1752 : i32 to vector<16xi32>
        %parallel_loop3A_1754 = arith.addi %parallel_loop3A_1748, %parallel_loop3A_1753 : vector<16xi32>
        tpu.vector_store_idx %arg6[%parallel_loop3A_1754], %broadcast_in_dim3A_5 {add = true} : memref<4096xi32, #tpu.memory_space<vmem>>[vector<16xi32>], vector<16xi32>,
      } {sc.loop_unroll_factor = 8 : i64, sc.parallel_access}
      %parallel_loop3A_899 = arith.constant 0 : i32
      %parallel_loop3A_900 = arith.constant 64 : i32
      %parallel_loop3A_901 = arith.constant 1 : i32
      scf.for %parallel_loop3A_1715 = %parallel_loop3A_899 to %parallel_loop3A_900 step %parallel_loop3A_901  : i32 {
        %parallel_loop3A_1716 = arith.constant 16 : i32
        %parallel_loop3A_1717 = arith.muli %parallel_loop3A_1715, %parallel_loop3A_1716 : i32
        %parallel_loop3A_1718 = arith.index_cast %parallel_loop3A_1717 : i32 to index
        %parallel_loop3A_1719 = tpu.vector_load %arg6[%parallel_loop3A_1718] {strides = array<i32>} : memref<4096xi32, #tpu.memory_space<vmem>>, vector<16xi32>,
        %parallel_loop3A_1720 = arith.constant 16 : i32
        %parallel_loop3A_1721 = arith.muli %parallel_loop3A_1715, %parallel_loop3A_1720 : i32
        %parallel_loop3A_1722 = arith.constant 1024 : i32
        %parallel_loop3A_1723 = arith.addi %parallel_loop3A_1722, %parallel_loop3A_1721 : i32
        %parallel_loop3A_1724 = arith.index_cast %parallel_loop3A_1723 : i32 to index
        %parallel_loop3A_1725 = tpu.vector_load %arg6[%parallel_loop3A_1724] {strides = array<i32>} : memref<4096xi32, #tpu.memory_space<vmem>>, vector<16xi32>,
        %parallel_loop3A_1726 = arith.addi %parallel_loop3A_1719, %parallel_loop3A_1725 : vector<16xi32>
        %parallel_loop3A_1727 = arith.constant 16 : i32
        %parallel_loop3A_1728 = arith.muli %parallel_loop3A_1715, %parallel_loop3A_1727 : i32
        %parallel_loop3A_1729 = arith.constant 2048 : i32
        %parallel_loop3A_1730 = arith.addi %parallel_loop3A_1729, %parallel_loop3A_1728 : i32
        %parallel_loop3A_1731 = arith.index_cast %parallel_loop3A_1730 : i32 to index
        %parallel_loop3A_1732 = tpu.vector_load %arg6[%parallel_loop3A_1731] {strides = array<i32>} : memref<4096xi32, #tpu.memory_space<vmem>>, vector<16xi32>,
        %parallel_loop3A_1733 = arith.addi %parallel_loop3A_1726, %parallel_loop3A_1732 : vector<16xi32>
        %parallel_loop3A_1734 = arith.constant 16 : i32
        %parallel_loop3A_1735 = arith.muli %parallel_loop3A_1715, %parallel_loop3A_1734 : i32
        %parallel_loop3A_1736 = arith.constant 3072 : i32
        %parallel_loop3A_1737 = arith.addi %parallel_loop3A_1736, %parallel_loop3A_1735 : i32
        %parallel_loop3A_1738 = arith.index_cast %parallel_loop3A_1737 : i32 to index
        %parallel_loop3A_1739 = tpu.vector_load %arg6[%parallel_loop3A_1738] {strides = array<i32>} : memref<4096xi32, #tpu.memory_space<vmem>>, vector<16xi32>,
        %parallel_loop3A_1740 = arith.addi %parallel_loop3A_1733, %parallel_loop3A_1739 : vector<16xi32>
        %parallel_loop3A_1741 = arith.constant 16 : i32
        %parallel_loop3A_1742 = arith.muli %parallel_loop3A_1715, %parallel_loop3A_1741 : i32
        %parallel_loop3A_1743 = arith.index_cast %parallel_loop3A_1742 : i32 to index
        %parallel_loop3A_1744 = tpu.vector_load %arg6[%parallel_loop3A_1743] {strides = array<i32>} : memref<4096xi32, #tpu.memory_space<vmem>>, vector<16xi32>,
        tpu.vector_store %arg6[%parallel_loop3A_1743], %parallel_loop3A_1740 {strides = array<i32>} : memref<4096xi32, #tpu.memory_space<vmem>>, vector<16xi32>,
        %parallel_loop3A_1745 = arith.constant true
        %parallel_loop3A_1746 = vector.broadcast %parallel_loop3A_1745 : i1 to vector<16xi1>
        %parallel_loop3A_1747 = tpu.scan <sum>, %parallel_loop3A_1740 masked %parallel_loop3A_1746 : vector<16xi32>, vector<16xi1> -> vector<16xi32>
        %parallel_loop3A_1748 = arith.constant 15 : i32
        %parallel_loop3A_1749 = vector.broadcast %parallel_loop3A_1748 : i32 to vector<16xi32>
        %parallel_loop3A_1750 = tpu.iota {dimensions = array<i32: 0>} : vector<16xi32>
        %parallel_loop3A_1751 = arith.subi %parallel_loop3A_1749, %parallel_loop3A_1750 : vector<16xi32>
        %parallel_loop3A_1752 = tpu.dynamic_gather %parallel_loop3A_1747[%parallel_loop3A_1751] in [0] : vector<16xi32>, vector<16xi32> -> vector<16xi32>
        %parallel_loop3A_1753 = vector.broadcast %parallel_loop3A_1715 : i32 to vector<16xi32>
        tpu.vector_store_idx %arg7[%parallel_loop3A_1753], %parallel_loop3A_1752 masked %eq3A_7 : memref<512xi32, #tpu.memory_space<vmem>>[vector<16xi32>], vector<16xi32>, vector<16xi1>
      } {sc.loop_unroll_factor = 4 : i64, sc.parallel_access}
      %get3A_902 = arith.constant 48 : index
      %get3A_903 = tpu.vector_load %arg7[%get3A_902] {strides = array<i32>} : memref<512xi32, #tpu.memory_space<vmem>>, vector<16xi32>,
      %rev3A_904 = arith.constant 15 : i32
      %rev3A_905 = vector.broadcast %rev3A_904 : i32 to vector<16xi32>
      %rev3A_906 = tpu.iota {dimensions = array<i32: 0>} : vector<16xi32>
      %rev3A_907 = arith.subi %rev3A_905, %rev3A_906 : vector<16xi32>
      %rev3A_908 = tpu.dynamic_gather %get3A_903[%rev3A_907] in [0] : vector<16xi32>, vector<16xi32> -> vector<16xi32>
      %broadcast_in_dim3A_909 = arith.constant true
      %broadcast_in_dim3A_910 = vector.broadcast %broadcast_in_dim3A_909 : i1 to vector<16xi1>
      %masked_cumsum3A_911 = tpu.scan <sum>, %rev3A_908 masked %broadcast_in_dim3A_910 : vector<16xi32>, vector<16xi1> -> vector<16xi32>
      %rev3A_912 = arith.constant 15 : i32
      %rev3A_913 = vector.broadcast %rev3A_912 : i32 to vector<16xi32>
      %rev3A_914 = tpu.iota {dimensions = array<i32: 0>} : vector<16xi32>
      %rev3A_915 = arith.subi %rev3A_913, %rev3A_914 : vector<16xi32>
      %rev3A_916 = tpu.dynamic_gather %masked_cumsum3A_911[%rev3A_915] in [0] : vector<16xi32>, vector<16xi32> -> vector<16xi32>
      %add3A_917 = arith.constant 0 : i32
      %add3A_918 = vector.broadcast %add3A_917 : i32 to vector<16xi32>
      %add3A_919 = arith.addi %rev3A_916, %add3A_918 : vector<16xi32>
      %reduce_max3A_920 = arith.constant true
      %reduce_max3A_921 = vector.broadcast %reduce_max3A_920 : i1 to vector<16xi1>
      %reduce_max3A_922 = arith.constant -2147483648 : i32
      %reduce_max3A_923 = vector.broadcast %reduce_max3A_922 : i32 to vector<16xi32>
      %reduce_max3A_924 = arith.xori %add3A_919, %reduce_max3A_923 : vector<16xi32>
      %reduce_max3A_925 = tpu.scan <max>, %reduce_max3A_924 masked %reduce_max3A_921 : vector<16xi32>, vector<16xi1> -> vector<16xi32>
      %reduce_max3A_926 = arith.xori %reduce_max3A_925, %reduce_max3A_923 : vector<16xi32>
      %reduce_max3A_927 = vector.extract %reduce_max3A_926[15] : i32 from vector<16xi32>
      %get3A_928 = arith.constant 32 : index
      %get3A_929 = tpu.vector_load %arg7[%get3A_928] {strides = array<i32>} : memref<512xi32, #tpu.memory_space<vmem>>, vector<16xi32>,
      %rev3A_930 = arith.constant 15 : i32
      %rev3A_931 = vector.broadcast %rev3A_930 : i32 to vector<16xi32>
      %rev3A_932 = tpu.iota {dimensions = array<i32: 0>} : vector<16xi32>
      %rev3A_933 = arith.subi %rev3A_931, %rev3A_932 : vector<16xi32>
      %rev3A_934 = tpu.dynamic_gather %get3A_929[%rev3A_933] in [0] : vector<16xi32>, vector<16xi32> -> vector<16xi32>
      %broadcast_in_dim3A_935 = arith.constant true
      %broadcast_in_dim3A_936 = vector.broadcast %broadcast_in_dim3A_935 : i1 to vector<16xi1>
      %masked_cumsum3A_937 = tpu.scan <sum>, %rev3A_934 masked %broadcast_in_dim3A_936 : vector<16xi32>, vector<16xi1> -> vector<16xi32>
      %rev3A_938 = arith.constant 15 : i32
      %rev3A_939 = vector.broadcast %rev3A_938 : i32 to vector<16xi32>
      %rev3A_940 = tpu.iota {dimensions = array<i32: 0>} : vector<16xi32>
      %rev3A_941 = arith.subi %rev3A_939, %rev3A_940 : vector<16xi32>
      %rev3A_942 = tpu.dynamic_gather %masked_cumsum3A_937[%rev3A_941] in [0] : vector<16xi32>, vector<16xi32> -> vector<16xi32>
      %add3A_943 = vector.broadcast %reduce_max3A_927 : i32 to vector<16xi32>
      %add3A_944 = arith.addi %rev3A_942, %add3A_943 : vector<16xi32>
      %reduce_max3A_945 = arith.constant true
      %reduce_max3A_946 = vector.broadcast %reduce_max3A_945 : i1 to vector<16xi1>
      %reduce_max3A_947 = arith.constant -2147483648 : i32
      %reduce_max3A_948 = vector.broadcast %reduce_max3A_947 : i32 to vector<16xi32>
      %reduce_max3A_949 = arith.xori %add3A_944, %reduce_max3A_948 : vector<16xi32>
      %reduce_max3A_950 = tpu.scan <max>, %reduce_max3A_949 masked %reduce_max3A_946 : vector<16xi32>, vector<16xi1> -> vector<16xi32>
      %reduce_max3A_951 = arith.xori %reduce_max3A_950, %reduce_max3A_948 : vector<16xi32>
      %reduce_max3A_952 = vector.extract %reduce_max3A_951[15] : i32 from vector<16xi32>
      %get3A_953 = arith.constant 16 : index
      %get3A_954 = tpu.vector_load %arg7[%get3A_953] {strides = array<i32>} : memref<512xi32, #tpu.memory_space<vmem>>, vector<16xi32>,
      %rev3A_955 = arith.constant 15 : i32
      %rev3A_956 = vector.broadcast %rev3A_955 : i32 to vector<16xi32>
      %rev3A_957 = tpu.iota {dimensions = array<i32: 0>} : vector<16xi32>
      %rev3A_958 = arith.subi %rev3A_956, %rev3A_957 : vector<16xi32>
      %rev3A_959 = tpu.dynamic_gather %get3A_954[%rev3A_958] in [0] : vector<16xi32>, vector<16xi32> -> vector<16xi32>
      %broadcast_in_dim3A_960 = arith.constant true
      %broadcast_in_dim3A_961 = vector.broadcast %broadcast_in_dim3A_960 : i1 to vector<16xi1>
      %masked_cumsum3A_962 = tpu.scan <sum>, %rev3A_959 masked %broadcast_in_dim3A_961 : vector<16xi32>, vector<16xi1> -> vector<16xi32>
      %rev3A_963 = arith.constant 15 : i32
      %rev3A_964 = vector.broadcast %rev3A_963 : i32 to vector<16xi32>
      %rev3A_965 = tpu.iota {dimensions = array<i32: 0>} : vector<16xi32>
      %rev3A_966 = arith.subi %rev3A_964, %rev3A_965 : vector<16xi32>
      %rev3A_967 = tpu.dynamic_gather %masked_cumsum3A_962[%rev3A_966] in [0] : vector<16xi32>, vector<16xi32> -> vector<16xi32>
      %add3A_968 = vector.broadcast %reduce_max3A_952 : i32 to vector<16xi32>
      %add3A_969 = arith.addi %rev3A_967, %add3A_968 : vector<16xi32>
      %reduce_max3A_970 = arith.constant true
      %reduce_max3A_971 = vector.broadcast %reduce_max3A_970 : i1 to vector<16xi1>
      %reduce_max3A_972 = arith.constant -2147483648 : i32
      %reduce_max3A_973 = vector.broadcast %reduce_max3A_972 : i32 to vector<16xi32>
      %reduce_max3A_974 = arith.xori %add3A_969, %reduce_max3A_973 : vector<16xi32>
      %reduce_max3A_975 = tpu.scan <max>, %reduce_max3A_974 masked %reduce_max3A_971 : vector<16xi32>, vector<16xi1> -> vector<16xi32>
      %reduce_max3A_976 = arith.xori %reduce_max3A_975, %reduce_max3A_973 : vector<16xi32>
      %reduce_max3A_977 = vector.extract %reduce_max3A_976[15] : i32 from vector<16xi32>
      %get3A_978 = arith.constant 0 : index
      %get3A_979 = tpu.vector_load %arg7[%get3A_978] {strides = array<i32>} : memref<512xi32, #tpu.memory_space<vmem>>, vector<16xi32>,
      %rev3A_980 = arith.constant 15 : i32
      %rev3A_981 = vector.broadcast %rev3A_980 : i32 to vector<16xi32>
      %rev3A_982 = tpu.iota {dimensions = array<i32: 0>} : vector<16xi32>
      %rev3A_983 = arith.subi %rev3A_981, %rev3A_982 : vector<16xi32>
      %rev3A_984 = tpu.dynamic_gather %get3A_979[%rev3A_983] in [0] : vector<16xi32>, vector<16xi32> -> vector<16xi32>
      %broadcast_in_dim3A_985 = arith.constant true
      %broadcast_in_dim3A_986 = vector.broadcast %broadcast_in_dim3A_985 : i1 to vector<16xi1>
      %masked_cumsum3A_987 = tpu.scan <sum>, %rev3A_984 masked %broadcast_in_dim3A_986 : vector<16xi32>, vector<16xi1> -> vector<16xi32>
      %rev3A_988 = arith.constant 15 : i32
      %rev3A_989 = vector.broadcast %rev3A_988 : i32 to vector<16xi32>
      %rev3A_990 = tpu.iota {dimensions = array<i32: 0>} : vector<16xi32>
      %rev3A_991 = arith.subi %rev3A_989, %rev3A_990 : vector<16xi32>
      %rev3A_992 = tpu.dynamic_gather %masked_cumsum3A_987[%rev3A_991] in [0] : vector<16xi32>, vector<16xi32> -> vector<16xi32>
      %add3A_993 = vector.broadcast %reduce_max3A_977 : i32 to vector<16xi32>
      %add3A_994 = arith.addi %rev3A_992, %add3A_993 : vector<16xi32>
      %reduce_max3A_995 = arith.constant true
      %reduce_max3A_996 = vector.broadcast %reduce_max3A_995 : i1 to vector<16xi1>
      %reduce_max3A_997 = arith.constant -2147483648 : i32
      %reduce_max3A_998 = vector.broadcast %reduce_max3A_997 : i32 to vector<16xi32>
      %reduce_max3A_999 = arith.xori %add3A_994, %reduce_max3A_998 : vector<16xi32>
      %reduce_max3A_1000 = tpu.scan <max>, %reduce_max3A_999 masked %reduce_max3A_996 : vector<16xi32>, vector<16xi1> -> vector<16xi32>
      %reduce_max3A_1001 = arith.xori %reduce_max3A_1000, %reduce_max3A_998 : vector<16xi32>
      %reduce_max3A_1002 = vector.extract %reduce_max3A_1001[15] : i32 from vector<16xi32>
      %ge3A_1003 = arith.constant 256 : i32
      %ge3A_1004 = vector.broadcast %ge3A_1003 : i32 to vector<16xi32>
      %ge3A_1005 = arith.cmpi sge, %add3A_994, %ge3A_1004 : vector<16xi32>
      %add3A_1006 = arith.constant 0 : i32
      %add3A_1007 = vector.broadcast %add3A_1006 : i32 to vector<16xi32>
      %add3A_1008 = arith.addi %iota3A, %add3A_1007 : vector<16xi32>
      %jit3A_1009 = arith.constant -1 : i32
      %broadcast_in_dim3A_1010 = vector.broadcast %jit3A_1009 : i32 to vector<16xi32>
      %select_n3A_1011 = arith.select %ge3A_1005, %add3A_1008, %broadcast_in_dim3A_1010 : vector<16xi1>, vector<16xi32>
      %reduce_max3A_1012 = arith.constant true
      %reduce_max3A_1013 = vector.broadcast %reduce_max3A_1012 : i1 to vector<16xi1>
      %reduce_max3A_1014 = arith.constant -2147483648 : i32
      %reduce_max3A_1015 = vector.broadcast %reduce_max3A_1014 : i32 to vector<16xi32>
      %reduce_max3A_1016 = arith.xori %select_n3A_1011, %reduce_max3A_1015 : vector<16xi32>
      %reduce_max3A_1017 = tpu.scan <max>, %reduce_max3A_1016 masked %reduce_max3A_1013 : vector<16xi32>, vector<16xi1> -> vector<16xi32>
      %reduce_max3A_1018 = arith.xori %reduce_max3A_1017, %reduce_max3A_1015 : vector<16xi32>
      %reduce_max3A_1019 = vector.extract %reduce_max3A_1018[15] : i32 from vector<16xi32>
      %max3A_1020 = arith.constant -1 : i32
      %max3A_1021 = arith.maxsi %max3A_1020, %reduce_max3A_1019 : i32
      %ge3A_1022 = arith.constant 256 : i32
      %ge3A_1023 = vector.broadcast %ge3A_1022 : i32 to vector<16xi32>
      %ge3A_1024 = arith.cmpi sge, %add3A_969, %ge3A_1023 : vector<16xi32>
      %add3A_1025 = arith.constant 16 : i32
      %add3A_1026 = vector.broadcast %add3A_1025 : i32 to vector<16xi32>
      %add3A_1027 = arith.addi %iota3A, %add3A_1026 : vector<16xi32>
      %jit3A_1028 = arith.constant -1 : i32
      %broadcast_in_dim3A_1029 = vector.broadcast %jit3A_1028 : i32 to vector<16xi32>
      %select_n3A_1030 = arith.select %ge3A_1024, %add3A_1027, %broadcast_in_dim3A_1029 : vector<16xi1>, vector<16xi32>
      %reduce_max3A_1031 = arith.constant true
      %reduce_max3A_1032 = vector.broadcast %reduce_max3A_1031 : i1 to vector<16xi1>
      %reduce_max3A_1033 = arith.constant -2147483648 : i32
      %reduce_max3A_1034 = vector.broadcast %reduce_max3A_1033 : i32 to vector<16xi32>
      %reduce_max3A_1035 = arith.xori %select_n3A_1030, %reduce_max3A_1034 : vector<16xi32>
      %reduce_max3A_1036 = tpu.scan <max>, %reduce_max3A_1035 masked %reduce_max3A_1032 : vector<16xi32>, vector<16xi1> -> vector<16xi32>
      %reduce_max3A_1037 = arith.xori %reduce_max3A_1036, %reduce_max3A_1034 : vector<16xi32>
      %reduce_max3A_1038 = vector.extract %reduce_max3A_1037[15] : i32 from vector<16xi32>
      %max3A_1039 = arith.maxsi %max3A_1021, %reduce_max3A_1038 : i32
      %ge3A_1040 = arith.constant 256 : i32
      %ge3A_1041 = vector.broadcast %ge3A_1040 : i32 to vector<16xi32>
      %ge3A_1042 = arith.cmpi sge, %add3A_944, %ge3A_1041 : vector<16xi32>
      %add3A_1043 = arith.constant 32 : i32
      %add3A_1044 = vector.broadcast %add3A_1043 : i32 to vector<16xi32>
      %add3A_1045 = arith.addi %iota3A, %add3A_1044 : vector<16xi32>
      %jit3A_1046 = arith.constant -1 : i32
      %broadcast_in_dim3A_1047 = vector.broadcast %jit3A_1046 : i32 to vector<16xi32>
      %select_n3A_1048 = arith.select %ge3A_1042, %add3A_1045, %broadcast_in_dim3A_1047 : vector<16xi1>, vector<16xi32>
      %reduce_max3A_1049 = arith.constant true
      %reduce_max3A_1050 = vector.broadcast %reduce_max3A_1049 : i1 to vector<16xi1>
      %reduce_max3A_1051 = arith.constant -2147483648 : i32
      %reduce_max3A_1052 = vector.broadcast %reduce_max3A_1051 : i32 to vector<16xi32>
      %reduce_max3A_1053 = arith.xori %select_n3A_1048, %reduce_max3A_1052 : vector<16xi32>
      %reduce_max3A_1054 = tpu.scan <max>, %reduce_max3A_1053 masked %reduce_max3A_1050 : vector<16xi32>, vector<16xi1> -> vector<16xi32>
      %reduce_max3A_1055 = arith.xori %reduce_max3A_1054, %reduce_max3A_1052 : vector<16xi32>
      %reduce_max3A_1056 = vector.extract %reduce_max3A_1055[15] : i32 from vector<16xi32>
      %max3A_1057 = arith.maxsi %max3A_1039, %reduce_max3A_1056 : i32
      %ge3A_1058 = arith.constant 256 : i32
      %ge3A_1059 = vector.broadcast %ge3A_1058 : i32 to vector<16xi32>
      %ge3A_1060 = arith.cmpi sge, %add3A_919, %ge3A_1059 : vector<16xi32>
      %add3A_1061 = arith.constant 48 : i32
      %add3A_1062 = vector.broadcast %add3A_1061 : i32 to vector<16xi32>
      %add3A_1063 = arith.addi %iota3A, %add3A_1062 : vector<16xi32>
      %jit3A_1064 = arith.constant -1 : i32
      %broadcast_in_dim3A_1065 = vector.broadcast %jit3A_1064 : i32 to vector<16xi32>
      %select_n3A_1066 = arith.select %ge3A_1060, %add3A_1063, %broadcast_in_dim3A_1065 : vector<16xi1>, vector<16xi32>
      %reduce_max3A_1067 = arith.constant true
      %reduce_max3A_1068 = vector.broadcast %reduce_max3A_1067 : i1 to vector<16xi1>
      %reduce_max3A_1069 = arith.constant -2147483648 : i32
      %reduce_max3A_1070 = vector.broadcast %reduce_max3A_1069 : i32 to vector<16xi32>
      %reduce_max3A_1071 = arith.xori %select_n3A_1066, %reduce_max3A_1070 : vector<16xi32>
      %reduce_max3A_1072 = tpu.scan <max>, %reduce_max3A_1071 masked %reduce_max3A_1068 : vector<16xi32>, vector<16xi1> -> vector<16xi32>
      %reduce_max3A_1073 = arith.xori %reduce_max3A_1072, %reduce_max3A_1070 : vector<16xi32>
      %reduce_max3A_1074 = vector.extract %reduce_max3A_1073[15] : i32 from vector<16xi32>
      %max3A_1075 = arith.maxsi %max3A_1057, %reduce_max3A_1074 : i32
      %add3A_1076 = arith.constant 0 : i32
      %add3A_1077 = vector.broadcast %add3A_1076 : i32 to vector<16xi32>
      %add3A_1078 = arith.addi %iota3A, %add3A_1077 : vector<16xi32>
      %eq3A_1079 = vector.broadcast %max3A_1075 : i32 to vector<16xi32>
      %eq3A_1080 = arith.cmpi eq, %add3A_1078, %eq3A_1079 : vector<16xi32>
      %jit3A_1081 = arith.constant 0 : i32
      %broadcast_in_dim3A_1082 = vector.broadcast %jit3A_1081 : i32 to vector<16xi32>
      %select_n3A_1083 = arith.select %eq3A_1080, %add3A_994, %broadcast_in_dim3A_1082 : vector<16xi1>, vector<16xi32>
      %reduce_max3A_1084 = arith.constant true
      %reduce_max3A_1085 = vector.broadcast %reduce_max3A_1084 : i1 to vector<16xi1>
      %reduce_max3A_1086 = arith.constant -2147483648 : i32
      %reduce_max3A_1087 = vector.broadcast %reduce_max3A_1086 : i32 to vector<16xi32>
      %reduce_max3A_1088 = arith.xori %select_n3A_1083, %reduce_max3A_1087 : vector<16xi32>
      %reduce_max3A_1089 = tpu.scan <max>, %reduce_max3A_1088 masked %reduce_max3A_1085 : vector<16xi32>, vector<16xi1> -> vector<16xi32>
      %reduce_max3A_1090 = arith.xori %reduce_max3A_1089, %reduce_max3A_1087 : vector<16xi32>
      %reduce_max3A_1091 = vector.extract %reduce_max3A_1090[15] : i32 from vector<16xi32>
      %add3A_1092 = arith.constant 0 : i32
      %add3A_1093 = arith.addi %add3A_1092, %reduce_max3A_1091 : i32
      %jit3A_1094 = arith.constant 0 : i32
      %broadcast_in_dim3A_1095 = vector.broadcast %jit3A_1094 : i32 to vector<16xi32>
      %select_n3A_1096 = arith.select %eq3A_1080, %get3A_979, %broadcast_in_dim3A_1095 : vector<16xi1>, vector<16xi32>
      %reduce_max3A_1097 = arith.constant true
      %reduce_max3A_1098 = vector.broadcast %reduce_max3A_1097 : i1 to vector<16xi1>
      %reduce_max3A_1099 = arith.constant -2147483648 : i32
      %reduce_max3A_1100 = vector.broadcast %reduce_max3A_1099 : i32 to vector<16xi32>
      %reduce_max3A_1101 = arith.xori %select_n3A_1096, %reduce_max3A_1100 : vector<16xi32>
      %reduce_max3A_1102 = tpu.scan <max>, %reduce_max3A_1101 masked %reduce_max3A_1098 : vector<16xi32>, vector<16xi1> -> vector<16xi32>
      %reduce_max3A_1103 = arith.xori %reduce_max3A_1102, %reduce_max3A_1100 : vector<16xi32>
      %reduce_max3A_1104 = vector.extract %reduce_max3A_1103[15] : i32 from vector<16xi32>
      %add3A_1105 = arith.constant 0 : i32
      %add3A_1106 = arith.addi %add3A_1105, %reduce_max3A_1104 : i32
      %add3A_1107 = arith.constant 16 : i32
      %add3A_1108 = vector.broadcast %add3A_1107 : i32 to vector<16xi32>
      %add3A_1109 = arith.addi %iota3A, %add3A_1108 : vector<16xi32>
      %eq3A_1110 = vector.broadcast %max3A_1075 : i32 to vector<16xi32>
      %eq3A_1111 = arith.cmpi eq, %add3A_1109, %eq3A_1110 : vector<16xi32>
      %jit3A_1112 = arith.constant 0 : i32
      %broadcast_in_dim3A_1113 = vector.broadcast %jit3A_1112 : i32 to vector<16xi32>
      %select_n3A_1114 = arith.select %eq3A_1111, %add3A_969, %broadcast_in_dim3A_1113 : vector<16xi1>, vector<16xi32>
      %reduce_max3A_1115 = arith.constant true
      %reduce_max3A_1116 = vector.broadcast %reduce_max3A_1115 : i1 to vector<16xi1>
      %reduce_max3A_1117 = arith.constant -2147483648 : i32
      %reduce_max3A_1118 = vector.broadcast %reduce_max3A_1117 : i32 to vector<16xi32>
      %reduce_max3A_1119 = arith.xori %select_n3A_1114, %reduce_max3A_1118 : vector<16xi32>
      %reduce_max3A_1120 = tpu.scan <max>, %reduce_max3A_1119 masked %reduce_max3A_1116 : vector<16xi32>, vector<16xi1> -> vector<16xi32>
      %reduce_max3A_1121 = arith.xori %reduce_max3A_1120, %reduce_max3A_1118 : vector<16xi32>
      %reduce_max3A_1122 = vector.extract %reduce_max3A_1121[15] : i32 from vector<16xi32>
      %add3A_1123 = arith.addi %add3A_1093, %reduce_max3A_1122 : i32
      %jit3A_1124 = arith.constant 0 : i32
      %broadcast_in_dim3A_1125 = vector.broadcast %jit3A_1124 : i32 to vector<16xi32>
      %select_n3A_1126 = arith.select %eq3A_1111, %get3A_954, %broadcast_in_dim3A_1125 : vector<16xi1>, vector<16xi32>
      %reduce_max3A_1127 = arith.constant true
      %reduce_max3A_1128 = vector.broadcast %reduce_max3A_1127 : i1 to vector<16xi1>
      %reduce_max3A_1129 = arith.constant -2147483648 : i32
      %reduce_max3A_1130 = vector.broadcast %reduce_max3A_1129 : i32 to vector<16xi32>
      %reduce_max3A_1131 = arith.xori %select_n3A_1126, %reduce_max3A_1130 : vector<16xi32>
      %reduce_max3A_1132 = tpu.scan <max>, %reduce_max3A_1131 masked %reduce_max3A_1128 : vector<16xi32>, vector<16xi1> -> vector<16xi32>
      %reduce_max3A_1133 = arith.xori %reduce_max3A_1132, %reduce_max3A_1130 : vector<16xi32>
      %reduce_max3A_1134 = vector.extract %reduce_max3A_1133[15] : i32 from vector<16xi32>
      %add3A_1135 = arith.addi %add3A_1106, %reduce_max3A_1134 : i32
      %add3A_1136 = arith.constant 32 : i32
      %add3A_1137 = vector.broadcast %add3A_1136 : i32 to vector<16xi32>
      %add3A_1138 = arith.addi %iota3A, %add3A_1137 : vector<16xi32>
      %eq3A_1139 = vector.broadcast %max3A_1075 : i32 to vector<16xi32>
      %eq3A_1140 = arith.cmpi eq, %add3A_1138, %eq3A_1139 : vector<16xi32>
      %jit3A_1141 = arith.constant 0 : i32
      %broadcast_in_dim3A_1142 = vector.broadcast %jit3A_1141 : i32 to vector<16xi32>
      %select_n3A_1143 = arith.select %eq3A_1140, %add3A_944, %broadcast_in_dim3A_1142 : vector<16xi1>, vector<16xi32>
      %reduce_max3A_1144 = arith.constant true
      %reduce_max3A_1145 = vector.broadcast %reduce_max3A_1144 : i1 to vector<16xi1>
      %reduce_max3A_1146 = arith.constant -2147483648 : i32
      %reduce_max3A_1147 = vector.broadcast %reduce_max3A_1146 : i32 to vector<16xi32>
      %reduce_max3A_1148 = arith.xori %select_n3A_1143, %reduce_max3A_1147 : vector<16xi32>
      %reduce_max3A_1149 = tpu.scan <max>, %reduce_max3A_1148 masked %reduce_max3A_1145 : vector<16xi32>, vector<16xi1> -> vector<16xi32>
      %reduce_max3A_1150 = arith.xori %reduce_max3A_1149, %reduce_max3A_1147 : vector<16xi32>
      %reduce_max3A_1151 = vector.extract %reduce_max3A_1150[15] : i32 from vector<16xi32>
      %add3A_1152 = arith.addi %add3A_1123, %reduce_max3A_1151 : i32
      %jit3A_1153 = arith.constant 0 : i32
      %broadcast_in_dim3A_1154 = vector.broadcast %jit3A_1153 : i32 to vector<16xi32>
      %select_n3A_1155 = arith.select %eq3A_1140, %get3A_929, %broadcast_in_dim3A_1154 : vector<16xi1>, vector<16xi32>
      %reduce_max3A_1156 = arith.constant true
      %reduce_max3A_1157 = vector.broadcast %reduce_max3A_1156 : i1 to vector<16xi1>
      %reduce_max3A_1158 = arith.constant -2147483648 : i32
      %reduce_max3A_1159 = vector.broadcast %reduce_max3A_1158 : i32 to vector<16xi32>
      %reduce_max3A_1160 = arith.xori %select_n3A_1155, %reduce_max3A_1159 : vector<16xi32>
      %reduce_max3A_1161 = tpu.scan <max>, %reduce_max3A_1160 masked %reduce_max3A_1157 : vector<16xi32>, vector<16xi1> -> vector<16xi32>
      %reduce_max3A_1162 = arith.xori %reduce_max3A_1161, %reduce_max3A_1159 : vector<16xi32>
      %reduce_max3A_1163 = vector.extract %reduce_max3A_1162[15] : i32 from vector<16xi32>
      %add3A_1164 = arith.addi %add3A_1135, %reduce_max3A_1163 : i32
      %add3A_1165 = arith.constant 48 : i32
      %add3A_1166 = vector.broadcast %add3A_1165 : i32 to vector<16xi32>
      %add3A_1167 = arith.addi %iota3A, %add3A_1166 : vector<16xi32>
      %eq3A_1168 = vector.broadcast %max3A_1075 : i32 to vector<16xi32>
      %eq3A_1169 = arith.cmpi eq, %add3A_1167, %eq3A_1168 : vector<16xi32>
      %jit3A_1170 = arith.constant 0 : i32
      %broadcast_in_dim3A_1171 = vector.broadcast %jit3A_1170 : i32 to vector<16xi32>
      %select_n3A_1172 = arith.select %eq3A_1169, %add3A_919, %broadcast_in_dim3A_1171 : vector<16xi1>, vector<16xi32>
      %reduce_max3A_1173 = arith.constant true
      %reduce_max3A_1174 = vector.broadcast %reduce_max3A_1173 : i1 to vector<16xi1>
      %reduce_max3A_1175 = arith.constant -2147483648 : i32
      %reduce_max3A_1176 = vector.broadcast %reduce_max3A_1175 : i32 to vector<16xi32>
      %reduce_max3A_1177 = arith.xori %select_n3A_1172, %reduce_max3A_1176 : vector<16xi32>
      %reduce_max3A_1178 = tpu.scan <max>, %reduce_max3A_1177 masked %reduce_max3A_1174 : vector<16xi32>, vector<16xi1> -> vector<16xi32>
      %reduce_max3A_1179 = arith.xori %reduce_max3A_1178, %reduce_max3A_1176 : vector<16xi32>
      %reduce_max3A_1180 = vector.extract %reduce_max3A_1179[15] : i32 from vector<16xi32>
      %add3A_1181 = arith.addi %add3A_1152, %reduce_max3A_1180 : i32
      %jit3A_1182 = arith.constant 0 : i32
      %broadcast_in_dim3A_1183 = vector.broadcast %jit3A_1182 : i32 to vector<16xi32>
      %select_n3A_1184 = arith.select %eq3A_1169, %get3A_903, %broadcast_in_dim3A_1183 : vector<16xi1>, vector<16xi32>
      %reduce_max3A_1185 = arith.constant true
      %reduce_max3A_1186 = vector.broadcast %reduce_max3A_1185 : i1 to vector<16xi1>
      %reduce_max3A_1187 = arith.constant -2147483648 : i32
      %reduce_max3A_1188 = vector.broadcast %reduce_max3A_1187 : i32 to vector<16xi32>
      %reduce_max3A_1189 = arith.xori %select_n3A_1184, %reduce_max3A_1188 : vector<16xi32>
      %reduce_max3A_1190 = tpu.scan <max>, %reduce_max3A_1189 masked %reduce_max3A_1186 : vector<16xi32>, vector<16xi1> -> vector<16xi32>
      %reduce_max3A_1191 = arith.xori %reduce_max3A_1190, %reduce_max3A_1188 : vector<16xi32>
      %reduce_max3A_1192 = vector.extract %reduce_max3A_1191[15] : i32 from vector<16xi32>
      %add3A_1193 = arith.addi %add3A_1164, %reduce_max3A_1192 : i32
      %sub3A_1194 = arith.subi %add3A_1181, %add3A_1193 : i32
      %mul3A_1195 = arith.constant 16 : i32
      %mul3A_1196 = arith.muli %max3A_1075, %mul3A_1195 : i32
      %get3A_1197 = arith.index_cast %mul3A_1196 : i32 to index
      %get3A_1198 = tpu.vector_load %arg6[%get3A_1197] {strides = array<i32>} : memref<4096xi32, #tpu.memory_space<vmem>>, vector<16xi32>,
      %rev3A_1199 = arith.constant 15 : i32
      %rev3A_1200 = vector.broadcast %rev3A_1199 : i32 to vector<16xi32>
      %rev3A_1201 = tpu.iota {dimensions = array<i32: 0>} : vector<16xi32>
      %rev3A_1202 = arith.subi %rev3A_1200, %rev3A_1201 : vector<16xi32>
      %rev3A_1203 = tpu.dynamic_gather %get3A_1198[%rev3A_1202] in [0] : vector<16xi32>, vector<16xi32> -> vector<16xi32>
      %broadcast_in_dim3A_1204 = arith.constant true
      %broadcast_in_dim3A_1205 = vector.broadcast %broadcast_in_dim3A_1204 : i1 to vector<16xi1>
      %masked_cumsum3A_1206 = tpu.scan <sum>, %rev3A_1203 masked %broadcast_in_dim3A_1205 : vector<16xi32>, vector<16xi1> -> vector<16xi32>
      %rev3A_1207 = arith.constant 15 : i32
      %rev3A_1208 = vector.broadcast %rev3A_1207 : i32 to vector<16xi32>
      %rev3A_1209 = tpu.iota {dimensions = array<i32: 0>} : vector<16xi32>
      %rev3A_1210 = arith.subi %rev3A_1208, %rev3A_1209 : vector<16xi32>
      %rev3A_1211 = tpu.dynamic_gather %masked_cumsum3A_1206[%rev3A_1210] in [0] : vector<16xi32>, vector<16xi32> -> vector<16xi32>
      %add3A_1212 = vector.broadcast %sub3A_1194 : i32 to vector<16xi32>
      %add3A_1213 = arith.addi %rev3A_1211, %add3A_1212 : vector<16xi32>
      %mul3A_1214 = arith.constant 16 : i32
      %mul3A_1215 = arith.muli %max3A_1075, %mul3A_1214 : i32
      %ge3A_1216 = arith.constant 256 : i32
      %ge3A_1217 = vector.broadcast %ge3A_1216 : i32 to vector<16xi32>
      %ge3A_1218 = arith.cmpi sge, %add3A_1213, %ge3A_1217 : vector<16xi32>
      %jit3A_1219 = arith.constant -1 : i32
      %broadcast_in_dim3A_1220 = vector.broadcast %jit3A_1219 : i32 to vector<16xi32>
      %select_n3A_1221 = arith.select %ge3A_1218, %iota3A, %broadcast_in_dim3A_1220 : vector<16xi1>, vector<16xi32>
      %reduce_max3A_1222 = arith.constant true
      %reduce_max3A_1223 = vector.broadcast %reduce_max3A_1222 : i1 to vector<16xi1>
      %reduce_max3A_1224 = arith.constant -2147483648 : i32
      %reduce_max3A_1225 = vector.broadcast %reduce_max3A_1224 : i32 to vector<16xi32>
      %reduce_max3A_1226 = arith.xori %select_n3A_1221, %reduce_max3A_1225 : vector<16xi32>
      %reduce_max3A_1227 = tpu.scan <max>, %reduce_max3A_1226 masked %reduce_max3A_1223 : vector<16xi32>, vector<16xi1> -> vector<16xi32>
      %reduce_max3A_1228 = arith.xori %reduce_max3A_1227, %reduce_max3A_1225 : vector<16xi32>
      %reduce_max3A_1229 = vector.extract %reduce_max3A_1228[15] : i32 from vector<16xi32>
      %add3A_1230 = arith.addi %mul3A_1215, %reduce_max3A_1229 : i32
      %parallel_loop3A_1231 = arith.constant 0 : i32
      %parallel_loop3A_1232 = arith.constant 512 : i32
      %parallel_loop3A_1233 = arith.constant 1 : i32
      scf.for %parallel_loop3A_1715 = %parallel_loop3A_1231 to %parallel_loop3A_1232 step %parallel_loop3A_1233  : i32 {
        %parallel_loop3A_1716 = arith.constant 16 : i32
        %parallel_loop3A_1717 = arith.muli %parallel_loop3A_1715, %parallel_loop3A_1716 : i32
        %parallel_loop3A_1718 = arith.index_cast %parallel_loop3A_1717 : i32 to index
        %parallel_loop3A_1719 = tpu.vector_load %arg5[%parallel_loop3A_1718] {strides = array<i32>} : memref<8192xi32, #tpu.memory_space<vmem>>, vector<16xi32>,
        %parallel_loop3A_1720 = arith.constant 22 : i32
        %parallel_loop3A_1721 = vector.broadcast %parallel_loop3A_1720 : i32 to vector<16xi32>
        %parallel_loop3A_1722 = arith.shrsi %parallel_loop3A_1719, %parallel_loop3A_1721 : vector<16xi32>
        %parallel_loop3A_1723 = arith.constant 1023 : i32
        %parallel_loop3A_1724 = vector.broadcast %parallel_loop3A_1723 : i32 to vector<16xi32>
        %parallel_loop3A_1725 = arith.andi %parallel_loop3A_1722, %parallel_loop3A_1724 : vector<16xi32>
        %parallel_loop3A_1726 = vector.broadcast %add3A_1230 : i32 to vector<16xi32>
        %parallel_loop3A_1727 = arith.cmpi sge, %parallel_loop3A_1725, %parallel_loop3A_1726 : vector<16xi32>
        %parallel_loop3A_1728 = arith.constant 1 : i32
        %parallel_loop3A_1729 = arith.constant 0 : i32
        %parallel_loop3A_1730 = vector.broadcast %parallel_loop3A_1728 : i32 to vector<16xi32>
        %parallel_loop3A_1731 = vector.broadcast %parallel_loop3A_1729 : i32 to vector<16xi32>
        %parallel_loop3A_1732 = arith.select %parallel_loop3A_1727, %parallel_loop3A_1730, %parallel_loop3A_1731 : vector<16xi1>, vector<16xi32>
        %parallel_loop3A_1733 = arith.constant true
        %parallel_loop3A_1734 = vector.broadcast %parallel_loop3A_1733 : i1 to vector<16xi1>
        %parallel_loop3A_1735 = tpu.scan <sum>, %parallel_loop3A_1732 masked %parallel_loop3A_1734 : vector<16xi32>, vector<16xi1> -> vector<16xi32>
        %parallel_loop3A_1736 = arith.constant 15 : i32
        %parallel_loop3A_1737 = vector.broadcast %parallel_loop3A_1736 : i32 to vector<16xi32>
        %parallel_loop3A_1738 = tpu.iota {dimensions = array<i32: 0>} : vector<16xi32>
        %parallel_loop3A_1739 = arith.subi %parallel_loop3A_1737, %parallel_loop3A_1738 : vector<16xi32>
        %parallel_loop3A_1740 = tpu.dynamic_gather %parallel_loop3A_1735[%parallel_loop3A_1739] in [0] : vector<16xi32>, vector<16xi32> -> vector<16xi32>
        %parallel_loop3A_1741 = vector.broadcast %parallel_loop3A_1715 : i32 to vector<16xi32>
        tpu.vector_store_idx %arg7[%parallel_loop3A_1741], %parallel_loop3A_1740 masked %eq3A_7 : memref<512xi32, #tpu.memory_space<vmem>>[vector<16xi32>], vector<16xi32>, vector<16xi1>
      } {sc.loop_unroll_factor = 8 : i64, sc.parallel_access}
      %scan3A_1234 = arith.constant 0 : i32
      %scan3A_1235 = arith.constant 0 : i32
      %scan3A_1236 = arith.constant 32 : i32
      %scan3A_1237 = arith.addi %scan3A_1235, %scan3A_1236 : i32
      %scan3A_1238 = arith.constant 1 : i32
      %scan3A_1239 = scf.for %scan3A_1715 = %scan3A_1235 to %scan3A_1237 step %scan3A_1238 iter_args(%scan3A_1716 = %scan3A_1234) -> (i32)  : i32 {
        %mul3A_1717 = arith.constant 16 : i32
        %mul3A_1718 = arith.muli %scan3A_1715, %mul3A_1717 : i32
        %get3A_1719 = arith.index_cast %mul3A_1718 : i32 to index
        %get3A_1720 = tpu.vector_load %arg7[%get3A_1719] {strides = array<i32>} : memref<512xi32, #tpu.memory_space<vmem>>, vector<16xi32>,
        %broadcast_in_dim3A_1721 = arith.constant true
        %broadcast_in_dim3A_1722 = vector.broadcast %broadcast_in_dim3A_1721 : i1 to vector<16xi1>
        %masked_cumsum3A_1723 = tpu.scan <sum>, %get3A_1720 masked %broadcast_in_dim3A_1722 : vector<16xi32>, vector<16xi1> -> vector<16xi32>
        %add3A_1724 = vector.broadcast %scan3A_1716 : i32 to vector<16xi32>
        %add3A_1725 = arith.addi %add3A_1724, %masked_cumsum3A_1723 : vector<16xi32>
        %sub3A_1726 = arith.subi %add3A_1725, %get3A_1720 : vector<16xi32>
        %mul3A_1727 = arith.constant 16 : i32
        %mul3A_1728 = arith.muli %scan3A_1715, %mul3A_1727 : i32
        %swap3A_1729 = arith.index_cast %mul3A_1728 : i32 to index
        %swap3A_1730 = tpu.vector_load %arg8[%swap3A_1729] {strides = array<i32>} : memref<512xi32, #tpu.memory_space<vmem>>, vector<16xi32>,
        tpu.vector_store %arg8[%swap3A_1729], %sub3A_1726 {strides = array<i32>} : memref<512xi32, #tpu.memory_space<vmem>>, vector<16xi32>,
        %reduce_max3A_1731 = arith.constant true
        %reduce_max3A_1732 = vector.broadcast %reduce_max3A_1731 : i1 to vector<16xi1>
        %reduce_max3A_1733 = arith.constant -2147483648 : i32
        %reduce_max3A_1734 = vector.broadcast %reduce_max3A_1733 : i32 to vector<16xi32>
        %reduce_max3A_1735 = arith.xori %masked_cumsum3A_1723, %reduce_max3A_1734 : vector<16xi32>
        %reduce_max3A_1736 = tpu.scan <max>, %reduce_max3A_1735 masked %reduce_max3A_1732 : vector<16xi32>, vector<16xi1> -> vector<16xi32>
        %reduce_max3A_1737 = arith.xori %reduce_max3A_1736, %reduce_max3A_1734 : vector<16xi32>
        %reduce_max3A_1738 = vector.extract %reduce_max3A_1737[15] : i32 from vector<16xi32>
        %add3A_1739 = arith.addi %scan3A_1716, %reduce_max3A_1738 : i32
        scf.yield %add3A_1739 : i32
      }
      %scan3A_1240 = arith.constant 32 : i32
      %parallel_loop3A_1241 = arith.constant 0 : i32
      %parallel_loop3A_1242 = arith.constant 512 : i32
      %parallel_loop3A_1243 = arith.constant 1 : i32
      scf.for %parallel_loop3A_1715 = %parallel_loop3A_1241 to %parallel_loop3A_1242 step %parallel_loop3A_1243  : i32 {
        %parallel_loop3A_1716 = arith.constant 16 : i32
        %parallel_loop3A_1717 = arith.muli %parallel_loop3A_1715, %parallel_loop3A_1716 : i32
        %parallel_loop3A_1718 = arith.index_cast %parallel_loop3A_1717 : i32 to index
        %parallel_loop3A_1719 = tpu.vector_load %arg5[%parallel_loop3A_1718] {strides = array<i32>} : memref<8192xi32, #tpu.memory_space<vmem>>, vector<16xi32>,
        %parallel_loop3A_1720 = arith.constant 22 : i32
        %parallel_loop3A_1721 = vector.broadcast %parallel_loop3A_1720 : i32 to vector<16xi32>
        %parallel_loop3A_1722 = arith.shrsi %parallel_loop3A_1719, %parallel_loop3A_1721 : vector<16xi32>
        %parallel_loop3A_1723 = arith.constant 1023 : i32
        %parallel_loop3A_1724 = vector.broadcast %parallel_loop3A_1723 : i32 to vector<16xi32>
        %parallel_loop3A_1725 = arith.andi %parallel_loop3A_1722, %parallel_loop3A_1724 : vector<16xi32>
        %parallel_loop3A_1726 = vector.broadcast %add3A_1230 : i32 to vector<16xi32>
        %parallel_loop3A_1727 = arith.cmpi sge, %parallel_loop3A_1725, %parallel_loop3A_1726 : vector<16xi32>
        %parallel_loop3A_1728 = arith.constant 1 : i32
        %parallel_loop3A_1729 = arith.constant 0 : i32
        %parallel_loop3A_1730 = vector.broadcast %parallel_loop3A_1728 : i32 to vector<16xi32>
        %parallel_loop3A_1731 = vector.broadcast %parallel_loop3A_1729 : i32 to vector<16xi32>
        %parallel_loop3A_1732 = arith.select %parallel_loop3A_1727, %parallel_loop3A_1730, %parallel_loop3A_1731 : vector<16xi1>, vector<16xi32>
        %parallel_loop3A_1733 = arith.constant true
        %parallel_loop3A_1734 = vector.broadcast %parallel_loop3A_1733 : i1 to vector<16xi1>
        %parallel_loop3A_1735 = tpu.scan <sum>, %parallel_loop3A_1732 masked %parallel_loop3A_1734 : vector<16xi32>, vector<16xi1> -> vector<16xi32>
        %parallel_loop3A_1736 = vector.broadcast %parallel_loop3A_1715 : i32 to vector<16xi32>
        %parallel_loop3A_1737 = tpu.vector_load_idx %arg8[%parallel_loop3A_1736] : memref<512xi32, #tpu.memory_space<vmem>>[vector<16xi32>], vector<16xi32>,
        %parallel_loop3A_1738 = arith.addi %parallel_loop3A_1737, %parallel_loop3A_1735 : vector<16xi32>
        %parallel_loop3A_1739 = arith.constant 1 : i32
        %parallel_loop3A_1740 = vector.broadcast %parallel_loop3A_1739 : i32 to vector<16xi32>
        %parallel_loop3A_1741 = arith.subi %parallel_loop3A_1738, %parallel_loop3A_1740 : vector<16xi32>
        %parallel_loop3A_1742 = arith.constant 8207 : i32
        %parallel_loop3A_1743 = vector.broadcast %parallel_loop3A_1742 : i32 to vector<16xi32>
        %parallel_loop3A_1744 = arith.select %parallel_loop3A_1727, %parallel_loop3A_1741, %parallel_loop3A_1743 : vector<16xi1>, vector<16xi32>
        tpu.vector_store_idx %arg9[%parallel_loop3A_1744], %parallel_loop3A_1719 : memref<8208xi32, #tpu.memory_space<vmem>>[vector<16xi32>], vector<16xi32>,
        %parallel_loop3A_1745 = arith.constant 16 : i32
        %parallel_loop3A_1746 = arith.muli %parallel_loop3A_1715, %parallel_loop3A_1745 : i32
        %parallel_loop3A_1747 = vector.broadcast %parallel_loop3A_1746 : i32 to vector<16xi32>
        %parallel_loop3A_1748 = arith.addi %parallel_loop3A_1747, %iota3A : vector<16xi32>
        tpu.vector_store_idx %arg10[%parallel_loop3A_1744], %parallel_loop3A_1748 : memref<8208xi32, #tpu.memory_space<vmem>>[vector<16xi32>], vector<16xi32>,
      } {sc.loop_unroll_factor = 8 : i64, sc.parallel_access}
      %swap3A_1244 = arith.index_cast %scan3A_1239 : i32 to index
      %swap3A_1245 = tpu.vector_load %arg9[%swap3A_1244] {strides = array<i32>} : memref<8208xi32, #tpu.memory_space<vmem>>, vector<16xi32>,
      tpu.vector_store %arg9[%swap3A_1244], %broadcast_in_dim3A_3 {strides = array<i32>} : memref<8208xi32, #tpu.memory_space<vmem>>, vector<16xi32>,
      %swap3A_1246 = arith.index_cast %scan3A_1239 : i32 to index
      %swap3A_1247 = tpu.vector_load %arg10[%swap3A_1246] {strides = array<i32>} : memref<8208xi32, #tpu.memory_space<vmem>>, vector<16xi32>,
      tpu.vector_store %arg10[%swap3A_1246], %broadcast_in_dim3A_3 {strides = array<i32>} : memref<8208xi32, #tpu.memory_space<vmem>>, vector<16xi32>,
      %add3A_1248 = arith.constant 15 : i32
      %add3A_1249 = arith.addi %scan3A_1239, %add3A_1248 : i32
      %shift_right_arithmetic3A_1250 = arith.constant 4 : i32
      %shift_right_arithmetic3A_1251 = arith.shrsi %add3A_1249, %shift_right_arithmetic3A_1250 : i32
      %swap3A_1252 = arith.constant 0 : index
      %swap3A_1253 = tpu.vector_load %arg6[%swap3A_1252] {strides = array<i32>} : memref<4096xi32, #tpu.memory_space<vmem>>, vector<16xi32>,
      tpu.vector_store %arg6[%swap3A_1252], %broadcast_in_dim3A_3 {strides = array<i32>} : memref<4096xi32, #tpu.memory_space<vmem>>, vector<16xi32>,
      %swap3A_1254 = arith.constant 16 : index
      %swap3A_1255 = tpu.vector_load %arg6[%swap3A_1254] {strides = array<i32>} : memref<4096xi32, #tpu.memory_space<vmem>>, vector<16xi32>,
      tpu.vector_store %arg6[%swap3A_1254], %broadcast_in_dim3A_3 {strides = array<i32>} : memref<4096xi32, #tpu.memory_space<vmem>>, vector<16xi32>,
      %parallel_loop3A_1256 = arith.constant 0 : i32
      %parallel_loop3A_1257 = arith.constant 1 : i32
      scf.for %parallel_loop3A_1715 = %parallel_loop3A_1256 to %shift_right_arithmetic3A_1251 step %parallel_loop3A_1257  : i32 {
        %parallel_loop3A_1716 = arith.constant 16 : i32
        %parallel_loop3A_1717 = arith.muli %parallel_loop3A_1715, %parallel_loop3A_1716 : i32
        %parallel_loop3A_1718 = arith.index_cast %parallel_loop3A_1717 : i32 to index
        %parallel_loop3A_1719 = tpu.vector_load %arg9[%parallel_loop3A_1718] {strides = array<i32>} : memref<8208xi32, #tpu.memory_space<vmem>>, vector<16xi32>,
        %parallel_loop3A_1720 = arith.constant 0 : i32
        %parallel_loop3A_1721 = vector.broadcast %parallel_loop3A_1720 : i32 to vector<16xi32>
        %parallel_loop3A_1722 = arith.shrsi %parallel_loop3A_1719, %parallel_loop3A_1721 : vector<16xi32>
        %parallel_loop3A_1723 = arith.constant 31 : i32
        %parallel_loop3A_1724 = vector.broadcast %parallel_loop3A_1723 : i32 to vector<16xi32>
        %parallel_loop3A_1725 = arith.andi %parallel_loop3A_1722, %parallel_loop3A_1724 : vector<16xi32>
        tpu.vector_store_idx %arg6[%parallel_loop3A_1725], %broadcast_in_dim3A_5 {add = true} : memref<4096xi32, #tpu.memory_space<vmem>>[vector<16xi32>], vector<16xi32>,
      } {sc.loop_unroll_factor = 1 : i64, sc.parallel_access}
      %get3A_1258 = arith.constant 0 : index
      %get3A_1259 = tpu.vector_load %arg6[%get3A_1258] {strides = array<i32>} : memref<4096xi32, #tpu.memory_space<vmem>>, vector<16xi32>,
      %get3A_1260 = arith.constant 16 : index
      %get3A_1261 = tpu.vector_load %arg6[%get3A_1260] {strides = array<i32>} : memref<4096xi32, #tpu.memory_space<vmem>>, vector<16xi32>,
      %rev3A_1262 = arith.constant 15 : i32
      %rev3A_1263 = vector.broadcast %rev3A_1262 : i32 to vector<16xi32>
      %rev3A_1264 = tpu.iota {dimensions = array<i32: 0>} : vector<16xi32>
      %rev3A_1265 = arith.subi %rev3A_1263, %rev3A_1264 : vector<16xi32>
      %rev3A_1266 = tpu.dynamic_gather %get3A_1261[%rev3A_1265] in [0] : vector<16xi32>, vector<16xi32> -> vector<16xi32>
      %broadcast_in_dim3A_1267 = arith.constant true
      %broadcast_in_dim3A_1268 = vector.broadcast %broadcast_in_dim3A_1267 : i1 to vector<16xi1>
      %masked_cumsum3A_1269 = tpu.scan <sum>, %rev3A_1266 masked %broadcast_in_dim3A_1268 : vector<16xi32>, vector<16xi1> -> vector<16xi32>
      %rev3A_1270 = arith.constant 15 : i32
      %rev3A_1271 = vector.broadcast %rev3A_1270 : i32 to vector<16xi32>
      %rev3A_1272 = tpu.iota {dimensions = array<i32: 0>} : vector<16xi32>
      %rev3A_1273 = arith.subi %rev3A_1271, %rev3A_1272 : vector<16xi32>
      %rev3A_1274 = tpu.dynamic_gather %masked_cumsum3A_1269[%rev3A_1273] in [0] : vector<16xi32>, vector<16xi32> -> vector<16xi32>
      %reduce_max3A_1275 = arith.constant true
      %reduce_max3A_1276 = vector.broadcast %reduce_max3A_1275 : i1 to vector<16xi1>
      %reduce_max3A_1277 = arith.constant -2147483648 : i32
      %reduce_max3A_1278 = vector.broadcast %reduce_max3A_1277 : i32 to vector<16xi32>
      %reduce_max3A_1279 = arith.xori %masked_cumsum3A_1269, %reduce_max3A_1278 : vector<16xi32>
      %reduce_max3A_1280 = tpu.scan <max>, %reduce_max3A_1279 masked %reduce_max3A_1276 : vector<16xi32>, vector<16xi1> -> vector<16xi32>
      %reduce_max3A_1281 = arith.xori %reduce_max3A_1280, %reduce_max3A_1278 : vector<16xi32>
      %reduce_max3A_1282 = vector.extract %reduce_max3A_1281[15] : i32 from vector<16xi32>
      %rev3A_1283 = arith.constant 15 : i32
      %rev3A_1284 = vector.broadcast %rev3A_1283 : i32 to vector<16xi32>
      %rev3A_1285 = tpu.iota {dimensions = array<i32: 0>} : vector<16xi32>
      %rev3A_1286 = arith.subi %rev3A_1284, %rev3A_1285 : vector<16xi32>
      %rev3A_1287 = tpu.dynamic_gather %get3A_1259[%rev3A_1286] in [0] : vector<16xi32>, vector<16xi32> -> vector<16xi32>
      %broadcast_in_dim3A_1288 = arith.constant true
      %broadcast_in_dim3A_1289 = vector.broadcast %broadcast_in_dim3A_1288 : i1 to vector<16xi1>
      %masked_cumsum3A_1290 = tpu.scan <sum>, %rev3A_1287 masked %broadcast_in_dim3A_1289 : vector<16xi32>, vector<16xi1> -> vector<16xi32>
      %rev3A_1291 = arith.constant 15 : i32
      %rev3A_1292 = vector.broadcast %rev3A_1291 : i32 to vector<16xi32>
      %rev3A_1293 = tpu.iota {dimensions = array<i32: 0>} : vector<16xi32>
      %rev3A_1294 = arith.subi %rev3A_1292, %rev3A_1293 : vector<16xi32>
      %rev3A_1295 = tpu.dynamic_gather %masked_cumsum3A_1290[%rev3A_1294] in [0] : vector<16xi32>, vector<16xi32> -> vector<16xi32>
      %add3A_1296 = vector.broadcast %reduce_max3A_1282 : i32 to vector<16xi32>
      %add3A_1297 = arith.addi %rev3A_1295, %add3A_1296 : vector<16xi32>
      %sub3A_1298 = arith.subi %add3A_1297, %get3A_1259 : vector<16xi32>
      %swap3A_1299 = arith.constant 0 : index
      %swap3A_1300 = tpu.vector_load %arg6[%swap3A_1299] {strides = array<i32>} : memref<4096xi32, #tpu.memory_space<vmem>>, vector<16xi32>,
      tpu.vector_store %arg6[%swap3A_1299], %sub3A_1298 {strides = array<i32>} : memref<4096xi32, #tpu.memory_space<vmem>>, vector<16xi32>,
      %sub3A_1301 = arith.subi %rev3A_1274, %get3A_1261 : vector<16xi32>
      %swap3A_1302 = arith.constant 16 : index
      %swap3A_1303 = tpu.vector_load %arg6[%swap3A_1302] {strides = array<i32>} : memref<4096xi32, #tpu.memory_space<vmem>>, vector<16xi32>,
      tpu.vector_store %arg6[%swap3A_1302], %sub3A_1301 {strides = array<i32>} : memref<4096xi32, #tpu.memory_space<vmem>>, vector<16xi32>,
      %while3A_1304 = arith.constant 0 : i32
      %while3A_1305 = arith.constant 0 : i32
      %while3A_1306 = arith.subi %shift_right_arithmetic3A_1251, %while3A_1304 : i32
      %while3A_1307 = arith.addi %while3A_1304, %while3A_1306 : i32
      %while3A_1308 = arith.constant 1 : i32
      %while3A_1309 = arith.divsi %while3A_1306, %while3A_1308 : i32
      %while3A_1310 = arith.muli %while3A_1309, %while3A_1308 : i32
      %while3A_1311 = arith.addi %while3A_1304, %while3A_1310 : i32
      %while3A_1312 = arith.constant 1 : i32
      %while3A_1313 = scf.for %while3A_1715 = %while3A_1304 to %while3A_1311 step %while3A_1312 iter_args(%while3A_1716 = %while3A_1305) -> (i32)  : i32 {
        %mul3A_1717 = arith.constant 16 : i32
        %mul3A_1718 = arith.muli %while3A_1715, %mul3A_1717 : i32
        %get3A_1719 = arith.index_cast %mul3A_1718 : i32 to index
        %get3A_1720 = tpu.vector_load %arg9[%get3A_1719] {strides = array<i32>} : memref<8208xi32, #tpu.memory_space<vmem>>, vector<16xi32>,
        %mul3A_1721 = arith.constant 16 : i32
        %mul3A_1722 = arith.muli %while3A_1715, %mul3A_1721 : i32
        %get3A_1723 = arith.index_cast %mul3A_1722 : i32 to index
        %get3A_1724 = tpu.vector_load %arg10[%get3A_1723] {strides = array<i32>} : memref<8208xi32, #tpu.memory_space<vmem>>, vector<16xi32>,
        %shift_right_arithmetic3A_1725 = arith.constant 0 : i32
        %shift_right_arithmetic3A_1726 = vector.broadcast %shift_right_arithmetic3A_1725 : i32 to vector<16xi32>
        %shift_right_arithmetic3A_1727 = arith.shrsi %get3A_1720, %shift_right_arithmetic3A_1726 : vector<16xi32>
        %and3A = arith.constant 31 : i32
        %and3A_1728 = vector.broadcast %and3A : i32 to vector<16xi32>
        %and3A_1729 = arith.andi %shift_right_arithmetic3A_1727, %and3A_1728 : vector<16xi32>
        %broadcast_in_dim3A_1730 = arith.constant true
        %broadcast_in_dim3A_1731 = vector.broadcast %broadcast_in_dim3A_1730 : i1 to vector<16xi1>
        %unique3A, %unique3A_1732 = tpu.scan_count mask(%broadcast_in_dim3A_1731 : vector<16xi1>) value(%and3A_1729 : vector<16xi32>) : vector<16xi1>, vector<16xi32>
        %gather3A = tpu.vector_load_idx %arg6[%and3A_1729] : memref<4096xi32, #tpu.memory_space<vmem>>[vector<16xi32>], vector<16xi32>,
        %add3A_1733 = arith.addi %gather3A, %unique3A_1732 : vector<16xi32>
        %sub3A_1734 = arith.constant 1 : i32
        %sub3A_1735 = vector.broadcast %sub3A_1734 : i32 to vector<16xi32>
        %sub3A_1736 = arith.subi %add3A_1733, %sub3A_1735 : vector<16xi32>
        tpu.vector_store_idx %arg11[%sub3A_1736], %get3A_1720 : memref<8208xi32, #tpu.memory_space<vmem>>[vector<16xi32>], vector<16xi32>,
        tpu.vector_store_idx %arg12[%sub3A_1736], %get3A_1724 : memref<8208xi32, #tpu.memory_space<vmem>>[vector<16xi32>], vector<16xi32>,
        tpu.vector_store_idx %arg6[%and3A_1729], %unique3A_1732 masked %unique3A {add = true} : memref<4096xi32, #tpu.memory_space<vmem>>[vector<16xi32>], vector<16xi32>, vector<16xi1>
        %while3A_1737 = arith.constant 0 : i32
        scf.yield %while3A_1737 : i32
      }
      %while3A_1314 = arith.constant 1 : i32
      %while3A_1315 = scf.for %while3A_1715 = %while3A_1311 to %while3A_1307 step %while3A_1314 iter_args(%while3A_1716 = %while3A_1313) -> (i32)  : i32 {
        %mul3A_1717 = arith.constant 16 : i32
        %mul3A_1718 = arith.muli %while3A_1715, %mul3A_1717 : i32
        %get3A_1719 = arith.index_cast %mul3A_1718 : i32 to index
        %get3A_1720 = tpu.vector_load %arg9[%get3A_1719] {strides = array<i32>} : memref<8208xi32, #tpu.memory_space<vmem>>, vector<16xi32>,
        %mul3A_1721 = arith.constant 16 : i32
        %mul3A_1722 = arith.muli %while3A_1715, %mul3A_1721 : i32
        %get3A_1723 = arith.index_cast %mul3A_1722 : i32 to index
        %get3A_1724 = tpu.vector_load %arg10[%get3A_1723] {strides = array<i32>} : memref<8208xi32, #tpu.memory_space<vmem>>, vector<16xi32>,
        %shift_right_arithmetic3A_1725 = arith.constant 0 : i32
        %shift_right_arithmetic3A_1726 = vector.broadcast %shift_right_arithmetic3A_1725 : i32 to vector<16xi32>
        %shift_right_arithmetic3A_1727 = arith.shrsi %get3A_1720, %shift_right_arithmetic3A_1726 : vector<16xi32>
        %and3A = arith.constant 31 : i32
        %and3A_1728 = vector.broadcast %and3A : i32 to vector<16xi32>
        %and3A_1729 = arith.andi %shift_right_arithmetic3A_1727, %and3A_1728 : vector<16xi32>
        %broadcast_in_dim3A_1730 = arith.constant true
        %broadcast_in_dim3A_1731 = vector.broadcast %broadcast_in_dim3A_1730 : i1 to vector<16xi1>
        %unique3A, %unique3A_1732 = tpu.scan_count mask(%broadcast_in_dim3A_1731 : vector<16xi1>) value(%and3A_1729 : vector<16xi32>) : vector<16xi1>, vector<16xi32>
        %gather3A = tpu.vector_load_idx %arg6[%and3A_1729] : memref<4096xi32, #tpu.memory_space<vmem>>[vector<16xi32>], vector<16xi32>,
        %add3A_1733 = arith.addi %gather3A, %unique3A_1732 : vector<16xi32>
        %sub3A_1734 = arith.constant 1 : i32
        %sub3A_1735 = vector.broadcast %sub3A_1734 : i32 to vector<16xi32>
        %sub3A_1736 = arith.subi %add3A_1733, %sub3A_1735 : vector<16xi32>
        tpu.vector_store_idx %arg11[%sub3A_1736], %get3A_1720 : memref<8208xi32, #tpu.memory_space<vmem>>[vector<16xi32>], vector<16xi32>,
        tpu.vector_store_idx %arg12[%sub3A_1736], %get3A_1724 : memref<8208xi32, #tpu.memory_space<vmem>>[vector<16xi32>], vector<16xi32>,
        tpu.vector_store_idx %arg6[%and3A_1729], %unique3A_1732 masked %unique3A {add = true} : memref<4096xi32, #tpu.memory_space<vmem>>[vector<16xi32>], vector<16xi32>, vector<16xi1>
        %while3A_1737 = arith.constant 0 : i32
        scf.yield %while3A_1737 : i32
      }
      %swap3A_1316 = arith.constant 0 : index
      %swap3A_1317 = tpu.vector_load %arg6[%swap3A_1316] {strides = array<i32>} : memref<4096xi32, #tpu.memory_space<vmem>>, vector<16xi32>,
      tpu.vector_store %arg6[%swap3A_1316], %broadcast_in_dim3A_3 {strides = array<i32>} : memref<4096xi32, #tpu.memory_space<vmem>>, vector<16xi32>,
      %swap3A_1318 = arith.constant 16 : index
      %swap3A_1319 = tpu.vector_load %arg6[%swap3A_1318] {strides = array<i32>} : memref<4096xi32, #tpu.memory_space<vmem>>, vector<16xi32>,
      tpu.vector_store %arg6[%swap3A_1318], %broadcast_in_dim3A_3 {strides = array<i32>} : memref<4096xi32, #tpu.memory_space<vmem>>, vector<16xi32>,
      %parallel_loop3A_1320 = arith.constant 0 : i32
      %parallel_loop3A_1321 = arith.constant 1 : i32
      scf.for %parallel_loop3A_1715 = %parallel_loop3A_1320 to %shift_right_arithmetic3A_1251 step %parallel_loop3A_1321  : i32 {
        %parallel_loop3A_1716 = arith.constant 16 : i32
        %parallel_loop3A_1717 = arith.muli %parallel_loop3A_1715, %parallel_loop3A_1716 : i32
        %parallel_loop3A_1718 = arith.index_cast %parallel_loop3A_1717 : i32 to index
        %parallel_loop3A_1719 = tpu.vector_load %arg11[%parallel_loop3A_1718] {strides = array<i32>} : memref<8208xi32, #tpu.memory_space<vmem>>, vector<16xi32>,
        %parallel_loop3A_1720 = arith.constant 5 : i32
        %parallel_loop3A_1721 = vector.broadcast %parallel_loop3A_1720 : i32 to vector<16xi32>
        %parallel_loop3A_1722 = arith.shrsi %parallel_loop3A_1719, %parallel_loop3A_1721 : vector<16xi32>
        %parallel_loop3A_1723 = arith.constant 31 : i32
        %parallel_loop3A_1724 = vector.broadcast %parallel_loop3A_1723 : i32 to vector<16xi32>
        %parallel_loop3A_1725 = arith.andi %parallel_loop3A_1722, %parallel_loop3A_1724 : vector<16xi32>
        tpu.vector_store_idx %arg6[%parallel_loop3A_1725], %broadcast_in_dim3A_5 {add = true} : memref<4096xi32, #tpu.memory_space<vmem>>[vector<16xi32>], vector<16xi32>,
      } {sc.loop_unroll_factor = 1 : i64, sc.parallel_access}
      %get3A_1322 = arith.constant 0 : index
      %get3A_1323 = tpu.vector_load %arg6[%get3A_1322] {strides = array<i32>} : memref<4096xi32, #tpu.memory_space<vmem>>, vector<16xi32>,
      %get3A_1324 = arith.constant 16 : index
      %get3A_1325 = tpu.vector_load %arg6[%get3A_1324] {strides = array<i32>} : memref<4096xi32, #tpu.memory_space<vmem>>, vector<16xi32>,
      %rev3A_1326 = arith.constant 15 : i32
      %rev3A_1327 = vector.broadcast %rev3A_1326 : i32 to vector<16xi32>
      %rev3A_1328 = tpu.iota {dimensions = array<i32: 0>} : vector<16xi32>
      %rev3A_1329 = arith.subi %rev3A_1327, %rev3A_1328 : vector<16xi32>
      %rev3A_1330 = tpu.dynamic_gather %get3A_1325[%rev3A_1329] in [0] : vector<16xi32>, vector<16xi32> -> vector<16xi32>
      %broadcast_in_dim3A_1331 = arith.constant true
      %broadcast_in_dim3A_1332 = vector.broadcast %broadcast_in_dim3A_1331 : i1 to vector<16xi1>
      %masked_cumsum3A_1333 = tpu.scan <sum>, %rev3A_1330 masked %broadcast_in_dim3A_1332 : vector<16xi32>, vector<16xi1> -> vector<16xi32>
      %rev3A_1334 = arith.constant 15 : i32
      %rev3A_1335 = vector.broadcast %rev3A_1334 : i32 to vector<16xi32>
      %rev3A_1336 = tpu.iota {dimensions = array<i32: 0>} : vector<16xi32>
      %rev3A_1337 = arith.subi %rev3A_1335, %rev3A_1336 : vector<16xi32>
      %rev3A_1338 = tpu.dynamic_gather %masked_cumsum3A_1333[%rev3A_1337] in [0] : vector<16xi32>, vector<16xi32> -> vector<16xi32>
      %reduce_max3A_1339 = arith.constant true
      %reduce_max3A_1340 = vector.broadcast %reduce_max3A_1339 : i1 to vector<16xi1>
      %reduce_max3A_1341 = arith.constant -2147483648 : i32
      %reduce_max3A_1342 = vector.broadcast %reduce_max3A_1341 : i32 to vector<16xi32>
      %reduce_max3A_1343 = arith.xori %masked_cumsum3A_1333, %reduce_max3A_1342 : vector<16xi32>
      %reduce_max3A_1344 = tpu.scan <max>, %reduce_max3A_1343 masked %reduce_max3A_1340 : vector<16xi32>, vector<16xi1> -> vector<16xi32>
      %reduce_max3A_1345 = arith.xori %reduce_max3A_1344, %reduce_max3A_1342 : vector<16xi32>
      %reduce_max3A_1346 = vector.extract %reduce_max3A_1345[15] : i32 from vector<16xi32>
      %rev3A_1347 = arith.constant 15 : i32
      %rev3A_1348 = vector.broadcast %rev3A_1347 : i32 to vector<16xi32>
      %rev3A_1349 = tpu.iota {dimensions = array<i32: 0>} : vector<16xi32>
      %rev3A_1350 = arith.subi %rev3A_1348, %rev3A_1349 : vector<16xi32>
      %rev3A_1351 = tpu.dynamic_gather %get3A_1323[%rev3A_1350] in [0] : vector<16xi32>, vector<16xi32> -> vector<16xi32>
      %broadcast_in_dim3A_1352 = arith.constant true
      %broadcast_in_dim3A_1353 = vector.broadcast %broadcast_in_dim3A_1352 : i1 to vector<16xi1>
      %masked_cumsum3A_1354 = tpu.scan <sum>, %rev3A_1351 masked %broadcast_in_dim3A_1353 : vector<16xi32>, vector<16xi1> -> vector<16xi32>
      %rev3A_1355 = arith.constant 15 : i32
      %rev3A_1356 = vector.broadcast %rev3A_1355 : i32 to vector<16xi32>
      %rev3A_1357 = tpu.iota {dimensions = array<i32: 0>} : vector<16xi32>
      %rev3A_1358 = arith.subi %rev3A_1356, %rev3A_1357 : vector<16xi32>
      %rev3A_1359 = tpu.dynamic_gather %masked_cumsum3A_1354[%rev3A_1358] in [0] : vector<16xi32>, vector<16xi32> -> vector<16xi32>
      %add3A_1360 = vector.broadcast %reduce_max3A_1346 : i32 to vector<16xi32>
      %add3A_1361 = arith.addi %rev3A_1359, %add3A_1360 : vector<16xi32>
      %sub3A_1362 = arith.subi %add3A_1361, %get3A_1323 : vector<16xi32>
      %swap3A_1363 = arith.constant 0 : index
      %swap3A_1364 = tpu.vector_load %arg6[%swap3A_1363] {strides = array<i32>} : memref<4096xi32, #tpu.memory_space<vmem>>, vector<16xi32>,
      tpu.vector_store %arg6[%swap3A_1363], %sub3A_1362 {strides = array<i32>} : memref<4096xi32, #tpu.memory_space<vmem>>, vector<16xi32>,
      %sub3A_1365 = arith.subi %rev3A_1338, %get3A_1325 : vector<16xi32>
      %swap3A_1366 = arith.constant 16 : index
      %swap3A_1367 = tpu.vector_load %arg6[%swap3A_1366] {strides = array<i32>} : memref<4096xi32, #tpu.memory_space<vmem>>, vector<16xi32>,
      tpu.vector_store %arg6[%swap3A_1366], %sub3A_1365 {strides = array<i32>} : memref<4096xi32, #tpu.memory_space<vmem>>, vector<16xi32>,
      %while3A_1368 = arith.constant 0 : i32
      %while3A_1369 = arith.constant 0 : i32
      %while3A_1370 = arith.subi %shift_right_arithmetic3A_1251, %while3A_1368 : i32
      %while3A_1371 = arith.addi %while3A_1368, %while3A_1370 : i32
      %while3A_1372 = arith.constant 1 : i32
      %while3A_1373 = arith.divsi %while3A_1370, %while3A_1372 : i32
      %while3A_1374 = arith.muli %while3A_1373, %while3A_1372 : i32
      %while3A_1375 = arith.addi %while3A_1368, %while3A_1374 : i32
      %while3A_1376 = arith.constant 1 : i32
      %while3A_1377 = scf.for %while3A_1715 = %while3A_1368 to %while3A_1375 step %while3A_1376 iter_args(%while3A_1716 = %while3A_1369) -> (i32)  : i32 {
        %mul3A_1717 = arith.constant 16 : i32
        %mul3A_1718 = arith.muli %while3A_1715, %mul3A_1717 : i32
        %get3A_1719 = arith.index_cast %mul3A_1718 : i32 to index
        %get3A_1720 = tpu.vector_load %arg11[%get3A_1719] {strides = array<i32>} : memref<8208xi32, #tpu.memory_space<vmem>>, vector<16xi32>,
        %mul3A_1721 = arith.constant 16 : i32
        %mul3A_1722 = arith.muli %while3A_1715, %mul3A_1721 : i32
        %get3A_1723 = arith.index_cast %mul3A_1722 : i32 to index
        %get3A_1724 = tpu.vector_load %arg12[%get3A_1723] {strides = array<i32>} : memref<8208xi32, #tpu.memory_space<vmem>>, vector<16xi32>,
        %shift_right_arithmetic3A_1725 = arith.constant 5 : i32
        %shift_right_arithmetic3A_1726 = vector.broadcast %shift_right_arithmetic3A_1725 : i32 to vector<16xi32>
        %shift_right_arithmetic3A_1727 = arith.shrsi %get3A_1720, %shift_right_arithmetic3A_1726 : vector<16xi32>
        %and3A = arith.constant 31 : i32
        %and3A_1728 = vector.broadcast %and3A : i32 to vector<16xi32>
        %and3A_1729 = arith.andi %shift_right_arithmetic3A_1727, %and3A_1728 : vector<16xi32>
        %broadcast_in_dim3A_1730 = arith.constant true
        %broadcast_in_dim3A_1731 = vector.broadcast %broadcast_in_dim3A_1730 : i1 to vector<16xi1>
        %unique3A, %unique3A_1732 = tpu.scan_count mask(%broadcast_in_dim3A_1731 : vector<16xi1>) value(%and3A_1729 : vector<16xi32>) : vector<16xi1>, vector<16xi32>
        %gather3A = tpu.vector_load_idx %arg6[%and3A_1729] : memref<4096xi32, #tpu.memory_space<vmem>>[vector<16xi32>], vector<16xi32>,
        %add3A_1733 = arith.addi %gather3A, %unique3A_1732 : vector<16xi32>
        %sub3A_1734 = arith.constant 1 : i32
        %sub3A_1735 = vector.broadcast %sub3A_1734 : i32 to vector<16xi32>
        %sub3A_1736 = arith.subi %add3A_1733, %sub3A_1735 : vector<16xi32>
        tpu.vector_store_idx %arg9[%sub3A_1736], %get3A_1720 : memref<8208xi32, #tpu.memory_space<vmem>>[vector<16xi32>], vector<16xi32>,
        tpu.vector_store_idx %arg10[%sub3A_1736], %get3A_1724 : memref<8208xi32, #tpu.memory_space<vmem>>[vector<16xi32>], vector<16xi32>,
        tpu.vector_store_idx %arg6[%and3A_1729], %unique3A_1732 masked %unique3A {add = true} : memref<4096xi32, #tpu.memory_space<vmem>>[vector<16xi32>], vector<16xi32>, vector<16xi1>
        %while3A_1737 = arith.constant 0 : i32
        scf.yield %while3A_1737 : i32
      }
      %while3A_1378 = arith.constant 1 : i32
      %while3A_1379 = scf.for %while3A_1715 = %while3A_1375 to %while3A_1371 step %while3A_1378 iter_args(%while3A_1716 = %while3A_1377) -> (i32)  : i32 {
        %mul3A_1717 = arith.constant 16 : i32
        %mul3A_1718 = arith.muli %while3A_1715, %mul3A_1717 : i32
        %get3A_1719 = arith.index_cast %mul3A_1718 : i32 to index
        %get3A_1720 = tpu.vector_load %arg11[%get3A_1719] {strides = array<i32>} : memref<8208xi32, #tpu.memory_space<vmem>>, vector<16xi32>,
        %mul3A_1721 = arith.constant 16 : i32
        %mul3A_1722 = arith.muli %while3A_1715, %mul3A_1721 : i32
        %get3A_1723 = arith.index_cast %mul3A_1722 : i32 to index
        %get3A_1724 = tpu.vector_load %arg12[%get3A_1723] {strides = array<i32>} : memref<8208xi32, #tpu.memory_space<vmem>>, vector<16xi32>,
        %shift_right_arithmetic3A_1725 = arith.constant 5 : i32
        %shift_right_arithmetic3A_1726 = vector.broadcast %shift_right_arithmetic3A_1725 : i32 to vector<16xi32>
        %shift_right_arithmetic3A_1727 = arith.shrsi %get3A_1720, %shift_right_arithmetic3A_1726 : vector<16xi32>
        %and3A = arith.constant 31 : i32
        %and3A_1728 = vector.broadcast %and3A : i32 to vector<16xi32>
        %and3A_1729 = arith.andi %shift_right_arithmetic3A_1727, %and3A_1728 : vector<16xi32>
        %broadcast_in_dim3A_1730 = arith.constant true
        %broadcast_in_dim3A_1731 = vector.broadcast %broadcast_in_dim3A_1730 : i1 to vector<16xi1>
        %unique3A, %unique3A_1732 = tpu.scan_count mask(%broadcast_in_dim3A_1731 : vector<16xi1>) value(%and3A_1729 : vector<16xi32>) : vector<16xi1>, vector<16xi32>
        %gather3A = tpu.vector_load_idx %arg6[%and3A_1729] : memref<4096xi32, #tpu.memory_space<vmem>>[vector<16xi32>], vector<16xi32>,
        %add3A_1733 = arith.addi %gather3A, %unique3A_1732 : vector<16xi32>
        %sub3A_1734 = arith.constant 1 : i32
        %sub3A_1735 = vector.broadcast %sub3A_1734 : i32 to vector<16xi32>
        %sub3A_1736 = arith.subi %add3A_1733, %sub3A_1735 : vector<16xi32>
        tpu.vector_store_idx %arg9[%sub3A_1736], %get3A_1720 : memref<8208xi32, #tpu.memory_space<vmem>>[vector<16xi32>], vector<16xi32>,
        tpu.vector_store_idx %arg10[%sub3A_1736], %get3A_1724 : memref<8208xi32, #tpu.memory_space<vmem>>[vector<16xi32>], vector<16xi32>,
        tpu.vector_store_idx %arg6[%and3A_1729], %unique3A_1732 masked %unique3A {add = true} : memref<4096xi32, #tpu.memory_space<vmem>>[vector<16xi32>], vector<16xi32>, vector<16xi1>
        %while3A_1737 = arith.constant 0 : i32
        scf.yield %while3A_1737 : i32
      }
      %swap3A_1380 = arith.constant 0 : index
      %swap3A_1381 = tpu.vector_load %arg6[%swap3A_1380] {strides = array<i32>} : memref<4096xi32, #tpu.memory_space<vmem>>, vector<16xi32>,
      tpu.vector_store %arg6[%swap3A_1380], %broadcast_in_dim3A_3 {strides = array<i32>} : memref<4096xi32, #tpu.memory_space<vmem>>, vector<16xi32>,
      %swap3A_1382 = arith.constant 16 : index
      %swap3A_1383 = tpu.vector_load %arg6[%swap3A_1382] {strides = array<i32>} : memref<4096xi32, #tpu.memory_space<vmem>>, vector<16xi32>,
      tpu.vector_store %arg6[%swap3A_1382], %broadcast_in_dim3A_3 {strides = array<i32>} : memref<4096xi32, #tpu.memory_space<vmem>>, vector<16xi32>,
      %parallel_loop3A_1384 = arith.constant 0 : i32
      %parallel_loop3A_1385 = arith.constant 1 : i32
      scf.for %parallel_loop3A_1715 = %parallel_loop3A_1384 to %shift_right_arithmetic3A_1251 step %parallel_loop3A_1385  : i32 {
        %parallel_loop3A_1716 = arith.constant 16 : i32
        %parallel_loop3A_1717 = arith.muli %parallel_loop3A_1715, %parallel_loop3A_1716 : i32
        %parallel_loop3A_1718 = arith.index_cast %parallel_loop3A_1717 : i32 to index
        %parallel_loop3A_1719 = tpu.vector_load %arg9[%parallel_loop3A_1718] {strides = array<i32>} : memref<8208xi32, #tpu.memory_space<vmem>>, vector<16xi32>,
        %parallel_loop3A_1720 = arith.constant 10 : i32
        %parallel_loop3A_1721 = vector.broadcast %parallel_loop3A_1720 : i32 to vector<16xi32>
        %parallel_loop3A_1722 = arith.shrsi %parallel_loop3A_1719, %parallel_loop3A_1721 : vector<16xi32>
        %parallel_loop3A_1723 = arith.constant 31 : i32
        %parallel_loop3A_1724 = vector.broadcast %parallel_loop3A_1723 : i32 to vector<16xi32>
        %parallel_loop3A_1725 = arith.andi %parallel_loop3A_1722, %parallel_loop3A_1724 : vector<16xi32>
        tpu.vector_store_idx %arg6[%parallel_loop3A_1725], %broadcast_in_dim3A_5 {add = true} : memref<4096xi32, #tpu.memory_space<vmem>>[vector<16xi32>], vector<16xi32>,
      } {sc.loop_unroll_factor = 1 : i64, sc.parallel_access}
      %get3A_1386 = arith.constant 0 : index
      %get3A_1387 = tpu.vector_load %arg6[%get3A_1386] {strides = array<i32>} : memref<4096xi32, #tpu.memory_space<vmem>>, vector<16xi32>,
      %get3A_1388 = arith.constant 16 : index
      %get3A_1389 = tpu.vector_load %arg6[%get3A_1388] {strides = array<i32>} : memref<4096xi32, #tpu.memory_space<vmem>>, vector<16xi32>,
      %rev3A_1390 = arith.constant 15 : i32
      %rev3A_1391 = vector.broadcast %rev3A_1390 : i32 to vector<16xi32>
      %rev3A_1392 = tpu.iota {dimensions = array<i32: 0>} : vector<16xi32>
      %rev3A_1393 = arith.subi %rev3A_1391, %rev3A_1392 : vector<16xi32>
      %rev3A_1394 = tpu.dynamic_gather %get3A_1389[%rev3A_1393] in [0] : vector<16xi32>, vector<16xi32> -> vector<16xi32>
      %broadcast_in_dim3A_1395 = arith.constant true
      %broadcast_in_dim3A_1396 = vector.broadcast %broadcast_in_dim3A_1395 : i1 to vector<16xi1>
      %masked_cumsum3A_1397 = tpu.scan <sum>, %rev3A_1394 masked %broadcast_in_dim3A_1396 : vector<16xi32>, vector<16xi1> -> vector<16xi32>
      %rev3A_1398 = arith.constant 15 : i32
      %rev3A_1399 = vector.broadcast %rev3A_1398 : i32 to vector<16xi32>
      %rev3A_1400 = tpu.iota {dimensions = array<i32: 0>} : vector<16xi32>
      %rev3A_1401 = arith.subi %rev3A_1399, %rev3A_1400 : vector<16xi32>
      %rev3A_1402 = tpu.dynamic_gather %masked_cumsum3A_1397[%rev3A_1401] in [0] : vector<16xi32>, vector<16xi32> -> vector<16xi32>
      %reduce_max3A_1403 = arith.constant true
      %reduce_max3A_1404 = vector.broadcast %reduce_max3A_1403 : i1 to vector<16xi1>
      %reduce_max3A_1405 = arith.constant -2147483648 : i32
      %reduce_max3A_1406 = vector.broadcast %reduce_max3A_1405 : i32 to vector<16xi32>
      %reduce_max3A_1407 = arith.xori %masked_cumsum3A_1397, %reduce_max3A_1406 : vector<16xi32>
      %reduce_max3A_1408 = tpu.scan <max>, %reduce_max3A_1407 masked %reduce_max3A_1404 : vector<16xi32>, vector<16xi1> -> vector<16xi32>
      %reduce_max3A_1409 = arith.xori %reduce_max3A_1408, %reduce_max3A_1406 : vector<16xi32>
      %reduce_max3A_1410 = vector.extract %reduce_max3A_1409[15] : i32 from vector<16xi32>
      %rev3A_1411 = arith.constant 15 : i32
      %rev3A_1412 = vector.broadcast %rev3A_1411 : i32 to vector<16xi32>
      %rev3A_1413 = tpu.iota {dimensions = array<i32: 0>} : vector<16xi32>
      %rev3A_1414 = arith.subi %rev3A_1412, %rev3A_1413 : vector<16xi32>
      %rev3A_1415 = tpu.dynamic_gather %get3A_1387[%rev3A_1414] in [0] : vector<16xi32>, vector<16xi32> -> vector<16xi32>
      %broadcast_in_dim3A_1416 = arith.constant true
      %broadcast_in_dim3A_1417 = vector.broadcast %broadcast_in_dim3A_1416 : i1 to vector<16xi1>
      %masked_cumsum3A_1418 = tpu.scan <sum>, %rev3A_1415 masked %broadcast_in_dim3A_1417 : vector<16xi32>, vector<16xi1> -> vector<16xi32>
      %rev3A_1419 = arith.constant 15 : i32
      %rev3A_1420 = vector.broadcast %rev3A_1419 : i32 to vector<16xi32>
      %rev3A_1421 = tpu.iota {dimensions = array<i32: 0>} : vector<16xi32>
      %rev3A_1422 = arith.subi %rev3A_1420, %rev3A_1421 : vector<16xi32>
      %rev3A_1423 = tpu.dynamic_gather %masked_cumsum3A_1418[%rev3A_1422] in [0] : vector<16xi32>, vector<16xi32> -> vector<16xi32>
      %add3A_1424 = vector.broadcast %reduce_max3A_1410 : i32 to vector<16xi32>
      %add3A_1425 = arith.addi %rev3A_1423, %add3A_1424 : vector<16xi32>
      %sub3A_1426 = arith.subi %add3A_1425, %get3A_1387 : vector<16xi32>
      %swap3A_1427 = arith.constant 0 : index
      %swap3A_1428 = tpu.vector_load %arg6[%swap3A_1427] {strides = array<i32>} : memref<4096xi32, #tpu.memory_space<vmem>>, vector<16xi32>,
      tpu.vector_store %arg6[%swap3A_1427], %sub3A_1426 {strides = array<i32>} : memref<4096xi32, #tpu.memory_space<vmem>>, vector<16xi32>,
      %sub3A_1429 = arith.subi %rev3A_1402, %get3A_1389 : vector<16xi32>
      %swap3A_1430 = arith.constant 16 : index
      %swap3A_1431 = tpu.vector_load %arg6[%swap3A_1430] {strides = array<i32>} : memref<4096xi32, #tpu.memory_space<vmem>>, vector<16xi32>,
      tpu.vector_store %arg6[%swap3A_1430], %sub3A_1429 {strides = array<i32>} : memref<4096xi32, #tpu.memory_space<vmem>>, vector<16xi32>,
      %while3A_1432 = arith.constant 0 : i32
      %while3A_1433 = arith.constant 0 : i32
      %while3A_1434 = arith.subi %shift_right_arithmetic3A_1251, %while3A_1432 : i32
      %while3A_1435 = arith.addi %while3A_1432, %while3A_1434 : i32
      %while3A_1436 = arith.constant 1 : i32
      %while3A_1437 = arith.divsi %while3A_1434, %while3A_1436 : i32
      %while3A_1438 = arith.muli %while3A_1437, %while3A_1436 : i32
      %while3A_1439 = arith.addi %while3A_1432, %while3A_1438 : i32
      %while3A_1440 = arith.constant 1 : i32
      %while3A_1441 = scf.for %while3A_1715 = %while3A_1432 to %while3A_1439 step %while3A_1440 iter_args(%while3A_1716 = %while3A_1433) -> (i32)  : i32 {
        %mul3A_1717 = arith.constant 16 : i32
        %mul3A_1718 = arith.muli %while3A_1715, %mul3A_1717 : i32
        %get3A_1719 = arith.index_cast %mul3A_1718 : i32 to index
        %get3A_1720 = tpu.vector_load %arg9[%get3A_1719] {strides = array<i32>} : memref<8208xi32, #tpu.memory_space<vmem>>, vector<16xi32>,
        %mul3A_1721 = arith.constant 16 : i32
        %mul3A_1722 = arith.muli %while3A_1715, %mul3A_1721 : i32
        %get3A_1723 = arith.index_cast %mul3A_1722 : i32 to index
        %get3A_1724 = tpu.vector_load %arg10[%get3A_1723] {strides = array<i32>} : memref<8208xi32, #tpu.memory_space<vmem>>, vector<16xi32>,
        %shift_right_arithmetic3A_1725 = arith.constant 10 : i32
        %shift_right_arithmetic3A_1726 = vector.broadcast %shift_right_arithmetic3A_1725 : i32 to vector<16xi32>
        %shift_right_arithmetic3A_1727 = arith.shrsi %get3A_1720, %shift_right_arithmetic3A_1726 : vector<16xi32>
        %and3A = arith.constant 31 : i32
        %and3A_1728 = vector.broadcast %and3A : i32 to vector<16xi32>
        %and3A_1729 = arith.andi %shift_right_arithmetic3A_1727, %and3A_1728 : vector<16xi32>
        %broadcast_in_dim3A_1730 = arith.constant true
        %broadcast_in_dim3A_1731 = vector.broadcast %broadcast_in_dim3A_1730 : i1 to vector<16xi1>
        %unique3A, %unique3A_1732 = tpu.scan_count mask(%broadcast_in_dim3A_1731 : vector<16xi1>) value(%and3A_1729 : vector<16xi32>) : vector<16xi1>, vector<16xi32>
        %gather3A = tpu.vector_load_idx %arg6[%and3A_1729] : memref<4096xi32, #tpu.memory_space<vmem>>[vector<16xi32>], vector<16xi32>,
        %add3A_1733 = arith.addi %gather3A, %unique3A_1732 : vector<16xi32>
        %sub3A_1734 = arith.constant 1 : i32
        %sub3A_1735 = vector.broadcast %sub3A_1734 : i32 to vector<16xi32>
        %sub3A_1736 = arith.subi %add3A_1733, %sub3A_1735 : vector<16xi32>
        tpu.vector_store_idx %arg11[%sub3A_1736], %get3A_1720 : memref<8208xi32, #tpu.memory_space<vmem>>[vector<16xi32>], vector<16xi32>,
        tpu.vector_store_idx %arg12[%sub3A_1736], %get3A_1724 : memref<8208xi32, #tpu.memory_space<vmem>>[vector<16xi32>], vector<16xi32>,
        tpu.vector_store_idx %arg6[%and3A_1729], %unique3A_1732 masked %unique3A {add = true} : memref<4096xi32, #tpu.memory_space<vmem>>[vector<16xi32>], vector<16xi32>, vector<16xi1>
        %while3A_1737 = arith.constant 0 : i32
        scf.yield %while3A_1737 : i32
      }
      %while3A_1442 = arith.constant 1 : i32
      %while3A_1443 = scf.for %while3A_1715 = %while3A_1439 to %while3A_1435 step %while3A_1442 iter_args(%while3A_1716 = %while3A_1441) -> (i32)  : i32 {
        %mul3A_1717 = arith.constant 16 : i32
        %mul3A_1718 = arith.muli %while3A_1715, %mul3A_1717 : i32
        %get3A_1719 = arith.index_cast %mul3A_1718 : i32 to index
        %get3A_1720 = tpu.vector_load %arg9[%get3A_1719] {strides = array<i32>} : memref<8208xi32, #tpu.memory_space<vmem>>, vector<16xi32>,
        %mul3A_1721 = arith.constant 16 : i32
        %mul3A_1722 = arith.muli %while3A_1715, %mul3A_1721 : i32
        %get3A_1723 = arith.index_cast %mul3A_1722 : i32 to index
        %get3A_1724 = tpu.vector_load %arg10[%get3A_1723] {strides = array<i32>} : memref<8208xi32, #tpu.memory_space<vmem>>, vector<16xi32>,
        %shift_right_arithmetic3A_1725 = arith.constant 10 : i32
        %shift_right_arithmetic3A_1726 = vector.broadcast %shift_right_arithmetic3A_1725 : i32 to vector<16xi32>
        %shift_right_arithmetic3A_1727 = arith.shrsi %get3A_1720, %shift_right_arithmetic3A_1726 : vector<16xi32>
        %and3A = arith.constant 31 : i32
        %and3A_1728 = vector.broadcast %and3A : i32 to vector<16xi32>
        %and3A_1729 = arith.andi %shift_right_arithmetic3A_1727, %and3A_1728 : vector<16xi32>
        %broadcast_in_dim3A_1730 = arith.constant true
        %broadcast_in_dim3A_1731 = vector.broadcast %broadcast_in_dim3A_1730 : i1 to vector<16xi1>
        %unique3A, %unique3A_1732 = tpu.scan_count mask(%broadcast_in_dim3A_1731 : vector<16xi1>) value(%and3A_1729 : vector<16xi32>) : vector<16xi1>, vector<16xi32>
        %gather3A = tpu.vector_load_idx %arg6[%and3A_1729] : memref<4096xi32, #tpu.memory_space<vmem>>[vector<16xi32>], vector<16xi32>,
        %add3A_1733 = arith.addi %gather3A, %unique3A_1732 : vector<16xi32>
        %sub3A_1734 = arith.constant 1 : i32
        %sub3A_1735 = vector.broadcast %sub3A_1734 : i32 to vector<16xi32>
        %sub3A_1736 = arith.subi %add3A_1733, %sub3A_1735 : vector<16xi32>
        tpu.vector_store_idx %arg11[%sub3A_1736], %get3A_1720 : memref<8208xi32, #tpu.memory_space<vmem>>[vector<16xi32>], vector<16xi32>,
        tpu.vector_store_idx %arg12[%sub3A_1736], %get3A_1724 : memref<8208xi32, #tpu.memory_space<vmem>>[vector<16xi32>], vector<16xi32>,
        tpu.vector_store_idx %arg6[%and3A_1729], %unique3A_1732 masked %unique3A {add = true} : memref<4096xi32, #tpu.memory_space<vmem>>[vector<16xi32>], vector<16xi32>, vector<16xi1>
        %while3A_1737 = arith.constant 0 : i32
        scf.yield %while3A_1737 : i32
      }
      %swap3A_1444 = arith.constant 0 : index
      %swap3A_1445 = tpu.vector_load %arg6[%swap3A_1444] {strides = array<i32>} : memref<4096xi32, #tpu.memory_space<vmem>>, vector<16xi32>,
      tpu.vector_store %arg6[%swap3A_1444], %broadcast_in_dim3A_3 {strides = array<i32>} : memref<4096xi32, #tpu.memory_space<vmem>>, vector<16xi32>,
      %swap3A_1446 = arith.constant 16 : index
      %swap3A_1447 = tpu.vector_load %arg6[%swap3A_1446] {strides = array<i32>} : memref<4096xi32, #tpu.memory_space<vmem>>, vector<16xi32>,
      tpu.vector_store %arg6[%swap3A_1446], %broadcast_in_dim3A_3 {strides = array<i32>} : memref<4096xi32, #tpu.memory_space<vmem>>, vector<16xi32>,
      %parallel_loop3A_1448 = arith.constant 0 : i32
      %parallel_loop3A_1449 = arith.constant 1 : i32
      scf.for %parallel_loop3A_1715 = %parallel_loop3A_1448 to %shift_right_arithmetic3A_1251 step %parallel_loop3A_1449  : i32 {
        %parallel_loop3A_1716 = arith.constant 16 : i32
        %parallel_loop3A_1717 = arith.muli %parallel_loop3A_1715, %parallel_loop3A_1716 : i32
        %parallel_loop3A_1718 = arith.index_cast %parallel_loop3A_1717 : i32 to index
        %parallel_loop3A_1719 = tpu.vector_load %arg11[%parallel_loop3A_1718] {strides = array<i32>} : memref<8208xi32, #tpu.memory_space<vmem>>, vector<16xi32>,
        %parallel_loop3A_1720 = arith.constant 15 : i32
        %parallel_loop3A_1721 = vector.broadcast %parallel_loop3A_1720 : i32 to vector<16xi32>
        %parallel_loop3A_1722 = arith.shrsi %parallel_loop3A_1719, %parallel_loop3A_1721 : vector<16xi32>
        %parallel_loop3A_1723 = arith.constant 31 : i32
        %parallel_loop3A_1724 = vector.broadcast %parallel_loop3A_1723 : i32 to vector<16xi32>
        %parallel_loop3A_1725 = arith.andi %parallel_loop3A_1722, %parallel_loop3A_1724 : vector<16xi32>
        tpu.vector_store_idx %arg6[%parallel_loop3A_1725], %broadcast_in_dim3A_5 {add = true} : memref<4096xi32, #tpu.memory_space<vmem>>[vector<16xi32>], vector<16xi32>,
      } {sc.loop_unroll_factor = 1 : i64, sc.parallel_access}
      %get3A_1450 = arith.constant 0 : index
      %get3A_1451 = tpu.vector_load %arg6[%get3A_1450] {strides = array<i32>} : memref<4096xi32, #tpu.memory_space<vmem>>, vector<16xi32>,
      %get3A_1452 = arith.constant 16 : index
      %get3A_1453 = tpu.vector_load %arg6[%get3A_1452] {strides = array<i32>} : memref<4096xi32, #tpu.memory_space<vmem>>, vector<16xi32>,
      %rev3A_1454 = arith.constant 15 : i32
      %rev3A_1455 = vector.broadcast %rev3A_1454 : i32 to vector<16xi32>
      %rev3A_1456 = tpu.iota {dimensions = array<i32: 0>} : vector<16xi32>
      %rev3A_1457 = arith.subi %rev3A_1455, %rev3A_1456 : vector<16xi32>
      %rev3A_1458 = tpu.dynamic_gather %get3A_1453[%rev3A_1457] in [0] : vector<16xi32>, vector<16xi32> -> vector<16xi32>
      %broadcast_in_dim3A_1459 = arith.constant true
      %broadcast_in_dim3A_1460 = vector.broadcast %broadcast_in_dim3A_1459 : i1 to vector<16xi1>
      %masked_cumsum3A_1461 = tpu.scan <sum>, %rev3A_1458 masked %broadcast_in_dim3A_1460 : vector<16xi32>, vector<16xi1> -> vector<16xi32>
      %rev3A_1462 = arith.constant 15 : i32
      %rev3A_1463 = vector.broadcast %rev3A_1462 : i32 to vector<16xi32>
      %rev3A_1464 = tpu.iota {dimensions = array<i32: 0>} : vector<16xi32>
      %rev3A_1465 = arith.subi %rev3A_1463, %rev3A_1464 : vector<16xi32>
      %rev3A_1466 = tpu.dynamic_gather %masked_cumsum3A_1461[%rev3A_1465] in [0] : vector<16xi32>, vector<16xi32> -> vector<16xi32>
      %reduce_max3A_1467 = arith.constant true
      %reduce_max3A_1468 = vector.broadcast %reduce_max3A_1467 : i1 to vector<16xi1>
      %reduce_max3A_1469 = arith.constant -2147483648 : i32
      %reduce_max3A_1470 = vector.broadcast %reduce_max3A_1469 : i32 to vector<16xi32>
      %reduce_max3A_1471 = arith.xori %masked_cumsum3A_1461, %reduce_max3A_1470 : vector<16xi32>
      %reduce_max3A_1472 = tpu.scan <max>, %reduce_max3A_1471 masked %reduce_max3A_1468 : vector<16xi32>, vector<16xi1> -> vector<16xi32>
      %reduce_max3A_1473 = arith.xori %reduce_max3A_1472, %reduce_max3A_1470 : vector<16xi32>
      %reduce_max3A_1474 = vector.extract %reduce_max3A_1473[15] : i32 from vector<16xi32>
      %rev3A_1475 = arith.constant 15 : i32
      %rev3A_1476 = vector.broadcast %rev3A_1475 : i32 to vector<16xi32>
      %rev3A_1477 = tpu.iota {dimensions = array<i32: 0>} : vector<16xi32>
      %rev3A_1478 = arith.subi %rev3A_1476, %rev3A_1477 : vector<16xi32>
      %rev3A_1479 = tpu.dynamic_gather %get3A_1451[%rev3A_1478] in [0] : vector<16xi32>, vector<16xi32> -> vector<16xi32>
      %broadcast_in_dim3A_1480 = arith.constant true
      %broadcast_in_dim3A_1481 = vector.broadcast %broadcast_in_dim3A_1480 : i1 to vector<16xi1>
      %masked_cumsum3A_1482 = tpu.scan <sum>, %rev3A_1479 masked %broadcast_in_dim3A_1481 : vector<16xi32>, vector<16xi1> -> vector<16xi32>
      %rev3A_1483 = arith.constant 15 : i32
      %rev3A_1484 = vector.broadcast %rev3A_1483 : i32 to vector<16xi32>
      %rev3A_1485 = tpu.iota {dimensions = array<i32: 0>} : vector<16xi32>
      %rev3A_1486 = arith.subi %rev3A_1484, %rev3A_1485 : vector<16xi32>
      %rev3A_1487 = tpu.dynamic_gather %masked_cumsum3A_1482[%rev3A_1486] in [0] : vector<16xi32>, vector<16xi32> -> vector<16xi32>
      %add3A_1488 = vector.broadcast %reduce_max3A_1474 : i32 to vector<16xi32>
      %add3A_1489 = arith.addi %rev3A_1487, %add3A_1488 : vector<16xi32>
      %sub3A_1490 = arith.subi %add3A_1489, %get3A_1451 : vector<16xi32>
      %swap3A_1491 = arith.constant 0 : index
      %swap3A_1492 = tpu.vector_load %arg6[%swap3A_1491] {strides = array<i32>} : memref<4096xi32, #tpu.memory_space<vmem>>, vector<16xi32>,
      tpu.vector_store %arg6[%swap3A_1491], %sub3A_1490 {strides = array<i32>} : memref<4096xi32, #tpu.memory_space<vmem>>, vector<16xi32>,
      %sub3A_1493 = arith.subi %rev3A_1466, %get3A_1453 : vector<16xi32>
      %swap3A_1494 = arith.constant 16 : index
      %swap3A_1495 = tpu.vector_load %arg6[%swap3A_1494] {strides = array<i32>} : memref<4096xi32, #tpu.memory_space<vmem>>, vector<16xi32>,
      tpu.vector_store %arg6[%swap3A_1494], %sub3A_1493 {strides = array<i32>} : memref<4096xi32, #tpu.memory_space<vmem>>, vector<16xi32>,
      %while3A_1496 = arith.constant 0 : i32
      %while3A_1497 = arith.constant 0 : i32
      %while3A_1498 = arith.subi %shift_right_arithmetic3A_1251, %while3A_1496 : i32
      %while3A_1499 = arith.addi %while3A_1496, %while3A_1498 : i32
      %while3A_1500 = arith.constant 1 : i32
      %while3A_1501 = arith.divsi %while3A_1498, %while3A_1500 : i32
      %while3A_1502 = arith.muli %while3A_1501, %while3A_1500 : i32
      %while3A_1503 = arith.addi %while3A_1496, %while3A_1502 : i32
      %while3A_1504 = arith.constant 1 : i32
      %while3A_1505 = scf.for %while3A_1715 = %while3A_1496 to %while3A_1503 step %while3A_1504 iter_args(%while3A_1716 = %while3A_1497) -> (i32)  : i32 {
        %mul3A_1717 = arith.constant 16 : i32
        %mul3A_1718 = arith.muli %while3A_1715, %mul3A_1717 : i32
        %get3A_1719 = arith.index_cast %mul3A_1718 : i32 to index
        %get3A_1720 = tpu.vector_load %arg11[%get3A_1719] {strides = array<i32>} : memref<8208xi32, #tpu.memory_space<vmem>>, vector<16xi32>,
        %mul3A_1721 = arith.constant 16 : i32
        %mul3A_1722 = arith.muli %while3A_1715, %mul3A_1721 : i32
        %get3A_1723 = arith.index_cast %mul3A_1722 : i32 to index
        %get3A_1724 = tpu.vector_load %arg12[%get3A_1723] {strides = array<i32>} : memref<8208xi32, #tpu.memory_space<vmem>>, vector<16xi32>,
        %shift_right_arithmetic3A_1725 = arith.constant 15 : i32
        %shift_right_arithmetic3A_1726 = vector.broadcast %shift_right_arithmetic3A_1725 : i32 to vector<16xi32>
        %shift_right_arithmetic3A_1727 = arith.shrsi %get3A_1720, %shift_right_arithmetic3A_1726 : vector<16xi32>
        %and3A = arith.constant 31 : i32
        %and3A_1728 = vector.broadcast %and3A : i32 to vector<16xi32>
        %and3A_1729 = arith.andi %shift_right_arithmetic3A_1727, %and3A_1728 : vector<16xi32>
        %broadcast_in_dim3A_1730 = arith.constant true
        %broadcast_in_dim3A_1731 = vector.broadcast %broadcast_in_dim3A_1730 : i1 to vector<16xi1>
        %unique3A, %unique3A_1732 = tpu.scan_count mask(%broadcast_in_dim3A_1731 : vector<16xi1>) value(%and3A_1729 : vector<16xi32>) : vector<16xi1>, vector<16xi32>
        %gather3A = tpu.vector_load_idx %arg6[%and3A_1729] : memref<4096xi32, #tpu.memory_space<vmem>>[vector<16xi32>], vector<16xi32>,
        %add3A_1733 = arith.addi %gather3A, %unique3A_1732 : vector<16xi32>
        %sub3A_1734 = arith.constant 1 : i32
        %sub3A_1735 = vector.broadcast %sub3A_1734 : i32 to vector<16xi32>
        %sub3A_1736 = arith.subi %add3A_1733, %sub3A_1735 : vector<16xi32>
        tpu.vector_store_idx %arg9[%sub3A_1736], %get3A_1720 : memref<8208xi32, #tpu.memory_space<vmem>>[vector<16xi32>], vector<16xi32>,
        tpu.vector_store_idx %arg10[%sub3A_1736], %get3A_1724 : memref<8208xi32, #tpu.memory_space<vmem>>[vector<16xi32>], vector<16xi32>,
        tpu.vector_store_idx %arg6[%and3A_1729], %unique3A_1732 masked %unique3A {add = true} : memref<4096xi32, #tpu.memory_space<vmem>>[vector<16xi32>], vector<16xi32>, vector<16xi1>
        %while3A_1737 = arith.constant 0 : i32
        scf.yield %while3A_1737 : i32
      }
      %while3A_1506 = arith.constant 1 : i32
      %while3A_1507 = scf.for %while3A_1715 = %while3A_1503 to %while3A_1499 step %while3A_1506 iter_args(%while3A_1716 = %while3A_1505) -> (i32)  : i32 {
        %mul3A_1717 = arith.constant 16 : i32
        %mul3A_1718 = arith.muli %while3A_1715, %mul3A_1717 : i32
        %get3A_1719 = arith.index_cast %mul3A_1718 : i32 to index
        %get3A_1720 = tpu.vector_load %arg11[%get3A_1719] {strides = array<i32>} : memref<8208xi32, #tpu.memory_space<vmem>>, vector<16xi32>,
        %mul3A_1721 = arith.constant 16 : i32
        %mul3A_1722 = arith.muli %while3A_1715, %mul3A_1721 : i32
        %get3A_1723 = arith.index_cast %mul3A_1722 : i32 to index
        %get3A_1724 = tpu.vector_load %arg12[%get3A_1723] {strides = array<i32>} : memref<8208xi32, #tpu.memory_space<vmem>>, vector<16xi32>,
        %shift_right_arithmetic3A_1725 = arith.constant 15 : i32
        %shift_right_arithmetic3A_1726 = vector.broadcast %shift_right_arithmetic3A_1725 : i32 to vector<16xi32>
        %shift_right_arithmetic3A_1727 = arith.shrsi %get3A_1720, %shift_right_arithmetic3A_1726 : vector<16xi32>
        %and3A = arith.constant 31 : i32
        %and3A_1728 = vector.broadcast %and3A : i32 to vector<16xi32>
        %and3A_1729 = arith.andi %shift_right_arithmetic3A_1727, %and3A_1728 : vector<16xi32>
        %broadcast_in_dim3A_1730 = arith.constant true
        %broadcast_in_dim3A_1731 = vector.broadcast %broadcast_in_dim3A_1730 : i1 to vector<16xi1>
        %unique3A, %unique3A_1732 = tpu.scan_count mask(%broadcast_in_dim3A_1731 : vector<16xi1>) value(%and3A_1729 : vector<16xi32>) : vector<16xi1>, vector<16xi32>
        %gather3A = tpu.vector_load_idx %arg6[%and3A_1729] : memref<4096xi32, #tpu.memory_space<vmem>>[vector<16xi32>], vector<16xi32>,
        %add3A_1733 = arith.addi %gather3A, %unique3A_1732 : vector<16xi32>
        %sub3A_1734 = arith.constant 1 : i32
        %sub3A_1735 = vector.broadcast %sub3A_1734 : i32 to vector<16xi32>
        %sub3A_1736 = arith.subi %add3A_1733, %sub3A_1735 : vector<16xi32>
        tpu.vector_store_idx %arg9[%sub3A_1736], %get3A_1720 : memref<8208xi32, #tpu.memory_space<vmem>>[vector<16xi32>], vector<16xi32>,
        tpu.vector_store_idx %arg10[%sub3A_1736], %get3A_1724 : memref<8208xi32, #tpu.memory_space<vmem>>[vector<16xi32>], vector<16xi32>,
        tpu.vector_store_idx %arg6[%and3A_1729], %unique3A_1732 masked %unique3A {add = true} : memref<4096xi32, #tpu.memory_space<vmem>>[vector<16xi32>], vector<16xi32>, vector<16xi1>
        %while3A_1737 = arith.constant 0 : i32
        scf.yield %while3A_1737 : i32
      }
      %swap3A_1508 = arith.constant 0 : index
      %swap3A_1509 = tpu.vector_load %arg6[%swap3A_1508] {strides = array<i32>} : memref<4096xi32, #tpu.memory_space<vmem>>, vector<16xi32>,
      tpu.vector_store %arg6[%swap3A_1508], %broadcast_in_dim3A_3 {strides = array<i32>} : memref<4096xi32, #tpu.memory_space<vmem>>, vector<16xi32>,
      %swap3A_1510 = arith.constant 16 : index
      %swap3A_1511 = tpu.vector_load %arg6[%swap3A_1510] {strides = array<i32>} : memref<4096xi32, #tpu.memory_space<vmem>>, vector<16xi32>,
      tpu.vector_store %arg6[%swap3A_1510], %broadcast_in_dim3A_3 {strides = array<i32>} : memref<4096xi32, #tpu.memory_space<vmem>>, vector<16xi32>,
      %parallel_loop3A_1512 = arith.constant 0 : i32
      %parallel_loop3A_1513 = arith.constant 1 : i32
      scf.for %parallel_loop3A_1715 = %parallel_loop3A_1512 to %shift_right_arithmetic3A_1251 step %parallel_loop3A_1513  : i32 {
        %parallel_loop3A_1716 = arith.constant 16 : i32
        %parallel_loop3A_1717 = arith.muli %parallel_loop3A_1715, %parallel_loop3A_1716 : i32
        %parallel_loop3A_1718 = arith.index_cast %parallel_loop3A_1717 : i32 to index
        %parallel_loop3A_1719 = tpu.vector_load %arg9[%parallel_loop3A_1718] {strides = array<i32>} : memref<8208xi32, #tpu.memory_space<vmem>>, vector<16xi32>,
        %parallel_loop3A_1720 = arith.constant 20 : i32
        %parallel_loop3A_1721 = vector.broadcast %parallel_loop3A_1720 : i32 to vector<16xi32>
        %parallel_loop3A_1722 = arith.shrsi %parallel_loop3A_1719, %parallel_loop3A_1721 : vector<16xi32>
        %parallel_loop3A_1723 = arith.constant 31 : i32
        %parallel_loop3A_1724 = vector.broadcast %parallel_loop3A_1723 : i32 to vector<16xi32>
        %parallel_loop3A_1725 = arith.andi %parallel_loop3A_1722, %parallel_loop3A_1724 : vector<16xi32>
        tpu.vector_store_idx %arg6[%parallel_loop3A_1725], %broadcast_in_dim3A_5 {add = true} : memref<4096xi32, #tpu.memory_space<vmem>>[vector<16xi32>], vector<16xi32>,
      } {sc.loop_unroll_factor = 1 : i64, sc.parallel_access}
      %get3A_1514 = arith.constant 0 : index
      %get3A_1515 = tpu.vector_load %arg6[%get3A_1514] {strides = array<i32>} : memref<4096xi32, #tpu.memory_space<vmem>>, vector<16xi32>,
      %get3A_1516 = arith.constant 16 : index
      %get3A_1517 = tpu.vector_load %arg6[%get3A_1516] {strides = array<i32>} : memref<4096xi32, #tpu.memory_space<vmem>>, vector<16xi32>,
      %rev3A_1518 = arith.constant 15 : i32
      %rev3A_1519 = vector.broadcast %rev3A_1518 : i32 to vector<16xi32>
      %rev3A_1520 = tpu.iota {dimensions = array<i32: 0>} : vector<16xi32>
      %rev3A_1521 = arith.subi %rev3A_1519, %rev3A_1520 : vector<16xi32>
      %rev3A_1522 = tpu.dynamic_gather %get3A_1517[%rev3A_1521] in [0] : vector<16xi32>, vector<16xi32> -> vector<16xi32>
      %broadcast_in_dim3A_1523 = arith.constant true
      %broadcast_in_dim3A_1524 = vector.broadcast %broadcast_in_dim3A_1523 : i1 to vector<16xi1>
      %masked_cumsum3A_1525 = tpu.scan <sum>, %rev3A_1522 masked %broadcast_in_dim3A_1524 : vector<16xi32>, vector<16xi1> -> vector<16xi32>
      %rev3A_1526 = arith.constant 15 : i32
      %rev3A_1527 = vector.broadcast %rev3A_1526 : i32 to vector<16xi32>
      %rev3A_1528 = tpu.iota {dimensions = array<i32: 0>} : vector<16xi32>
      %rev3A_1529 = arith.subi %rev3A_1527, %rev3A_1528 : vector<16xi32>
      %rev3A_1530 = tpu.dynamic_gather %masked_cumsum3A_1525[%rev3A_1529] in [0] : vector<16xi32>, vector<16xi32> -> vector<16xi32>
      %reduce_max3A_1531 = arith.constant true
      %reduce_max3A_1532 = vector.broadcast %reduce_max3A_1531 : i1 to vector<16xi1>
      %reduce_max3A_1533 = arith.constant -2147483648 : i32
      %reduce_max3A_1534 = vector.broadcast %reduce_max3A_1533 : i32 to vector<16xi32>
      %reduce_max3A_1535 = arith.xori %masked_cumsum3A_1525, %reduce_max3A_1534 : vector<16xi32>
      %reduce_max3A_1536 = tpu.scan <max>, %reduce_max3A_1535 masked %reduce_max3A_1532 : vector<16xi32>, vector<16xi1> -> vector<16xi32>
      %reduce_max3A_1537 = arith.xori %reduce_max3A_1536, %reduce_max3A_1534 : vector<16xi32>
      %reduce_max3A_1538 = vector.extract %reduce_max3A_1537[15] : i32 from vector<16xi32>
      %rev3A_1539 = arith.constant 15 : i32
      %rev3A_1540 = vector.broadcast %rev3A_1539 : i32 to vector<16xi32>
      %rev3A_1541 = tpu.iota {dimensions = array<i32: 0>} : vector<16xi32>
      %rev3A_1542 = arith.subi %rev3A_1540, %rev3A_1541 : vector<16xi32>
      %rev3A_1543 = tpu.dynamic_gather %get3A_1515[%rev3A_1542] in [0] : vector<16xi32>, vector<16xi32> -> vector<16xi32>
      %broadcast_in_dim3A_1544 = arith.constant true
      %broadcast_in_dim3A_1545 = vector.broadcast %broadcast_in_dim3A_1544 : i1 to vector<16xi1>
      %masked_cumsum3A_1546 = tpu.scan <sum>, %rev3A_1543 masked %broadcast_in_dim3A_1545 : vector<16xi32>, vector<16xi1> -> vector<16xi32>
      %rev3A_1547 = arith.constant 15 : i32
      %rev3A_1548 = vector.broadcast %rev3A_1547 : i32 to vector<16xi32>
      %rev3A_1549 = tpu.iota {dimensions = array<i32: 0>} : vector<16xi32>
      %rev3A_1550 = arith.subi %rev3A_1548, %rev3A_1549 : vector<16xi32>
      %rev3A_1551 = tpu.dynamic_gather %masked_cumsum3A_1546[%rev3A_1550] in [0] : vector<16xi32>, vector<16xi32> -> vector<16xi32>
      %add3A_1552 = vector.broadcast %reduce_max3A_1538 : i32 to vector<16xi32>
      %add3A_1553 = arith.addi %rev3A_1551, %add3A_1552 : vector<16xi32>
      %sub3A_1554 = arith.subi %add3A_1553, %get3A_1515 : vector<16xi32>
      %swap3A_1555 = arith.constant 0 : index
      %swap3A_1556 = tpu.vector_load %arg6[%swap3A_1555] {strides = array<i32>} : memref<4096xi32, #tpu.memory_space<vmem>>, vector<16xi32>,
      tpu.vector_store %arg6[%swap3A_1555], %sub3A_1554 {strides = array<i32>} : memref<4096xi32, #tpu.memory_space<vmem>>, vector<16xi32>,
      %sub3A_1557 = arith.subi %rev3A_1530, %get3A_1517 : vector<16xi32>
      %swap3A_1558 = arith.constant 16 : index
      %swap3A_1559 = tpu.vector_load %arg6[%swap3A_1558] {strides = array<i32>} : memref<4096xi32, #tpu.memory_space<vmem>>, vector<16xi32>,
      tpu.vector_store %arg6[%swap3A_1558], %sub3A_1557 {strides = array<i32>} : memref<4096xi32, #tpu.memory_space<vmem>>, vector<16xi32>,
      %while3A_1560 = arith.constant 0 : i32
      %while3A_1561 = arith.constant 0 : i32
      %while3A_1562 = arith.subi %shift_right_arithmetic3A_1251, %while3A_1560 : i32
      %while3A_1563 = arith.addi %while3A_1560, %while3A_1562 : i32
      %while3A_1564 = arith.constant 1 : i32
      %while3A_1565 = arith.divsi %while3A_1562, %while3A_1564 : i32
      %while3A_1566 = arith.muli %while3A_1565, %while3A_1564 : i32
      %while3A_1567 = arith.addi %while3A_1560, %while3A_1566 : i32
      %while3A_1568 = arith.constant 1 : i32
      %while3A_1569 = scf.for %while3A_1715 = %while3A_1560 to %while3A_1567 step %while3A_1568 iter_args(%while3A_1716 = %while3A_1561) -> (i32)  : i32 {
        %mul3A_1717 = arith.constant 16 : i32
        %mul3A_1718 = arith.muli %while3A_1715, %mul3A_1717 : i32
        %get3A_1719 = arith.index_cast %mul3A_1718 : i32 to index
        %get3A_1720 = tpu.vector_load %arg9[%get3A_1719] {strides = array<i32>} : memref<8208xi32, #tpu.memory_space<vmem>>, vector<16xi32>,
        %mul3A_1721 = arith.constant 16 : i32
        %mul3A_1722 = arith.muli %while3A_1715, %mul3A_1721 : i32
        %get3A_1723 = arith.index_cast %mul3A_1722 : i32 to index
        %get3A_1724 = tpu.vector_load %arg10[%get3A_1723] {strides = array<i32>} : memref<8208xi32, #tpu.memory_space<vmem>>, vector<16xi32>,
        %shift_right_arithmetic3A_1725 = arith.constant 20 : i32
        %shift_right_arithmetic3A_1726 = vector.broadcast %shift_right_arithmetic3A_1725 : i32 to vector<16xi32>
        %shift_right_arithmetic3A_1727 = arith.shrsi %get3A_1720, %shift_right_arithmetic3A_1726 : vector<16xi32>
        %and3A = arith.constant 31 : i32
        %and3A_1728 = vector.broadcast %and3A : i32 to vector<16xi32>
        %and3A_1729 = arith.andi %shift_right_arithmetic3A_1727, %and3A_1728 : vector<16xi32>
        %broadcast_in_dim3A_1730 = arith.constant true
        %broadcast_in_dim3A_1731 = vector.broadcast %broadcast_in_dim3A_1730 : i1 to vector<16xi1>
        %unique3A, %unique3A_1732 = tpu.scan_count mask(%broadcast_in_dim3A_1731 : vector<16xi1>) value(%and3A_1729 : vector<16xi32>) : vector<16xi1>, vector<16xi32>
        %gather3A = tpu.vector_load_idx %arg6[%and3A_1729] : memref<4096xi32, #tpu.memory_space<vmem>>[vector<16xi32>], vector<16xi32>,
        %add3A_1733 = arith.addi %gather3A, %unique3A_1732 : vector<16xi32>
        %sub3A_1734 = arith.constant 1 : i32
        %sub3A_1735 = vector.broadcast %sub3A_1734 : i32 to vector<16xi32>
        %sub3A_1736 = arith.subi %add3A_1733, %sub3A_1735 : vector<16xi32>
        tpu.vector_store_idx %arg11[%sub3A_1736], %get3A_1720 : memref<8208xi32, #tpu.memory_space<vmem>>[vector<16xi32>], vector<16xi32>,
        tpu.vector_store_idx %arg12[%sub3A_1736], %get3A_1724 : memref<8208xi32, #tpu.memory_space<vmem>>[vector<16xi32>], vector<16xi32>,
        tpu.vector_store_idx %arg6[%and3A_1729], %unique3A_1732 masked %unique3A {add = true} : memref<4096xi32, #tpu.memory_space<vmem>>[vector<16xi32>], vector<16xi32>, vector<16xi1>
        %while3A_1737 = arith.constant 0 : i32
        scf.yield %while3A_1737 : i32
      }
      %while3A_1570 = arith.constant 1 : i32
      %while3A_1571 = scf.for %while3A_1715 = %while3A_1567 to %while3A_1563 step %while3A_1570 iter_args(%while3A_1716 = %while3A_1569) -> (i32)  : i32 {
        %mul3A_1717 = arith.constant 16 : i32
        %mul3A_1718 = arith.muli %while3A_1715, %mul3A_1717 : i32
        %get3A_1719 = arith.index_cast %mul3A_1718 : i32 to index
        %get3A_1720 = tpu.vector_load %arg9[%get3A_1719] {strides = array<i32>} : memref<8208xi32, #tpu.memory_space<vmem>>, vector<16xi32>,
        %mul3A_1721 = arith.constant 16 : i32
        %mul3A_1722 = arith.muli %while3A_1715, %mul3A_1721 : i32
        %get3A_1723 = arith.index_cast %mul3A_1722 : i32 to index
        %get3A_1724 = tpu.vector_load %arg10[%get3A_1723] {strides = array<i32>} : memref<8208xi32, #tpu.memory_space<vmem>>, vector<16xi32>,
        %shift_right_arithmetic3A_1725 = arith.constant 20 : i32
        %shift_right_arithmetic3A_1726 = vector.broadcast %shift_right_arithmetic3A_1725 : i32 to vector<16xi32>
        %shift_right_arithmetic3A_1727 = arith.shrsi %get3A_1720, %shift_right_arithmetic3A_1726 : vector<16xi32>
        %and3A = arith.constant 31 : i32
        %and3A_1728 = vector.broadcast %and3A : i32 to vector<16xi32>
        %and3A_1729 = arith.andi %shift_right_arithmetic3A_1727, %and3A_1728 : vector<16xi32>
        %broadcast_in_dim3A_1730 = arith.constant true
        %broadcast_in_dim3A_1731 = vector.broadcast %broadcast_in_dim3A_1730 : i1 to vector<16xi1>
        %unique3A, %unique3A_1732 = tpu.scan_count mask(%broadcast_in_dim3A_1731 : vector<16xi1>) value(%and3A_1729 : vector<16xi32>) : vector<16xi1>, vector<16xi32>
        %gather3A = tpu.vector_load_idx %arg6[%and3A_1729] : memref<4096xi32, #tpu.memory_space<vmem>>[vector<16xi32>], vector<16xi32>,
        %add3A_1733 = arith.addi %gather3A, %unique3A_1732 : vector<16xi32>
        %sub3A_1734 = arith.constant 1 : i32
        %sub3A_1735 = vector.broadcast %sub3A_1734 : i32 to vector<16xi32>
        %sub3A_1736 = arith.subi %add3A_1733, %sub3A_1735 : vector<16xi32>
        tpu.vector_store_idx %arg11[%sub3A_1736], %get3A_1720 : memref<8208xi32, #tpu.memory_space<vmem>>[vector<16xi32>], vector<16xi32>,
        tpu.vector_store_idx %arg12[%sub3A_1736], %get3A_1724 : memref<8208xi32, #tpu.memory_space<vmem>>[vector<16xi32>], vector<16xi32>,
        tpu.vector_store_idx %arg6[%and3A_1729], %unique3A_1732 masked %unique3A {add = true} : memref<4096xi32, #tpu.memory_space<vmem>>[vector<16xi32>], vector<16xi32>, vector<16xi1>
        %while3A_1737 = arith.constant 0 : i32
        scf.yield %while3A_1737 : i32
      }
      %swap3A_1572 = arith.constant 0 : index
      %swap3A_1573 = tpu.vector_load %arg6[%swap3A_1572] {strides = array<i32>} : memref<4096xi32, #tpu.memory_space<vmem>>, vector<16xi32>,
      tpu.vector_store %arg6[%swap3A_1572], %broadcast_in_dim3A_3 {strides = array<i32>} : memref<4096xi32, #tpu.memory_space<vmem>>, vector<16xi32>,
      %swap3A_1574 = arith.constant 16 : index
      %swap3A_1575 = tpu.vector_load %arg6[%swap3A_1574] {strides = array<i32>} : memref<4096xi32, #tpu.memory_space<vmem>>, vector<16xi32>,
      tpu.vector_store %arg6[%swap3A_1574], %broadcast_in_dim3A_3 {strides = array<i32>} : memref<4096xi32, #tpu.memory_space<vmem>>, vector<16xi32>,
      %parallel_loop3A_1576 = arith.constant 0 : i32
      %parallel_loop3A_1577 = arith.constant 1 : i32
      scf.for %parallel_loop3A_1715 = %parallel_loop3A_1576 to %shift_right_arithmetic3A_1251 step %parallel_loop3A_1577  : i32 {
        %parallel_loop3A_1716 = arith.constant 16 : i32
        %parallel_loop3A_1717 = arith.muli %parallel_loop3A_1715, %parallel_loop3A_1716 : i32
        %parallel_loop3A_1718 = arith.index_cast %parallel_loop3A_1717 : i32 to index
        %parallel_loop3A_1719 = tpu.vector_load %arg11[%parallel_loop3A_1718] {strides = array<i32>} : memref<8208xi32, #tpu.memory_space<vmem>>, vector<16xi32>,
        %parallel_loop3A_1720 = arith.constant 25 : i32
        %parallel_loop3A_1721 = vector.broadcast %parallel_loop3A_1720 : i32 to vector<16xi32>
        %parallel_loop3A_1722 = arith.shrsi %parallel_loop3A_1719, %parallel_loop3A_1721 : vector<16xi32>
        %parallel_loop3A_1723 = arith.constant 31 : i32
        %parallel_loop3A_1724 = vector.broadcast %parallel_loop3A_1723 : i32 to vector<16xi32>
        %parallel_loop3A_1725 = arith.andi %parallel_loop3A_1722, %parallel_loop3A_1724 : vector<16xi32>
        tpu.vector_store_idx %arg6[%parallel_loop3A_1725], %broadcast_in_dim3A_5 {add = true} : memref<4096xi32, #tpu.memory_space<vmem>>[vector<16xi32>], vector<16xi32>,
      } {sc.loop_unroll_factor = 1 : i64, sc.parallel_access}
      %get3A_1578 = arith.constant 0 : index
      %get3A_1579 = tpu.vector_load %arg6[%get3A_1578] {strides = array<i32>} : memref<4096xi32, #tpu.memory_space<vmem>>, vector<16xi32>,
      %get3A_1580 = arith.constant 16 : index
      %get3A_1581 = tpu.vector_load %arg6[%get3A_1580] {strides = array<i32>} : memref<4096xi32, #tpu.memory_space<vmem>>, vector<16xi32>,
      %rev3A_1582 = arith.constant 15 : i32
      %rev3A_1583 = vector.broadcast %rev3A_1582 : i32 to vector<16xi32>
      %rev3A_1584 = tpu.iota {dimensions = array<i32: 0>} : vector<16xi32>
      %rev3A_1585 = arith.subi %rev3A_1583, %rev3A_1584 : vector<16xi32>
      %rev3A_1586 = tpu.dynamic_gather %get3A_1581[%rev3A_1585] in [0] : vector<16xi32>, vector<16xi32> -> vector<16xi32>
      %broadcast_in_dim3A_1587 = arith.constant true
      %broadcast_in_dim3A_1588 = vector.broadcast %broadcast_in_dim3A_1587 : i1 to vector<16xi1>
      %masked_cumsum3A_1589 = tpu.scan <sum>, %rev3A_1586 masked %broadcast_in_dim3A_1588 : vector<16xi32>, vector<16xi1> -> vector<16xi32>
      %rev3A_1590 = arith.constant 15 : i32
      %rev3A_1591 = vector.broadcast %rev3A_1590 : i32 to vector<16xi32>
      %rev3A_1592 = tpu.iota {dimensions = array<i32: 0>} : vector<16xi32>
      %rev3A_1593 = arith.subi %rev3A_1591, %rev3A_1592 : vector<16xi32>
      %rev3A_1594 = tpu.dynamic_gather %masked_cumsum3A_1589[%rev3A_1593] in [0] : vector<16xi32>, vector<16xi32> -> vector<16xi32>
      %reduce_max3A_1595 = arith.constant true
      %reduce_max3A_1596 = vector.broadcast %reduce_max3A_1595 : i1 to vector<16xi1>
      %reduce_max3A_1597 = arith.constant -2147483648 : i32
      %reduce_max3A_1598 = vector.broadcast %reduce_max3A_1597 : i32 to vector<16xi32>
      %reduce_max3A_1599 = arith.xori %masked_cumsum3A_1589, %reduce_max3A_1598 : vector<16xi32>
      %reduce_max3A_1600 = tpu.scan <max>, %reduce_max3A_1599 masked %reduce_max3A_1596 : vector<16xi32>, vector<16xi1> -> vector<16xi32>
      %reduce_max3A_1601 = arith.xori %reduce_max3A_1600, %reduce_max3A_1598 : vector<16xi32>
      %reduce_max3A_1602 = vector.extract %reduce_max3A_1601[15] : i32 from vector<16xi32>
      %rev3A_1603 = arith.constant 15 : i32
      %rev3A_1604 = vector.broadcast %rev3A_1603 : i32 to vector<16xi32>
      %rev3A_1605 = tpu.iota {dimensions = array<i32: 0>} : vector<16xi32>
      %rev3A_1606 = arith.subi %rev3A_1604, %rev3A_1605 : vector<16xi32>
      %rev3A_1607 = tpu.dynamic_gather %get3A_1579[%rev3A_1606] in [0] : vector<16xi32>, vector<16xi32> -> vector<16xi32>
      %broadcast_in_dim3A_1608 = arith.constant true
      %broadcast_in_dim3A_1609 = vector.broadcast %broadcast_in_dim3A_1608 : i1 to vector<16xi1>
      %masked_cumsum3A_1610 = tpu.scan <sum>, %rev3A_1607 masked %broadcast_in_dim3A_1609 : vector<16xi32>, vector<16xi1> -> vector<16xi32>
      %rev3A_1611 = arith.constant 15 : i32
      %rev3A_1612 = vector.broadcast %rev3A_1611 : i32 to vector<16xi32>
      %rev3A_1613 = tpu.iota {dimensions = array<i32: 0>} : vector<16xi32>
      %rev3A_1614 = arith.subi %rev3A_1612, %rev3A_1613 : vector<16xi32>
      %rev3A_1615 = tpu.dynamic_gather %masked_cumsum3A_1610[%rev3A_1614] in [0] : vector<16xi32>, vector<16xi32> -> vector<16xi32>
      %add3A_1616 = vector.broadcast %reduce_max3A_1602 : i32 to vector<16xi32>
      %add3A_1617 = arith.addi %rev3A_1615, %add3A_1616 : vector<16xi32>
      %sub3A_1618 = arith.subi %add3A_1617, %get3A_1579 : vector<16xi32>
      %swap3A_1619 = arith.constant 0 : index
      %swap3A_1620 = tpu.vector_load %arg6[%swap3A_1619] {strides = array<i32>} : memref<4096xi32, #tpu.memory_space<vmem>>, vector<16xi32>,
      tpu.vector_store %arg6[%swap3A_1619], %sub3A_1618 {strides = array<i32>} : memref<4096xi32, #tpu.memory_space<vmem>>, vector<16xi32>,
      %sub3A_1621 = arith.subi %rev3A_1594, %get3A_1581 : vector<16xi32>
      %swap3A_1622 = arith.constant 16 : index
      %swap3A_1623 = tpu.vector_load %arg6[%swap3A_1622] {strides = array<i32>} : memref<4096xi32, #tpu.memory_space<vmem>>, vector<16xi32>,
      tpu.vector_store %arg6[%swap3A_1622], %sub3A_1621 {strides = array<i32>} : memref<4096xi32, #tpu.memory_space<vmem>>, vector<16xi32>,
      %while3A_1624 = arith.constant 0 : i32
      %while3A_1625 = arith.constant 0 : i32
      %while3A_1626 = arith.subi %shift_right_arithmetic3A_1251, %while3A_1624 : i32
      %while3A_1627 = arith.addi %while3A_1624, %while3A_1626 : i32
      %while3A_1628 = arith.constant 1 : i32
      %while3A_1629 = arith.divsi %while3A_1626, %while3A_1628 : i32
      %while3A_1630 = arith.muli %while3A_1629, %while3A_1628 : i32
      %while3A_1631 = arith.addi %while3A_1624, %while3A_1630 : i32
      %while3A_1632 = arith.constant 1 : i32
      %while3A_1633 = scf.for %while3A_1715 = %while3A_1624 to %while3A_1631 step %while3A_1632 iter_args(%while3A_1716 = %while3A_1625) -> (i32)  : i32 {
        %mul3A_1717 = arith.constant 16 : i32
        %mul3A_1718 = arith.muli %while3A_1715, %mul3A_1717 : i32
        %get3A_1719 = arith.index_cast %mul3A_1718 : i32 to index
        %get3A_1720 = tpu.vector_load %arg11[%get3A_1719] {strides = array<i32>} : memref<8208xi32, #tpu.memory_space<vmem>>, vector<16xi32>,
        %mul3A_1721 = arith.constant 16 : i32
        %mul3A_1722 = arith.muli %while3A_1715, %mul3A_1721 : i32
        %get3A_1723 = arith.index_cast %mul3A_1722 : i32 to index
        %get3A_1724 = tpu.vector_load %arg12[%get3A_1723] {strides = array<i32>} : memref<8208xi32, #tpu.memory_space<vmem>>, vector<16xi32>,
        %shift_right_arithmetic3A_1725 = arith.constant 25 : i32
        %shift_right_arithmetic3A_1726 = vector.broadcast %shift_right_arithmetic3A_1725 : i32 to vector<16xi32>
        %shift_right_arithmetic3A_1727 = arith.shrsi %get3A_1720, %shift_right_arithmetic3A_1726 : vector<16xi32>
        %and3A = arith.constant 31 : i32
        %and3A_1728 = vector.broadcast %and3A : i32 to vector<16xi32>
        %and3A_1729 = arith.andi %shift_right_arithmetic3A_1727, %and3A_1728 : vector<16xi32>
        %broadcast_in_dim3A_1730 = arith.constant true
        %broadcast_in_dim3A_1731 = vector.broadcast %broadcast_in_dim3A_1730 : i1 to vector<16xi1>
        %unique3A, %unique3A_1732 = tpu.scan_count mask(%broadcast_in_dim3A_1731 : vector<16xi1>) value(%and3A_1729 : vector<16xi32>) : vector<16xi1>, vector<16xi32>
        %gather3A = tpu.vector_load_idx %arg6[%and3A_1729] : memref<4096xi32, #tpu.memory_space<vmem>>[vector<16xi32>], vector<16xi32>,
        %add3A_1733 = arith.addi %gather3A, %unique3A_1732 : vector<16xi32>
        %sub3A_1734 = arith.constant 1 : i32
        %sub3A_1735 = vector.broadcast %sub3A_1734 : i32 to vector<16xi32>
        %sub3A_1736 = arith.subi %add3A_1733, %sub3A_1735 : vector<16xi32>
        tpu.vector_store_idx %arg9[%sub3A_1736], %get3A_1720 : memref<8208xi32, #tpu.memory_space<vmem>>[vector<16xi32>], vector<16xi32>,
        tpu.vector_store_idx %arg10[%sub3A_1736], %get3A_1724 : memref<8208xi32, #tpu.memory_space<vmem>>[vector<16xi32>], vector<16xi32>,
        tpu.vector_store_idx %arg6[%and3A_1729], %unique3A_1732 masked %unique3A {add = true} : memref<4096xi32, #tpu.memory_space<vmem>>[vector<16xi32>], vector<16xi32>, vector<16xi1>
        %while3A_1737 = arith.constant 0 : i32
        scf.yield %while3A_1737 : i32
      }
      %while3A_1634 = arith.constant 1 : i32
      %while3A_1635 = scf.for %while3A_1715 = %while3A_1631 to %while3A_1627 step %while3A_1634 iter_args(%while3A_1716 = %while3A_1633) -> (i32)  : i32 {
        %mul3A_1717 = arith.constant 16 : i32
        %mul3A_1718 = arith.muli %while3A_1715, %mul3A_1717 : i32
        %get3A_1719 = arith.index_cast %mul3A_1718 : i32 to index
        %get3A_1720 = tpu.vector_load %arg11[%get3A_1719] {strides = array<i32>} : memref<8208xi32, #tpu.memory_space<vmem>>, vector<16xi32>,
        %mul3A_1721 = arith.constant 16 : i32
        %mul3A_1722 = arith.muli %while3A_1715, %mul3A_1721 : i32
        %get3A_1723 = arith.index_cast %mul3A_1722 : i32 to index
        %get3A_1724 = tpu.vector_load %arg12[%get3A_1723] {strides = array<i32>} : memref<8208xi32, #tpu.memory_space<vmem>>, vector<16xi32>,
        %shift_right_arithmetic3A_1725 = arith.constant 25 : i32
        %shift_right_arithmetic3A_1726 = vector.broadcast %shift_right_arithmetic3A_1725 : i32 to vector<16xi32>
        %shift_right_arithmetic3A_1727 = arith.shrsi %get3A_1720, %shift_right_arithmetic3A_1726 : vector<16xi32>
        %and3A = arith.constant 31 : i32
        %and3A_1728 = vector.broadcast %and3A : i32 to vector<16xi32>
        %and3A_1729 = arith.andi %shift_right_arithmetic3A_1727, %and3A_1728 : vector<16xi32>
        %broadcast_in_dim3A_1730 = arith.constant true
        %broadcast_in_dim3A_1731 = vector.broadcast %broadcast_in_dim3A_1730 : i1 to vector<16xi1>
        %unique3A, %unique3A_1732 = tpu.scan_count mask(%broadcast_in_dim3A_1731 : vector<16xi1>) value(%and3A_1729 : vector<16xi32>) : vector<16xi1>, vector<16xi32>
        %gather3A = tpu.vector_load_idx %arg6[%and3A_1729] : memref<4096xi32, #tpu.memory_space<vmem>>[vector<16xi32>], vector<16xi32>,
        %add3A_1733 = arith.addi %gather3A, %unique3A_1732 : vector<16xi32>
        %sub3A_1734 = arith.constant 1 : i32
        %sub3A_1735 = vector.broadcast %sub3A_1734 : i32 to vector<16xi32>
        %sub3A_1736 = arith.subi %add3A_1733, %sub3A_1735 : vector<16xi32>
        tpu.vector_store_idx %arg9[%sub3A_1736], %get3A_1720 : memref<8208xi32, #tpu.memory_space<vmem>>[vector<16xi32>], vector<16xi32>,
        tpu.vector_store_idx %arg10[%sub3A_1736], %get3A_1724 : memref<8208xi32, #tpu.memory_space<vmem>>[vector<16xi32>], vector<16xi32>,
        tpu.vector_store_idx %arg6[%and3A_1729], %unique3A_1732 masked %unique3A {add = true} : memref<4096xi32, #tpu.memory_space<vmem>>[vector<16xi32>], vector<16xi32>, vector<16xi1>
        %while3A_1737 = arith.constant 0 : i32
        scf.yield %while3A_1737 : i32
      }
      %swap3A_1636 = arith.constant 0 : index
      %swap3A_1637 = tpu.vector_load %arg6[%swap3A_1636] {strides = array<i32>} : memref<4096xi32, #tpu.memory_space<vmem>>, vector<16xi32>,
      tpu.vector_store %arg6[%swap3A_1636], %broadcast_in_dim3A_3 {strides = array<i32>} : memref<4096xi32, #tpu.memory_space<vmem>>, vector<16xi32>,
      %swap3A_1638 = arith.constant 16 : index
      %swap3A_1639 = tpu.vector_load %arg6[%swap3A_1638] {strides = array<i32>} : memref<4096xi32, #tpu.memory_space<vmem>>, vector<16xi32>,
      tpu.vector_store %arg6[%swap3A_1638], %broadcast_in_dim3A_3 {strides = array<i32>} : memref<4096xi32, #tpu.memory_space<vmem>>, vector<16xi32>,
      %parallel_loop3A_1640 = arith.constant 0 : i32
      %parallel_loop3A_1641 = arith.constant 1 : i32
      scf.for %parallel_loop3A_1715 = %parallel_loop3A_1640 to %shift_right_arithmetic3A_1251 step %parallel_loop3A_1641  : i32 {
        %parallel_loop3A_1716 = arith.constant 16 : i32
        %parallel_loop3A_1717 = arith.muli %parallel_loop3A_1715, %parallel_loop3A_1716 : i32
        %parallel_loop3A_1718 = arith.index_cast %parallel_loop3A_1717 : i32 to index
        %parallel_loop3A_1719 = tpu.vector_load %arg9[%parallel_loop3A_1718] {strides = array<i32>} : memref<8208xi32, #tpu.memory_space<vmem>>, vector<16xi32>,
        %parallel_loop3A_1720 = arith.constant 30 : i32
        %parallel_loop3A_1721 = vector.broadcast %parallel_loop3A_1720 : i32 to vector<16xi32>
        %parallel_loop3A_1722 = arith.shrsi %parallel_loop3A_1719, %parallel_loop3A_1721 : vector<16xi32>
        %parallel_loop3A_1723 = arith.constant 31 : i32
        %parallel_loop3A_1724 = vector.broadcast %parallel_loop3A_1723 : i32 to vector<16xi32>
        %parallel_loop3A_1725 = arith.andi %parallel_loop3A_1722, %parallel_loop3A_1724 : vector<16xi32>
        tpu.vector_store_idx %arg6[%parallel_loop3A_1725], %broadcast_in_dim3A_5 {add = true} : memref<4096xi32, #tpu.memory_space<vmem>>[vector<16xi32>], vector<16xi32>,
      } {sc.loop_unroll_factor = 1 : i64, sc.parallel_access}
      %get3A_1642 = arith.constant 0 : index
      %get3A_1643 = tpu.vector_load %arg6[%get3A_1642] {strides = array<i32>} : memref<4096xi32, #tpu.memory_space<vmem>>, vector<16xi32>,
      %get3A_1644 = arith.constant 16 : index
      %get3A_1645 = tpu.vector_load %arg6[%get3A_1644] {strides = array<i32>} : memref<4096xi32, #tpu.memory_space<vmem>>, vector<16xi32>,
      %rev3A_1646 = arith.constant 15 : i32
      %rev3A_1647 = vector.broadcast %rev3A_1646 : i32 to vector<16xi32>
      %rev3A_1648 = tpu.iota {dimensions = array<i32: 0>} : vector<16xi32>
      %rev3A_1649 = arith.subi %rev3A_1647, %rev3A_1648 : vector<16xi32>
      %rev3A_1650 = tpu.dynamic_gather %get3A_1645[%rev3A_1649] in [0] : vector<16xi32>, vector<16xi32> -> vector<16xi32>
      %broadcast_in_dim3A_1651 = arith.constant true
      %broadcast_in_dim3A_1652 = vector.broadcast %broadcast_in_dim3A_1651 : i1 to vector<16xi1>
      %masked_cumsum3A_1653 = tpu.scan <sum>, %rev3A_1650 masked %broadcast_in_dim3A_1652 : vector<16xi32>, vector<16xi1> -> vector<16xi32>
      %rev3A_1654 = arith.constant 15 : i32
      %rev3A_1655 = vector.broadcast %rev3A_1654 : i32 to vector<16xi32>
      %rev3A_1656 = tpu.iota {dimensions = array<i32: 0>} : vector<16xi32>
      %rev3A_1657 = arith.subi %rev3A_1655, %rev3A_1656 : vector<16xi32>
      %rev3A_1658 = tpu.dynamic_gather %masked_cumsum3A_1653[%rev3A_1657] in [0] : vector<16xi32>, vector<16xi32> -> vector<16xi32>
      %reduce_max3A_1659 = arith.constant true
      %reduce_max3A_1660 = vector.broadcast %reduce_max3A_1659 : i1 to vector<16xi1>
      %reduce_max3A_1661 = arith.constant -2147483648 : i32
      %reduce_max3A_1662 = vector.broadcast %reduce_max3A_1661 : i32 to vector<16xi32>
      %reduce_max3A_1663 = arith.xori %masked_cumsum3A_1653, %reduce_max3A_1662 : vector<16xi32>
      %reduce_max3A_1664 = tpu.scan <max>, %reduce_max3A_1663 masked %reduce_max3A_1660 : vector<16xi32>, vector<16xi1> -> vector<16xi32>
      %reduce_max3A_1665 = arith.xori %reduce_max3A_1664, %reduce_max3A_1662 : vector<16xi32>
      %reduce_max3A_1666 = vector.extract %reduce_max3A_1665[15] : i32 from vector<16xi32>
      %rev3A_1667 = arith.constant 15 : i32
      %rev3A_1668 = vector.broadcast %rev3A_1667 : i32 to vector<16xi32>
      %rev3A_1669 = tpu.iota {dimensions = array<i32: 0>} : vector<16xi32>
      %rev3A_1670 = arith.subi %rev3A_1668, %rev3A_1669 : vector<16xi32>
      %rev3A_1671 = tpu.dynamic_gather %get3A_1643[%rev3A_1670] in [0] : vector<16xi32>, vector<16xi32> -> vector<16xi32>
      %broadcast_in_dim3A_1672 = arith.constant true
      %broadcast_in_dim3A_1673 = vector.broadcast %broadcast_in_dim3A_1672 : i1 to vector<16xi1>
      %masked_cumsum3A_1674 = tpu.scan <sum>, %rev3A_1671 masked %broadcast_in_dim3A_1673 : vector<16xi32>, vector<16xi1> -> vector<16xi32>
      %rev3A_1675 = arith.constant 15 : i32
      %rev3A_1676 = vector.broadcast %rev3A_1675 : i32 to vector<16xi32>
      %rev3A_1677 = tpu.iota {dimensions = array<i32: 0>} : vector<16xi32>
      %rev3A_1678 = arith.subi %rev3A_1676, %rev3A_1677 : vector<16xi32>
      %rev3A_1679 = tpu.dynamic_gather %masked_cumsum3A_1674[%rev3A_1678] in [0] : vector<16xi32>, vector<16xi32> -> vector<16xi32>
      %add3A_1680 = vector.broadcast %reduce_max3A_1666 : i32 to vector<16xi32>
      %add3A_1681 = arith.addi %rev3A_1679, %add3A_1680 : vector<16xi32>
      %sub3A_1682 = arith.subi %add3A_1681, %get3A_1643 : vector<16xi32>
      %swap3A_1683 = arith.constant 0 : index
      %swap3A_1684 = tpu.vector_load %arg6[%swap3A_1683] {strides = array<i32>} : memref<4096xi32, #tpu.memory_space<vmem>>, vector<16xi32>,
      tpu.vector_store %arg6[%swap3A_1683], %sub3A_1682 {strides = array<i32>} : memref<4096xi32, #tpu.memory_space<vmem>>, vector<16xi32>,
      %sub3A_1685 = arith.subi %rev3A_1658, %get3A_1645 : vector<16xi32>
      %swap3A_1686 = arith.constant 16 : index
      %swap3A_1687 = tpu.vector_load %arg6[%swap3A_1686] {strides = array<i32>} : memref<4096xi32, #tpu.memory_space<vmem>>, vector<16xi32>,
      tpu.vector_store %arg6[%swap3A_1686], %sub3A_1685 {strides = array<i32>} : memref<4096xi32, #tpu.memory_space<vmem>>, vector<16xi32>,
      %while3A_1688 = arith.constant 0 : i32
      %while3A_1689 = arith.constant 0 : i32
      %while3A_1690 = arith.subi %shift_right_arithmetic3A_1251, %while3A_1688 : i32
      %while3A_1691 = arith.addi %while3A_1688, %while3A_1690 : i32
      %while3A_1692 = arith.constant 1 : i32
      %while3A_1693 = arith.divsi %while3A_1690, %while3A_1692 : i32
      %while3A_1694 = arith.muli %while3A_1693, %while3A_1692 : i32
      %while3A_1695 = arith.addi %while3A_1688, %while3A_1694 : i32
      %while3A_1696 = arith.constant 1 : i32
      %while3A_1697 = scf.for %while3A_1715 = %while3A_1688 to %while3A_1695 step %while3A_1696 iter_args(%while3A_1716 = %while3A_1689) -> (i32)  : i32 {
        %mul3A_1717 = arith.constant 16 : i32
        %mul3A_1718 = arith.muli %while3A_1715, %mul3A_1717 : i32
        %get3A_1719 = arith.index_cast %mul3A_1718 : i32 to index
        %get3A_1720 = tpu.vector_load %arg9[%get3A_1719] {strides = array<i32>} : memref<8208xi32, #tpu.memory_space<vmem>>, vector<16xi32>,
        %mul3A_1721 = arith.constant 16 : i32
        %mul3A_1722 = arith.muli %while3A_1715, %mul3A_1721 : i32
        %get3A_1723 = arith.index_cast %mul3A_1722 : i32 to index
        %get3A_1724 = tpu.vector_load %arg10[%get3A_1723] {strides = array<i32>} : memref<8208xi32, #tpu.memory_space<vmem>>, vector<16xi32>,
        %shift_right_arithmetic3A_1725 = arith.constant 30 : i32
        %shift_right_arithmetic3A_1726 = vector.broadcast %shift_right_arithmetic3A_1725 : i32 to vector<16xi32>
        %shift_right_arithmetic3A_1727 = arith.shrsi %get3A_1720, %shift_right_arithmetic3A_1726 : vector<16xi32>
        %and3A = arith.constant 31 : i32
        %and3A_1728 = vector.broadcast %and3A : i32 to vector<16xi32>
        %and3A_1729 = arith.andi %shift_right_arithmetic3A_1727, %and3A_1728 : vector<16xi32>
        %broadcast_in_dim3A_1730 = arith.constant true
        %broadcast_in_dim3A_1731 = vector.broadcast %broadcast_in_dim3A_1730 : i1 to vector<16xi1>
        %unique3A, %unique3A_1732 = tpu.scan_count mask(%broadcast_in_dim3A_1731 : vector<16xi1>) value(%and3A_1729 : vector<16xi32>) : vector<16xi1>, vector<16xi32>
        %gather3A = tpu.vector_load_idx %arg6[%and3A_1729] : memref<4096xi32, #tpu.memory_space<vmem>>[vector<16xi32>], vector<16xi32>,
        %add3A_1733 = arith.addi %gather3A, %unique3A_1732 : vector<16xi32>
        %sub3A_1734 = arith.constant 1 : i32
        %sub3A_1735 = vector.broadcast %sub3A_1734 : i32 to vector<16xi32>
        %sub3A_1736 = arith.subi %add3A_1733, %sub3A_1735 : vector<16xi32>
        tpu.vector_store_idx %arg11[%sub3A_1736], %get3A_1720 : memref<8208xi32, #tpu.memory_space<vmem>>[vector<16xi32>], vector<16xi32>,
        tpu.vector_store_idx %arg12[%sub3A_1736], %get3A_1724 : memref<8208xi32, #tpu.memory_space<vmem>>[vector<16xi32>], vector<16xi32>,
        tpu.vector_store_idx %arg6[%and3A_1729], %unique3A_1732 masked %unique3A {add = true} : memref<4096xi32, #tpu.memory_space<vmem>>[vector<16xi32>], vector<16xi32>, vector<16xi1>
        %while3A_1737 = arith.constant 0 : i32
        scf.yield %while3A_1737 : i32
      }
      %while3A_1698 = arith.constant 1 : i32
      %while3A_1699 = scf.for %while3A_1715 = %while3A_1695 to %while3A_1691 step %while3A_1698 iter_args(%while3A_1716 = %while3A_1697) -> (i32)  : i32 {
        %mul3A_1717 = arith.constant 16 : i32
        %mul3A_1718 = arith.muli %while3A_1715, %mul3A_1717 : i32
        %get3A_1719 = arith.index_cast %mul3A_1718 : i32 to index
        %get3A_1720 = tpu.vector_load %arg9[%get3A_1719] {strides = array<i32>} : memref<8208xi32, #tpu.memory_space<vmem>>, vector<16xi32>,
        %mul3A_1721 = arith.constant 16 : i32
        %mul3A_1722 = arith.muli %while3A_1715, %mul3A_1721 : i32
        %get3A_1723 = arith.index_cast %mul3A_1722 : i32 to index
        %get3A_1724 = tpu.vector_load %arg10[%get3A_1723] {strides = array<i32>} : memref<8208xi32, #tpu.memory_space<vmem>>, vector<16xi32>,
        %shift_right_arithmetic3A_1725 = arith.constant 30 : i32
        %shift_right_arithmetic3A_1726 = vector.broadcast %shift_right_arithmetic3A_1725 : i32 to vector<16xi32>
        %shift_right_arithmetic3A_1727 = arith.shrsi %get3A_1720, %shift_right_arithmetic3A_1726 : vector<16xi32>
        %and3A = arith.constant 31 : i32
        %and3A_1728 = vector.broadcast %and3A : i32 to vector<16xi32>
        %and3A_1729 = arith.andi %shift_right_arithmetic3A_1727, %and3A_1728 : vector<16xi32>
        %broadcast_in_dim3A_1730 = arith.constant true
        %broadcast_in_dim3A_1731 = vector.broadcast %broadcast_in_dim3A_1730 : i1 to vector<16xi1>
        %unique3A, %unique3A_1732 = tpu.scan_count mask(%broadcast_in_dim3A_1731 : vector<16xi1>) value(%and3A_1729 : vector<16xi32>) : vector<16xi1>, vector<16xi32>
        %gather3A = tpu.vector_load_idx %arg6[%and3A_1729] : memref<4096xi32, #tpu.memory_space<vmem>>[vector<16xi32>], vector<16xi32>,
        %add3A_1733 = arith.addi %gather3A, %unique3A_1732 : vector<16xi32>
        %sub3A_1734 = arith.constant 1 : i32
        %sub3A_1735 = vector.broadcast %sub3A_1734 : i32 to vector<16xi32>
        %sub3A_1736 = arith.subi %add3A_1733, %sub3A_1735 : vector<16xi32>
        tpu.vector_store_idx %arg11[%sub3A_1736], %get3A_1720 : memref<8208xi32, #tpu.memory_space<vmem>>[vector<16xi32>], vector<16xi32>,
        tpu.vector_store_idx %arg12[%sub3A_1736], %get3A_1724 : memref<8208xi32, #tpu.memory_space<vmem>>[vector<16xi32>], vector<16xi32>,
        tpu.vector_store_idx %arg6[%and3A_1729], %unique3A_1732 masked %unique3A {add = true} : memref<4096xi32, #tpu.memory_space<vmem>>[vector<16xi32>], vector<16xi32>, vector<16xi1>
        %while3A_1737 = arith.constant 0 : i32
        scf.yield %while3A_1737 : i32
      }
      %ge3A_1700 = arith.constant 2 : i32
      %ge3A_1701 = arith.cmpi sge, %add3A_876, %ge3A_1700 : i32
      %convert_element_type3A_1702 = arith.extui %ge3A_1701 : i1 to i32
      %cond3A_1703 = arith.constant 0 : i32
      %cond3A_1704 = arith.cmpi ne, %convert_element_type3A_1702, %cond3A_1703 : i32
      scf.if %cond3A_1704 {
        %sub3A_1715 = arith.constant 2 : i32
        %sub3A_1716 = arith.subi %add3A_877, %sub3A_1715 : i32
        %dma_wait3A_1717 = arith.constant 0 : i32
        %dma_wait3A_1718 = tpu.memref_slice %arg3[%sub3A_1716, %dma_wait3A_1717] : memref<1024x512xf32, #tpu.memory_space<hbm>> -> memref<1x512xf32, #tpu.memory_space<hbm>>
        %dma_wait3A_1719 = tpu.memref_squeeze %dma_wait3A_1718 : memref<1x512xf32, #tpu.memory_space<hbm>> -> memref<512xf32, #tpu.memory_space<hbm>>
        %dma_wait3A_1720 = arith.constant 0 : i32
        %dma_wait3A_1721 = tpu.memref_slice %arg3[%sub3A_1716, %dma_wait3A_1720] : memref<1024x512xf32, #tpu.memory_space<hbm>> -> memref<1x512xf32, #tpu.memory_space<hbm>>
        %dma_wait3A_1722 = tpu.memref_squeeze %dma_wait3A_1721 : memref<1x512xf32, #tpu.memory_space<hbm>> -> memref<512xf32, #tpu.memory_space<hbm>>
        tpu.wait_dma2 semaphore(%arg18 : memref<!tpu.dma_semaphore, #tpu.memory_space<semaphore_mem>>) src(%arg14 : memref<512xf32, #tpu.memory_space<vmem>>) dst(%dma_wait3A_1722 : memref<512xf32, #tpu.memory_space<hbm>>)
      } else {
      }
      %parallel_loop3A_1705 = arith.constant 0 : i32
      %parallel_loop3A_1706 = arith.constant 16 : i32
      %parallel_loop3A_1707 = arith.constant 1 : i32
      scf.for %parallel_loop3A_1715 = %parallel_loop3A_1705 to %parallel_loop3A_1706 step %parallel_loop3A_1707  : i32 {
        %parallel_loop3A_1716 = arith.constant 16 : i32
        %parallel_loop3A_1717 = arith.muli %parallel_loop3A_1715, %parallel_loop3A_1716 : i32
        %parallel_loop3A_1718 = vector.broadcast %parallel_loop3A_1717 : i32 to vector<16xi32>
        %parallel_loop3A_1719 = arith.addi %parallel_loop3A_1718, %iota3A : vector<16xi32>
        %parallel_loop3A_1720 = arith.constant 16 : i32
        %parallel_loop3A_1721 = arith.muli %parallel_loop3A_1715, %parallel_loop3A_1720 : i32
        %parallel_loop3A_1722 = arith.index_cast %parallel_loop3A_1721 : i32 to index
        %parallel_loop3A_1723 = tpu.vector_load %arg12[%parallel_loop3A_1722] {strides = array<i32>} : memref<8208xi32, #tpu.memory_space<vmem>>, vector<16xi32>,
        %parallel_loop3A_1724 = arith.constant 2 : i32
        %parallel_loop3A_1725 = vector.broadcast %parallel_loop3A_1724 : i32 to vector<16xi32>
        %parallel_loop3A_1726 = arith.muli %parallel_loop3A_1723, %parallel_loop3A_1725 : vector<16xi32>
        %parallel_loop3A_1727 = arith.constant 16384 : i32
        %parallel_loop3A_1728 = tpu.memref_slice %arg4[%parallel_loop3A_1727] : memref<32768xf32, #tpu.memory_space<vmem>> -> memref<16384xf32, #tpu.memory_space<vmem>>
        %parallel_loop3A_1729 = tpu.vector_load_idx %parallel_loop3A_1728[%parallel_loop3A_1726] : memref<16384xf32, #tpu.memory_space<vmem>>[vector<16xi32>], vector<16xf32>,
        %parallel_loop3A_1730 = arith.constant 1 : i32
        %parallel_loop3A_1731 = vector.broadcast %parallel_loop3A_1730 : i32 to vector<16xi32>
        %parallel_loop3A_1732 = arith.addi %parallel_loop3A_1726, %parallel_loop3A_1731 : vector<16xi32>
        %parallel_loop3A_1733 = arith.constant 16384 : i32
        %parallel_loop3A_1734 = tpu.memref_slice %arg4[%parallel_loop3A_1733] : memref<32768xf32, #tpu.memory_space<vmem>> -> memref<16384xf32, #tpu.memory_space<vmem>>
        %parallel_loop3A_1735 = tpu.vector_load_idx %parallel_loop3A_1734[%parallel_loop3A_1732] : memref<16384xf32, #tpu.memory_space<vmem>>[vector<16xi32>], vector<16xf32>,
        %parallel_loop3A_1736 = arith.constant 2 : i32
        %parallel_loop3A_1737 = vector.broadcast %parallel_loop3A_1736 : i32 to vector<16xi32>
        %parallel_loop3A_1738 = arith.muli %parallel_loop3A_1737, %parallel_loop3A_1719 : vector<16xi32>
        tpu.vector_store_idx %arg14[%parallel_loop3A_1738], %parallel_loop3A_1729 : memref<512xf32, #tpu.memory_space<vmem>>[vector<16xi32>], vector<16xf32>,
        %parallel_loop3A_1739 = arith.constant 2 : i32
        %parallel_loop3A_1740 = vector.broadcast %parallel_loop3A_1739 : i32 to vector<16xi32>
        %parallel_loop3A_1741 = arith.muli %parallel_loop3A_1740, %parallel_loop3A_1719 : vector<16xi32>
        %parallel_loop3A_1742 = arith.constant 1 : i32
        %parallel_loop3A_1743 = vector.broadcast %parallel_loop3A_1742 : i32 to vector<16xi32>
        %parallel_loop3A_1744 = arith.addi %parallel_loop3A_1741, %parallel_loop3A_1743 : vector<16xi32>
        tpu.vector_store_idx %arg14[%parallel_loop3A_1744], %parallel_loop3A_1735 : memref<512xf32, #tpu.memory_space<vmem>>[vector<16xi32>], vector<16xf32>,
      } {sc.loop_unroll_factor = 4 : i64, sc.parallel_access}
      %dma_start3A_1708 = arith.constant 0 : i32
      %dma_start3A_1709 = tpu.memref_slice %arg3[%add3A_877, %dma_start3A_1708] : memref<1024x512xf32, #tpu.memory_space<hbm>> -> memref<1x512xf32, #tpu.memory_space<hbm>>
      %dma_start3A_1710 = tpu.memref_squeeze %dma_start3A_1709 : memref<1x512xf32, #tpu.memory_space<hbm>> -> memref<512xf32, #tpu.memory_space<hbm>>
      %dma_start3A_1711 = arith.constant 0 : i32
      %dma_start3A_1712 = tpu.memref_slice %arg3[%add3A_877, %dma_start3A_1711] : memref<1024x512xf32, #tpu.memory_space<hbm>> -> memref<1x512xf32, #tpu.memory_space<hbm>>
      %dma_start3A_1713 = tpu.memref_squeeze %dma_start3A_1712 : memref<1x512xf32, #tpu.memory_space<hbm>> -> memref<512xf32, #tpu.memory_space<hbm>>
      tpu.enqueue_dma source(%arg14 : memref<512xf32, #tpu.memory_space<vmem>>) target(%dma_start3A_1713 : memref<512xf32, #tpu.memory_space<hbm>>) target_semaphore(%arg18 : memref<!tpu.dma_semaphore, #tpu.memory_space<semaphore_mem>>)
      %scan3A_1714 = arith.constant 0 : i32
      scf.yield %scan3A_1714 : i32
    }
    %scan3A_22 = arith.constant 16 : i32
    %add3A_23 = arith.constant 32 : i32
    %add3A_24 = arith.addi %mul3A_2, %add3A_23 : i32
    %sub3A = arith.constant 2 : i32
    %sub3A_25 = arith.subi %add3A_24, %sub3A : i32
    %add3A_26 = arith.constant 0 : i32
    %add3A_27 = arith.addi %sub3A_25, %add3A_26 : i32
    %dma_wait3A = arith.constant 0 : i32
    %dma_wait3A_28 = tpu.memref_slice %arg3[%add3A_27, %dma_wait3A] : memref<1024x512xf32, #tpu.memory_space<hbm>> -> memref<1x512xf32, #tpu.memory_space<hbm>>
    %dma_wait3A_29 = tpu.memref_squeeze %dma_wait3A_28 : memref<1x512xf32, #tpu.memory_space<hbm>> -> memref<512xf32, #tpu.memory_space<hbm>>
    %dma_wait3A_30 = arith.constant 0 : i32
    %dma_wait3A_31 = tpu.memref_slice %arg3[%add3A_27, %dma_wait3A_30] : memref<1024x512xf32, #tpu.memory_space<hbm>> -> memref<1x512xf32, #tpu.memory_space<hbm>>
    %dma_wait3A_32 = tpu.memref_squeeze %dma_wait3A_31 : memref<1x512xf32, #tpu.memory_space<hbm>> -> memref<512xf32, #tpu.memory_space<hbm>>
    tpu.wait_dma2 semaphore(%arg17 : memref<!tpu.dma_semaphore, #tpu.memory_space<semaphore_mem>>) src(%arg13 : memref<512xf32, #tpu.memory_space<vmem>>) dst(%dma_wait3A_32 : memref<512xf32, #tpu.memory_space<hbm>>)
    %add3A_33 = arith.constant 32 : i32
    %add3A_34 = arith.addi %mul3A_2, %add3A_33 : i32
    %sub3A_35 = arith.constant 2 : i32
    %sub3A_36 = arith.subi %add3A_34, %sub3A_35 : i32
    %add3A_37 = arith.constant 1 : i32
    %add3A_38 = arith.addi %sub3A_36, %add3A_37 : i32
    %dma_wait3A_39 = arith.constant 0 : i32
    %dma_wait3A_40 = tpu.memref_slice %arg3[%add3A_38, %dma_wait3A_39] : memref<1024x512xf32, #tpu.memory_space<hbm>> -> memref<1x512xf32, #tpu.memory_space<hbm>>
    %dma_wait3A_41 = tpu.memref_squeeze %dma_wait3A_40 : memref<1x512xf32, #tpu.memory_space<hbm>> -> memref<512xf32, #tpu.memory_space<hbm>>
    %dma_wait3A_42 = arith.constant 0 : i32
    %dma_wait3A_43 = tpu.memref_slice %arg3[%add3A_38, %dma_wait3A_42] : memref<1024x512xf32, #tpu.memory_space<hbm>> -> memref<1x512xf32, #tpu.memory_space<hbm>>
    %dma_wait3A_44 = tpu.memref_squeeze %dma_wait3A_43 : memref<1x512xf32, #tpu.memory_space<hbm>> -> memref<512xf32, #tpu.memory_space<hbm>>
    tpu.wait_dma2 semaphore(%arg18 : memref<!tpu.dma_semaphore, #tpu.memory_space<semaphore_mem>>) src(%arg14 : memref<512xf32, #tpu.memory_space<vmem>>) dst(%dma_wait3A_44 : memref<512xf32, #tpu.memory_space<hbm>>)
    return
  }
}

</mosaic_0001>

<sc_bundles>
// kernel: kernel.3.cloned.1.call-start
scs
__scs_entry_jumppad:
0x0: {  	(pc) =	sbr.rel $0x88, $3  }
0x1: {  	(tag) =	ssettag $0x0;
	lr =	simm.s32 $0x1  }
0x2: {  	[smem:$0x3FA0] =	sst lr;
	_ =	strace $0xD0000000  }
0x3: {  	_ = 	snop  }
0x4: {  	_ = 	snop  }
0x5: {  	_ = 	snop  }
0x6: {  	_ = 	snop  }
0x7: {  	_ = 	snop  }
__scs_overlays_trampoline_lowered:
0x8: {  	[smem:$0x3FAF] =	sst s0  }
0x9: {  	[smem:$0x3FB0] =	sst s1  }
0xa: {  	[smem:$0x3FB1] =	sst s2  }
0xb: {  	[smem:$0x3FB2] =	sst s3  }
0xc: {  	[smem:$0x3FB3] =	sst s4  }
0xd: {  	[smem:$0x3FB4] =	sst s5  }
0xe: {  	[smem:$0x3FB5] =	sst s6  }
0xf: {  	[smem:$0x3FB6] =	sst s7  }
0x10: {  	[smem:$0x3FB7] =	sst s8  }
0x11: {  	[smem:$0x3FB8] =	sst s9;
	s0 =	simm.s32 @!p0 $0x0  }
0x12: {  	s1 =	sld [smem:$0x3F9E];
	s0 =	simm.s32 @p0 $0x1  }
0x13: {  	[smem:$0x3FB9] =	sst s0;
	s0 =	simm.s32 @!p1 $0x0  }
0x14: {  	s2 =	sld [smem:$0x3F9D];
	s0 =	simm.s32 @p1 $0x1  }
0x15: {  	[smem:$0x3FBA] =	sst s0;
	s0 =	simm.s32 @!p2 $0x0  }
0x16: {  	s3 =	sld [smem:$0x3FDB];
	s0 =	simm.s32 @p2 $0x1  }
0x17: {  	s4 =	simm.s32 $0x1BF5;
	[smem:$0x3FBC] =	sst s0  }
0x18: {  	s0 =	sld [smem:$0x3F9F];
	_ =	swait.ge [sflag:s4], $0x0  }
0x19: {  	s7 =	sld [smem:$0x3FA0]  }
0x1a: {  	s8 =	sadd.s32 $0xFFFFE003, lr  }
0x1b: {  	s9 =	sadd.s32 $0xFFFFFEF7, lr;
	s5 =	simm.s32 $0xFFFFFFFF;
	p2 =	slt.u32 s8, $0xFFFFF086  }
0x1c: {  	p1 =	slt.u32 s9, $0xF7A;
	s5 =	simm.s32 @!p2 $0x0  }
0x1d: {  	s5 =	simm.s32 @p1 $0x1;
	p0 =	seq.s32 s7, s2  }
0x1e: {  	s7 =	smul.u32 @!p0 $0xF7A, s2;
	p2 =	seq.s32 @!p0 s5, $0x0  }
0x1f: {  	s9 =	smul.u32 $0xF7A, s1;
	s8 =	simm.s32 @!p0 $0x1BF5;
	p2 =	por !p2, p0  }
0x20: {  	[sflag:s8] =	ssyncset.s32 @!p0 $0xFFFFF086;
	s6 =	sadd.s32 @!p0 s3, s7;
	s7 =	simm.s32 @!p0 $0x108  }
0x21: {  	s3 =	sadd.s32 s3, s9;
	s6 =	sadd.s32 @!p0 $0x88, s6;
	s7 =	simm.s32 @p2 $0x1082  }
0x22: {  	[simem:s7], [sflag:s8] =	dma.local @!p0 [hbm:s6], $0xF7A  }
0x23: {  	s9 =	sor.u32 $0xD0000000, s2;
	s6 =	simm.s32 $0x108;
	_ =	swait.ge @!p0 [sflag:s8], $0x0  }
0x24: {  	s3 =	sadd.s32 $0x88, s3;
	s6 =	simm.s32 @!p1 $0x1082;
	[sflag:s4] =	ssyncset.s32 $0xFFFFF086  }
0x25: {  	[simem:s6], [sflag:s4] =	dma.local [hbm:s3], $0xF7A  }
0x26: {  	[smem:$0x3FA0] =	sst s1;
	(tag) =	ssettag s2;
	_ =	strace s9  }
0x27: {  	s1 =	sld [smem:$0x3FB0]  }
0x28: {  	s2 =	sld [smem:$0x3FB1]  }
0x29: {  	s4 =	sld [smem:$0x3FB3]  }
0x2a: {  	p0 =	seq.s32 s5, $0x0;
	s5 =	sld [smem:$0x3FB4]  }
0x2b: {  	s6 =	sld [smem:$0x3FB5]  }
0x2c: {  	s7 =	sld [smem:$0x3FB6]  }
0x2d: {  	s3 =	simm.s32 $0x108;
	s8 =	sld [smem:$0x3FB7]  }
0x2e: {  	s3 =	simm.s32 @!p0 $0x1082;
	s9 =	sld [smem:$0x3FB8]  }
0x2f: {  	lr =	sadd.s32 s0, s3;
	s0 =	sld [smem:$0x3FAF]  }
0x30: {  	s3 =	sld [smem:$0x3FB2]  }
0x31: {  	[smem:$0x3FBB] =	sst s10  }
0x32: {  	s10 =	sld [smem:$0x3FB9];
	_ =	sdelay $0x3  }
0x33: {  	p0 =	seq.s32 s10, $0x1;
	s10 =	sld [smem:$0x3FBB];
	_ =	sdelay $0x3  }
0x34: {  	[smem:$0x3FBB] =	sst s10  }
0x35: {  	s10 =	sld [smem:$0x3FBA];
	_ =	sdelay $0x3  }
0x36: {  	p1 =	seq.s32 s10, $0x1;
	s10 =	sld [smem:$0x3FBB];
	_ =	sdelay $0x3  }
0x37: {  	[smem:$0x3FBB] =	sst s10  }
0x38: {  	s10 =	sld [smem:$0x3FBC]  }
0x39: {  	_ = 	snop;
	(pc) =	sbr.ind lr, $3  }
0x3a: {  	_ = 	snop  }
0x3b: {  	_ = 	snop  }
0x3c: {  	p2 =	seq.s32 s10, $0x1;
	s10 =	sld [smem:$0x3FBB]  }
0x3d: {  	_ =	shalt  }
0x3e: {  	_ =	shalt  }
0x3f: {  	_ =	shalt  }
0x40: {  	_ =	shalt  }
0x41: {  	_ =	shalt  }
0x42: {  	_ =	shalt  }
0x43: {  	_ =	shalt  }
0x44: {  	_ =	shalt  }
0x45: {  	_ =	shalt  }
0x46: {  	_ =	shalt  }
0x47: {  	_ =	shalt  }
0x48: {  	_ =	shalt  }
0x49: {  	_ =	shalt  }
0x4a: {  	_ =	shalt  }
0x4b: {  	_ =	shalt  }
0x4c: {  	_ =	shalt  }
0x4d: {  	_ =	shalt  }
0x4e: {  	_ =	shalt  }
0x4f: {  	_ =	shalt  }
0x50: {  	_ =	shalt  }
0x51: {  	_ =	shalt  }
0x52: {  	_ =	shalt  }
0x53: {  	_ =	shalt  }
0x54: {  	_ =	shalt  }
0x55: {  	_ =	shalt  }
0x56: {  	_ =	shalt  }
0x57: {  	_ =	shalt  }
0x58: {  	_ =	shalt  }
0x59: {  	_ =	shalt  }
0x5a: {  	_ =	shalt  }
0x5b: {  	_ =	shalt  }
0x5c: {  	_ =	shalt  }
0x5d: {  	_ =	shalt  }
0x5e: {  	_ =	shalt  }
0x5f: {  	_ =	shalt  }
0x60: {  	_ =	shalt  }
0x61: {  	_ =	shalt  }
0x62: {  	_ =	shalt  }
0x63: {  	_ =	shalt  }
0x64: {  	_ =	shalt  }
0x65: {  	_ =	shalt  }
0x66: {  	_ =	shalt  }
0x67: {  	_ =	shalt  }
0x68: {  	_ =	shalt  }
0x69: {  	_ =	shalt  }
0x6a: {  	_ =	shalt  }
0x6b: {  	_ =	shalt  }
0x6c: {  	_ =	shalt  }
0x6d: {  	_ =	shalt  }
0x6e: {  	_ =	shalt  }
0x6f: {  	_ =	shalt  }
0x70: {  	_ =	shalt  }
0x71: {  	_ =	shalt  }
0x72: {  	_ =	shalt  }
0x73: {  	_ =	shalt  }
0x74: {  	_ =	shalt  }
0x75: {  	_ =	shalt  }
0x76: {  	_ =	shalt  }
0x77: {  	_ =	shalt  }
0x78: {  	_ =	shalt  }
0x79: {  	_ =	shalt  }
0x7a: {  	_ =	shalt  }
0x7b: {  	_ =	shalt  }
0x7c: {  	_ =	shalt  }
0x7d: {  	_ =	shalt  }
0x7e: {  	_ =	shalt  }
0x7f: {  	_ =	shalt  }
0x80: {  	_ =	shalt  }
0x81: {  	_ =	shalt  }
0x82: {  	_ =	shalt  }
0x83: {  	_ =	shalt  }
0x84: {  	_ =	shalt  }
0x85: {  	_ =	shalt  }
0x86: {  	_ =	shalt  }
0x87: {  	_ =	shalt  }
.Lfunc_end0:
.L_simem_size_0:
called_computation_lowered:
.L_overlay_start_0:
0x88: {  	s2 =	sld [smem:$0x3FD9]  }
0x89: {  	s3 =	sld [smem:$0x3FFE];
	_ =	sdelay $0x1  }
0x8a: {  	s1 =	srdreg.scid  }
0x8b: {  	s0 =	sand.u32 $0x1, s1  }
0x8c: {  	s17 =	sshll.u32 s0, $0xA;
	s2 =	sadd.s32 s3, s2  }
0x8d: {  	s2 =	sadd.s32 s2, s17  }
0x8e: {  	[smem:$0x3FC7] =	sst s2  }
0x8f: {  	_ = 	snop  }
0x90: {  	s2 =	sld [smem:$0x3FD0];
	(tm) =	ssettm $0x1  }
0x91: {  	s18 =	sld [smem:$0x3FFB];
	_ =	sdelay $0x3  }
0x92: {  	_ =	strace s18  }
0x93: {  	s3 =	sld [smem:$0x3FFC];
	_ =	sdelay $0x3  }
0x94: {  	_ =	strace s3  }
0x95: {  	s3 =	sld [smem:$0x3FFD];
	_ =	sdelay $0x3  }
0x96: {  	_ =	strace s3  }
0x97: {  	_ =	strace $0x8FFFFFFF  }
0x98: {  	s19 =	sld [smem:$0x3FDB];
	_ =	sdelay $0x1  }
0x99: {  	s4 =	simm.s32 $_scs_section_size  }
0x9a: {  	s5 =	simm.s32 $_size__tile_overlayer_lowered;
	s6 =	simm.s32 $_tile_overlayer_lowered  }
0x9b: {  	s22 =	simm.s32 $0x1BFF;
	s21 =	sshll.u32 s6, $0x1;
	s3 =	sadd.s32 s4, s19  }
0x9c: {  	s7 =	simm.s32 $0x0;
	s20 =	sshll.u32 s5, $0x1;
	s5 =	sadd.s32 s21, s3  }
0x9d: {  	[timem:s7], [sflag:s22] =	dma.local [hbm:s5], s20  }
0x9e: {  	_ =	swait.ge [sflag:s22], s20  }
0x9f: {  	s4 =	ssub.s32 $0x0, s20;
	[sflag:s22] =	ssyncset.done $0x0  }
0xa0: {  	[sflag:s22] =	ssyncadd.s32 s4;
	_ =	sdelay $0x1  }
0xa1: {  	s23 =	simm.s32 $0x1B8B  }
0xa2: {  	_ =	swait.ge [sflag:s23], $0x1  }
0xa3: {  	[sflag:s23] =	ssyncset.done $0x0  }
0xa4: {  	s25 =	simm.s32 $0x1B8E;
	s24 =	sld [smem:$0x3FFE];
	[sflag:s23] =	ssyncadd.s32 $0xFFFFFFFF  }
0xa5: {  	s26 =	simm.s32 $execute0_lowered;
	[smem:$0x3FD2] =	sst s25  }
0xa6: {  	s5 =	sshll.u32 s26, $0x1;
	_ =	strace $0x80000046;
	[dreg:$0x1] =	wrdreg $0xFFFFFFFF  }
0xa7: {  	s28 =	simm.s32 $_size_execute0_lowered;
	s3 =	sadd.s32 s3, s5;
	[dreg:$0x0] =	wrdreg $0x0  }
0xa8: {  	s5 =	sshll.u32 s28, $0x1;
	[dreg:$0x2] =	wrdreg s3  }
0xa9: {  	[dreg:$0x3] =	wrdreg s5  }
0xaa: {  	[dreg:$0x4] =	wrdreg $0xC0  }
0xab: {  	_ =	task [dreg:s7], $0x5FFFF  }
0xac: {  	[dreg:$0x1] =	wrdreg $0xFFFFFFFF  }
0xad: {  	[dreg:$0x0] =	wrdreg $0x60  }
0xae: {  	[dreg:$0x2] =	wrdreg s24  }
0xaf: {  	[dreg:$0x3] =	wrdreg s2  }
0xb0: {  	[dreg:$0x4] =	wrdreg $0x9  }
0xb1: {  	_ =	task.clear_ibuf [dreg:s7], $0x5FFFF;
	_ =	strace $0x90000046  }
0xb2: {  	s29 =	simm.s32 $0x9;
	_ =	strace $0x80000048  }
0xb3: {  	_ =	swait.ge [sflag:s29], $0x1  }
0xb4: {  	[sflag:s29] =	ssyncadd.s32 $0xFFFFFFFF  }
0xb5: {  	_ =	strace $0x90000048  }
0xb6: {  	_ =	sfence  }
0xb7: {  	s30 =	sld [smem:$0x0];
	_ =	sdelay $0x2  }
0xb8: {  	s31 =	sshll.u32 s1, $0xD;
	s1 =	sshrl.u32 s1, $0x2  }
0xb9: {  	s3 =	sand.u32 $0x4000, s31;
	s1 =	sadd.s32 s1, s30  }
0xba: {  	s0 =	sor.u32 s3, s0;
	s1 =	sshll.u32 s1, $0x11  }
0xbb: {  	s0 =	sor.u32 s1, s0  }
0xbc: {  	s0 =	sadd.s32 $0x8F2B, s0  }
0xbd: {  	[sflag:s0] =	ssyncadd.remote.s32 $0x1  }
0xbe: {  	_ =	sfence.sel $0xFFFF  }
0xbf: {  	[dreg:$0x0] =	wrdreg $0xFFFFFFFF;
	(pc) =	sbr.abs _section_cstart, $3  }
0xc0: {  	[dreg:$0x1] =	wrdreg $0xFFFFFFFF  }
0xc1: {  	_ =	task.clear_ibuf [dreg:s7], $0x2FFFF;
	_ =	strace $0x9FFFFFFF  }
0xc2: {  	(tm) =	ssettm $0x7FFFFFFF  }
0xc3: {  	_ =	shalt  }
tec
execute0_lowered:
.L_overlay_start_1:
0x0: {  	(tag) =	ssettag $0x1  }
0x1: {  	s0 =	rddreg [dreg:$0x0]  }
0x2: {  	s20 =	rddreg [dreg:$0x1]  }
0x3: {  	s1 =	srdreg.scid;
	s2 =	stileid.u32  }
0x4: {  	s3 =	simm.s32 $0x0;
	s8 =	simm.s32 $0x80;
	s9 =	simm.s32 $0x400  }
0x5: {  	s11 =	simm.s32 $0x4000;
	s12 =	simm.s32 $0xA000;
	s13 =	simm.s32 $0xB000  }
0x6: {  	s14 =	simm.s32 $0xB200;
	s15 =	simm.s32 $0xB400;
	s16 =	simm.s32 $0xD480  }
0x7: {  	s17 =	simm.s32 $0xF500;
	s18 =	simm.s32 $0x11580;
	s1 =	sand.u32 $0x1, s1  }
0x8: {  	s19 =	simm.s32 $0x13600;
	s4 =	sshll.u32 s2, $0x6;
	s5 =	sshll.u32 s1, $0x5  }
.Ltmp0:
0x9: {  	v0 =	vlaneseq.u32;
	s1 =	ssub.s32 $0x2, s1;
	s4 =	sor.u32 s5, s4;
	(pc) =	sbr.rel .LBB2_1-.Ltmp0, $4  }
0xa: {  	v1 =	vimm.s32 $0x0;
	v6 =	vimm.s32 $0x1;
	v2 =	vmul.u32 $0xFFFFFFFF, v0;
	s5 =	sadd.s32 $0x400, s0;
	s30 =	sshrl.u32 s1, $0x1;
	s6 =	sshll.u32 s4, $0xB  }
0xb: {  	[smem:$0x7FF] =	sst s3;
	v3 =	vmul.u32 $0x2, v0;
	v4 =	vor.u32 $0x80000000, v0;
	v7 =	vor.u32 $0x80000020, v0;
	s0 =	ssub.s32 s1, s30;
	s31 =	sadd.s32 s5, s6  }
0xc: {  	v5 =	vor.u32 $0x80000010, v0;
	v8 =	vor.u32 $0x80000030, v0;
	v9 =	vor.u32 $0x10, v0;
	_ =	strace $0x80000047;
	s0 =	smax.u32 s0, $0x1;
	[dreg:$0x3] =	wrdreg s31  }
0xd: {  	s21 =	simm.s32 $0x13800;
	v10 =	vor.u32 $0x20, v0;
	v11 =	vor.u32 $0x30, v0;
	s2 =	simm.s32 $0x0;
	v2 =	vadd.s32 $0xF, v2;
	[dreg:$0x4] =	wrdreg s0  }
.LBB2_134:
0xe: {  	s0 =	simm.s32 $0x3  }
0xf: {  	_ =	swait.ge [sflag:s0], $0x200  }
0x10: {  	[sflag:s0] =	ssyncset.done $0x0  }
0x11: {  	s1 =	simm.s32 $0x4;
	[sflag:s0] =	ssyncadd.s32 $0xFFFFFE00  }
0x12: {  	_ =	swait.ge [sflag:s1], $0x200  }
0x13: {  	s2 =	rddreg [dreg:$0x5]  }
0x14: {  	s31 =	rddreg [dreg:$0x4];
	s2 =	sadd.s32 $0x1, s2  }
0x15: {  	p0 =	sne.s32 s2, s31  }
.Ltmp1:
0x16: {  	_ = 	snop;
	(pc) =	sbr.rel @!p0 .LBB2_135-.Ltmp1, $3  }
0x17: {  	_ =	sdelay $0x1  }
0x18: {  	[sflag:s1] =	ssyncset.done $0x0  }
0x19: {  	[sflag:s1] =	ssyncadd.s32 $0xFFFFFE00  }
.LBB2_1:
0x1a: {  	[dreg:$0x5] =	wrdreg s2  }
0x1b: {  	s0 =	rddreg [dreg:$0x3];
	s25 =	simm.s32 $0x0  }
0x1c: {  	[tilespmem:s3], [sflag:$0x1] =	stream.strided.gather [hbm4b:s0+s8], $0x4000, s9, s8, $0x38;
	[tilespmem:$0x13A00] =	vst v63  }
.LBB2_2:
0x1d: {  	s26 =	sshll.u32 s25, $0x1  }
0x1e: {  	s0 =	sshll.u32 s25, $0x5;
	s29 =	sor.u32 s4, s26  }
0x1f: {  	s2 =	simm.s32 $0x1;
	s28 =	sand.u32 $0x60, s0;
	s30 =	sshll.u32 s29, $0xB  }
0x20: {  	_ =	swait.ge [sflag:s2], $0x4000;
	s1 =	sadd.s32 s28, s5;
	s0 =	sand.u32 $0x1FC000, s30  }
0x21: {  	[sflag:s2] =	ssyncset.done $0x0;
	s0 =	sadd.s32 s0, s1  }
0x22: {  	[sflag:s2] =	ssyncadd.s32 $0xFFFFC000;
	s1 =	simm.s32 $0xA020;
	s0 =	sadd.s32 $0x10, s0  }
0x23: {  	[tilespmem:s11], [sflag:$0x2] =	stream.strided.gather [hbm4b:s0+s8], $0x4000, s9, s8, $0x38;
	[tilespmem:$0x13A00] =	vst v63  }
0x24: {  	[tilespmem:s1+$0xFFFFFFE0] =	vst v1  }
0x25: {  	[tilespmem:s1+$0x10] =	vst v1  }
0x26: {  	s6 =	simm.s32 $0x0;
	s31 =	simm.s32 $0x8040;
	s0 =	simm.s32 $0x70;
	[tilespmem:s1+$0x0] =	vst v1  }
.LBB2_3:
0x27: {  	s6 =	sadd.s32 $0x4, s6  }
0x28: {  	[tilespmem:s1+$0xFFFFFFF0] =	vst v1;
	s1 =	sadd.s32 $0x40, s1;
	p0 =	slt.u32 s6, $0xFC  }
.Ltmp2:
0x29: {  	[tilespmem:s1+$0xFFFFFFE0] =	vst v1;
	(pc) =	sbr.rel @p0 .LBB2_3-.Ltmp2, $3  }
0x2a: {  	_ =	sdelay $0x1  }
0x2b: {  	[tilespmem:s1+$0x10] =	vst v1  }
0x2c: {  	[tilespmem:s1+$0x0] =	vst v1  }
0x2d: {  	s6 =	simm.s32 $0x60  }
0x2e: {  	v12 =	vmov s6  }
0x2f: {  	v12 =	vshll.u32 v12, $0x1  }
0x30: {  	s24 =	simm.s32 $0x10;
	v12 =	vor.u32 v3, v12  }
0x31: {  	v14 =	vmov s24;
	v13 =	vor.u32 $0x1, v12  }
0x32: {  	v14 =	vshll.u32 v14, $0x1  }
0x33: {  	v14 =	vor.u32 v3, v14  }
0x34: {  	s2 =	simm.s32 $0x40;
	[tilespmem:s1+$0xFFFFFFF0] =	vst v1;
	s30 =	simm.s32 $0x0;
	v16 =	vor.u32 $0x1, v14  }
0x35: {  	v15 =	vmov s2;
	v12 =	vld.idx.msk [tilespmem:v12+s30+$0x0], $0xffff  }
0x36: {  	s24 =	simm.s32 $0xE0;
	v15 =	vshll.u32 v15, $0x1;
	v13 =	vld.idx.msk [tilespmem:v13+s30+$0x0], $0xffff  }
0x37: {  	v27 =	vmov s24;
	v15 =	vor.u32 v3, v15  }
0x38: {  	s10 =	simm.s32 $0x20;
	s6 =	simm.s32 $0x0;
	v27 =	vshll.u32 v27, $0x1;
	v17 =	vor.u32 $0x1, v15;
	v14 =	vld.idx.msk [tilespmem:v14+s30+$0x0], $0xffff  }
0x39: {  	s7 =	simm.s32 $0x50;
	v19 =	vmov s10;
	v18 =	vmov s6;
	v27 =	vor.u32 v3, v27;
	v16 =	vld.idx.msk [tilespmem:v16+s30+$0x0], $0xffff  }
0x3a: {  	v20 =	vmov s7;
	v18 =	vshll.u32 v18, $0x1;
	v30 =	vor.u32 $0x1, v27  }
0x3b: {  	v20 =	vshll.u32 v20, $0x1;
	v18 =	vor.u32 v3, v18;
	v12 =	vsub.f32 v13, v12  }
0x3c: {  	s23 =	simm.s32 $0x90;
	s10 =	simm.s32 $0xD0;
	v15 =	vld.idx.msk [tilespmem:v15+s30+$0x0], $0xffff;
	v13 =	vshll.u32 v19, $0x1;
	v19 =	vor.u32 v3, v20;
	v20 =	vor.u32 $0x1, v18  }
0x3d: {  	v25 =	vmov s23;
	v29 =	vmov s10;
	v17 =	vld.idx.msk [tilespmem:v17+s30+$0x0], $0xffff  }
0x3e: {  	s22 =	simm.s32 $0x30;
	v27 =	vld.idx.msk [tilespmem:v27+s30+$0x0], $0xffff;
	v16 =	vsub.f32 v16, v14;
	v23 =	vor.u32 $0x1, v19;
	v22 =	vshra.s32 v12, $0x1F  }
0x3f: {  	v30 =	vld.idx.msk [tilespmem:v30+s30+$0x0], $0xffff;
	v21 =	vor.u32 v3, v13;
	v13 =	vmov s22;
	v22 =	vor.u32 $0x80000000, v22  }
0x40: {  	s2 =	simm.s32 $0xA0;
	v13 =	vshll.u32 v13, $0x1;
	v24 =	vor.u32 $0x1, v21;
	v14 =	vxor.u32 v12, v22;
	v12 =	vld.idx.msk [tilespmem:v18+s30+$0x0], $0xffff  }
0x41: {  	v28 =	vmov s2;
	v29 =	vshll.u32 v29, $0x1;
	v13 =	vor.u32 v3, v13;
	v20 =	vld.idx.msk [tilespmem:v20+s30+$0x0], $0xffff  }
0x42: {  	v15 =	vsub.f32 v17, v15;
	v22 =	vor.u32 $0x1, v13;
	v18 =	vshrl.u32 v14, $0x16;
	v17 =	vld.idx.msk [tilespmem:v19+s30+$0x0], $0xffff  }
0x43: {  	v28 =	vshll.u32 v28, $0x1;
	v29 =	vor.u32 v3, v29;
	v18 =	vor.u32 $0x800, v18;
	v23 =	vld.idx.msk [tilespmem:v23+s30+$0x0], $0xffff  }
0x44: {  	v35 =	vor.u32 $0x1, v29;
	v27 =	vsub.f32 v30, v27;
	v19 =	vmov s0;
	v21 =	vld.idx.msk [tilespmem:v21+s30+$0x0], $0xffff  }
0x45: {  	s22 =	simm.s32 $0xB0;
	v32 =	vshra.s32 v15, $0x1F;
	[tilespmem:s31+$0x20] =	vst v14;
	v14 =	vshll.u32 v25, $0x1;
	v19 =	vshll.u32 v19, $0x1;
	v24 =	vld.idx.msk [tilespmem:v24+s30+$0x0], $0xffff  }
0x46: {  	v14 =	vor.u32 v3, v14;
	v19 =	vor.u32 v3, v19;
	v31 =	vld.idx.msk [tilespmem:v13+s30+$0x0], $0xffff;
	v13 =	vmov s22  }
0x47: {  	s23 =	simm.s32 $0x80;
	s24 =	simm.s32 $0xC0;
	v13 =	vshll.u32 v13, $0x1;
	v22 =	vld.idx.msk [tilespmem:v22+s30+$0x0], $0xffff;
	v20 =	vsub.f32 v20, v12;
	v12 =	vor.u32 v3, v28  }
0x48: {  	v25 =	vor.u32 v3, v13;
	v28 =	vmov s24;
	[tilespmem:v18+s12+$0x0] =	vst.idx.add.s32.msk $0xffff, v6;
	v18 =	vmov s23  }
0x49: {  	v17 =	vsub.f32 v23, v17;
	v23 =	vor.u32 $0x1, v14;
	v18 =	vshll.u32 v18, $0x1  }
0x4a: {  	v33 =	vor.u32 v3, v18;
	v18 =	vshll.u32 v28, $0x1;
	v28 =	vor.u32 $0x80000000, v32  }
0x4b: {  	v13 =	vor.u32 $0x1, v25;
	v62 =	vor.u32 v3, v18;
	v15 =	vxor.u32 v15, v28  }
0x4c: {  	v34 =	vld.idx.msk [tilespmem:v19+s30+$0x0], $0xffff;
	v28 =	vor.u32 $0x1, v19;
	v18 =	vshra.s32 v20, $0x1F;
	v22 =	vsub.f32 v22, v31  }
0x4d: {  	v21 =	vsub.f32 v24, v21;
	v36 =	vshra.s32 v17, $0x1F;
	v31 =	vld.idx.msk [tilespmem:v14+s30+$0x0], $0xffff;
	v18 =	vor.u32 $0x80000000, v18  }
0x4e: {  	v19 =	vor.u32 $0x1, v62;
	v14 =	vld.idx.msk [tilespmem:v25+s30+$0x0], $0xffff;
	v20 =	vxor.u32 v20, v18;
	v18 =	vshra.s32 v22, $0x1F  }
0x4f: {  	v39 =	vshrl.u32 v15, $0x16;
	v25 =	vor.u32 $0x80000000, v36;
	v38 =	vld.idx.msk [tilespmem:v23+s30+$0x0], $0xffff;
	v23 =	vor.u32 $0x80000000, v18  }
0x50: {  	v26 =	vshra.s32 v16, $0x1F;
	[tilespmem:s31+$0x0] =	vst v15;
	v15 =	vxor.u32 v22, v23;
	v23 =	vxor.u32 v17, v25;
	v17 =	vld.idx.msk [tilespmem:v33+s30+$0x0], $0xffff  }
0x51: {  	v37 =	vor.u32 $0x1, v33;
	v18 =	vor.u32 $0x1, v12;
	[tilespmem:s31+$0xFFFFFFC0] =	vst v20;
	v20 =	vshrl.u32 v20, $0x16;
	v28 =	vld.idx.msk [tilespmem:v28+s30+$0x0], $0xffff  }
0x52: {  	v24 =	vshrl.u32 v15, $0x16;
	v25 =	vshrl.u32 v23, $0x16;
	[tilespmem:s31+$0xFFFFFFF0] =	vst v15;
	v22 =	vld.idx.msk [tilespmem:v62+s30+$0x0], $0xffff;
	v15 =	vor.u32 $0x80000000, v26  }
0x53: {  	[tilespmem:s31+$0x10] =	vst v23;
	v63 =	vor.u32 $0xC00, v24;
	v24 =	vor.u32 $0x400, v25;
	v25 =	vld.idx.msk [tilespmem:v19+s30+$0x0], $0xffff;
	v19 =	vshra.s32 v21, $0x1F  }
0x54: {  	v23 =	vshra.s32 v27, $0x1F;
	v15 =	vxor.u32 v16, v15;
	[tilespmem:v39+s12+$0x0] =	vst.idx.add.s32.msk $0xffff, v6;
	v16 =	vor.u32 $0x80000000, v19  }
0x55: {  	v19 =	vld.idx.msk [tilespmem:v29+s30+$0x0], $0xffff;
	v29 =	vor.u32 $0x80000000, v23;
	[tilespmem:s31+$0xFFFFFFD0] =	vst v15;
	v30 =	vshrl.u32 v15, $0x16;
	v15 =	vsub.f32 v38, v31  }
0x56: {  	s0 =	simm.s32 $0x80C0;
	v23 =	vld.idx.msk [tilespmem:v37+s30+$0x0], $0xffff;
	v26 =	vxor.u32 v21, v16;
	v16 =	vxor.u32 v27, v29;
	v29 =	vsub.f32 v28, v34  }
0x57: {  	s1 =	simm.s32 $0x0;
	v21 =	vld.idx.msk [tilespmem:v35+s30+$0x0], $0xffff;
	[tilespmem:s0+$0x20] =	vst v16;
	v27 =	vshrl.u32 v16, $0x16;
	v16 =	vshra.s32 v15, $0x1F;
	v28 =	vor.u32 $0x400, v30  }
0x58: {  	s7 =	simm.s32 $0x170;
	s6 =	simm.s32 $0x8;
	s22 =	simm.s32 $0xF0;
	v30 =	vshrl.u32 v26, $0x16;
	v27 =	vor.u32 $0x800, v27;
	[tilespmem:v63+s12+$0x0] =	vst.idx.add.s32.msk $0xffff, v6;
	v31 =	vshra.s32 v29, $0x1F  }
.LBB2_5:
0x59: {  	s23 =	sadd.s32 $0xFFFFFFA0, s7;
	s24 =	sadd.s32 $0xFFFFFFB0, s7;
	s2 =	sadd.s32 $0xFFFFFFC0, s7;
	v22 =	vsub.f32 v25, v22;
	v25 =	vmov s22;
	[tilespmem:s31+$0xFFFFFFE0] =	vst v26;
	v26 =	vor.u32 $0x80000000, v31  }
0x5a: {  	s22 =	sadd.s32 $0xFFFFFFE0, s7;
	s6 =	sadd.s32 $0x8, s6;
	v31 =	vmov s23;
	v32 =	vmov s24;
	s23 =	sadd.s32 $0xFFFFFFF0, s7;
	[tilespmem:v24+s12+$0x0] =	vst.idx.add.s32.msk $0xffff, v6;
	v24 =	vxor.u32 v29, v26  }
0x5b: {  	v26 =	vmov s22;
	p0 =	slt.u32 s6, $0x1F8;
	s22 =	smov.u32 s7;
	v29 =	vmov s23;
	v33 =	vld.idx.msk [tilespmem:v18+s1+$0x0], $0xffff;
	v18 =	vor.u32 $0x800, v30;
	[tilespmem:s31+$0x30] =	vst v24;
	s31 =	smov.u32 s0  }
0x5c: {  	v26 =	vshll.u32 v26, $0x1;
	v24 =	vshrl.u32 v24, $0x16;
	v29 =	vshll.u32 v29, $0x1;
	[tilespmem:v28+s12+$0x0] =	vst.idx.add.s32.msk $0xffff, v6  }
0x5d: {  	v25 =	vshll.u32 v25, $0x1;
	v28 =	vshll.u32 v32, $0x1;
	v29 =	vor.u32 v3, v29;
	[tilespmem:v27+s12+$0x0] =	vst.idx.add.s32.msk $0xffff, v6  }
0x5e: {  	s23 =	sadd.s32 $0xFFFFFF90, s7;
	v17 =	vsub.f32 v23, v17;
	v26 =	vor.u32 v3, v26;
	v27 =	vor.u32 $0x1, v29;
	[tilespmem:v20+s12+$0x0] =	vst.idx.add.s32.msk $0xffff, v6  }
0x5f: {  	v23 =	vmov s2;
	v24 =	vor.u32 $0xC00, v24;
	v20 =	vor.u32 v3, v28;
	v28 =	vld.idx.msk [tilespmem:v13+s1+$0x0], $0xffff  }
0x60: {  	v25 =	vor.u32 v3, v25;
	v23 =	vshll.u32 v23, $0x1;
	v13 =	vshll.u32 v31, $0x1;
	[tilespmem:v18+s12+$0x0] =	vst.idx.add.s32.msk $0xffff, v6  }
0x61: {  	v19 =	vsub.f32 v21, v19;
	v23 =	vor.u32 v3, v23;
	v18 =	vor.u32 v3, v13;
	v30 =	vld.idx.msk [tilespmem:v12+s1+$0x0], $0xffff  }
0x62: {  	s2 =	sadd.s32 $0xFFFFFFD0, s7;
	v21 =	vmov s23;
	v13 =	vor.u32 $0x1, v23;
	v31 =	vor.u32 $0x1, v18;
	v12 =	vmovc v20;
	v29 =	vld.idx.msk [tilespmem:v29+s30+$0x0], $0xffff  }
0x63: {  	v32 =	vshra.s32 v22, $0x1F;
	v20 =	vshll.u32 v21, $0x1;
	v21 =	vmov s2;
	v27 =	vld.idx.msk [tilespmem:v27+s30+$0x0], $0xffff  }
0x64: {  	v32 =	vor.u32 $0x80000000, v32;
	v20 =	vor.u32 v3, v20;
	v21 =	vshll.u32 v21, $0x1;
	[tilespmem:v24+s12+$0x0] =	vst.idx.add.s32.msk $0xffff, v6  }
0x65: {  	v22 =	vxor.u32 v22, v32;
	v21 =	vor.u32 v3, v21;
	v24 =	vor.u32 $0x1, v25;
	v32 =	vld.idx.msk [tilespmem:v25+s1+$0x0], $0xffff  }
0x66: {  	v28 =	vsub.f32 v28, v14;
	v25 =	vor.u32 $0x1, v21;
	v34 =	vld.idx.msk [tilespmem:v18+s30+$0x0], $0xffff;
	v18 =	vshra.s32 v17, $0x1F;
	[tilespmem:s0+$0x0] =	vst v22  }
0x67: {  	v35 =	vor.u32 $0x1, v26;
	v36 =	vshra.s32 v19, $0x1F;
	v18 =	vor.u32 $0x80000000, v18  }
0x68: {  	v37 =	vor.u32 $0x1, v20;
	v14 =	vld.idx.msk [tilespmem:v23+s30+$0x0], $0xffff;
	v23 =	vxor.u32 v17, v18;
	v17 =	vshra.s32 v28, $0x1F  }
0x69: {  	v38 =	vshrl.u32 v22, $0x16;
	v22 =	vor.u32 $0x80000000, v36;
	v31 =	vld.idx.msk [tilespmem:v31+s30+$0x0], $0xffff;
	[tilespmem:s0+$0xFFFFFFC0] =	vst v23;
	v17 =	vor.u32 $0x80000000, v17  }
0x6a: {  	v19 =	vxor.u32 v19, v22;
	v18 =	vor.u32 $0x1, v12;
	v28 =	vxor.u32 v28, v17;
	v36 =	vld.idx.msk [tilespmem:v24+s1+$0x0], $0xffff;
	s1 =	smov.u32 s30  }
0x6b: {  	v30 =	vsub.f32 v33, v30;
	v24 =	vshrl.u32 v19, $0x16;
	v17 =	vld.idx.msk [tilespmem:v20+s1+$0x0], $0xffff;
	[tilespmem:s0+$0xFFFFFFF0] =	vst v28;
	v20 =	vshrl.u32 v28, $0x16  }
0x6c: {  	v24 =	vor.u32 $0x400, v24;
	v22 =	vld.idx.msk [tilespmem:v21+s1+$0x0], $0xffff;
	v21 =	vsub.f32 v27, v29;
	v33 =	vor.u32 $0xC00, v20;
	[tilespmem:s0+$0x10] =	vst v19  }
0x6d: {  	v16 =	vor.u32 $0x80000000, v16;
	v20 =	vshrl.u32 v23, $0x16;
	v19 =	vshra.s32 v30, $0x1F;
	v25 =	vld.idx.msk [tilespmem:v25+s1+$0x0], $0xffff  }
.Ltmp3:
0x6e: {  	v15 =	vxor.u32 v15, v16;
	v16 =	vor.u32 $0x80000000, v19;
	v23 =	vshra.s32 v21, $0x1F;
	[tilespmem:v38+s12+$0x0] =	vst.idx.add.s32.msk $0xffff, v6;
	(pc) =	sbr.rel @p0 .LBB2_5-.Ltmp3, $4  }
0x6f: {  	v28 =	vshrl.u32 v15, $0x16;
	v19 =	vld.idx.msk [tilespmem:v26+s1+$0x0], $0xffff;
	v27 =	vor.u32 $0x80000000, v23;
	[tilespmem:s0+$0xFFFFFFD0] =	vst v15;
	v26 =	vxor.u32 v30, v16  }
0x70: {  	v15 =	vsub.f32 v31, v34;
	v29 =	vsub.f32 v36, v32;
	s0 =	sadd.s32 $0x80, s0;
	v23 =	vld.idx.msk [tilespmem:v37+s1+$0x0], $0xffff;
	v16 =	vxor.u32 v21, v27  }
0x71: {  	v28 =	vor.u32 $0x400, v28;
	v30 =	vshrl.u32 v26, $0x16;
	v21 =	vld.idx.msk [tilespmem:v35+s1+$0x0], $0xffff;
	[tilespmem:s0+$0x20] =	vst v16;
	v27 =	vshrl.u32 v16, $0x16  }
0x72: {  	s7 =	sadd.s32 $0x80, s7;
	v16 =	vshra.s32 v15, $0x1F;
	v31 =	vshra.s32 v29, $0x1F;
	v27 =	vor.u32 $0x800, v27;
	[tilespmem:v33+s12+$0x0] =	vst.idx.add.s32.msk $0xffff, v6  }
0x73: {  	_ =	sdelay $0x3  }
0x74: {  	[tilespmem:v24+s12+$0x0] =	vst.idx.add.s32.msk $0xffff, v6;
	v59 =	vmov s22  }
0x75: {  	v13 =	vld.idx.msk [tilespmem:v13+s1+$0x0], $0xffff;
	v24 =	vshll.u32 v59, $0x1  }
0x76: {  	v31 =	vor.u32 $0x80000000, v31;
	v18 =	vld.idx.msk [tilespmem:v18+s1+$0x0], $0xffff;
	v24 =	vor.u32 v3, v24  }
0x77: {  	[tilespmem:v28+s12+$0x0] =	vst.idx.add.s32.msk $0xffff, v6;
	v29 =	vxor.u32 v29, v31;
	v60 =	vor.u32 $0x1, v24  }
0x78: {  	[tilespmem:v27+s12+$0x0] =	vst.idx.add.s32.msk $0xffff, v6;
	v31 =	vshrl.u32 v29, $0x16  }
0x79: {  	v22 =	vsub.f32 v25, v22;
	[tilespmem:v20+s12+$0x0] =	vst.idx.add.s32.msk $0xffff, v6;
	v20 =	vor.u32 $0xC00, v31  }
0x7a: {  	v30 =	vor.u32 $0x800, v30;
	v12 =	vld.idx.msk [tilespmem:v12+s1+$0x0], $0xffff;
	v16 =	vor.u32 $0x80000000, v16;
	v17 =	vsub.f32 v23, v17  }
0x7b: {  	[tilespmem:s31+$0xFFFFFFE0] =	vst v26;
	v13 =	vsub.f32 v13, v14;
	v14 =	vsub.f32 v21, v19;
	v19 =	vshra.s32 v22, $0x1F;
	v21 =	vld.idx.msk [tilespmem:v24+s1+$0x0], $0xffff  }
0x7c: {  	v15 =	vxor.u32 v15, v16;
	[tilespmem:s31+$0x30] =	vst v29;
	v19 =	vor.u32 $0x80000000, v19;
	v62 =	vld.idx.msk [tilespmem:v60+s1+$0x0], $0xffff  }
0x7d: {  	[tilespmem:s0+$0xFFFFFFD0] =	vst v15;
	v23 =	vshra.s32 v17, $0x1F;
	v61 =	vshra.s32 v13, $0x1F;
	v19 =	vxor.u32 v22, v19  }
0x7e: {  	v22 =	vor.u32 $0x80000000, v23;
	v23 =	vor.u32 $0x80000000, v61;
	[tilespmem:v20+s12+$0x0] =	vst.idx.add.s32.msk $0xffff, v6;
	v20 =	vshra.s32 v14, $0x1F  }
0x7f: {  	v63 =	vshrl.u32 v19, $0x16;
	[tilespmem:s0+$0x0] =	vst v19;
	v13 =	vxor.u32 v13, v23;
	v19 =	vor.u32 $0x80000000, v20  }
0x80: {  	[tilespmem:v30+s12+$0x0] =	vst.idx.add.s32.msk $0xffff, v6;
	v12 =	vsub.f32 v18, v12;
	v20 =	vshrl.u32 v13, $0x16;
	v14 =	vxor.u32 v14, v19  }
0x81: {  	[tilespmem:s0+$0xFFFFFFF0] =	vst v13;
	v18 =	vor.u32 $0xC00, v20;
	v13 =	vshrl.u32 v14, $0x16;
	v19 =	vsub.f32 v62, v21  }
0x82: {  	v17 =	vxor.u32 v17, v22;
	[tilespmem:s0+$0x10] =	vst v14;
	v14 =	vshra.s32 v12, $0x1F;
	v13 =	vor.u32 $0x400, v13  }
0x83: {  	v16 =	vshrl.u32 v15, $0x16;
	[tilespmem:s0+$0xFFFFFFC0] =	vst v17;
	v14 =	vor.u32 $0x80000000, v14;
	v20 =	vshra.s32 v19, $0x1F  }
0x84: {  	[tilespmem:v63+s12+$0x0] =	vst.idx.add.s32.msk $0xffff, v6;
	v12 =	vxor.u32 v12, v14;
	v14 =	vor.u32 $0x400, v16;
	v15 =	vor.u32 $0x80000000, v20  }
0x85: {  	v16 =	vshrl.u32 v17, $0x16;
	v17 =	vshrl.u32 v12, $0x16;
	[tilespmem:s0+$0xFFFFFFE0] =	vst v12;
	v15 =	vxor.u32 v19, v15  }
0x86: {  	v12 =	vor.u32 $0x800, v17;
	[tilespmem:v18+s12+$0x0] =	vst.idx.add.s32.msk $0xffff, v6;
	v17 =	vshrl.u32 v15, $0x16  }
0x87: {  	[tilespmem:v13+s12+$0x0] =	vst.idx.add.s32.msk $0xffff, v6;
	v13 =	vor.u32 $0xC00, v17  }
0x88: {  	[tilespmem:s0+$0x30] =	vst v15  }
0x89: {  	[tilespmem:v14+s12+$0x0] =	vst.idx.add.s32.msk $0xffff, v6  }
0x8a: {  	[tilespmem:v16+s12+$0x0] =	vst.idx.add.s32.msk $0xffff, v6  }
0x8b: {  	[tilespmem:v12+s12+$0x0] =	vst.idx.add.s32.msk $0xffff, v6  }
0x8c: {  	s22 =	simm.s32 $0x20;
	s0 =	simm.s32 $0xA020;
	[tilespmem:v13+s12+$0x0] =	vst.idx.add.s32.msk $0xffff, v6  }
0x8d: {  	s1 =	sand.u32 $0x3E0, s22;
	v12 =	vld [tilespmem:s0+$0x0]  }
0x8e: {  	v13 =	vld [tilespmem:s1+$0xA400]  }
0x8f: {  	s2 =	simm.s32 $0x0;
	v14 =	vld [tilespmem:s1+$0xA800]  }
0x90: {  	s6 =	simm.s32 $0x10;
	s2 =	sand.u32 $0x3C0, s2;
	v15 =	vld [tilespmem:s1+$0xAC00]  }
0x91: {  	s23 =	sand.u32 $0x3D0, s6;
	v16 =	vld [tilespmem:s2+$0xA400]  }
0x92: {  	v20 =	vld [tilespmem:s23+$0xA400]  }
0x93: {  	v21 =	vld [tilespmem:s0+$0xFFFFFFE0];
	v12 =	vadd.s32 v12, v13  }
0x94: {  	v13 =	vld [tilespmem:s0+$0xFFFFFFF0];
	v12 =	vadd.s32 v14, v12  }
0x95: {  	v22 =	vld [tilespmem:s2+$0xA800];
	v12 =	vadd.s32 v15, v12  }
0x96: {  	s7 =	simm.s32 $0x30;
	s24 =	simm.s32 $0x2;
	v23 =	vld [tilespmem:s23+$0xA800];
	(xrf0) =	vadd.scan.msk.s32 $0xffff, v12  }
0x97: {  	s10 =	sand.u32 $0x3F0, s7;
	v17 =	vld [tilespmem:s0+$0x10];
	v15 =	vmov s24  }
0x98: {  	v16 =	vadd.s32 v21, v16;
	v14 =	vld [tilespmem:s10+$0xA400];
	v21 =	vand.u32 $0xFFFFFFFE, v15  }
0x99: {  	v19 =	vld [tilespmem:s2+$0xAC00];
	v20 =	vadd.s32 v13, v20;
	v13 =	vbroadcast v21, $0x0  }
0x9a: {  	v18 =	vld [tilespmem:s23+$0xAC00]  }
0x9b: {  	s6 =	simm.s32 $0x70;
	s7 =	simm.s32 $0x8;
	v15 =	vld [tilespmem:s10+$0xA800]  }
0x9c: {  	s31 =	simm.s32 $0xA060;
	s1 =	simm.s32 $0x4;
	s23 =	simm.s32 $0x60;
	v21 =	vadd.s32 v22, v16;
	v16 =	vld [tilespmem:s10+$0xAC00];
	v20 =	vadd.s32 v23, v20;
	v22, _, _ =	vpop (xrf0)  }
.LBB2_7:
0x9d: {  	p0 =	slt.u32 s7, $0x3C;
	s2 =	sadd.s32 $0xFFFFFFE0, s6;
	v23 =	vld [tilespmem:s31+$0x0];
	s24 =	sand.u32 $0x3E0, s23;
	v22 =	vperm.xlane v22, v2;
	v14 =	vadd.s32 v17, v14  }
0x9e: {  	s10 =	sadd.s32 $0xFFFFFFD0, s6;
	s22 =	sand.u32 $0x3F0, s6;
	s23 =	sand.u32 $0x3D0, s2;
	v17 =	vld [tilespmem:s24+$0xA400];
	v19 =	vadd.s32 v19, v21;
	[tilespmem:s0+$0x0] =	vst v12  }
0x9f: {  	s2 =	sand.u32 $0x3C0, s10;
	v12 =	vld [tilespmem:s24+$0xA800];
	v18 =	vadd.s32 v18, v20;
	[tilespmem:v13+s13+$0x0] =	vst.idx.msk $0x1, v22;
	(xrf0) =	vadd.scan.msk.s32 $0xffff, v19  }
0xa0: {  	s10 =	sadd.s32 $0x1, s30;
	v20 =	vmov s30;
	v13 =	vld [tilespmem:s24+$0xAC00];
	[tilespmem:s0+$0xFFFFFFF0] =	vst v18;
	v14 =	vadd.s32 v15, v14;
	(xrf0) =	vadd.scan.msk.s32 $0xffff, v18  }
0xa1: {  	v18 =	vand.u32 $0xFFFFFFFC, v20;
	v15 =	vld [tilespmem:s2+$0xA400];
	[tilespmem:s0+$0xFFFFFFE0] =	vst v19;
	v19 =	vmov s10;
	v14 =	vadd.s32 v16, v14  }
0xa2: {  	v18 =	vbroadcast v18, $0x0;
	v16 =	vld [tilespmem:s23+$0xA400];
	v19 =	vand.u32 $0xFFFFFFFD, v19;
	[tilespmem:s0+$0x10] =	vst v14;
	(xrf0) =	vadd.scan.msk.s32 $0xffff, v14;
	s0 =	smov.u32 s31  }
0xa3: {  	v20 =	vld [tilespmem:s31+$0xFFFFFFE0];
	v14 =	vadd.s32 v23, v17;
	v21 =	vbroadcast v19, $0x0  }
0xa4: {  	v22 =	vld [tilespmem:s31+$0xFFFFFFF0];
	v12 =	vadd.s32 v12, v14  }
0xa5: {  	s10 =	sadd.s32 $0x3, s30;
	s30 =	smov.u32 s1;
	s1 =	smov.u32 s7;
	v23 =	vld [tilespmem:s2+$0xA800];
	v12 =	vadd.s32 v13, v12;
	v13, _, _ =	vpop (xrf0)  }
0xa6: {  	s24 =	sadd.s32 $0x2, s30;
	v25 =	vmov s10;
	v24 =	vld [tilespmem:s23+$0xA800];
	(xrf0) =	vadd.scan.msk.s32 $0xffff, v12;
	v13 =	vperm.xlane v13, v2;
	v17, _, _ =	vpop (xrf0)  }
0xa7: {  	v19 =	vmov s24;
	v14 =	vld [tilespmem:s22+$0xA400];
	v26 =	vperm.xlane v17, v2  }
.Ltmp4:
0xa8: {  	v15 =	vadd.s32 v20, v15;
	v20 =	vand.u32 $0xFFFFFFFE, v19;
	v17 =	vld [tilespmem:s31+$0x10];
	[tilespmem:v18+s13+$0x0] =	vst.idx.msk $0x1, v13;
	v18, _, _ =	vpop (xrf0);
	(pc) =	sbr.rel @p0 .LBB2_7-.Ltmp4, $4  }
0xa9: {  	v19 =	vld [tilespmem:s2+$0xAC00];
	v16 =	vadd.s32 v22, v16;
	v13 =	vbroadcast v20, $0x0;
	[tilespmem:v21+s13+$0x0] =	vst.idx.msk $0x1, v26;
	v26 =	vperm.xlane v18, v2  }
0xaa: {  	v21 =	vadd.s32 v23, v15;
	v18 =	vld [tilespmem:s23+$0xAC00]  }
0xab: {  	s6 =	sadd.s32 $0x40, s6;
	v20 =	vadd.s32 v24, v16;
	v15 =	vld [tilespmem:s22+$0xA800];
	[tilespmem:v25+s13+$0x0] =	vst.idx.msk $0x1, v26  }
0xac: {  	s7 =	sadd.s32 $0x4, s7;
	s31 =	sadd.s32 $0x40, s31;
	s23 =	sadd.s32 $0xFFFFFFF0, s6;
	v16 =	vld [tilespmem:s22+$0xAC00];
	v22, _, _ =	vpop (xrf0)  }
0xad: {  	v23 =	vld [tilespmem:s31+$0x0]  }
0xae: {  	v29 =	vld [tilespmem:s31+$0xFFFFFFE0]  }
0xaf: {  	s2 =	sand.u32 $0x3E0, s23;
	v30 =	vld [tilespmem:s31+$0xFFFFFFF0]  }
0xb0: {  	v24 =	vld [tilespmem:s2+$0xA400]  }
0xb1: {  	s7 =	sadd.s32 $0xFFFFFFD0, s6;
	v25 =	vld [tilespmem:s2+$0xA800]  }
0xb2: {  	s10 =	sadd.s32 $0xFFFFFFE0, s6;
	s7 =	sand.u32 $0x3C0, s7;
	v26 =	vld [tilespmem:s2+$0xAC00]  }
0xb3: {  	s22 =	sand.u32 $0x3D0, s10;
	v27 =	vld [tilespmem:s7+$0xA400]  }
0xb4: {  	v19 =	vadd.s32 v19, v21;
	v28 =	vld [tilespmem:s22+$0xA400]  }
0xb5: {  	s23 =	sand.u32 $0x3F0, s6;
	v14 =	vadd.s32 v17, v14;
	v21 =	vld [tilespmem:s7+$0xA800];
	(xrf0) =	vadd.scan.msk.s32 $0xffff, v19;
	v17 =	vadd.s32 v18, v20  }
0xb6: {  	v18 =	vld [tilespmem:s23+$0xA400];
	(xrf0) =	vadd.scan.msk.s32 $0xffff, v17  }
0xb7: {  	[tilespmem:s0+$0x0] =	vst v12;
	v20 =	vperm.xlane v22, v2;
	v22 =	vmov s30;
	v14 =	vadd.s32 v15, v14;
	v15 =	vld [tilespmem:s31+$0x10]  }
0xb8: {  	s24 =	sadd.s32 $0x1, s30;
	v31 =	vld [tilespmem:s22+$0xA800];
	[tilespmem:s0+$0xFFFFFFE0] =	vst v19;
	v12 =	vand.u32 $0xFFFFFFFC, v22;
	v14 =	vadd.s32 v16, v14;
	v16 =	vadd.s32 v23, v24  }
0xb9: {  	v57 =	vld [tilespmem:s22+$0xAC00];
	v12 =	vbroadcast v12, $0x0;
	(xrf0) =	vadd.scan.msk.s32 $0xffff, v14;
	v23 =	vmov s24;
	v16 =	vadd.s32 v25, v16  }
0xba: {  	s22 =	sadd.s32 $0x2, s1;
	v22 =	vld [tilespmem:s7+$0xAC00];
	[tilespmem:v13+s13+$0x0] =	vst.idx.msk $0x1, v20;
	v13 =	vadd.s32 v26, v16;
	v16 =	vand.u32 $0xFFFFFFFD, v23  }
0xbb: {  	v60 =	vmov s22;
	v20 =	vadd.s32 v29, v27;
	v23 =	vld [tilespmem:s23+$0xA800];
	v59, _, _ =	vpop (xrf0);
	v16 =	vbroadcast v16, $0x0;
	(xrf0) =	vadd.scan.msk.s32 $0xffff, v13  }
0xbc: {  	[tilespmem:s0+$0xFFFFFFF0] =	vst v17;
	v58 =	vadd.s32 v30, v28;
	v20 =	vadd.s32 v21, v20;
	v21 =	vld [tilespmem:s23+$0xAC00];
	s23 =	sadd.s32 $0x3, s30;
	v15 =	vadd.s32 v15, v18;
	v18, _, _ =	vpop (xrf0)  }
0xbd: {  	[tilespmem:s0+$0x10] =	vst v14;
	v17 =	vperm.xlane v59, v2;
	v19 =	vmov s23;
	v14 =	vperm.xlane v18, v2  }
0xbe: {  	v25 =	vadd.s32 v31, v58;
	v26 =	vand.u32 $0xFFFFFFFE, v60  }
0xbf: {  	v20 =	vadd.s32 v22, v20;
	v22 =	vmov s1;
	v18 =	vbroadcast v26, $0x0;
	[tilespmem:v12+s13+$0x0] =	vst.idx.msk $0x1, v17;
	v12, _, _ =	vpop (xrf0)  }
0xc0: {  	s24 =	sadd.s32 $0x1, s1;
	v17 =	vadd.s32 v57, v25;
	(xrf0) =	vadd.scan.msk.s32 $0xffff, v20;
	v12 =	vperm.xlane v12, v2;
	v15 =	vadd.s32 v23, v15  }
0xc1: {  	(xrf0) =	vadd.scan.msk.s32 $0xffff, v17;
	v15 =	vadd.s32 v21, v15;
	v21 =	vmov s24;
	[tilespmem:v16+s13+$0x0] =	vst.idx.msk $0x1, v14;
	v14, _, _ =	vpop (xrf0)  }
0xc2: {  	[tilespmem:v19+s13+$0x0] =	vst.idx.msk $0x1, v12;
	v16 =	vand.u32 $0xFFFFFFFC, v22;
	(xrf0) =	vadd.scan.msk.s32 $0xffff, v15;
	v12 =	vperm.xlane v14, v2  }
0xc3: {  	v14 =	vbroadcast v16, $0x0;
	v16 =	vand.u32 $0xFFFFFFFD, v21  }
0xc4: {  	[tilespmem:s31+$0x0] =	vst v13;
	v13 =	vbroadcast v16, $0x0  }
0xc5: {  	s30 =	sadd.s32 $0x3, s1;
	[tilespmem:s31+$0xFFFFFFE0] =	vst v20  }
0xc6: {  	v16 =	vmov s30;
	[tilespmem:v18+s13+$0x0] =	vst.idx.msk $0x1, v12;
	v12, _, _ =	vpop (xrf0)  }
0xc7: {  	[tilespmem:s31+$0xFFFFFFF0] =	vst v17;
	v12 =	vperm.xlane v12, v2;
	v17, _, _ =	vpop (xrf0)  }
0xc8: {  	[tilespmem:s31+$0x10] =	vst v15;
	v15 =	vperm.xlane v17, v2;
	v17, _, _ =	vpop (xrf0)  }
0xc9: {  	[tilespmem:v14+s13+$0x0] =	vst.idx.msk $0x1, v12;
	v12 =	vperm.xlane v17, v2  }
0xca: {  	[tilespmem:v13+s13+$0x0] =	vst.idx.msk $0x1, v15  }
0xcb: {  	[tilespmem:v16+s13+$0x0] =	vst.idx.msk $0x1, v12  }
0xcc: {  	v12 =	vld [tilespmem:$0xB030];
	_ =	sdelay $0x4  }
0xcd: {  	v13 =	vperm.xlane v12, v2;
	_ =	sdelay $0x1  }
0xce: {  	(xrf0) =	vadd.scan.msk.s32 $0xffff, v13;
	_ =	sdelay $0x5  }
0xcf: {  	v13, _, _ =	vpop (xrf0)  }
0xd0: {  	v13 =	vperm.xlane v13, v2;
	_ =	sdelay $0x1  }
0xd1: {  	v14 =	vxor.u32 $0x80000000, v13  }
0xd2: {  	(xrf0) =	vmax.scan.msk.u32 $0xffff, v14;
	_ =	sdelay $0x5  }
0xd3: {  	v15, _, _ =	vpop (xrf0)  }
0xd4: {  	(v2sf) =	vpush v15, $0xF  }
0xd5: {  	v15 =	vld [tilespmem:$0xB020];
	_ =	sdelay $0x4  }
0xd6: {  	v16 =	vperm.xlane v15, v2;
	_ =	sdelay $0x1  }
0xd7: {  	(xrf0) =	vadd.scan.msk.s32 $0xffff, v16;
	_ =	sdelay $0x5  }
0xd8: {  	v16, _, _ =	vpop (xrf0)  }
0xd9: {  	v16 =	vperm.xlane v16, v2;
	s31 =	spop (v2sf)  }
0xda: {  	s0 =	sxor.u32 $0x80000000, s31  }
0xdb: {  	v16 =	vadd.s32 s0, v16  }
0xdc: {  	v17 =	vxor.u32 $0x80000000, v16  }
0xdd: {  	(xrf0) =	vmax.scan.msk.u32 $0xffff, v17;
	_ =	sdelay $0x5  }
0xde: {  	v18, _, _ =	vpop (xrf0)  }
0xdf: {  	(v2sf) =	vpush v18, $0xF  }
0xe0: {  	v18 =	vld [tilespmem:$0xB010];
	_ =	sdelay $0x4  }
0xe1: {  	v19 =	vperm.xlane v18, v2;
	_ =	sdelay $0x1  }
0xe2: {  	(xrf0) =	vadd.scan.msk.s32 $0xffff, v19;
	_ =	sdelay $0x5  }
0xe3: {  	v19, _, _ =	vpop (xrf0)  }
0xe4: {  	v19 =	vperm.xlane v19, v2;
	s1 =	spop (v2sf)  }
0xe5: {  	s0 =	sxor.u32 $0x80000000, s1  }
0xe6: {  	v19 =	vadd.s32 s0, v19  }
0xe7: {  	v20 =	vxor.u32 $0x80000000, v19  }
0xe8: {  	(xrf0) =	vmax.scan.msk.u32 $0xffff, v20;
	_ =	sdelay $0x5  }
0xe9: {  	v21, _, _ =	vpop (xrf0)  }
0xea: {  	(v2sf) =	vpush v21, $0xF  }
0xeb: {  	v21 =	vld [tilespmem:$0xB000];
	_ =	sdelay $0x4  }
0xec: {  	v22 =	vperm.xlane v21, v2;
	_ =	sdelay $0x1  }
0xed: {  	(xrf0) =	vadd.scan.msk.s32 $0xffff, v22;
	_ =	sdelay $0x5  }
0xee: {  	v22, _, _ =	vpop (xrf0)  }
0xef: {  	v22 =	vperm.xlane v22, v2;
	s2 =	spop (v2sf)  }
0xf0: {  	s0 =	sxor.u32 $0x80000000, s2  }
0xf1: {  	v22 =	vadd.s32 s0, v22  }
0xf2: {  	vm0 =	vgt.s32 v22, $0xFF  }
0xf3: {  	vm15 =	vgt.s32 v19, $0xFF;
	v23 =	vnsel vm0, $0x7FFFFFFF, v4  }
0xf4: {  	v19 =	vnsel vm15, $0x7FFFFFFF, v5;
	(xrf0) =	vmax.scan.msk.u32 $0xffff, v23  }
0xf5: {  	vm4 =	vgt.s32 v16, $0xFF;
	(xrf0) =	vmax.scan.msk.u32 $0xffff, v19  }
0xf6: {  	vm5 =	vgt.s32 v13, $0xFF;
	v16 =	vnsel vm4, $0x7FFFFFFF, v7  }
0xf7: {  	v13 =	vnsel vm5, $0x7FFFFFFF, v8;
	(xrf0) =	vmax.scan.msk.u32 $0xffff, v16;
	_ =	sdelay $0x1  }
0xf8: {  	(xrf0) =	vmax.scan.msk.u32 $0xffff, v13  }
0xf9: {  	v13, _, _ =	vpop (xrf0)  }
0xfa: {  	(v2sf) =	vpush v13, $0xF;
	v13, _, _ =	vpop (xrf0)  }
0xfb: {  	(v2sf) =	vpush v13, $0xF  }
0xfc: {  	v13, _, _ =	vpop (xrf0)  }
0xfd: {  	(v2sf) =	vpush v13, $0xF  }
0xfe: {  	v13, _, _ =	vpop (xrf0)  }
0xff: {  	(v2sf) =	vpush v13, $0xF;
	_ =	sdelay $0x9  }
0x100: {  	s6 =	spop (v2sf)  }
0x101: {  	s7 =	spop (v2sf)  }
0x102: {  	s0 =	sxor.u32 $0x80000000, s6;
	s1 =	sxor.u32 $0x80000000, s7  }
0x103: {  	s10 =	spop (v2sf);
	p0 =	sgt.s32 s0, s1  }
0x104: {  	s1 =	smov.u32 @p0 s0;
	s0 =	sxor.u32 $0x80000000, s10  }
0x105: {  	s22 =	spop (v2sf);
	p0 =	sgt.s32 s1, s0  }
0x106: {  	s0 =	smov.u32 @p0 s1;
	s1 =	sxor.u32 $0x80000000, s22  }
0x107: {  	p0 =	sgt.s32 s0, s1  }
0x108: {  	s1 =	smov.u32 @p0 s0  }
0x109: {  	s0 =	sshra.s32 s1, $0x1F  }
0x10a: {  	s0 =	sor.u32 s0, s1  }
0x10b: {  	v13 =	vmov s0  }
0x10c: {  	v16 =	vxor.u32 $0x80000000, v22;
	vm6 =	veq.s32 v13, v0  }
0x10d: {  	v19 =	vxor.u32 $0x80000000, v21;
	v16 =	vnsel vm6, $0x80000000, v16  }
0x10e: {  	vm7 =	veq.s32 v13, v9;
	(xrf0) =	vmax.scan.msk.u32 $0xffff, v16;
	v16 =	vnsel vm6, $0x80000000, v19  }
0x10f: {  	v18 =	vxor.u32 $0x80000000, v18;
	(xrf0) =	vmax.scan.msk.u32 $0xffff, v16;
	v16 =	vnsel vm7, $0x80000000, v20  }
0x110: {  	vm8 =	veq.s32 v13, v10;
	(xrf0) =	vmax.scan.msk.u32 $0xffff, v16;
	v16 =	vnsel vm7, $0x80000000, v18  }
0x111: {  	v15 =	vxor.u32 $0x80000000, v15;
	vm9 =	veq.s32 v13, v11;
	(xrf0) =	vmax.scan.msk.u32 $0xffff, v16;
	v16 =	vnsel vm8, $0x80000000, v17  }
0x112: {  	v15 =	vnsel vm8, $0x80000000, v15;
	v13 =	vnsel vm9, $0x80000000, v14;
	(xrf0) =	vmax.scan.msk.u32 $0xffff, v16  }
0x113: {  	(xrf0) =	vmax.scan.msk.u32 $0xffff, v15  }
0x114: {  	v12 =	vxor.u32 $0x80000000, v12;
	v14, _, _ =	vpop (xrf0);
	(xrf0) =	vmax.scan.msk.u32 $0xffff, v13  }
0x115: {  	v12 =	vnsel vm9, $0x80000000, v12;
	(v2sf) =	vpush v14, $0xF;
	v13, _, _ =	vpop (xrf0)  }
0x116: {  	(v2sf) =	vpush v13, $0xF;
	v13, _, _ =	vpop (xrf0)  }
0x117: {  	(v2sf) =	vpush v13, $0xF;
	v13, _, _ =	vpop (xrf0);
	(xrf0) =	vmax.scan.msk.u32 $0xffff, v12  }
0x118: {  	(v2sf) =	vpush v13, $0xF;
	v12, _, _ =	vpop (xrf0)  }
0x119: {  	(v2sf) =	vpush v12, $0xF;
	v12, _, _ =	vpop (xrf0)  }
0x11a: {  	(v2sf) =	vpush v12, $0xF;
	v12, _, _ =	vpop (xrf0)  }
0x11b: {  	(v2sf) =	vpush v12, $0xF;
	_ =	sdelay $0x1  }
0x11c: {  	v12, _, _ =	vpop (xrf0)  }
0x11d: {  	(v2sf) =	vpush v12, $0xF;
	_ =	sdelay $0x1  }
0x11e: {  	s0 =	sshll.u32 s0, $0x4  }
0x11f: {  	v12 =	vld [tilespmem:s0+$0xA000];
	_ =	sdelay $0x2  }
0x120: {  	s23 =	spop (v2sf)  }
0x121: {  	s2 =	spop (v2sf)  }
0x122: {  	v12 =	vperm.xlane v12, v2;
	s24 =	spop (v2sf)  }
0x123: {  	s30 =	spop (v2sf)  }
0x124: {  	(xrf0) =	vadd.scan.msk.s32 $0xffff, v12;
	s31 =	spop (v2sf)  }
0x125: {  	s1 =	sadd.s32 s24, s23;
	s22 =	spop (v2sf)  }
0x126: {  	s1 =	sadd.s32 s31, s1;
	s23 =	spop (v2sf)  }
0x127: {  	s7 =	sxor.u32 $0x7FFFFFFF, s30;
	s1 =	sadd.s32 s23, s1  }
0x128: {  	s2 =	sxor.u32 $0x7FFFFFFF, s2;
	s1 =	sadd.s32 s7, s1  }
0x129: {  	s24 =	sxor.u32 $0x7FFFFFFF, s22;
	s1 =	sadd.s32 s2, s1;
	s30 =	spop (v2sf)  }
0x12a: {  	v12, _, _ =	vpop (xrf0);
	s1 =	sadd.s32 s24, s1;
	s2 =	sxor.u32 $0x7FFFFFFF, s30  }
0x12b: {  	v12 =	vperm.xlane v12, v2;
	s1 =	sadd.s32 s2, s1  }
0x12c: {  	s1 =	sadd.s32 $0x4, s1  }
0x12d: {  	v12 =	vadd.s32 s1, v12  }
0x12e: {  	vm10 =	vgt.s32 v12, $0xFF  }
0x12f: {  	v12 =	vnsel vm10, $0x7FFFFFFF, v4  }
0x130: {  	(xrf0) =	vmax.scan.msk.u32 $0xffff, v12;
	_ =	sdelay $0x5  }
0x131: {  	v12, _, _ =	vpop (xrf0)  }
0x132: {  	(v2sf) =	vpush v12, $0xF;
	_ =	sdelay $0x9  }
0x133: {  	s31 =	simm.s32 $0x8040  }
0x134: {  	v14 =	vld [tilespmem:s31+$0xFFFFFFD0]  }
0x135: {  	v15 =	vld [tilespmem:s31+$0x0]  }
0x136: {  	s10 =	simm.s32 $0x3;
	v16 =	vld [tilespmem:s31+$0x30]  }
0x137: {  	v18 =	vmov s10;
	v17 =	vld [tilespmem:s31+$0xFFFFFFF0];
	s7 =	simm.s32 $0x1  }
0x138: {  	v18 =	vand.u32 $0xFFFFFFFB, v18;
	s22 =	simm.s32 $0x4;
	v19 =	vld [tilespmem:s31+$0x10];
	v13 =	vmov s7;
	s6 =	spop (v2sf)  }
0x139: {  	v18 =	vbroadcast v18, $0x0;
	v21 =	vld [tilespmem:s31+$0xFFFFFFE0];
	v20 =	vmov s22;
	s23 =	simm.s32 $0x2;
	v13 =	vand.u32 $0xFFFFFFF9, v13;
	s0 =	sadd.s32 s6, s0  }
0x13a: {  	v22 =	vand.u32 $0xFFFFFFFC, v20;
	v20 =	vmov s23;
	v13 =	vbroadcast v13, $0x0;
	s0 =	sadd.s32 $0x80000000, s0  }
0x13b: {  	v23 =	vld [tilespmem:s31+$0x20];
	v14 =	vshrl.u32 v14, $0x16;
	v15 =	vshrl.u32 v15, $0x16;
	v12 =	vmov s0  }
0x13c: {  	v61 =	vld [tilespmem:s31+$0xFFFFFFC0];
	v16 =	vshrl.u32 v16, $0x16;
	v17 =	vshrl.u32 v17, $0x16;
	vm11 =	vge.s32 v14, v12  }
0x13d: {  	s24 =	simm.s32 $0x6;
	v14 =	vand.u32 $0xFFFFFFFA, v20;
	vm1 =	vge.s32 v15, v12;
	v15 =	vshrl.u32 v19, $0x16  }
0x13e: {  	v19 =	vmov s24;
	v20 =	vshrl.u32 v21, $0x16;
	vm2 =	vge.s32 v16, v12  }
0x13f: {  	vm3 =	vge.s32 v17, v12;
	v62 =	vand.u32 $0xFFFFFFFE, v19;
	v16 =	vsel vm1, $0x1, v1  }
0x140: {  	vm12 =	vge.s32 v15, v12;
	v15 =	vsel vm3, $0x1, v1;
	v17 =	vsel vm2, $0x1, v1;
	(xrf0) =	vadd.scan.msk.s32 $0xffff, v16  }
0x141: {  	v21 =	vsel vm11, $0x1, v1;
	v19 =	vshrl.u32 v23, $0x16;
	v16 =	vshrl.u32 v61, $0x16;
	(xrf0) =	vadd.scan.msk.s32 $0xffff, v15  }
0x142: {  	vm14 =	vge.s32 v20, v12;
	v63 =	vsel vm12, $0x1, v1;
	vm13 =	vge.s32 v16, v12;
	(xrf0) =	vadd.scan.msk.s32 $0xffff, v17  }
0x143: {  	s31 =	simm.s32 $0x7;
	s30 =	simm.s32 $0x5;
	vm15 =	vge.s32 v19, v12;
	v19 =	vsel vm14, $0x1, v1;
	v15 =	vsel vm13, $0x1, v1;
	(xrf0) =	vadd.scan.msk.s32 $0xffff, v21  }
0x144: {  	s7 =	simm.s32 $0x0;
	v20 =	vsel vm15, $0x1, v1;
	v16 =	vmov s31;
	v21 =	vmov s30;
	(xrf0) =	vadd.scan.msk.s32 $0xffff, v15  }
0x145: {  	s1 =	simm.s32 $0x8;
	s6 =	simm.s32 $0x80C0;
	s0 =	simm.s32 $0x0;
	v17 =	vbroadcast v22, $0x0;
	v21 =	vand.u32 $0xFFFFFFFD, v21;
	v15 =	vbroadcast v62, $0x0;
	(xrf0) =	vadd.scan.msk.s32 $0xffff, v63  }
.LBB2_9:
0x146: {  	v22 =	vld [tilespmem:s6+$0xFFFFFFD0];
	s2 =	sadd.s32 $0x1, s1;
	s10 =	sadd.s32 $0x3, s1;
	s22 =	sadd.s32 $0x4, s1;
	v23 =	vmov s7;
	v24 =	vbroadcast v14, $0x0;
	v21 =	vbroadcast v21, $0x0;
	v14, _, _ =	vpop (xrf0);
	(xrf0) =	vadd.scan.msk.s32 $0xffff, v20  }
0x147: {  	p0 =	slt.u32 s1, $0x1F8;
	s7 =	smov.u32 s1;
	s1 =	sadd.s32 $0x8, s1;
	v20 =	vmov s2;
	v25 =	vmov s10;
	v26 =	vld [tilespmem:s6+$0x0];
	v27 =	vmov s22;
	(xrf0) =	vadd.scan.msk.s32 $0xffff, v19;
	v19, _, _ =	vpop (xrf0)  }
0x148: {  	v25 =	vand.u32 $0xFFFFFFFB, v25;
	v27 =	vand.u32 $0xFFFFFFFC, v27;
	v28 =	vld [tilespmem:s6+$0x30];
	v19 =	vperm.xlane v19, v2;
	v29, _, _ =	vpop (xrf0)  }
0x149: {  	v33 =	vperm.xlane v14, v2;
	v20 =	vand.u32 $0xFFFFFFF9, v20;
	v30 =	vld [tilespmem:s6+$0xFFFFFFF0];
	v29 =	vperm.xlane v29, v2;
	v31, _, _ =	vpop (xrf0)  }
0x14a: {  	v23 =	vand.u32 $0xFFFFFFF8, v23;
	v20 =	vbroadcast v20, $0x0;
	v32 =	vld [tilespmem:s6+$0x10];
	v31 =	vperm.xlane v31, v2;
	[tilespmem:v18+s13+$0x0] =	vst.idx.msk $0x1, v19;
	v18, _, _ =	vpop (xrf0)  }
0x14b: {  	s2 =	sadd.s32 $0x2, s7;
	v23 =	vbroadcast v23, $0x0;
	v19 =	vshrl.u32 v22, $0x16;
	v22 =	vld [tilespmem:s6+$0xFFFFFFE0];
	v18 =	vperm.xlane v18, v2;
	[tilespmem:v17+s13+$0x0] =	vst.idx.msk $0x1, v33;
	v14, _, _ =	vpop (xrf0)  }
0x14c: {  	v17 =	vmov s2;
	v26 =	vshrl.u32 v26, $0x16;
	v33 =	vld [tilespmem:s6+$0x20];
	[tilespmem:v13+s13+$0x0] =	vst.idx.msk $0x1, v31;
	v31 =	vperm.xlane v14, v2;
	v14, _, _ =	vpop (xrf0)  }
0x14d: {  	vm0 =	vge.s32 v19, v12;
	v19 =	vshrl.u32 v28, $0x16;
	v28 =	vperm.xlane v14, v2;
	[tilespmem:v16+s13+$0x0] =	vst.idx.msk $0x1, v29;
	v16, _, _ =	vpop (xrf0)  }
0x14e: {  	s2 =	sadd.s32 $0x6, s7;
	v13 =	vmovc v20;
	v14 =	vand.u32 $0xFFFFFFFA, v17;
	v29 =	vld [tilespmem:s6+$0xFFFFFFC0];
	v17 =	vshrl.u32 v30, $0x16;
	v16 =	vperm.xlane v16, v2;
	[tilespmem:v21+s13+$0x0] =	vst.idx.msk $0x1, v31  }
0x14f: {  	vm1 =	vge.s32 v26, v12;
	v21 =	vmov s2;
	v20 =	vshrl.u32 v32, $0x16;
	[tilespmem:v15+s13+$0x0] =	vst.idx.msk $0x1, v28  }
0x150: {  	vm2 =	vge.s32 v19, v12;
	v15 =	vshrl.u32 v22, $0x16;
	v22 =	vand.u32 $0xFFFFFFFE, v21;
	[tilespmem:v24+s13+$0x0] =	vst.idx.msk $0x1, v16  }
0x151: {  	vm3 =	vge.s32 v17, v12;
	v16 =	vsel vm1, $0x1, v1;
	vm1 =	vge.s32 v20, v12;
	[tilespmem:v23+s13+$0x0] =	vst.idx.msk $0x1, v18  }
0x152: {  	v17 =	vsel vm3, $0x1, v1;
	v23 =	vsel vm1, $0x1, v1;
	v18 =	vsel vm2, $0x1, v1;
	(xrf0) =	vadd.scan.msk.s32 $0xffff, v16  }
.Ltmp5:
0x153: {  	v21 =	vsel vm0, $0x1, v1;
	v19 =	vshrl.u32 v33, $0x16;
	v16 =	vshrl.u32 v29, $0x16;
	(xrf0) =	vadd.scan.msk.s32 $0xffff, v17;
	(pc) =	sbr.rel @p0 .LBB2_9-.Ltmp5, $4  }
0x154: {  	vm1 =	vge.s32 v15, v12;
	vm2 =	vge.s32 v19, v12;
	vm0 =	vge.s32 v16, v12;
	(xrf0) =	vadd.scan.msk.s32 $0xffff, v18  }
0x155: {  	s10 =	sadd.s32 $0x7, s7;
	s2 =	sadd.s32 $0x5, s7;
	v19 =	vsel vm1, $0x1, v1;
	v20 =	vsel vm2, $0x1, v1;
	v15 =	vsel vm0, $0x1, v1;
	(xrf0) =	vadd.scan.msk.s32 $0xffff, v21  }
0x156: {  	v18 =	vbroadcast v25, $0x0;
	v16 =	vmov s10;
	v21 =	vmov s2;
	(xrf0) =	vadd.scan.msk.s32 $0xffff, v15  }
0x157: {  	s6 =	sadd.s32 $0x80, s6;
	v17 =	vbroadcast v27, $0x0;
	v21 =	vand.u32 $0xFFFFFFFD, v21;
	v15 =	vbroadcast v22, $0x0;
	(xrf0) =	vadd.scan.msk.s32 $0xffff, v23  }
0x158: {  	v22, _, _ =	vpop (xrf0);
	(xrf0) =	vadd.scan.msk.s32 $0xffff, v20  }
0x159: {  	(xrf0) =	vadd.scan.msk.s32 $0xffff, v19;
	v19, _, _ =	vpop (xrf0)  }
0x15a: {  	v20 =	vbroadcast v21, $0x0;
	v19 =	vperm.xlane v19, v2;
	v21, _, _ =	vpop (xrf0)  }
0x15b: {  	v23 =	vmov s7;
	v22 =	vperm.xlane v22, v2;
	v24, _, _ =	vpop (xrf0)  }
0x15c: {  	v14 =	vbroadcast v14, $0x0;
	v23 =	vand.u32 $0xFFFFFFF8, v23;
	v24 =	vperm.xlane v24, v2;
	[tilespmem:v18+s13+$0x0] =	vst.idx.msk $0x1, v19;
	v18, _, _ =	vpop (xrf0)  }
0x15d: {  	[tilespmem:v17+s13+$0x0] =	vst.idx.msk $0x1, v22;
	v19 =	vperm.xlane v21, v2;
	v21 =	vbroadcast v23, $0x0;
	v17, _, _ =	vpop (xrf0)  }
0x15e: {  	[tilespmem:v13+s13+$0x0] =	vst.idx.msk $0x1, v24;
	v13 =	vperm.xlane v17, v2;
	v17, _, _ =	vpop (xrf0)  }
0x15f: {  	[tilespmem:v16+s13+$0x0] =	vst.idx.msk $0x1, v19;
	v17 =	vperm.xlane v17, v2;
	v16, _, _ =	vpop (xrf0)  }
0x160: {  	v16 =	vperm.xlane v16, v2;
	[tilespmem:v20+s13+$0x0] =	vst.idx.msk $0x1, v13  }
0x161: {  	v13 =	vperm.xlane v18, v2;
	[tilespmem:v15+s13+$0x0] =	vst.idx.msk $0x1, v17  }
0x162: {  	[tilespmem:v14+s13+$0x0] =	vst.idx.msk $0x1, v16  }
0x163: {  	s6 =	simm.s32 $0x0;
	[tilespmem:v21+s13+$0x0] =	vst.idx.msk $0x1, v13  }
0x164: {  	v20 =	vld [tilespmem:s6+$0xB000];
	_ =	sdelay $0x3  }
0x165: {  	s1 =	simm.s32 $0x10  }
0x166: {  	v14 =	vld [tilespmem:s1+$0xB000];
	(xrf0) =	vadd.scan.msk.s32 $0xffff, v20;
	_ =	sdelay $0x2  }
0x167: {  	s30 =	simm.s32 $0x20  }
0x168: {  	v13 =	vld [tilespmem:s30+$0xB000]  }
0x169: {  	(xrf0) =	vadd.scan.msk.s32 $0xffff, v14  }
0x16a: {  	v21, _, _ =	vpop (xrf0)  }
0x16b: {  	v15 =	vxor.u32 $0x80000000, v21  }
0x16c: {  	(xrf0) =	vmax.scan.msk.u32 $0xffff, v15  }
0x16d: {  	(xrf0) =	vadd.scan.msk.s32 $0xffff, v13  }
0x16e: {  	s7 =	simm.s32 $0x30  }
0x16f: {  	v17, _, _ =	vpop (xrf0);
	v15 =	vld [tilespmem:s7+$0xB000]  }
0x170: {  	v16 =	vxor.u32 $0x80000000, v17;
	_ =	sdelay $0x1  }
0x171: {  	v18, _, _ =	vpop (xrf0)  }
0x172: {  	(xrf0) =	vmax.scan.msk.u32 $0xffff, v16;
	v16, _, _ =	vpop (xrf0)  }
0x173: {  	(xrf0) =	vadd.scan.msk.s32 $0xffff, v15;
	v19 =	vxor.u32 $0x80000000, v16  }
0x174: {  	(xrf0) =	vmax.scan.msk.u32 $0xffff, v19;
	_ =	sdelay $0x2  }
0x175: {  	(v2sf) =	vpush v18, $0xF  }
0x176: {  	v22, _, _ =	vpop (xrf0)  }
0x177: {  	v18, _, _ =	vpop (xrf0)  }
0x178: {  	s31 =	simm.s32 $0x40;
	(v2sf) =	vpush v22, $0xF;
	v23, _, _ =	vpop (xrf0)  }
0x179: {  	v19 =	vld [tilespmem:s31+$0xB000];
	(v2sf) =	vpush v23, $0xF;
	_ =	sdelay $0x4  }
0x17a: {  	s22 =	simm.s32 $0x50;
	(xrf0) =	vadd.scan.msk.s32 $0xffff, v19  }
0x17b: {  	v63 =	vsub.s32 s0, v20;
	v20 =	vld [tilespmem:s22+$0xB000];
	v22 =	vxor.u32 $0x80000000, v18  }
0x17c: {  	(xrf0) =	vmax.scan.msk.u32 $0xffff, v22  }
0x17d: {  	s23 =	simm.s32 $0x180;
	v21 =	vadd.s32 v21, v63  }
.LBB2_11:
0x17e: {  	s2 =	sshra.s32 s23, $0x2  }
0x17f: {  	[tilespmem:s6+$0xB200] =	vst v21;
	s6 =	smov.u32 s1;
	s1 =	smov.u32 s30;
	p0 =	sne.s32 s23, $0x7C0  }
.Ltmp6:
0x180: {  	s23 =	sadd.s32 $0x40, s23;
	(xrf0) =	vadd.scan.msk.s32 $0xffff, v20;
	v22, _, _ =	vpop (xrf0);
	s10 =	spop (v2sf);
	(pc) =	sbr.rel @p0 .LBB2_11-.Ltmp6, $4  }
0x181: {  	s30 =	smov.u32 s7;
	s7 =	smov.u32 s31;
	v23 =	vmov v20;
	v24 =	vxor.u32 $0x80000000, v22;
	s0 =	sadd.s32 s10, s0;
	v20 =	vld [tilespmem:s2+$0xB000]  }
0x182: {  	s31 =	smov.u32 s22;
	s22 =	smov.u32 s2;
	(xrf0) =	vmax.scan.msk.u32 $0xffff, v24;
	v21, _, _ =	vpop (xrf0);
	s0 =	sadd.s32 $0x80000000, s0  }
0x183: {  	(v2sf) =	vpush v21, $0xF;
	v21 =	vsub.s32 s0, v14;
	v14 =	vmovc v13;
	v13 =	vmovc v15;
	v15 =	vmov v19  }
0x184: {  	v19 =	vmovc v23;
	v21 =	vadd.s32 v17, v21;
	v17 =	vmovc v16;
	v16 =	vmov v18;
	v18 =	vmov v22  }
0x185: {  	_ = 	snop  }
0x186: {  	v22, _, _ =	vpop (xrf0)  }
0x187: {  	(xrf0) =	vadd.scan.msk.s32 $0xffff, v20;
	v23 =	vxor.u32 $0x80000000, v22  }
0x188: {  	(xrf0) =	vmax.scan.msk.u32 $0xffff, v23;
	_ =	sdelay $0x3  }
0x189: {  	v23, _, _ =	vpop (xrf0)  }
0x18a: {  	(v2sf) =	vpush v23, $0xF;
	v23, _, _ =	vpop (xrf0)  }
0x18b: {  	v24, _, _ =	vpop (xrf0)  }
0x18c: {  	(v2sf) =	vpush v24, $0xF;
	_ =	sdelay $0x6  }
0x18d: {  	s2 =	spop (v2sf)  }
0x18e: {  	s0 =	sadd.s32 s2, s0  }
0x18f: {  	s23 =	spop (v2sf);
	s0 =	sadd.s32 $0x80000000, s0  }
0x190: {  	s2 =	sadd.s32 s23, s0  }
0x191: {  	s2 =	sadd.s32 $0x80000000, s2;
	v24 =	vxor.u32 $0x80000000, v23;
	s10 =	spop (v2sf)  }
0x192: {  	(xrf0) =	vmax.scan.msk.u32 $0xffff, v24;
	s10 =	sadd.s32 s10, s2  }
0x193: {  	s10 =	sadd.s32 $0x80000000, s10;
	s23 =	spop (v2sf)  }
0x194: {  	v14 =	vsub.s32 s0, v14;
	s24 =	sadd.s32 s23, s10  }
0x195: {  	[tilespmem:s6+$0xB200] =	vst v21;
	v14 =	vadd.s32 v17, v14;
	v13 =	vsub.s32 s2, v13;
	s0 =	sadd.s32 $0x80000000, s24;
	s23 =	spop (v2sf)  }
0x196: {  	[tilespmem:s1+$0xB200] =	vst v14;
	v13 =	vadd.s32 v16, v13;
	v14 =	vsub.s32 s10, v15;
	s24 =	sadd.s32 s23, s0  }
0x197: {  	[tilespmem:s30+$0xB200] =	vst v13;
	v13 =	vadd.s32 v18, v14;
	v14 =	vsub.s32 s0, v19;
	s6 =	sadd.s32 $0x80000000, s24  }
0x198: {  	v15, _, _ =	vpop (xrf0);
	[tilespmem:s7+$0xB200] =	vst v13;
	s7 =	simm.s32 $0x2;
	v13 =	vadd.s32 v22, v14;
	v14 =	vsub.s32 s6, v20  }
0x199: {  	(v2sf) =	vpush v15, $0xF;
	v15 =	vmov s7;
	s10 =	simm.s32 $0x3;
	[tilespmem:s31+$0xB200] =	vst v13;
	v13 =	vadd.s32 v23, v14  }
0x19a: {  	v15 =	vand.u32 $0xFFFFFFFA, v15;
	v16 =	vmov s10;
	[tilespmem:s22+$0xB200] =	vst v13;
	s22 =	simm.s32 $0x8040  }
0x19b: {  	s30 =	simm.s32 $0x0;
	v24 =	vbroadcast v15, $0x0;
	s10 =	simm.s32 $0x7;
	v16 =	vand.u32 $0xFFFFFFFB, v16;
	v19 =	vld [tilespmem:s22+$0x30]  }
0x19c: {  	s2 =	simm.s32 $0x1;
	v28 =	vmov s10;
	v27 =	vbroadcast v16, $0x0;
	s23 =	simm.s32 $0x4;
	v14 =	vmov s30;
	v21 =	vld [tilespmem:s22+$0xFFFFFFD0]  }
0x19d: {  	s24 =	simm.s32 $0x5;
	v17 =	vmov s23;
	v13 =	vmov s2;
	v14 =	vand.u32 $0xFFFFFFF8, v14;
	s2 =	simm.s32 $0x6;
	v25 =	vld [tilespmem:s22+$0xFFFFFFE0]  }
0x19e: {  	v18 =	vmov s24;
	v20 =	vbroadcast v14, $0x0;
	v14 =	vmov s2;
	v26 =	vld [tilespmem:s22+$0xFFFFFFF0]  }
0x19f: {  	v17 =	vand.u32 $0xFFFFFFFC, v17;
	v13 =	vand.u32 $0xFFFFFFF9, v13;
	v23 =	vand.u32 $0xFFFFFFFE, v14;
	v14 =	vld [tilespmem:s22+$0x0]  }
0x1a0: {  	v18 =	vand.u32 $0xFFFFFFFD, v18;
	v17 =	vbroadcast v17, $0x0;
	v22 =	vbroadcast v13, $0x0;
	v13 =	vld [tilespmem:s22+$0x10]  }
0x1a1: {  	v18 =	vbroadcast v18, $0x0;
	v15 =	vld [tilespmem:s22+$0x20];
	v16 =	vshrl.u32 v19, $0x16;
	v29 =	vshrl.u32 v21, $0x16  }
0x1a2: {  	vm3 =	vge.s32 v16, v12;
	v16 =	vld [tilespmem:s22+$0xFFFFFFC0];
	vm4 =	vge.s32 v29, v12;
	v29 =	vshrl.u32 v25, $0x16  }
0x1a3: {  	v30 =	vsel vm3, $0x1, v1;
	vm5 =	vge.s32 v29, v12;
	v29 =	vshrl.u32 v26, $0x16  }
0x1a4: {  	v31 =	vsel vm4, $0x1, v1;
	(xrf0) =	vadd.scan.msk.s32 $0xffff, v30;
	vm6 =	vge.s32 v29, v12;
	v29 =	vshrl.u32 v14, $0x16  }
0x1a5: {  	v30 =	vsel vm5, $0x1, v1;
	(xrf0) =	vadd.scan.msk.s32 $0xffff, v31;
	vm7 =	vge.s32 v29, v12;
	v29 =	vshrl.u32 v13, $0x16  }
0x1a6: {  	v28 =	vld.idx.msk [tilespmem:v28+s14+$0x0], $0xffff;
	v31 =	vsel vm6, $0x1, v1;
	(xrf0) =	vadd.scan.msk.s32 $0xffff, v30;
	vm0 =	vge.s32 v29, v12;
	v29 =	vshrl.u32 v15, $0x16  }
0x1a7: {  	v23 =	vbroadcast v23, $0x0;
	v22 =	vld.idx.msk [tilespmem:v22+s14+$0x0], $0xffff;
	(xrf0) =	vadd.scan.msk.s32 $0xffff, v31;
	v31 =	vshrl.u32 v16, $0x16;
	vm2 =	vge.s32 v29, v12  }
0x1a8: {  	v30 =	vsel vm7, $0x1, v1;
	v29 =	vld.idx.msk [tilespmem:v27+s14+$0x0], $0xffff;
	vm1 =	vge.s32 v31, v12;
	v27 =	vsel vm2, $0x1, v1  }
0x1a9: {  	v24 =	vld.idx.msk [tilespmem:v24+s14+$0x0], $0xffff;
	v32 =	vsel vm0, $0x1, v1;
	(xrf0) =	vadd.scan.msk.s32 $0xffff, v30;
	v30 =	vsel vm1, $0x1, v1  }
0x1aa: {  	(xrf0) =	vadd.scan.msk.s32 $0xffff, v32  }
0x1ab: {  	s0 =	simm.s32 $0x8;
	v17 =	vld.idx.msk [tilespmem:v17+s14+$0x0], $0xffff;
	s22 =	simm.s32 $0x9;
	(xrf0) =	vadd.scan.msk.s32 $0xffff, v27;
	v27, _, _ =	vpop (xrf0)  }
0x1ac: {  	v33 =	vmov s0;
	v18 =	vld.idx.msk [tilespmem:v18+s14+$0x0], $0xffff;
	v34 =	vmov s22;
	(xrf0) =	vadd.scan.msk.s32 $0xffff, v30;
	v28 =	vadd.s32 v27, v28;
	v30, _, _ =	vpop (xrf0)  }
0x1ad: {  	v23 =	vld.idx.msk [tilespmem:v23+s14+$0x0], $0xffff;
	v32 =	vor.u32 s30, v0;
	v22 =	vadd.s32 v30, v22;
	v28 =	vadd.s32 $0xFFFFFFFF, v28;
	v30, _, _ =	vpop (xrf0)  }
0x1ae: {  	v20 =	vld.idx.msk [tilespmem:v20+s14+$0x0], $0xffff;
	v22 =	vadd.s32 $0xFFFFFFFF, v22;
	v24 =	vadd.s32 v30, v24;
	v28 =	vnsel vm3, $0x200F, v28;
	v30, _, _ =	vpop (xrf0)  }
0x1af: {  	v31 =	vnsel vm4, $0x200F, v22;
	v22 =	vadd.s32 $0xFFFFFFFF, v24;
	v24 =	vadd.s32 v30, v29;
	v29, _, _ =	vpop (xrf0)  }
0x1b0: {  	v37 =	vnsel vm5, $0x200F, v22;
	v22 =	vadd.s32 $0xFFFFFFFF, v24;
	v17 =	vadd.s32 v29, v17;
	v29, _, _ =	vpop (xrf0)  }
0x1b1: {  	v24 =	vnsel vm6, $0x200F, v22;
	v17 =	vadd.s32 $0xFFFFFFFF, v17;
	v18 =	vadd.s32 v29, v18;
	v29, _, _ =	vpop (xrf0)  }
0x1b2: {  	s23 =	simm.s32 $0xA;
	s24 =	simm.s32 $0x70;
	v22 =	vnsel vm7, $0x200F, v17;
	v17 =	vadd.s32 $0xFFFFFFFF, v18;
	v18 =	vadd.s32 v29, v23;
	v23, _, _ =	vpop (xrf0)  }
0x1b3: {  	s22 =	simm.s32 $0x40;
	v27 =	vmov s23;
	v20 =	vadd.s32 v23, v20;
	[tilespmem:v28+s15+$0x0] =	vst.idx.msk $0xffff, v19;
	v19 =	vor.u32 s24, v0  }
0x1b4: {  	s2 =	simm.s32 $0x10;
	v29 =	vor.u32 s22, v0;
	v18 =	vadd.s32 $0xFFFFFFFF, v18;
	v23 =	vadd.s32 $0xFFFFFFFF, v20;
	[tilespmem:v28+s16+$0x0] =	vst.idx.msk $0xffff, v19  }
0x1b5: {  	s1 =	simm.s32 $0x60;
	s7 =	simm.s32 $0x20;
	s22 =	simm.s32 $0xC;
	v20 =	vnsel vm0, $0x200F, v17;
	[tilespmem:v31+s15+$0x0] =	vst.idx.msk $0xffff, v21;
	v17 =	vor.u32 s2, v0;
	v30 =	vnsel vm1, $0x200F, v23  }
0x1b6: {  	s10 =	simm.s32 $0x30;
	s23 =	simm.s32 $0x50;
	s24 =	simm.s32 $0xB;
	v35 =	vmov s22;
	v18 =	vnsel vm2, $0x200F, v18;
	v28 =	vor.u32 s7, v0;
	[tilespmem:v31+s16+$0x0] =	vst.idx.msk $0xffff, v17  }
0x1b7: {  	s2 =	spop (v2sf);
	v36 =	vmov s24;
	v21 =	vor.u32 s1, v0;
	s1 =	simm.s32 $0x80C0;
	v23 =	vor.u32 s23, v0;
	s23 =	simm.s32 $0xD;
	[tilespmem:v37+s15+$0x0] =	vst.idx.msk $0xffff, v25  }
0x1b8: {  	s24 =	simm.s32 $0xE;
	v31 =	vor.u32 s10, v0;
	s2 =	sadd.s32 s2, s6;
	v17 =	vand.u32 $0xFFFFFFF8, v33;
	v19 =	vld [tilespmem:s1+$0x30];
	v33 =	vmov s23;
	[tilespmem:v37+s16+$0x0] =	vst.idx.msk $0xffff, v28  }
0x1b9: {  	s6 =	simm.s32 $0x10;
	s31 =	sadd.s32 $0x80000000, s2;
	v25 =	vbroadcast v17, $0x0;
	v17 =	vld [tilespmem:s1+$0xFFFFFFD0];
	v37 =	vand.u32 $0xFFFFFFF9, v34;
	v34 =	vmov s24;
	[tilespmem:v24+s15+$0x0] =	vst.idx.msk $0xffff, v26  }
.LBB2_13:
0x1ba: {  	p0 =	slt.u32 s6, $0x1F8;
	v28 =	vld [tilespmem:s1+$0xFFFFFFE0];
	v27 =	vand.u32 $0xFFFFFFFA, v27;
	v36 =	vand.u32 $0xFFFFFFFB, v36;
	v35 =	vand.u32 $0xFFFFFFFC, v35;
	[tilespmem:v30+s15+$0x0] =	vst.idx.msk $0xffff, v16  }
0x1bb: {  	v37 =	vbroadcast v37, $0x0;
	v16 =	vand.u32 $0xFFFFFFFD, v33;
	v33 =	vand.u32 $0xFFFFFFFE, v34;
	s2 =	sadd.s32 $0x7, s0;
	s0 =	smov.u32 s6;
	v26 =	vld [tilespmem:s1+$0xFFFFFFF0];
	[tilespmem:v30+s16+$0x0] =	vst.idx.msk $0xffff, v32  }
0x1bc: {  	v27 =	vbroadcast v27, $0x0;
	v30 =	vbroadcast v36, $0x0;
	v34 =	vmov s2;
	v32 =	vld [tilespmem:s1+$0x0];
	[tilespmem:v24+s16+$0x0] =	vst.idx.msk $0xffff, v31  }
0x1bd: {  	v24 =	vbroadcast v35, $0x0;
	v35 =	vbroadcast v16, $0x0;
	v31 =	vld [tilespmem:s1+$0x10];
	v16 =	vshrl.u32 v19, $0x16;
	[tilespmem:v22+s15+$0x0] =	vst.idx.msk $0xffff, v14  }
0x1be: {  	v33 =	vbroadcast v33, $0x0;
	v14 =	vshrl.u32 v17, $0x16;
	v36 =	vld [tilespmem:s1+$0x20];
	vm3 =	vge.s32 v16, v12;
	[tilespmem:v22+s16+$0x0] =	vst.idx.msk $0xffff, v29  }
0x1bf: {  	v16 =	vld [tilespmem:s1+$0xFFFFFFC0];
	vm4 =	vge.s32 v14, v12;
	v40 =	vshrl.u32 v28, $0x16;
	v22 =	vsel vm3, $0x1, v1;
	[tilespmem:v20+s15+$0x0] =	vst.idx.msk $0xffff, v13  }
0x1c0: {  	v39 =	vsel vm4, $0x1, v1;
	vm5 =	vge.s32 v40, v12;
	v38 =	vshrl.u32 v26, $0x16;
	(xrf0) =	vadd.scan.msk.s32 $0xffff, v22  }
0x1c1: {  	v22 =	vsel vm5, $0x1, v1;
	vm6 =	vge.s32 v38, v12;
	v29 =	vshrl.u32 v32, $0x16;
	v34 =	vld.idx.msk [tilespmem:v34+s14+$0x0], $0xffff;
	(xrf0) =	vadd.scan.msk.s32 $0xffff, v39;
	v14 =	vmovc v32  }
0x1c2: {  	v32 =	vld.idx.msk [tilespmem:v37+s14+$0x0], $0xffff;
	v37 =	vsel vm6, $0x1, v1;
	vm7 =	vge.s32 v29, v12;
	v29 =	vshrl.u32 v31, $0x16;
	(xrf0) =	vadd.scan.msk.s32 $0xffff, v22;
	v13 =	vmovc v31  }
0x1c3: {  	v22 =	vld.idx.msk [tilespmem:v27+s14+$0x0], $0xffff;
	v27 =	vsel vm7, $0x1, v1;
	vm0 =	vge.s32 v29, v12;
	v29 =	vshrl.u32 v36, $0x16;
	(xrf0) =	vadd.scan.msk.s32 $0xffff, v37  }
0x1c4: {  	v31 =	vshrl.u32 v16, $0x16;
	v30 =	vld.idx.msk [tilespmem:v30+s14+$0x0], $0xffff;
	v37 =	vsel vm0, $0x1, v1;
	vm2 =	vge.s32 v29, v12;
	(xrf0) =	vadd.scan.msk.s32 $0xffff, v27  }
0x1c5: {  	vm1 =	vge.s32 v31, v12;
	v24 =	vld.idx.msk [tilespmem:v24+s14+$0x0], $0xffff;
	v29 =	vsel vm2, $0x1, v1;
	(xrf0) =	vadd.scan.msk.s32 $0xffff, v37;
	[tilespmem:v20+s16+$0x0] =	vst.idx.msk $0xffff, v23  }
0x1c6: {  	s2 =	sadd.s32 $0x1, s6;
	v37 =	vmov s6;
	v31 =	vsel vm1, $0x1, v1;
	v23 =	vld.idx.msk [tilespmem:v35+s14+$0x0], $0xffff;
	(xrf0) =	vadd.scan.msk.s32 $0xffff, v29;
	v27, _, _ =	vpop (xrf0);
	[tilespmem:v18+s15+$0x0] =	vst.idx.msk $0xffff, v15  }
0x1c7: {  	v38 =	vmov s2;
	s2 =	sadd.s32 $0x2, s6;
	v15 =	vld.idx.msk [tilespmem:v33+s14+$0x0], $0xffff;
	v29 =	vadd.s32 v27, v34;
	(xrf0) =	vadd.scan.msk.s32 $0xffff, v31;
	v20, _, _ =	vpop (xrf0);
	[tilespmem:v18+s16+$0x0] =	vst.idx.msk $0xffff, v21  }
0x1c8: {  	v27 =	vmov s2;
	v18 =	vld.idx.msk [tilespmem:v25+s14+$0x0], $0xffff;
	v20 =	vadd.s32 v20, v32;
	v21 =	vadd.s32 $0xFFFFFFFF, v29;
	v25, _, _ =	vpop (xrf0)  }
0x1c9: {  	v20 =	vadd.s32 $0xFFFFFFFF, v20;
	v22 =	vadd.s32 v25, v22;
	v21 =	vnsel vm3, $0x200F, v21;
	v25, _, _ =	vpop (xrf0)  }
0x1ca: {  	v29 =	vnsel vm4, $0x200F, v20;
	v20 =	vadd.s32 $0xFFFFFFFF, v22;
	v22 =	vadd.s32 v25, v30;
	v25, _, _ =	vpop (xrf0)  }
0x1cb: {  	v34 =	vnsel vm5, $0x200F, v20;
	v20 =	vadd.s32 $0xFFFFFFFF, v22;
	v22 =	vadd.s32 v25, v24;
	v25, _, _ =	vpop (xrf0)  }
0x1cc: {  	s30 =	sadd.s32 $0x80, s30;
	v24 =	vnsel vm6, $0x200F, v20;
	v20 =	vadd.s32 $0xFFFFFFFF, v22;
	v30 =	vadd.s32 v25, v23;
	v25, _, _ =	vpop (xrf0)  }
0x1cd: {  	s7 =	sadd.s32 $0x20, s30;
	s10 =	sadd.s32 $0x70, s30;
	s2 =	sadd.s32 $0x10, s30;
	v22 =	vnsel vm7, $0x200F, v20;
	v20 =	vadd.s32 $0xFFFFFFFF, v30;
	v25 =	vadd.s32 v25, v15;
	v23, _, _ =	vpop (xrf0)  }
0x1ce: {  	s22 =	sadd.s32 $0x30, s30;
	s23 =	sadd.s32 $0x40, s30;
	s24 =	sadd.s32 $0x50, s30;
	v15 =	vmovc v36;
	v18 =	vadd.s32 v23, v18;
	v23 =	vadd.s32 $0xFFFFFFFF, v25;
	[tilespmem:v21+s15+$0x0] =	vst.idx.msk $0xffff, v19;
	v19 =	vor.u32 s10, v0  }
0x1cf: {  	v20 =	vnsel vm0, $0x200F, v20;
	s10 =	sadd.s32 $0x60, s30;
	v25 =	vadd.s32 $0xFFFFFFFF, v18;
	v18 =	vnsel vm2, $0x200F, v23;
	[tilespmem:v21+s16+$0x0] =	vst.idx.msk $0xffff, v19  }
.Ltmp7:
0x1d0: {  	v30 =	vnsel vm1, $0x200F, v25;
	[tilespmem:v29+s15+$0x0] =	vst.idx.msk $0xffff, v17;
	v17 =	vor.u32 s2, v0;
	v25 =	vor.u32 s7, v0;
	(pc) =	sbr.rel @p0 .LBB2_13-.Ltmp7, $4  }
0x1d1: {  	v31 =	vor.u32 s22, v0;
	v23 =	vor.u32 s24, v0;
	s2 =	sadd.s32 $0x3, s6;
	[tilespmem:v29+s16+$0x0] =	vst.idx.msk $0xffff, v17;
	v29 =	vor.u32 s23, v0  }
0x1d2: {  	s1 =	sadd.s32 $0x80, s1;
	v32 =	vor.u32 s30, v0;
	v21 =	vor.u32 s10, v0;
	s7 =	sadd.s32 $0x5, s6;
	v36 =	vmov s2;
	s2 =	sadd.s32 $0x4, s6;
	[tilespmem:v34+s15+$0x0] =	vst.idx.msk $0xffff, v28  }
0x1d3: {  	v17 =	vand.u32 $0xFFFFFFF8, v37;
	v33 =	vmov s7;
	v35 =	vmov s2;
	s2 =	sadd.s32 $0x6, s6;
	v19 =	vld [tilespmem:s1+$0x30];
	[tilespmem:v34+s16+$0x0] =	vst.idx.msk $0xffff, v25  }
0x1d4: {  	v37 =	vand.u32 $0xFFFFFFF9, v38;
	s6 =	sadd.s32 $0x8, s6;
	v25 =	vbroadcast v17, $0x0;
	v34 =	vmov s2;
	v17 =	vld [tilespmem:s1+$0xFFFFFFD0];
	[tilespmem:v24+s15+$0x0] =	vst.idx.msk $0xffff, v26  }
0x1d5: {  	_ = 	snop  }
0x1d6: {  	v26 =	vld [tilespmem:s1+$0xFFFFFFE0]  }
0x1d7: {  	v28 =	vld [tilespmem:s1+$0xFFFFFFF0];
	s0 =	sadd.s32 $0x7, s0  }
0x1d8: {  	v27 =	vand.u32 $0xFFFFFFFA, v27;
	v38 =	vld [tilespmem:s1+$0x0];
	v40 =	vmov s0;
	v41 =	vshrl.u32 v19, $0x16  }
0x1d9: {  	v36 =	vand.u32 $0xFFFFFFFB, v36;
	v37 =	vbroadcast v37, $0x0;
	v39 =	vld [tilespmem:s1+$0x10];
	[tilespmem:v30+s15+$0x0] =	vst.idx.msk $0xffff, v16;
	vm7 =	vge.s32 v41, v12  }
0x1da: {  	v43 =	vld [tilespmem:s1+$0x20];
	v57 =	vand.u32 $0xFFFFFFFC, v35;
	[tilespmem:v24+s16+$0x0] =	vst.idx.msk $0xffff, v31;
	v42 =	vshrl.u32 v17, $0x16;
	v44 =	vsel vm7, $0x1, v1  }
0x1db: {  	v27 =	vbroadcast v27, $0x0;
	v36 =	vbroadcast v36, $0x0;
	vm5 =	vge.s32 v42, v12;
	(xrf0) =	vadd.scan.msk.s32 $0xffff, v44  }
0x1dc: {  	[tilespmem:v22+s15+$0x0] =	vst.idx.msk $0xffff, v14;
	v16 =	vbroadcast v57, $0x0;
	v41 =	vld [tilespmem:s1+$0xFFFFFFC0];
	v62 =	vshrl.u32 v26, $0x16;
	v45 =	vsel vm5, $0x1, v1  }
0x1dd: {  	v63 =	vshrl.u32 v28, $0x16;
	v48 =	vshrl.u32 v38, $0x16;
	vm4 =	vge.s32 v62, v12;
	v40 =	vld.idx.msk [tilespmem:v40+s14+$0x0], $0xffff;
	(xrf0) =	vadd.scan.msk.s32 $0xffff, v45  }
0x1de: {  	[tilespmem:v20+s15+$0x0] =	vst.idx.msk $0xffff, v13;
	v51 =	vshrl.u32 v39, $0x16;
	v62 =	vand.u32 $0xFFFFFFFD, v33;
	v49 =	vsel vm4, $0x1, v1  }
0x1df: {  	v53 =	vshrl.u32 v43, $0x16;
	vm3 =	vge.s32 v63, v12;
	v55 =	vld.idx.msk [tilespmem:v37+s14+$0x0], $0xffff;
	v31 =	vbroadcast v62, $0x0;
	(xrf0) =	vadd.scan.msk.s32 $0xffff, v49  }
0x1e0: {  	[tilespmem:v18+s15+$0x0] =	vst.idx.msk $0xffff, v15;
	vm1 =	vge.s32 v48, v12;
	vm2 =	vge.s32 v51, v12;
	v50 =	vsel vm3, $0x1, v1  }
0x1e1: {  	vm0 =	vge.s32 v53, v12;
	v52 =	vsel vm1, $0x1, v1;
	v27 =	vld.idx.msk [tilespmem:v27+s14+$0x0], $0xffff;
	(xrf0) =	vadd.scan.msk.s32 $0xffff, v50;
	v54 =	vshrl.u32 v41, $0x16;
	v60, _, _ =	vpop (xrf0)  }
0x1e2: {  	v56 =	vsel vm2, $0x1, v1;
	vm6 =	vge.s32 v54, v12;
	(xrf0) =	vadd.scan.msk.s32 $0xffff, v52;
	v61 =	vadd.s32 v60, v40  }
0x1e3: {  	v58 =	vsel vm0, $0x1, v1;
	v36 =	vld.idx.msk [tilespmem:v36+s14+$0x0], $0xffff;
	(xrf0) =	vadd.scan.msk.s32 $0xffff, v56;
	v59 =	vsel vm6, $0x1, v1;
	v63, _, _ =	vpop (xrf0);
	v24 =	vadd.s32 $0xFFFFFFFF, v61  }
0x1e4: {  	(xrf0) =	vadd.scan.msk.s32 $0xffff, v58;
	v40 =	vand.u32 $0xFFFFFFFE, v34;
	v12 =	vadd.s32 v63, v55;
	v24 =	vnsel vm7, $0x200F, v24  }
0x1e5: {  	[tilespmem:v22+s16+$0x0] =	vst.idx.msk $0xffff, v29;
	(xrf0) =	vadd.scan.msk.s32 $0xffff, v59;
	v50 =	vld.idx.msk [tilespmem:v31+s14+$0x0], $0xffff;
	v37, _, _ =	vpop (xrf0);
	v22 =	vbroadcast v40, $0x0;
	v12 =	vadd.s32 $0xFFFFFFFF, v12  }
0x1e6: {  	[tilespmem:v30+s16+$0x0] =	vst.idx.msk $0xffff, v32;
	v16 =	vld.idx.msk [tilespmem:v16+s14+$0x0], $0xffff;
	v45 =	vadd.s32 v37, v27;
	v12 =	vnsel vm5, $0x200F, v12  }
0x1e7: {  	s24 =	sadd.s32 $0x80, s30;
	v25 =	vld.idx.msk [tilespmem:v25+s14+$0x0], $0xffff;
	[tilespmem:v20+s16+$0x0] =	vst.idx.msk $0xffff, v23;
	v42, _, _ =	vpop (xrf0);
	v47 =	vadd.s32 $0xFFFFFFFF, v45  }
0x1e8: {  	[tilespmem:v18+s16+$0x0] =	vst.idx.msk $0xffff, v21;
	s2 =	sadd.s32 $0x70, s24;
	v44, _, _ =	vpop (xrf0);
	v14 =	vadd.s32 v42, v36;
	v15 =	vnsel vm4, $0x200F, v47  }
0x1e9: {  	v51 =	vor.u32 s2, v0;
	v46, _, _ =	vpop (xrf0);
	v14 =	vadd.s32 $0xFFFFFFFF, v14;
	[tilespmem:v24+s15+$0x0] =	vst.idx.msk $0xffff, v19  }
0x1ea: {  	s6 =	sadd.s32 $0x10, s24;
	v48, _, _ =	vpop (xrf0);
	v14 =	vnsel vm3, $0x200F, v14;
	v56 =	vadd.s32 v46, v50;
	[tilespmem:v24+s16+$0x0] =	vst.idx.msk $0xffff, v51  }
0x1eb: {  	v53 =	vor.u32 s6, v0;
	v13 =	vadd.s32 v44, v16;
	v49, _, _ =	vpop (xrf0);
	v57 =	vadd.s32 $0xFFFFFFFF, v56;
	v52 =	vld.idx.msk [tilespmem:v22+s14+$0x0], $0xffff;
	[tilespmem:v12+s15+$0x0] =	vst.idx.msk $0xffff, v17  }
0x1ec: {  	s7 =	sadd.s32 $0x20, s24;
	v54 =	vadd.s32 $0xFFFFFFFF, v13;
	v18 =	vadd.s32 v49, v25;
	v13 =	vnsel vm2, $0x200F, v57;
	[tilespmem:v12+s16+$0x0] =	vst.idx.msk $0xffff, v53  }
0x1ed: {  	v55 =	vor.u32 s7, v0;
	v18 =	vadd.s32 $0xFFFFFFFF, v18;
	[tilespmem:v15+s15+$0x0] =	vst.idx.msk $0xffff, v26  }
0x1ee: {  	s10 =	sadd.s32 $0x30, s24;
	v18 =	vnsel vm6, $0x200F, v18;
	[tilespmem:v15+s16+$0x0] =	vst.idx.msk $0xffff, v55  }
0x1ef: {  	v60 =	vor.u32 s10, v0;
	v12 =	vnsel vm1, $0x200F, v54;
	[tilespmem:v14+s15+$0x0] =	vst.idx.msk $0xffff, v28  }
0x1f0: {  	s23 =	sadd.s32 $0x50, s24;
	[tilespmem:v14+s16+$0x0] =	vst.idx.msk $0xffff, v60;
	v58 =	vadd.s32 v48, v52  }
0x1f1: {  	v62 =	vor.u32 s23, v0;
	[tilespmem:v13+s15+$0x0] =	vst.idx.msk $0xffff, v39;
	v15 =	vadd.s32 $0xFFFFFFFF, v58  }
0x1f2: {  	[tilespmem:v13+s16+$0x0] =	vst.idx.msk $0xffff, v62;
	v15 =	vnsel vm0, $0x200F, v15  }
0x1f3: {  	[tilespmem:v18+s15+$0x0] =	vst.idx.msk $0xffff, v41  }
0x1f4: {  	s22 =	sadd.s32 $0x40, s24;
	v59 =	vor.u32 s24, v0;
	[tilespmem:v12+s15+$0x0] =	vst.idx.msk $0xffff, v38  }
0x1f5: {  	s0 =	sadd.s32 $0x60, s24;
	s24 =	sadd.s32 $0xF, s31;
	v61 =	vor.u32 s22, v0;
	[tilespmem:v18+s16+$0x0] =	vst.idx.msk $0xffff, v59  }
0x1f6: {  	s30 =	sshra.s32 s24, $0x4;
	[tilespmem:v12+s16+$0x0] =	vst.idx.msk $0xffff, v61  }
0x1f7: {  	v63 =	vor.u32 s0, v0;
	p0 =	slt.s32 s30, $0x1;
	[tilespmem:v15+s15+$0x0] =	vst.idx.msk $0xffff, v43  }
.Ltmp8:
0x1f8: {  	[tilespmem:v15+s16+$0x0] =	vst.idx.msk $0xffff, v63;
	(pc) =	sbr.rel @p0 .LBB2_18-.Ltmp8, $4  }
0x1f9: {  	[tilespmem:s31+$0xB400] =	vst v1  }
0x1fa: {  	[tilespmem:s31+$0xD480] =	vst v1  }
0x1fb: {  	[tilespmem:$0xA000] =	vst v1  }
0x1fc: {  	[tilespmem:$0xA010] =	vst v1  }
0x1fd: {  	s0 =	simm.s32 $0xB400  }
0x1fe: {  	p0 =	seq.s32 s30, $0x1;
	v12 =	vld [tilespmem:s0+$0x0]  }
.Ltmp9:
0x1ff: {  	_ = 	snop;
	(pc) =	sbr.rel @p0 .LBB2_17-.Ltmp9, $2  }
0x200: {  	_ =	sdelay $0x2  }
0x201: {  	s1 =	simm.s32 $0xB410;
	s0 =	sadd.s32 $0xFFFFFFFF, s30;
	v12 =	vand.u32 $0x1F, v12  }
.LBB2_16:
0x202: {  	v13 =	vld [tilespmem:s1+$0x0];
	p0 =	seq.s32 s0, $0x1;
	s0 =	sadd.s32 $0xFFFFFFFF, s0  }
.Ltmp10:
0x203: {  	(pc) =	sbr.rel @!p0 .LBB2_16-.Ltmp10, $3  }
0x204: {  	_ =	sdelay $0x1  }
0x205: {  	[tilespmem:v12+s12+$0x0] =	vst.idx.add.s32.msk $0xffff, v6  }
0x206: {  	s1 =	sadd.s32 $0x10, s1;
	v12 =	vand.u32 $0x1F, v13  }
.LBB2_17:
0x207: {  	_ =	sdelay $0x3  }
0x208: {  	[tilespmem:v12+s12+$0x0] =	vst.idx.add.s32.msk $0xffff, v6  }
.LBB2_18:
0x209: {  	v12 =	vld [tilespmem:$0xA010];
	_ =	sdelay $0x4  }
0x20a: {  	v13 =	vperm.xlane v12, v2;
	_ =	sdelay $0x1  }
0x20b: {  	(xrf0) =	vadd.scan.msk.s32 $0xffff, v13;
	_ =	sdelay $0x5  }
0x20c: {  	v13, _, _ =	vpop (xrf0)  }
0x20d: {  	v14 =	vxor.u32 $0x80000000, v13  }
0x20e: {  	(xrf0) =	vmax.scan.msk.u32 $0xffff, v14;
	_ =	sdelay $0x5  }
0x20f: {  	v14, _, _ =	vpop (xrf0)  }
0x210: {  	v15 =	vld [tilespmem:$0xA000];
	(v2sf) =	vpush v14, $0xF;
	_ =	sdelay $0x4  }
0x211: {  	v63 =	vperm.xlane v15, v2;
	_ =	sdelay $0x1  }
0x212: {  	(xrf0) =	vadd.scan.msk.s32 $0xffff, v63;
	_ =	sdelay $0x5  }
0x213: {  	p0 =	sgt.s32 s30, $0x0;
	v14, _, _ =	vpop (xrf0)  }
.Ltmp11:
0x214: {  	v13 =	vperm.xlane v13, v2;
	v14 =	vperm.xlane v14, v2;
	(pc) =	sbr.rel @!p0 .LBB2_24-.Ltmp11, $4  }
0x215: {  	s0 =	spop (v2sf)  }
0x216: {  	v12 =	vsub.s32 v13, v12;
	v14 =	vsub.s32 v14, v15;
	s0 =	sxor.u32 $0x80000000, s0  }
0x217: {  	[tilespmem:$0xA010] =	vst v12;
	v14 =	vadd.s32 s0, v14  }
0x218: {  	[tilespmem:$0xA000] =	vst v14  }
0x219: {  	p1 =	seq.s32 s30, $0x1  }
.Ltmp12:
0x21a: {  	_ = 	snop;
	(pc) =	sbr.rel @p1 .LBB2_21-.Ltmp12, $4  }
0x21b: {  	s0 =	simm.s32 $0xB400  }
0x21c: {  	v12 =	vld [tilespmem:s0+$0x0]  }
0x21d: {  	s1 =	simm.s32 $0xD480  }
0x21e: {  	s6 =	sadd.s32 $0xFFFFFFFF, s30;
	v13 =	vld [tilespmem:s1+$0x0]  }
.LBB2_20:
0x21f: {  	p2 =	seq.s32 s6, $0x1;
	_ =	sdelay $0x1  }
0x220: {  	v14 =	vand.u32 $0x1F, v12  }
0x221: {  	(xrf1) =	vunique.msk.u32 $0xffff, v14;
	_ =	sdelay $0x8  }
0x222: {  	v15 =	vld.idx.msk [tilespmem:v14+s12+$0x0], $0xffff;
	_ =	sdelay $0x4  }
0x223: {  	_, v16, vm0 =	vpop (xrf1)  }
0x224: {  	v15 =	vadd.s32 v16, v15  }
0x225: {  	v15 =	vadd.s32 $0xFFFFFFFF, v15;
	_ =	sdelay $0x4  }
0x226: {  	[tilespmem:v15+s17+$0x0] =	vst.idx.msk $0xffff, v12  }
.Ltmp13:
0x227: {  	[tilespmem:v15+s18+$0x0] =	vst.idx.msk $0xffff, v13;
	(pc) =	sbr.rel @!p2 .LBB2_20-.Ltmp13, $4  }
0x228: {  	s0 =	sadd.s32 $0x10, s0;
	[tilespmem:v14+s12+$0x0] =	vst.idx.add.s32.msk vm0, v16  }
0x229: {  	s1 =	sadd.s32 $0x10, s1;
	v12 =	vld [tilespmem:s0+$0x0]  }
0x22a: {  	v13 =	vld [tilespmem:s1+$0x0]  }
0x22b: {  	s6 =	sadd.s32 $0xFFFFFFFF, s6  }
.LBB2_21:
0x22c: {  	_ =	sdelay $0x1  }
0x22d: {  	v14 =	vand.u32 $0x1F, v12  }
0x22e: {  	(xrf1) =	vunique.msk.u32 $0xffff, v14;
	_ =	sdelay $0x9  }
0x22f: {  	v15 =	vld.idx.msk [tilespmem:v14+s12+$0x0], $0xffff;
	_ =	sdelay $0x3  }
0x230: {  	_, v16, vm0 =	vpop (xrf1)  }
0x231: {  	v15 =	vadd.s32 v16, v15  }
0x232: {  	v15 =	vadd.s32 $0xFFFFFFFF, v15;
	_ =	sdelay $0x4  }
0x233: {  	[tilespmem:v15+s17+$0x0] =	vst.idx.msk $0xffff, v12  }
0x234: {  	[tilespmem:v15+s18+$0x0] =	vst.idx.msk $0xffff, v13  }
0x235: {  	[tilespmem:v14+s12+$0x0] =	vst.idx.add.s32.msk vm0, v16  }
0x236: {  	[tilespmem:$0xA000] =	vst v1  }
0x237: {  	s0 =	simm.s32 $0xF500;
	[tilespmem:$0xA010] =	vst v1  }
0x238: {  	v12 =	vld [tilespmem:s0+$0x0]  }
.Ltmp14:
0x239: {  	_ = 	snop;
	(pc) =	sbr.rel @p1 .LBB2_23-.Ltmp14, $2  }
0x23a: {  	_ =	sdelay $0x2  }
0x23b: {  	s1 =	simm.s32 $0xF510;
	s0 =	sadd.s32 $0xFFFFFFFF, s30;
	v12 =	vshrl.u32 v12, $0x5  }
.LBB2_22:
0x23c: {  	v13 =	vld [tilespmem:s1+$0x0];
	p1 =	seq.s32 s0, $0x1;
	s0 =	sadd.s32 $0xFFFFFFFF, s0;
	v14 =	vand.u32 $0x1F, v12  }
.Ltmp15:
0x23d: {  	(pc) =	sbr.rel @!p1 .LBB2_22-.Ltmp15, $2  }
0x23e: {  	_ =	sdelay $0x2  }
0x23f: {  	s1 =	sadd.s32 $0x10, s1;
	v12 =	vshrl.u32 v13, $0x5;
	[tilespmem:v14+s12+$0x0] =	vst.idx.add.s32.msk $0xffff, v6  }
.LBB2_23:
0x240: {  	v12 =	vand.u32 $0x1F, v12  }
.Ltmp16:
0x241: {  	_ = 	snop;
	(pc) =	sbr.rel .LBB2_25-.Ltmp16, $2  }
0x242: {  	_ =	sdelay $0x2  }
0x243: {  	[tilespmem:v12+s12+$0x0] =	vst.idx.add.s32.msk $0xffff, v6  }
.LBB2_24:
0x244: {  	[tilespmem:$0xA000] =	vst v1  }
0x245: {  	[tilespmem:$0xA010] =	vst v1  }
.LBB2_25:
0x246: {  	v12 =	vld [tilespmem:$0xA010];
	_ =	sdelay $0x4  }
0x247: {  	v13 =	vperm.xlane v12, v2;
	_ =	sdelay $0x1  }
0x248: {  	(xrf0) =	vadd.scan.msk.s32 $0xffff, v13;
	_ =	sdelay $0x5  }
0x249: {  	v13, _, _ =	vpop (xrf0)  }
0x24a: {  	v14 =	vxor.u32 $0x80000000, v13  }
0x24b: {  	(xrf0) =	vmax.scan.msk.u32 $0xffff, v14;
	_ =	sdelay $0x5  }
0x24c: {  	v14, _, _ =	vpop (xrf0)  }
0x24d: {  	v15 =	vld [tilespmem:$0xA000];
	(v2sf) =	vpush v14, $0xF;
	_ =	sdelay $0x4  }
0x24e: {  	v63 =	vperm.xlane v15, v2;
	_ =	sdelay $0x1  }
0x24f: {  	(xrf0) =	vadd.scan.msk.s32 $0xffff, v63;
	_ =	sdelay $0x5  }
0x250: {  	v14, _, _ =	vpop (xrf0)  }
.Ltmp17:
0x251: {  	v13 =	vperm.xlane v13, v2;
	v14 =	vperm.xlane v14, v2;
	(pc) =	sbr.rel @!p0 .LBB2_31-.Ltmp17, $4  }
0x252: {  	s0 =	spop (v2sf)  }
0x253: {  	v12 =	vsub.s32 v13, v12;
	v14 =	vsub.s32 v14, v15;
	s0 =	sxor.u32 $0x80000000, s0  }
0x254: {  	[tilespmem:$0xA010] =	vst v12;
	v14 =	vadd.s32 s0, v14  }
0x255: {  	[tilespmem:$0xA000] =	vst v14  }
0x256: {  	p1 =	seq.s32 s30, $0x1  }
.Ltmp18:
0x257: {  	_ = 	snop;
	(pc) =	sbr.rel @p1 .LBB2_28-.Ltmp18, $4  }
0x258: {  	s0 =	simm.s32 $0xF500  }
0x259: {  	v12 =	vld [tilespmem:s0+$0x0]  }
0x25a: {  	s1 =	simm.s32 $0x11580  }
0x25b: {  	s6 =	sadd.s32 $0xFFFFFFFF, s30;
	v13 =	vld [tilespmem:s1+$0x0]  }
.LBB2_27:
0x25c: {  	p2 =	seq.s32 s6, $0x1;
	_ =	sdelay $0x1  }
0x25d: {  	v14 =	vshrl.u32 v12, $0x5  }
0x25e: {  	v14 =	vand.u32 $0x1F, v14  }
0x25f: {  	(xrf1) =	vunique.msk.u32 $0xffff, v14;
	_ =	sdelay $0x8  }
0x260: {  	v15 =	vld.idx.msk [tilespmem:v14+s12+$0x0], $0xffff;
	_ =	sdelay $0x4  }
0x261: {  	_, v16, vm0 =	vpop (xrf1)  }
0x262: {  	v15 =	vadd.s32 v16, v15  }
0x263: {  	v15 =	vadd.s32 $0xFFFFFFFF, v15;
	_ =	sdelay $0x4  }
0x264: {  	[tilespmem:v15+s15+$0x0] =	vst.idx.msk $0xffff, v12  }
.Ltmp19:
0x265: {  	[tilespmem:v15+s16+$0x0] =	vst.idx.msk $0xffff, v13;
	(pc) =	sbr.rel @!p2 .LBB2_27-.Ltmp19, $4  }
0x266: {  	s0 =	sadd.s32 $0x10, s0;
	[tilespmem:v14+s12+$0x0] =	vst.idx.add.s32.msk vm0, v16  }
0x267: {  	s1 =	sadd.s32 $0x10, s1;
	v12 =	vld [tilespmem:s0+$0x0]  }
0x268: {  	v13 =	vld [tilespmem:s1+$0x0]  }
0x269: {  	s6 =	sadd.s32 $0xFFFFFFFF, s6  }
.LBB2_28:
0x26a: {  	_ =	sdelay $0x1  }
0x26b: {  	v14 =	vshrl.u32 v12, $0x5  }
0x26c: {  	v14 =	vand.u32 $0x1F, v14  }
0x26d: {  	(xrf1) =	vunique.msk.u32 $0xffff, v14;
	_ =	sdelay $0x9  }
0x26e: {  	v15 =	vld.idx.msk [tilespmem:v14+s12+$0x0], $0xffff;
	_ =	sdelay $0x3  }
0x26f: {  	_, v16, vm0 =	vpop (xrf1)  }
0x270: {  	v15 =	vadd.s32 v16, v15  }
0x271: {  	v15 =	vadd.s32 $0xFFFFFFFF, v15;
	_ =	sdelay $0x4  }
0x272: {  	[tilespmem:v15+s15+$0x0] =	vst.idx.msk $0xffff, v12  }
0x273: {  	[tilespmem:v15+s16+$0x0] =	vst.idx.msk $0xffff, v13  }
0x274: {  	[tilespmem:v14+s12+$0x0] =	vst.idx.add.s32.msk vm0, v16  }
0x275: {  	[tilespmem:$0xA000] =	vst v1  }
0x276: {  	s0 =	simm.s32 $0xB400;
	[tilespmem:$0xA010] =	vst v1  }
0x277: {  	v12 =	vld [tilespmem:s0+$0x0]  }
.Ltmp20:
0x278: {  	_ = 	snop;
	(pc) =	sbr.rel @p1 .LBB2_30-.Ltmp20, $2  }
0x279: {  	_ =	sdelay $0x2  }
0x27a: {  	s1 =	simm.s32 $0xB410;
	s0 =	sadd.s32 $0xFFFFFFFF, s30;
	v12 =	vshrl.u32 v12, $0xA  }
.LBB2_29:
0x27b: {  	v13 =	vld [tilespmem:s1+$0x0];
	p1 =	seq.s32 s0, $0x1;
	s0 =	sadd.s32 $0xFFFFFFFF, s0;
	v14 =	vand.u32 $0x1F, v12  }
.Ltmp21:
0x27c: {  	(pc) =	sbr.rel @!p1 .LBB2_29-.Ltmp21, $2  }
0x27d: {  	_ =	sdelay $0x2  }
0x27e: {  	s1 =	sadd.s32 $0x10, s1;
	v12 =	vshrl.u32 v13, $0xA;
	[tilespmem:v14+s12+$0x0] =	vst.idx.add.s32.msk $0xffff, v6  }
.LBB2_30:
0x27f: {  	v12 =	vand.u32 $0x1F, v12  }
.Ltmp22:
0x280: {  	_ = 	snop;
	(pc) =	sbr.rel .LBB2_32-.Ltmp22, $2  }
0x281: {  	_ =	sdelay $0x2  }
0x282: {  	[tilespmem:v12+s12+$0x0] =	vst.idx.add.s32.msk $0xffff, v6  }
.LBB2_31:
0x283: {  	[tilespmem:$0xA000] =	vst v1  }
0x284: {  	[tilespmem:$0xA010] =	vst v1  }
.LBB2_32:
0x285: {  	v12 =	vld [tilespmem:$0xA010];
	_ =	sdelay $0x4  }
0x286: {  	v13 =	vperm.xlane v12, v2;
	_ =	sdelay $0x1  }
0x287: {  	(xrf0) =	vadd.scan.msk.s32 $0xffff, v13;
	_ =	sdelay $0x5  }
0x288: {  	v13, _, _ =	vpop (xrf0)  }
0x289: {  	v14 =	vxor.u32 $0x80000000, v13  }
0x28a: {  	(xrf0) =	vmax.scan.msk.u32 $0xffff, v14;
	_ =	sdelay $0x5  }
0x28b: {  	v14, _, _ =	vpop (xrf0)  }
0x28c: {  	v15 =	vld [tilespmem:$0xA000];
	(v2sf) =	vpush v14, $0xF;
	_ =	sdelay $0x4  }
0x28d: {  	v63 =	vperm.xlane v15, v2;
	_ =	sdelay $0x1  }
0x28e: {  	(xrf0) =	vadd.scan.msk.s32 $0xffff, v63;
	_ =	sdelay $0x5  }
0x28f: {  	v14, _, _ =	vpop (xrf0)  }
.Ltmp23:
0x290: {  	v13 =	vperm.xlane v13, v2;
	v14 =	vperm.xlane v14, v2;
	(pc) =	sbr.rel @!p0 .LBB2_38-.Ltmp23, $4  }
0x291: {  	s0 =	spop (v2sf)  }
0x292: {  	v12 =	vsub.s32 v13, v12;
	v14 =	vsub.s32 v14, v15;
	s0 =	sxor.u32 $0x80000000, s0  }
0x293: {  	[tilespmem:$0xA010] =	vst v12;
	v14 =	vadd.s32 s0, v14  }
0x294: {  	[tilespmem:$0xA000] =	vst v14  }
0x295: {  	p1 =	seq.s32 s30, $0x1  }
.Ltmp24:
0x296: {  	_ = 	snop;
	(pc) =	sbr.rel @p1 .LBB2_35-.Ltmp24, $4  }
0x297: {  	s0 =	simm.s32 $0xB400  }
0x298: {  	v12 =	vld [tilespmem:s0+$0x0]  }
0x299: {  	s1 =	simm.s32 $0xD480  }
0x29a: {  	s6 =	sadd.s32 $0xFFFFFFFF, s30;
	v13 =	vld [tilespmem:s1+$0x0]  }
.LBB2_34:
0x29b: {  	p2 =	seq.s32 s6, $0x1;
	_ =	sdelay $0x1  }
0x29c: {  	v14 =	vshrl.u32 v12, $0xA  }
0x29d: {  	v14 =	vand.u32 $0x1F, v14  }
0x29e: {  	(xrf1) =	vunique.msk.u32 $0xffff, v14;
	_ =	sdelay $0x8  }
0x29f: {  	v15 =	vld.idx.msk [tilespmem:v14+s12+$0x0], $0xffff;
	_ =	sdelay $0x4  }
0x2a0: {  	_, v16, vm0 =	vpop (xrf1)  }
0x2a1: {  	v15 =	vadd.s32 v16, v15  }
0x2a2: {  	v15 =	vadd.s32 $0xFFFFFFFF, v15;
	_ =	sdelay $0x4  }
0x2a3: {  	[tilespmem:v15+s17+$0x0] =	vst.idx.msk $0xffff, v12  }
.Ltmp25:
0x2a4: {  	[tilespmem:v15+s18+$0x0] =	vst.idx.msk $0xffff, v13;
	(pc) =	sbr.rel @!p2 .LBB2_34-.Ltmp25, $4  }
0x2a5: {  	s0 =	sadd.s32 $0x10, s0;
	[tilespmem:v14+s12+$0x0] =	vst.idx.add.s32.msk vm0, v16  }
0x2a6: {  	s1 =	sadd.s32 $0x10, s1;
	v12 =	vld [tilespmem:s0+$0x0]  }
0x2a7: {  	v13 =	vld [tilespmem:s1+$0x0]  }
0x2a8: {  	s6 =	sadd.s32 $0xFFFFFFFF, s6  }
.LBB2_35:
0x2a9: {  	_ =	sdelay $0x1  }
0x2aa: {  	v14 =	vshrl.u32 v12, $0xA  }
0x2ab: {  	v14 =	vand.u32 $0x1F, v14  }
0x2ac: {  	(xrf1) =	vunique.msk.u32 $0xffff, v14;
	_ =	sdelay $0x9  }
0x2ad: {  	v15 =	vld.idx.msk [tilespmem:v14+s12+$0x0], $0xffff;
	_ =	sdelay $0x3  }
0x2ae: {  	_, v16, vm0 =	vpop (xrf1)  }
0x2af: {  	v15 =	vadd.s32 v16, v15  }
0x2b0: {  	v15 =	vadd.s32 $0xFFFFFFFF, v15;
	_ =	sdelay $0x4  }
0x2b1: {  	[tilespmem:v15+s17+$0x0] =	vst.idx.msk $0xffff, v12  }
0x2b2: {  	[tilespmem:v15+s18+$0x0] =	vst.idx.msk $0xffff, v13  }
0x2b3: {  	[tilespmem:v14+s12+$0x0] =	vst.idx.add.s32.msk vm0, v16  }
0x2b4: {  	[tilespmem:$0xA000] =	vst v1  }
0x2b5: {  	s0 =	simm.s32 $0xF500;
	[tilespmem:$0xA010] =	vst v1  }
0x2b6: {  	v12 =	vld [tilespmem:s0+$0x0]  }
.Ltmp26:
0x2b7: {  	_ = 	snop;
	(pc) =	sbr.rel @p1 .LBB2_37-.Ltmp26, $2  }
0x2b8: {  	_ =	sdelay $0x2  }
0x2b9: {  	s1 =	simm.s32 $0xF510;
	s0 =	sadd.s32 $0xFFFFFFFF, s30;
	v12 =	vshrl.u32 v12, $0xF  }
.LBB2_36:
0x2ba: {  	v13 =	vld [tilespmem:s1+$0x0];
	p1 =	seq.s32 s0, $0x1;
	s0 =	sadd.s32 $0xFFFFFFFF, s0;
	v14 =	vand.u32 $0x1F, v12  }
.Ltmp27:
0x2bb: {  	(pc) =	sbr.rel @!p1 .LBB2_36-.Ltmp27, $2  }
0x2bc: {  	_ =	sdelay $0x2  }
0x2bd: {  	s1 =	sadd.s32 $0x10, s1;
	v12 =	vshrl.u32 v13, $0xF;
	[tilespmem:v14+s12+$0x0] =	vst.idx.add.s32.msk $0xffff, v6  }
.LBB2_37:
0x2be: {  	v12 =	vand.u32 $0x1F, v12  }
.Ltmp28:
0x2bf: {  	_ = 	snop;
	(pc) =	sbr.rel .LBB2_39-.Ltmp28, $2  }
0x2c0: {  	_ =	sdelay $0x2  }
0x2c1: {  	[tilespmem:v12+s12+$0x0] =	vst.idx.add.s32.msk $0xffff, v6  }
.LBB2_38:
0x2c2: {  	[tilespmem:$0xA000] =	vst v1  }
0x2c3: {  	[tilespmem:$0xA010] =	vst v1  }
.LBB2_39:
0x2c4: {  	v12 =	vld [tilespmem:$0xA010];
	_ =	sdelay $0x4  }
0x2c5: {  	v13 =	vperm.xlane v12, v2;
	_ =	sdelay $0x1  }
0x2c6: {  	(xrf0) =	vadd.scan.msk.s32 $0xffff, v13;
	_ =	sdelay $0x5  }
0x2c7: {  	v13, _, _ =	vpop (xrf0)  }
0x2c8: {  	v14 =	vxor.u32 $0x80000000, v13  }
0x2c9: {  	(xrf0) =	vmax.scan.msk.u32 $0xffff, v14;
	_ =	sdelay $0x5  }
0x2ca: {  	v14, _, _ =	vpop (xrf0)  }
0x2cb: {  	v15 =	vld [tilespmem:$0xA000];
	(v2sf) =	vpush v14, $0xF;
	_ =	sdelay $0x4  }
0x2cc: {  	v63 =	vperm.xlane v15, v2;
	_ =	sdelay $0x1  }
0x2cd: {  	(xrf0) =	vadd.scan.msk.s32 $0xffff, v63;
	_ =	sdelay $0x5  }
0x2ce: {  	v14, _, _ =	vpop (xrf0)  }
.Ltmp29:
0x2cf: {  	v13 =	vperm.xlane v13, v2;
	v14 =	vperm.xlane v14, v2;
	(pc) =	sbr.rel @!p0 .LBB2_45-.Ltmp29, $4  }
0x2d0: {  	s0 =	spop (v2sf)  }
0x2d1: {  	v12 =	vsub.s32 v13, v12;
	v14 =	vsub.s32 v14, v15;
	s0 =	sxor.u32 $0x80000000, s0  }
0x2d2: {  	[tilespmem:$0xA010] =	vst v12;
	v14 =	vadd.s32 s0, v14  }
0x2d3: {  	[tilespmem:$0xA000] =	vst v14  }
0x2d4: {  	p1 =	seq.s32 s30, $0x1  }
.Ltmp30:
0x2d5: {  	_ = 	snop;
	(pc) =	sbr.rel @p1 .LBB2_42-.Ltmp30, $4  }
0x2d6: {  	s0 =	simm.s32 $0xF500  }
0x2d7: {  	v12 =	vld [tilespmem:s0+$0x0]  }
0x2d8: {  	s1 =	simm.s32 $0x11580  }
0x2d9: {  	s6 =	sadd.s32 $0xFFFFFFFF, s30;
	v13 =	vld [tilespmem:s1+$0x0]  }
.LBB2_41:
0x2da: {  	p2 =	seq.s32 s6, $0x1;
	_ =	sdelay $0x1  }
0x2db: {  	v14 =	vshrl.u32 v12, $0xF  }
0x2dc: {  	v14 =	vand.u32 $0x1F, v14  }
0x2dd: {  	(xrf1) =	vunique.msk.u32 $0xffff, v14;
	_ =	sdelay $0x8  }
0x2de: {  	v15 =	vld.idx.msk [tilespmem:v14+s12+$0x0], $0xffff;
	_ =	sdelay $0x4  }
0x2df: {  	_, v16, vm0 =	vpop (xrf1)  }
0x2e0: {  	v15 =	vadd.s32 v16, v15  }
0x2e1: {  	v15 =	vadd.s32 $0xFFFFFFFF, v15;
	_ =	sdelay $0x4  }
0x2e2: {  	[tilespmem:v15+s15+$0x0] =	vst.idx.msk $0xffff, v12  }
.Ltmp31:
0x2e3: {  	[tilespmem:v15+s16+$0x0] =	vst.idx.msk $0xffff, v13;
	(pc) =	sbr.rel @!p2 .LBB2_41-.Ltmp31, $4  }
0x2e4: {  	s0 =	sadd.s32 $0x10, s0;
	[tilespmem:v14+s12+$0x0] =	vst.idx.add.s32.msk vm0, v16  }
0x2e5: {  	s1 =	sadd.s32 $0x10, s1;
	v12 =	vld [tilespmem:s0+$0x0]  }
0x2e6: {  	v13 =	vld [tilespmem:s1+$0x0]  }
0x2e7: {  	s6 =	sadd.s32 $0xFFFFFFFF, s6  }
.LBB2_42:
0x2e8: {  	_ =	sdelay $0x1  }
0x2e9: {  	v14 =	vshrl.u32 v12, $0xF  }
0x2ea: {  	v14 =	vand.u32 $0x1F, v14  }
0x2eb: {  	(xrf1) =	vunique.msk.u32 $0xffff, v14;
	_ =	sdelay $0x9  }
0x2ec: {  	v15 =	vld.idx.msk [tilespmem:v14+s12+$0x0], $0xffff;
	_ =	sdelay $0x3  }
0x2ed: {  	_, v16, vm0 =	vpop (xrf1)  }
0x2ee: {  	v15 =	vadd.s32 v16, v15  }
0x2ef: {  	v15 =	vadd.s32 $0xFFFFFFFF, v15;
	_ =	sdelay $0x4  }
0x2f0: {  	[tilespmem:v15+s15+$0x0] =	vst.idx.msk $0xffff, v12  }
0x2f1: {  	[tilespmem:v15+s16+$0x0] =	vst.idx.msk $0xffff, v13  }
0x2f2: {  	[tilespmem:v14+s12+$0x0] =	vst.idx.add.s32.msk vm0, v16  }
0x2f3: {  	[tilespmem:$0xA000] =	vst v1  }
0x2f4: {  	s0 =	simm.s32 $0xB400;
	[tilespmem:$0xA010] =	vst v1  }
0x2f5: {  	v12 =	vld [tilespmem:s0+$0x0]  }
.Ltmp32:
0x2f6: {  	_ = 	snop;
	(pc) =	sbr.rel @p1 .LBB2_44-.Ltmp32, $2  }
0x2f7: {  	_ =	sdelay $0x2  }
0x2f8: {  	s1 =	simm.s32 $0xB410;
	s0 =	sadd.s32 $0xFFFFFFFF, s30;
	v12 =	vshrl.u32 v12, $0x14  }
.LBB2_43:
0x2f9: {  	v13 =	vld [tilespmem:s1+$0x0];
	p1 =	seq.s32 s0, $0x1;
	s0 =	sadd.s32 $0xFFFFFFFF, s0;
	v14 =	vand.u32 $0x1F, v12  }
.Ltmp33:
0x2fa: {  	(pc) =	sbr.rel @!p1 .LBB2_43-.Ltmp33, $2  }
0x2fb: {  	_ =	sdelay $0x2  }
0x2fc: {  	s1 =	sadd.s32 $0x10, s1;
	v12 =	vshrl.u32 v13, $0x14;
	[tilespmem:v14+s12+$0x0] =	vst.idx.add.s32.msk $0xffff, v6  }
.LBB2_44:
0x2fd: {  	v12 =	vand.u32 $0x1F, v12  }
.Ltmp34:
0x2fe: {  	_ = 	snop;
	(pc) =	sbr.rel .LBB2_46-.Ltmp34, $2  }
0x2ff: {  	_ =	sdelay $0x2  }
0x300: {  	[tilespmem:v12+s12+$0x0] =	vst.idx.add.s32.msk $0xffff, v6  }
.LBB2_45:
0x301: {  	[tilespmem:$0xA000] =	vst v1  }
0x302: {  	[tilespmem:$0xA010] =	vst v1  }
.LBB2_46:
0x303: {  	v12 =	vld [tilespmem:$0xA010];
	_ =	sdelay $0x4  }
0x304: {  	v13 =	vperm.xlane v12, v2;
	_ =	sdelay $0x1  }
0x305: {  	(xrf0) =	vadd.scan.msk.s32 $0xffff, v13;
	_ =	sdelay $0x5  }
0x306: {  	v13, _, _ =	vpop (xrf0)  }
0x307: {  	v14 =	vxor.u32 $0x80000000, v13  }
0x308: {  	(xrf0) =	vmax.scan.msk.u32 $0xffff, v14;
	_ =	sdelay $0x5  }
0x309: {  	v14, _, _ =	vpop (xrf0)  }
0x30a: {  	v15 =	vld [tilespmem:$0xA000];
	(v2sf) =	vpush v14, $0xF;
	_ =	sdelay $0x4  }
0x30b: {  	v63 =	vperm.xlane v15, v2;
	_ =	sdelay $0x1  }
0x30c: {  	(xrf0) =	vadd.scan.msk.s32 $0xffff, v63;
	_ =	sdelay $0x5  }
0x30d: {  	v14, _, _ =	vpop (xrf0)  }
.Ltmp35:
0x30e: {  	v13 =	vperm.xlane v13, v2;
	v14 =	vperm.xlane v14, v2;
	(pc) =	sbr.rel @!p0 .LBB2_52-.Ltmp35, $4  }
0x30f: {  	s0 =	spop (v2sf)  }
0x310: {  	v12 =	vsub.s32 v13, v12;
	v14 =	vsub.s32 v14, v15;
	s0 =	sxor.u32 $0x80000000, s0  }
0x311: {  	[tilespmem:$0xA010] =	vst v12;
	v14 =	vadd.s32 s0, v14  }
0x312: {  	[tilespmem:$0xA000] =	vst v14  }
0x313: {  	p1 =	seq.s32 s30, $0x1  }
.Ltmp36:
0x314: {  	_ = 	snop;
	(pc) =	sbr.rel @p1 .LBB2_49-.Ltmp36, $4  }
0x315: {  	s0 =	simm.s32 $0xB400  }
0x316: {  	v12 =	vld [tilespmem:s0+$0x0]  }
0x317: {  	s1 =	simm.s32 $0xD480  }
0x318: {  	s6 =	sadd.s32 $0xFFFFFFFF, s30;
	v13 =	vld [tilespmem:s1+$0x0]  }
.LBB2_48:
0x319: {  	p2 =	seq.s32 s6, $0x1;
	_ =	sdelay $0x1  }
0x31a: {  	v14 =	vshrl.u32 v12, $0x14  }
0x31b: {  	v14 =	vand.u32 $0x1F, v14  }
0x31c: {  	(xrf1) =	vunique.msk.u32 $0xffff, v14;
	_ =	sdelay $0x8  }
0x31d: {  	v15 =	vld.idx.msk [tilespmem:v14+s12+$0x0], $0xffff;
	_ =	sdelay $0x4  }
0x31e: {  	_, v16, vm0 =	vpop (xrf1)  }
0x31f: {  	v15 =	vadd.s32 v16, v15  }
0x320: {  	v15 =	vadd.s32 $0xFFFFFFFF, v15;
	_ =	sdelay $0x4  }
0x321: {  	[tilespmem:v15+s17+$0x0] =	vst.idx.msk $0xffff, v12  }
.Ltmp37:
0x322: {  	[tilespmem:v15+s18+$0x0] =	vst.idx.msk $0xffff, v13;
	(pc) =	sbr.rel @!p2 .LBB2_48-.Ltmp37, $4  }
0x323: {  	s0 =	sadd.s32 $0x10, s0;
	[tilespmem:v14+s12+$0x0] =	vst.idx.add.s32.msk vm0, v16  }
0x324: {  	s1 =	sadd.s32 $0x10, s1;
	v12 =	vld [tilespmem:s0+$0x0]  }
0x325: {  	v13 =	vld [tilespmem:s1+$0x0]  }
0x326: {  	s6 =	sadd.s32 $0xFFFFFFFF, s6  }
.LBB2_49:
0x327: {  	_ =	sdelay $0x1  }
0x328: {  	v14 =	vshrl.u32 v12, $0x14  }
0x329: {  	v14 =	vand.u32 $0x1F, v14  }
0x32a: {  	(xrf1) =	vunique.msk.u32 $0xffff, v14;
	_ =	sdelay $0x9  }
0x32b: {  	v15 =	vld.idx.msk [tilespmem:v14+s12+$0x0], $0xffff;
	_ =	sdelay $0x3  }
0x32c: {  	_, v16, vm0 =	vpop (xrf1)  }
0x32d: {  	v15 =	vadd.s32 v16, v15  }
0x32e: {  	v15 =	vadd.s32 $0xFFFFFFFF, v15;
	_ =	sdelay $0x4  }
0x32f: {  	[tilespmem:v15+s17+$0x0] =	vst.idx.msk $0xffff, v12  }
0x330: {  	[tilespmem:v15+s18+$0x0] =	vst.idx.msk $0xffff, v13  }
0x331: {  	[tilespmem:v14+s12+$0x0] =	vst.idx.add.s32.msk vm0, v16  }
0x332: {  	[tilespmem:$0xA000] =	vst v1  }
0x333: {  	s0 =	simm.s32 $0xF500;
	[tilespmem:$0xA010] =	vst v1  }
0x334: {  	v12 =	vld [tilespmem:s0+$0x0]  }
.Ltmp38:
0x335: {  	_ = 	snop;
	(pc) =	sbr.rel @p1 .LBB2_51-.Ltmp38, $2  }
0x336: {  	_ =	sdelay $0x2  }
0x337: {  	s1 =	simm.s32 $0xF510;
	s0 =	sadd.s32 $0xFFFFFFFF, s30;
	v12 =	vshrl.u32 v12, $0x19  }
.LBB2_50:
0x338: {  	v13 =	vld [tilespmem:s1+$0x0];
	p1 =	seq.s32 s0, $0x1;
	s0 =	sadd.s32 $0xFFFFFFFF, s0;
	v14 =	vand.u32 $0x1F, v12  }
.Ltmp39:
0x339: {  	(pc) =	sbr.rel @!p1 .LBB2_50-.Ltmp39, $2  }
0x33a: {  	_ =	sdelay $0x2  }
0x33b: {  	s1 =	sadd.s32 $0x10, s1;
	v12 =	vshrl.u32 v13, $0x19;
	[tilespmem:v14+s12+$0x0] =	vst.idx.add.s32.msk $0xffff, v6  }
.LBB2_51:
0x33c: {  	v12 =	vand.u32 $0x1F, v12  }
.Ltmp40:
0x33d: {  	_ = 	snop;
	(pc) =	sbr.rel .LBB2_53-.Ltmp40, $2  }
0x33e: {  	_ =	sdelay $0x2  }
0x33f: {  	[tilespmem:v12+s12+$0x0] =	vst.idx.add.s32.msk $0xffff, v6  }
.LBB2_52:
0x340: {  	[tilespmem:$0xA000] =	vst v1  }
0x341: {  	[tilespmem:$0xA010] =	vst v1  }
.LBB2_53:
0x342: {  	v12 =	vld [tilespmem:$0xA010];
	_ =	sdelay $0x4  }
0x343: {  	v13 =	vperm.xlane v12, v2;
	_ =	sdelay $0x1  }
0x344: {  	(xrf0) =	vadd.scan.msk.s32 $0xffff, v13;
	_ =	sdelay $0x5  }
0x345: {  	v13, _, _ =	vpop (xrf0)  }
0x346: {  	v14 =	vxor.u32 $0x80000000, v13  }
0x347: {  	(xrf0) =	vmax.scan.msk.u32 $0xffff, v14;
	_ =	sdelay $0x5  }
0x348: {  	v14, _, _ =	vpop (xrf0)  }
0x349: {  	v15 =	vld [tilespmem:$0xA000];
	(v2sf) =	vpush v14, $0xF;
	_ =	sdelay $0x4  }
0x34a: {  	v63 =	vperm.xlane v15, v2;
	_ =	sdelay $0x1  }
0x34b: {  	(xrf0) =	vadd.scan.msk.s32 $0xffff, v63;
	_ =	sdelay $0x5  }
0x34c: {  	v14, _, _ =	vpop (xrf0)  }
.Ltmp41:
0x34d: {  	v13 =	vperm.xlane v13, v2;
	v14 =	vperm.xlane v14, v2;
	(pc) =	sbr.rel @!p0 .LBB2_59-.Ltmp41, $4  }
0x34e: {  	s0 =	spop (v2sf)  }
0x34f: {  	v12 =	vsub.s32 v13, v12;
	v14 =	vsub.s32 v14, v15;
	s0 =	sxor.u32 $0x80000000, s0  }
0x350: {  	[tilespmem:$0xA010] =	vst v12;
	v14 =	vadd.s32 s0, v14  }
0x351: {  	[tilespmem:$0xA000] =	vst v14  }
0x352: {  	p1 =	seq.s32 s30, $0x1  }
.Ltmp42:
0x353: {  	_ = 	snop;
	(pc) =	sbr.rel @p1 .LBB2_56-.Ltmp42, $4  }
0x354: {  	s0 =	simm.s32 $0xF500  }
0x355: {  	v12 =	vld [tilespmem:s0+$0x0]  }
0x356: {  	s1 =	simm.s32 $0x11580  }
0x357: {  	s6 =	sadd.s32 $0xFFFFFFFF, s30;
	v13 =	vld [tilespmem:s1+$0x0]  }
.LBB2_55:
0x358: {  	p2 =	seq.s32 s6, $0x1;
	_ =	sdelay $0x1  }
0x359: {  	v14 =	vshrl.u32 v12, $0x19  }
0x35a: {  	v14 =	vand.u32 $0x1F, v14  }
0x35b: {  	(xrf1) =	vunique.msk.u32 $0xffff, v14;
	_ =	sdelay $0x8  }
0x35c: {  	v15 =	vld.idx.msk [tilespmem:v14+s12+$0x0], $0xffff;
	_ =	sdelay $0x4  }
0x35d: {  	_, v16, vm0 =	vpop (xrf1)  }
0x35e: {  	v15 =	vadd.s32 v16, v15  }
0x35f: {  	v15 =	vadd.s32 $0xFFFFFFFF, v15;
	_ =	sdelay $0x4  }
0x360: {  	[tilespmem:v15+s15+$0x0] =	vst.idx.msk $0xffff, v12  }
.Ltmp43:
0x361: {  	[tilespmem:v15+s16+$0x0] =	vst.idx.msk $0xffff, v13;
	(pc) =	sbr.rel @!p2 .LBB2_55-.Ltmp43, $4  }
0x362: {  	s0 =	sadd.s32 $0x10, s0;
	[tilespmem:v14+s12+$0x0] =	vst.idx.add.s32.msk vm0, v16  }
0x363: {  	s1 =	sadd.s32 $0x10, s1;
	v12 =	vld [tilespmem:s0+$0x0]  }
0x364: {  	v13 =	vld [tilespmem:s1+$0x0]  }
0x365: {  	s6 =	sadd.s32 $0xFFFFFFFF, s6  }
.LBB2_56:
0x366: {  	_ =	sdelay $0x1  }
0x367: {  	v14 =	vshrl.u32 v12, $0x19  }
0x368: {  	v14 =	vand.u32 $0x1F, v14  }
0x369: {  	(xrf1) =	vunique.msk.u32 $0xffff, v14;
	_ =	sdelay $0x9  }
0x36a: {  	v15 =	vld.idx.msk [tilespmem:v14+s12+$0x0], $0xffff;
	_ =	sdelay $0x3  }
0x36b: {  	_, v16, vm0 =	vpop (xrf1)  }
0x36c: {  	v15 =	vadd.s32 v16, v15  }
0x36d: {  	v15 =	vadd.s32 $0xFFFFFFFF, v15;
	_ =	sdelay $0x4  }
0x36e: {  	[tilespmem:v15+s15+$0x0] =	vst.idx.msk $0xffff, v12  }
0x36f: {  	[tilespmem:v15+s16+$0x0] =	vst.idx.msk $0xffff, v13  }
0x370: {  	[tilespmem:v14+s12+$0x0] =	vst.idx.add.s32.msk vm0, v16  }
0x371: {  	[tilespmem:$0xA000] =	vst v1  }
0x372: {  	s0 =	simm.s32 $0xB400;
	[tilespmem:$0xA010] =	vst v1  }
0x373: {  	v12 =	vld [tilespmem:s0+$0x0]  }
.Ltmp44:
0x374: {  	_ = 	snop;
	(pc) =	sbr.rel @p1 .LBB2_58-.Ltmp44, $2  }
0x375: {  	_ =	sdelay $0x2  }
0x376: {  	s1 =	simm.s32 $0xB410;
	s0 =	sadd.s32 $0xFFFFFFFF, s30;
	v12 =	vshra.s32 v12, $0x1E  }
.LBB2_57:
0x377: {  	v13 =	vld [tilespmem:s1+$0x0];
	p1 =	seq.s32 s0, $0x1;
	s0 =	sadd.s32 $0xFFFFFFFF, s0;
	v14 =	vand.u32 $0x1F, v12  }
.Ltmp45:
0x378: {  	(pc) =	sbr.rel @!p1 .LBB2_57-.Ltmp45, $2  }
0x379: {  	_ =	sdelay $0x2  }
0x37a: {  	s1 =	sadd.s32 $0x10, s1;
	v12 =	vshra.s32 v13, $0x1E;
	[tilespmem:v14+s12+$0x0] =	vst.idx.add.s32.msk $0xffff, v6  }
.LBB2_58:
0x37b: {  	v12 =	vand.u32 $0x1F, v12  }
.Ltmp46:
0x37c: {  	_ = 	snop;
	(pc) =	sbr.rel .LBB2_60-.Ltmp46, $2  }
0x37d: {  	_ =	sdelay $0x2  }
0x37e: {  	[tilespmem:v12+s12+$0x0] =	vst.idx.add.s32.msk $0xffff, v6  }
.LBB2_59:
0x37f: {  	[tilespmem:$0xA000] =	vst v1  }
0x380: {  	[tilespmem:$0xA010] =	vst v1  }
.LBB2_60:
0x381: {  	v12 =	vld [tilespmem:$0xA010];
	_ =	sdelay $0x4  }
0x382: {  	v13 =	vperm.xlane v12, v2;
	_ =	sdelay $0x1  }
0x383: {  	(xrf0) =	vadd.scan.msk.s32 $0xffff, v13;
	_ =	sdelay $0x5  }
0x384: {  	v13, _, _ =	vpop (xrf0)  }
0x385: {  	v14 =	vxor.u32 $0x80000000, v13  }
0x386: {  	(xrf0) =	vmax.scan.msk.u32 $0xffff, v14;
	_ =	sdelay $0x5  }
0x387: {  	v14, _, _ =	vpop (xrf0)  }
0x388: {  	v15 =	vld [tilespmem:$0xA000];
	(v2sf) =	vpush v14, $0xF;
	_ =	sdelay $0x4  }
0x389: {  	v63 =	vperm.xlane v15, v2;
	_ =	sdelay $0x1  }
0x38a: {  	(xrf0) =	vadd.scan.msk.s32 $0xffff, v63;
	_ =	sdelay $0x5  }
0x38b: {  	v14, _, _ =	vpop (xrf0)  }
.Ltmp47:
0x38c: {  	v13 =	vperm.xlane v13, v2;
	v14 =	vperm.xlane v14, v2;
	(pc) =	sbr.rel @!p0 .LBB2_64-.Ltmp47, $4  }
0x38d: {  	s0 =	spop (v2sf)  }
0x38e: {  	v12 =	vsub.s32 v13, v12;
	v14 =	vsub.s32 v14, v15;
	s0 =	sxor.u32 $0x80000000, s0  }
0x38f: {  	[tilespmem:$0xA010] =	vst v12;
	v14 =	vadd.s32 s0, v14  }
0x390: {  	[tilespmem:$0xA000] =	vst v14  }
0x391: {  	p0 =	sne.s32 s30, $0x1  }
.Ltmp48:
0x392: {  	_ = 	snop;
	(pc) =	sbr.rel @!p0 .LBB2_63-.Ltmp48, $4  }
0x393: {  	s0 =	simm.s32 $0xB400  }
0x394: {  	v12 =	vld [tilespmem:s0+$0x0]  }
0x395: {  	s1 =	simm.s32 $0xD480  }
0x396: {  	s6 =	sadd.s32 $0xFFFFFFFF, s30;
	v13 =	vld [tilespmem:s1+$0x0]  }
.LBB2_62:
0x397: {  	p0 =	sne.s32 s6, $0x1;
	_ =	sdelay $0x1  }
0x398: {  	v14 =	vshra.s32 v12, $0x1E  }
0x399: {  	v14 =	vand.u32 $0x1F, v14  }
0x39a: {  	(xrf1) =	vunique.msk.u32 $0xffff, v14;
	_ =	sdelay $0x8  }
0x39b: {  	v15 =	vld.idx.msk [tilespmem:v14+s12+$0x0], $0xffff;
	_ =	sdelay $0x4  }
0x39c: {  	_, v16, vm0 =	vpop (xrf1)  }
0x39d: {  	v15 =	vadd.s32 v16, v15  }
0x39e: {  	v15 =	vadd.s32 $0xFFFFFFFF, v15;
	_ =	sdelay $0x4  }
0x39f: {  	[tilespmem:v15+s17+$0x0] =	vst.idx.msk $0xffff, v12  }
.Ltmp49:
0x3a0: {  	[tilespmem:v15+s18+$0x0] =	vst.idx.msk $0xffff, v13;
	(pc) =	sbr.rel @p0 .LBB2_62-.Ltmp49, $4  }
0x3a1: {  	s0 =	sadd.s32 $0x10, s0;
	[tilespmem:v14+s12+$0x0] =	vst.idx.add.s32.msk vm0, v16  }
0x3a2: {  	s1 =	sadd.s32 $0x10, s1;
	v12 =	vld [tilespmem:s0+$0x0]  }
0x3a3: {  	v13 =	vld [tilespmem:s1+$0x0]  }
0x3a4: {  	s6 =	sadd.s32 $0xFFFFFFFF, s6  }
.LBB2_63:
0x3a5: {  	_ =	sdelay $0x1  }
0x3a6: {  	v14 =	vshra.s32 v12, $0x1E  }
0x3a7: {  	v14 =	vand.u32 $0x1F, v14  }
0x3a8: {  	(xrf1) =	vunique.msk.u32 $0xffff, v14;
	_ =	sdelay $0x9  }
0x3a9: {  	v15 =	vld.idx.msk [tilespmem:v14+s12+$0x0], $0xffff;
	_ =	sdelay $0x3  }
0x3aa: {  	_, v16, vm0 =	vpop (xrf1)  }
0x3ab: {  	v15 =	vadd.s32 v16, v15  }
0x3ac: {  	v15 =	vadd.s32 $0xFFFFFFFF, v15;
	_ =	sdelay $0x4  }
0x3ad: {  	[tilespmem:v15+s17+$0x0] =	vst.idx.msk $0xffff, v12  }
0x3ae: {  	[tilespmem:v15+s18+$0x0] =	vst.idx.msk $0xffff, v13  }
0x3af: {  	[tilespmem:v14+s12+$0x0] =	vst.idx.add.s32.msk vm0, v16  }
.LBB2_64:
0x3b0: {  	p0 =	seq.s32 s25, $0x0  }
0x3b1: {  	s0 =	simm.s32 @!p0 $0x3  }
0x3b2: {  	_ =	swait.ge @!p0 [sflag:s0], $0x200  }
0x3b3: {  	[sflag:s0] =	ssyncset.done @!p0 $0x0  }
0x3b4: {  	s10 =	simm.s32 $0x115A0;
	[sflag:s0] =	ssyncadd.s32 @!p0 $0xFFFFFE00  }
0x3b5: {  	v12 =	vld [tilespmem:s10+$0x10];
	_ =	sdelay $0x3  }
0x3b6: {  	v13 =	vld [tilespmem:s10+$0xFFFFFFF0]  }
0x3b7: {  	v14 =	vld [tilespmem:s10+$0x0];
	v12 =	vshll.u32 v12, $0x1  }
0x3b8: {  	v15 =	vor.u32 $0x1, v12  }
0x3b9: {  	s22 =	simm.s32 $0x115E0;
	v16 =	vld [tilespmem:s10+$0xFFFFFFE0]  }
0x3ba: {  	v17 =	vld [tilespmem:s22+$0x10]  }
0x3bb: {  	v26 =	vld [tilespmem:s22+$0x0];
	v13 =	vshll.u32 v13, $0x1  }
0x3bc: {  	v25 =	vld [tilespmem:s22+$0xFFFFFFF0];
	v14 =	vshll.u32 v14, $0x1  }
0x3bd: {  	s1 =	simm.s32 $0x30;
	s23 =	simm.s32 $0x10;
	v22 =	vld.idx.msk [tilespmem:v15+s3+$0x0], $0xffff;
	v15 =	vor.u32 $0x1, v14  }
0x3be: {  	v19 =	vmov s1;
	v20 =	vmov s23;
	v16 =	vshll.u32 v16, $0x1;
	v18 =	vld.idx.msk [tilespmem:v12+s3+$0x0], $0xffff  }
0x3bf: {  	v19 =	vshll.u32 v19, $0x1;
	v20 =	vshll.u32 v20, $0x1;
	v23 =	vor.u32 $0x1, v16;
	v12 =	vld [tilespmem:s22+$0xFFFFFFE0]  }
0x3c0: {  	s30 =	simm.s32 $0x20;
	v19 =	vor.u32 v3, v19;
	v31 =	vor.u32 v3, v20;
	v30 =	vshll.u32 v17, $0x1;
	v24 =	vld.idx.msk [tilespmem:v13+s3+$0x0], $0xffff  }
0x3c1: {  	s24 =	simm.s32 $0x0;
	v29 =	vor.u32 $0x1, v19;
	v28 =	vor.u32 $0x1, v13;
	v21 =	vld.idx.msk [tilespmem:v14+s3+$0x0], $0xffff;
	v14 =	vmov s30  }
0x3c2: {  	v32 =	vor.u32 $0x1, v30;
	v14 =	vshll.u32 v14, $0x1;
	v13 =	vld.idx.msk [tilespmem:v15+s3+$0x0], $0xffff;
	v15 =	vmov s24  }
0x3c3: {  	v20 =	vld.idx.msk [tilespmem:v16+s3+$0x0], $0xffff;
	v27 =	vor.u32 v3, v14;
	v15 =	vshll.u32 v15, $0x1  }
0x3c4: {  	v17 =	vld.idx.msk [tilespmem:v23+s3+$0x0], $0xffff;
	v23 =	vor.u32 v3, v15  }
0x3c5: {  	s31 =	simm.s32 $0x70;
	v16 =	vld.idx.msk [tilespmem:v30+s3+$0x0], $0xffff;
	[tilespmem:v19+s19+$0x0] =	vst.idx.msk $0xffff, v18;
	v19 =	vshll.u32 v25, $0x1;
	v25 =	vor.u32 $0x1, v23  }
0x3c6: {  	v14 =	vshll.u32 v26, $0x1;
	v18 =	vmov s31;
	[tilespmem:v29+s19+$0x0] =	vst.idx.msk $0xffff, v22;
	v22 =	vor.u32 $0x1, v27;
	v15 =	vld.idx.msk [tilespmem:v28+s3+$0x0], $0xffff  }
0x3c7: {  	s6 =	simm.s32 $0x11620;
	s1 =	simm.s32 $0x4;
	s0 =	simm.s32 $0x40;
	v26 =	vor.u32 $0x1, v14;
	[tilespmem:v31+s19+$0x0] =	vst.idx.msk $0xffff, v24;
	v24 =	vor.u32 $0x1, v31;
	v28 =	vshll.u32 v18, $0x1;
	v18 =	vld.idx.msk [tilespmem:v32+s3+$0x0], $0xffff  }
.LBB2_65:
0x3c8: {  	v29 =	vld [tilespmem:s6+$0x10];
	s1 =	sadd.s32 $0x4, s1;
	v30 =	vshll.u32 v12, $0x1;
	v28 =	vor.u32 v3, v28;
	[tilespmem:v27+s19+$0x0] =	vst.idx.msk $0xffff, v21  }
0x3c9: {  	v12 =	vld [tilespmem:s6+$0xFFFFFFE0];
	p1 =	slt.u32 s1, $0xC;
	v31 =	vor.u32 $0x1, v30;
	v27 =	vor.u32 $0x1, v28;
	[tilespmem:v23+s19+$0x0] =	vst.idx.msk $0xffff, v20  }
0x3ca: {  	s2 =	sadd.s32 $0x10, s0;
	v32 =	vld.idx.msk [tilespmem:v19+s3+$0x0], $0xffff;
	[tilespmem:v25+s19+$0x0] =	vst.idx.msk $0xffff, v17  }
0x3cb: {  	v17 =	vmov s2;
	v33 =	vld [tilespmem:s6+$0x0];
	[tilespmem:v22+s19+$0x0] =	vst.idx.msk $0xffff, v13  }
0x3cc: {  	v34 =	vor.u32 $0x1, v19;
	s2 =	sadd.s32 $0x20, s0;
	v13 =	vshll.u32 v17, $0x1;
	v22 =	vld [tilespmem:s6+$0xFFFFFFF0];
	[tilespmem:v24+s19+$0x0] =	vst.idx.msk $0xffff, v15  }
0x3cd: {  	v15 =	vmov s2;
	v24 =	vshll.u32 v29, $0x1;
	v29 =	vor.u32 v3, v13;
	v13 =	vld.idx.msk [tilespmem:v26+s3+$0x0], $0xffff;
	[tilespmem:v28+s19+$0x0] =	vst.idx.msk $0xffff, v16  }
0x3ce: {  	v16 =	vmov s0;
	v15 =	vshll.u32 v15, $0x1;
	v35 =	vor.u32 $0x1, v24;
	v21 =	vld.idx.msk [tilespmem:v14+s3+$0x0], $0xffff;
	[tilespmem:v27+s19+$0x0] =	vst.idx.msk $0xffff, v18  }
.Ltmp50:
0x3cf: {  	v14 =	vshll.u32 v16, $0x1;
	v27 =	vor.u32 v3, v15;
	v20 =	vld.idx.msk [tilespmem:v30+s3+$0x0], $0xffff;
	(pc) =	sbr.rel @p1 .LBB2_65-.Ltmp50, $4  }
0x3d0: {  	s0 =	sadd.s32 $0x40, s0;
	v23 =	vor.u32 v3, v14;
	v17 =	vld.idx.msk [tilespmem:v31+s3+$0x0], $0xffff  }
0x3d1: {  	s2 =	sadd.s32 $0x30, s0;
	v25 =	vor.u32 $0x1, v23;
	v19 =	vshll.u32 v22, $0x1;
	v15 =	vld.idx.msk [tilespmem:v34+s3+$0x0], $0xffff;
	v22 =	vor.u32 $0x1, v27  }
0x3d2: {  	v18 =	vmov s2;
	v14 =	vshll.u32 v33, $0x1;
	v16 =	vld.idx.msk [tilespmem:v24+s3+$0x0], $0xffff;
	[tilespmem:v29+s19+$0x0] =	vst.idx.msk $0xffff, v32;
	v24 =	vor.u32 $0x1, v29  }
0x3d3: {  	s6 =	sadd.s32 $0x40, s6;
	v28 =	vshll.u32 v18, $0x1;
	v26 =	vor.u32 $0x1, v14;
	v18 =	vld.idx.msk [tilespmem:v35+s3+$0x0], $0xffff  }
0x3d4: {  	_ =	sdelay $0x2  }
0x3d5: {  	v12 =	vshll.u32 v12, $0x1;
	s1 =	sadd.s32 $0x10, s0  }
0x3d6: {  	v28 =	vor.u32 v3, v28;
	[tilespmem:v27+s19+$0x0] =	vst.idx.msk $0xffff, v21;
	s24 =	sadd.s32 $0x20, s0;
	v51 =	vor.u32 $0x1, v19;
	v29 =	vmov s1  }
0x3d7: {  	[tilespmem:v23+s19+$0x0] =	vst.idx.msk $0xffff, v20;
	v48 =	vor.u32 $0x1, v28;
	v52 =	vmov s24;
	v50 =	vshll.u32 v29, $0x1  }
0x3d8: {  	v49 =	vld.idx.msk [tilespmem:v19+s3+$0x0], $0xffff;
	v47 =	vor.u32 $0x1, v12;
	[tilespmem:v25+s19+$0x0] =	vst.idx.msk $0xffff, v17;
	v56 =	vshll.u32 v52, $0x1;
	v53 =	vor.u32 v3, v50  }
0x3d9: {  	v55 =	vmov s0;
	v57 =	vld.idx.msk [tilespmem:v14+s3+$0x0], $0xffff;
	[tilespmem:v22+s19+$0x0] =	vst.idx.msk $0xffff, v13;
	v59 =	vor.u32 v3, v56  }
0x3da: {  	v54 =	vld.idx.msk [tilespmem:v26+s3+$0x0], $0xffff;
	v58 =	vshll.u32 v55, $0x1;
	[tilespmem:v24+s19+$0x0] =	vst.idx.msk $0xffff, v15;
	v63 =	vor.u32 $0x1, v59  }
0x3db: {  	v14 =	vor.u32 v3, v58;
	v12 =	vld.idx.msk [tilespmem:v12+s3+$0x0], $0xffff;
	[tilespmem:v28+s19+$0x0] =	vst.idx.msk $0xffff, v16  }
0x3dc: {  	v17 =	vor.u32 $0x1, v53;
	v62 =	vld.idx.msk [tilespmem:v51+s3+$0x0], $0xffff;
	[tilespmem:v48+s19+$0x0] =	vst.idx.msk $0xffff, v18  }
0x3dd: {  	v61 =	vor.u32 $0x1, v14;
	v60 =	vld.idx.msk [tilespmem:v47+s3+$0x0], $0xffff;
	[tilespmem:v53+s19+$0x0] =	vst.idx.msk $0xffff, v49  }
0x3de: {  	s31 =	sor.u32 $0x1, s26;
	[tilespmem:v59+s19+$0x0] =	vst.idx.msk $0xffff, v57  }
0x3df: {  	s26 =	sor.u32 s4, s31;
	p1 =	sgt.u32 s31, $0x1E;
	[tilespmem:v63+s19+$0x0] =	vst.idx.msk $0xffff, v54  }
0x3e0: {  	s29 =	sshll.u32 s29, $0x6;
	s30 =	sadd.s32 s20, s28;
	s1 =	sadd.s32 @!p1 $0x1, s26;
	[tilespmem:v14+s19+$0x0] =	vst.idx.msk $0xffff, v12  }
0x3e1: {  	s6 =	simm.s32 $0x2;
	s0 =	sand.u32 $0xFE00, s29;
	s2 =	sshll.u32 @!p1 s1, $0x4;
	[tilespmem:v17+s19+$0x0] =	vst.idx.msk $0xffff, v62  }
0x3e2: {  	s0 =	sadd.s32 s0, s30;
	s1 =	sshll.u32 @!p1 s1, $0xB;
	s2 =	sand.u32 @!p1 $0x60, s2;
	[tilespmem:v61+s19+$0x0] =	vst.idx.msk $0xffff, v60  }
0x3e3: {  	[hbm4b:s0+s8] =	stream.strided.scatter [tilespmem:s19], [sflag:$0x3], $0x200, s9, s8, $0x38;
	[tilespmem:$0x13A00] =	vst v63  }
0x3e4: {  	s1 =	sand.u32 @!p1 $0xFFFC000, s1;
	s2 =	sadd.s32 @!p1 s5, s2;
	_ =	swait.ge [sflag:s6], $0x4000  }
0x3e5: {  	s7 =	simm.s32 @!p1 $0x0;
	s1 =	sadd.s32 @!p1 s1, s2;
	[sflag:s6] =	ssyncset.done $0x0  }
0x3e6: {  	s2 =	simm.s32 @!p1 $0x80;
	[sflag:s6] =	ssyncadd.s32 $0xFFFFC000;
	s6 =	simm.s32 @!p1 $0x400  }
0x3e7: {  	[tilespmem:s7], [sflag:$0x1] =	stream.strided.gather @!p1 [hbm4b:s1+s2], $0x4000, s6, s2, $0x38;
	[tilespmem:$0x13A00] =	vst v63  }
0x3e8: {  	s1 =	simm.s32 $0xA020  }
0x3e9: {  	[tilespmem:s1+$0xFFFFFFE0] =	vst v1  }
0x3ea: {  	s0 =	sshll.u32 s31, $0x4;
	[tilespmem:s1+$0x10] =	vst v1  }
0x3eb: {  	s28 =	sand.u32 $0x70, s0;
	s6 =	simm.s32 $0x0;
	[tilespmem:s1+$0x0] =	vst v1  }
.LBB2_67:
0x3ec: {  	s6 =	sadd.s32 $0x4, s6  }
0x3ed: {  	[tilespmem:s1+$0xFFFFFFF0] =	vst v1;
	s1 =	sadd.s32 $0x40, s1;
	p1 =	slt.u32 s6, $0xFC  }
.Ltmp51:
0x3ee: {  	[tilespmem:s1+$0xFFFFFFE0] =	vst v1;
	(pc) =	sbr.rel @p1 .LBB2_67-.Ltmp51, $3  }
0x3ef: {  	_ =	sdelay $0x1  }
0x3f0: {  	[tilespmem:s1+$0x10] =	vst v1  }
0x3f1: {  	s0 =	simm.s32 $0x70;
	s29 =	simm.s32 $0x8040;
	[tilespmem:s1+$0x0] =	vst v1  }
0x3f2: {  	s2 =	simm.s32 $0x50  }
0x3f3: {  	v12 =	vmov s2  }
0x3f4: {  	v12 =	vshll.u32 v12, $0x1  }
0x3f5: {  	v12 =	vor.u32 v3, v12  }
0x3f6: {  	s23 =	simm.s32 $0x10;
	v13 =	vor.u32 $0x1, v12  }
0x3f7: {  	s24 =	simm.s32 $0x20;
	s31 =	simm.s32 $0x60;
	v14 =	vmov s23  }
0x3f8: {  	v15 =	vmov s24;
	v16 =	vmov s31;
	v14 =	vshll.u32 v14, $0x1  }
0x3f9: {  	[tilespmem:s1+$0xFFFFFFF0] =	vst v1;
	s8 =	simm.s32 $0xD0;
	v15 =	vshll.u32 v15, $0x1;
	v17 =	vor.u32 v3, v14;
	v14 =	vshll.u32 v16, $0x1  }
0x3fa: {  	v24 =	vor.u32 v3, v15;
	v15 =	vmov s8;
	v14 =	vor.u32 v3, v14;
	v12 =	vld.idx.msk [tilespmem:v12+s11+$0x0], $0xffff  }
0x3fb: {  	s6 =	simm.s32 $0x30;
	v15 =	vshll.u32 v15, $0x1;
	v23 =	vor.u32 $0x1, v14;
	v13 =	vld.idx.msk [tilespmem:v13+s11+$0x0], $0xffff  }
0x3fc: {  	v18 =	vmov s6;
	v30 =	vor.u32 v3, v15  }
0x3fd: {  	v28 =	vmov s0;
	s2 =	simm.s32 $0x0;
	v18 =	vshll.u32 v18, $0x1;
	v32 =	vor.u32 $0x1, v30  }
0x3fe: {  	s6 =	simm.s32 $0x40;
	s23 =	simm.s32 $0x80;
	v28 =	vshll.u32 v28, $0x1;
	v16 =	vmov s2;
	v18 =	vor.u32 v3, v18  }
0x3ff: {  	v19 =	vmov s6;
	v33 =	vmov s23;
	v16 =	vshll.u32 v16, $0x1;
	v35 =	vld.idx.msk [tilespmem:v14+s11+$0x0], $0xffff  }
0x400: {  	s24 =	simm.s32 $0xB0;
	s31 =	simm.s32 $0xC0;
	v23 =	vld.idx.msk [tilespmem:v23+s11+$0x0], $0xffff;
	v12 =	vsub.f32 v13, v12;
	v13 =	vshll.u32 v19, $0x1;
	v19 =	vor.u32 $0x1, v18  }
0x401: {  	v55 =	vmov s24;
	v36 =	vmov s31;
	v16 =	vor.u32 v3, v16;
	v30 =	vld.idx.msk [tilespmem:v30+s11+$0x0], $0xffff  }
0x402: {  	v28 =	vor.u32 v3, v28;
	v20 =	vor.u32 $0x1, v16;
	v32 =	vld.idx.msk [tilespmem:v32+s11+$0x0], $0xffff;
	v13 =	vor.u32 v3, v13  }
0x403: {  	s10 =	simm.s32 $0xA0;
	v56 =	vor.u32 $0x1, v28;
	v27 =	vor.u32 $0x1, v17;
	v26 =	vld.idx.msk [tilespmem:v18+s11+$0x0], $0xffff;
	v22 =	vor.u32 $0x1, v13  }
0x404: {  	v58 =	vld.idx.msk [tilespmem:v17+s11+$0x0], $0xffff;
	v14 =	vshll.u32 v33, $0x1;
	v18 =	vmov s10;
	v21 =	vshra.s32 v12, $0x1F  }
0x405: {  	v34 =	vshll.u32 v18, $0x1;
	v18 =	vor.u32 v3, v14;
	v21 =	vor.u32 $0x80000000, v21;
	v19 =	vld.idx.msk [tilespmem:v19+s11+$0x0], $0xffff  }
0x406: {  	v16 =	vld.idx.msk [tilespmem:v16+s11+$0x0], $0xffff;
	v23 =	vsub.f32 v23, v35;
	v25 =	vxor.u32 v12, v21;
	v21 =	vor.u32 $0x1, v24  }
0x407: {  	s7 =	simm.s32 $0x90;
	s22 =	simm.s32 $0xE0;
	v29 =	vld.idx.msk [tilespmem:v20+s11+$0x0], $0xffff;
	v37 =	vor.u32 $0x1, v18;
	v17 =	vor.u32 v3, v34;
	v40 =	vsub.f32 v32, v30  }
0x408: {  	v59 =	vshra.s32 v23, $0x1F;
	v12 =	vmov s7;
	v20 =	vld.idx.msk [tilespmem:v22+s11+$0x0], $0xffff;
	v22 =	vmov s22  }
0x409: {  	v34 =	vor.u32 $0x80000000, v59;
	v31 =	vshrl.u32 v25, $0x16;
	v15 =	vshll.u32 v22, $0x1;
	v22 =	vld.idx.msk [tilespmem:v13+s11+$0x0], $0xffff  }
0x40a: {  	v12 =	vshll.u32 v12, $0x1;
	v23 =	vxor.u32 v23, v34;
	v19 =	vsub.f32 v19, v26  }
0x40b: {  	v12 =	vor.u32 v3, v12;
	v34 =	vshrl.u32 v23, $0x16;
	v38 =	vld.idx.msk [tilespmem:v21+s11+$0x0], $0xffff;
	v21 =	vshll.u32 v55, $0x1  }
0x40c: {  	v14 =	vor.u32 $0x1, v12;
	v57 =	vor.u32 v3, v21;
	v21 =	vshra.s32 v19, $0x1F  }
0x40d: {  	v24 =	vld.idx.msk [tilespmem:v24+s11+$0x0], $0xffff;
	v13 =	vor.u32 v3, v15;
	v26 =	vshll.u32 v36, $0x1;
	v39 =	vor.u32 $0x80000000, v21  }
0x40e: {  	v22 =	vsub.f32 v20, v22;
	v21 =	vsub.f32 v29, v16;
	v16 =	vxor.u32 v19, v39;
	v19 =	vld.idx.msk [tilespmem:v27+s11+$0x0], $0xffff  }
0x40f: {  	v15 =	vor.u32 $0x1, v13;
	v60 =	vor.u32 $0x1, v57;
	v20 =	vor.u32 v3, v26  }
0x410: {  	[tilespmem:s29+$0x10] =	vst v25;
	v29 =	vor.u32 $0x1, v17;
	v26 =	vor.u32 $0x1, v20;
	v27 =	vshra.s32 v22, $0x1F  }
0x411: {  	v28 =	vld.idx.msk [tilespmem:v28+s11+$0x0], $0xffff;
	v25 =	vshra.s32 v21, $0x1F;
	v61 =	vshrl.u32 v16, $0x16;
	[tilespmem:s29+$0xFFFFFFF0] =	vst v16;
	v16 =	vshra.s32 v40, $0x1F  }
0x412: {  	v30 =	vld.idx.msk [tilespmem:v56+s11+$0x0], $0xffff;
	v27 =	vor.u32 $0x80000000, v27;
	v33 =	vor.u32 $0xC00, v61;
	v16 =	vor.u32 $0x80000000, v16  }
0x413: {  	v22 =	vxor.u32 v22, v27;
	v27 =	vsub.f32 v38, v24;
	v24 =	vsub.f32 v19, v58  }
0x414: {  	s0 =	simm.s32 $0x80C0;
	[tilespmem:s29+$0x20] =	vst v23;
	v23 =	vld.idx.msk [tilespmem:v37+s11+$0x0], $0xffff;
	v35 =	vor.u32 $0x80000000, v25;
	v16 =	vxor.u32 v40, v16;
	v32 =	vshrl.u32 v22, $0x16  }
0x415: {  	v25 =	vld.idx.msk [tilespmem:v60+s11+$0x0], $0xffff;
	[tilespmem:s0+$0x10] =	vst v16;
	v16 =	vshrl.u32 v16, $0x16;
	v62 =	vshra.s32 v27, $0x1F;
	v63 =	vshra.s32 v24, $0x1F  }
0x416: {  	s1 =	simm.s32 $0x8;
	s30 =	simm.s32 $0x170;
	s6 =	simm.s32 $0xF0;
	[tilespmem:s29+$0x0] =	vst v22;
	v22 =	vld.idx.msk [tilespmem:v57+s11+$0x0], $0xffff;
	v19 =	vor.u32 $0x400, v31;
	v36 =	vor.u32 $0x80000000, v62;
	v31 =	vor.u32 $0x80000000, v63  }
.LBB2_69:
0x417: {  	s2 =	sadd.s32 $0xFFFFFFA0, s30;
	s7 =	sadd.s32 $0xFFFFFFB0, s30;
	s10 =	sadd.s32 $0xFFFFFFC0, s30;
	v26 =	vld.idx.msk [tilespmem:v26+s11+$0x0], $0xffff;
	v37 =	vmov s6;
	v34 =	vor.u32 $0x800, v34;
	v28 =	vsub.f32 v30, v28  }
0x418: {  	s6 =	sadd.s32 $0xFFFFFFE0, s30;
	v21 =	vxor.u32 v21, v35;
	v30 =	vmov s2;
	v38 =	vmov s7;
	s2 =	sadd.s32 $0xFFFFFFD0, s30;
	s7 =	sadd.s32 $0xFFFFFFF0, s30;
	v39 =	vld.idx.msk [tilespmem:v29+s11+$0x0], $0xffff  }
0x419: {  	s1 =	sadd.s32 $0x8, s1;
	v29 =	vmov s6;
	s6 =	smov.u32 s30;
	v35 =	vmov s7;
	[tilespmem:v32+s12+$0x0] =	vst.idx.add.s32.msk $0xffff, v6;
	v32 =	vshra.s32 v28, $0x1F  }
0x41a: {  	p1 =	slt.u32 s1, $0x1F8;
	v40 =	vshrl.u32 v21, $0x16;
	v30 =	vshll.u32 v30, $0x1;
	v29 =	vshll.u32 v29, $0x1;
	[tilespmem:v33+s12+$0x0] =	vst.idx.add.s32.msk $0xffff, v6  }
0x41b: {  	v30 =	vor.u32 v3, v30;
	v29 =	vor.u32 v3, v29;
	v33 =	vld.idx.msk [tilespmem:v18+s11+$0x0], $0xffff;
	[tilespmem:s29+$0xFFFFFFC0] =	vst v21;
	v21 =	vor.u32 $0x80000000, v32  }
0x41c: {  	v27 =	vxor.u32 v27, v36;
	v32 =	vor.u32 $0x1, v29;
	v18 =	vshll.u32 v35, $0x1;
	[tilespmem:v34+s12+$0x0] =	vst.idx.add.s32.msk $0xffff, v6  }
0x41d: {  	s7 =	sadd.s32 $0xFFFFFF90, s30;
	v34 =	vshll.u32 v38, $0x1;
	v18 =	vor.u32 v3, v18;
	v20 =	vld.idx.msk [tilespmem:v20+s11+$0x0], $0xffff;
	[tilespmem:s29+$0xFFFFFFE0] =	vst v27;
	v27 =	vshrl.u32 v27, $0x16  }
0x41e: {  	v35 =	vmov s7;
	v36 =	vor.u32 $0x1, v18;
	v38 =	vld.idx.msk [tilespmem:v13+s11+$0x0], $0xffff;
	v27 =	vor.u32 $0x800, v27;
	v13 =	vmovc v18  }
0x41f: {  	v24 =	vxor.u32 v24, v31;
	v18 =	vshll.u32 v35, $0x1;
	v35 =	vmov s10;
	[tilespmem:v40+s12+$0x0] =	vst.idx.add.s32.msk $0xffff, v6  }
0x420: {  	v37 =	vshll.u32 v37, $0x1;
	v31 =	vmov s2;
	v18 =	vor.u32 v3, v18;
	v40 =	vld.idx.msk [tilespmem:v15+s11+$0x0], $0xffff;
	[tilespmem:s29+$0xFFFFFFD0] =	vst v24;
	v15 =	vmovc v36  }
0x421: {  	v22 =	vsub.f32 v25, v22;
	v41 =	vor.u32 $0x1, v30;
	v36 =	vor.u32 $0x1, v18;
	v32 =	vld.idx.msk [tilespmem:v32+s11+$0x0], $0xffff  }
0x422: {  	v37 =	vor.u32 v3, v37;
	v28 =	vxor.u32 v28, v21;
	v25 =	vshll.u32 v35, $0x1;
	v35 =	vld.idx.msk [tilespmem:v12+s11+$0x0], $0xffff;
	v12 =	vmovc v30  }
0x423: {  	v21 =	vshll.u32 v31, $0x1;
	v42 =	vsub.f32 v26, v20;
	v31 =	vld.idx.msk [tilespmem:v29+s11+$0x0], $0xffff;
	v29 =	vor.u32 $0x1, v37;
	[tilespmem:s29+$0x30] =	vst v28;
	s29 =	smov.u32 s0  }
0x424: {  	v25 =	vor.u32 v3, v25;
	v20 =	vor.u32 v3, v21;
	v21 =	vsub.f32 v23, v33;
	v23 =	vld.idx.msk [tilespmem:v14+s11+$0x0], $0xffff  }
0x425: {  	v43 =	vshrl.u32 v28, $0x16;
	v26 =	vor.u32 $0x1, v20;
	v14 =	vmovc v41;
	v33 =	vld.idx.msk [tilespmem:v17+s11+$0x0], $0xffff;
	v17 =	vshra.s32 v22, $0x1F  }
0x426: {  	v24 =	vshrl.u32 v24, $0x16;
	v38 =	vsub.f32 v40, v38;
	v17 =	vor.u32 $0x80000000, v17;
	[tilespmem:v27+s12+$0x0] =	vst.idx.add.s32.msk $0xffff, v6  }
0x427: {  	v24 =	vor.u32 $0x400, v24;
	v27 =	vshra.s32 v42, $0x1F;
	v22 =	vxor.u32 v22, v17;
	v28 =	vld.idx.msk [tilespmem:v37+s11+$0x0], $0xffff  }
0x428: {  	v17 =	vor.u32 v3, v34;
	v27 =	vor.u32 $0x80000000, v27;
	v34 =	vshra.s32 v38, $0x1F;
	[tilespmem:s0+$0xFFFFFFF0] =	vst v22;
	v30 =	vld.idx.msk [tilespmem:v29+s11+$0x0], $0xffff  }
0x429: {  	v29 =	vor.u32 $0x1, v17;
	v34 =	vor.u32 $0x80000000, v34;
	[tilespmem:v19+s12+$0x0] =	vst.idx.add.s32.msk $0xffff, v6;
	v19 =	vor.u32 $0xC00, v43  }
0x42a: {  	v37 =	vor.u32 $0x1, v25;
	v40 =	vxor.u32 v42, v27;
	v38 =	vxor.u32 v38, v34  }
0x42b: {  	v31 =	vsub.f32 v32, v31;
	v32 =	vshrl.u32 v40, $0x16;
	v27 =	vsub.f32 v39, v33;
	[tilespmem:s0+$0x0] =	vst v40  }
.Ltmp52:
0x42c: {  	v39 =	vshra.s32 v21, $0x1F;
	v33 =	vshrl.u32 v22, $0x16;
	v34 =	vshrl.u32 v38, $0x16;
	[tilespmem:v24+s12+$0x0] =	vst.idx.add.s32.msk $0xffff, v6;
	(pc) =	sbr.rel @p1 .LBB2_69-.Ltmp52, $4  }
0x42d: {  	v33 =	vor.u32 $0xC00, v33;
	s0 =	sadd.s32 $0x80, s0;
	v24 =	vsub.f32 v23, v35;
	v22 =	vld.idx.msk [tilespmem:v25+s11+$0x0], $0xffff;
	v25 =	vshra.s32 v31, $0x1F;
	[tilespmem:s29+$0x20] =	vst v38  }
0x42e: {  	v35 =	vor.u32 $0x80000000, v39;
	v38 =	vshra.s32 v27, $0x1F;
	v23 =	vor.u32 $0x80000000, v25;
	[tilespmem:v19+s12+$0x0] =	vst.idx.add.s32.msk $0xffff, v6  }
0x42f: {  	v19 =	vor.u32 $0x400, v16;
	v25 =	vld.idx.msk [tilespmem:v37+s11+$0x0], $0xffff;
	v31 =	vxor.u32 v31, v23;
	v37 =	vshra.s32 v24, $0x1F  }
0x430: {  	s30 =	sadd.s32 $0x80, s30;
	v23 =	vld.idx.msk [tilespmem:v36+s11+$0x0], $0xffff;
	[tilespmem:s0+$0x10] =	vst v31;
	v16 =	vshrl.u32 v31, $0x16;
	v31 =	vor.u32 $0x80000000, v37;
	v36 =	vor.u32 $0x80000000, v38  }
0x431: {  	_ =	sdelay $0x3  }
0x432: {  	v26 =	vld.idx.msk [tilespmem:v26+s11+$0x0], $0xffff  }
0x433: {  	v29 =	vld.idx.msk [tilespmem:v29+s11+$0x0], $0xffff  }
0x434: {  	[tilespmem:v32+s12+$0x0] =	vst.idx.add.s32.msk $0xffff, v6  }
0x435: {  	[tilespmem:v33+s12+$0x0] =	vst.idx.add.s32.msk $0xffff, v6  }
0x436: {  	v18 =	vld.idx.msk [tilespmem:v18+s11+$0x0], $0xffff  }
0x437: {  	v20 =	vld.idx.msk [tilespmem:v20+s11+$0x0], $0xffff  }
0x438: {  	v13 =	vld.idx.msk [tilespmem:v13+s11+$0x0], $0xffff  }
0x439: {  	v34 =	vor.u32 $0x800, v34;
	v15 =	vld.idx.msk [tilespmem:v15+s11+$0x0], $0xffff  }
0x43a: {  	v21 =	vxor.u32 v21, v35;
	v27 =	vxor.u32 v27, v36;
	v59 =	vmov s6;
	v12 =	vld.idx.msk [tilespmem:v12+s11+$0x0], $0xffff  }
0x43b: {  	v24 =	vxor.u32 v24, v31;
	[tilespmem:v19+s12+$0x0] =	vst.idx.add.s32.msk $0xffff, v6;
	v58 =	vshrl.u32 v21, $0x16;
	v60 =	vshrl.u32 v27, $0x16  }
0x43c: {  	v28 =	vsub.f32 v30, v28;
	v14 =	vld.idx.msk [tilespmem:v14+s11+$0x0], $0xffff;
	[tilespmem:s29+$0xFFFFFFD0] =	vst v24;
	v24 =	vshrl.u32 v24, $0x16;
	v61 =	vor.u32 $0x800, v60  }
0x43d: {  	v17 =	vld.idx.msk [tilespmem:v17+s11+$0x0], $0xffff;
	[tilespmem:s29+$0xFFFFFFC0] =	vst v21;
	v62 =	vshll.u32 v59, $0x1;
	v41 =	vor.u32 $0x400, v24  }
0x43e: {  	v63 =	vshra.s32 v28, $0x1F;
	v22 =	vsub.f32 v25, v22;
	[tilespmem:v34+s12+$0x0] =	vst.idx.add.s32.msk $0xffff, v6;
	v34 =	vor.u32 v3, v62  }
0x43f: {  	[tilespmem:s29+$0xFFFFFFE0] =	vst v27;
	v60 =	vor.u32 $0x400, v16;
	v35 =	vor.u32 $0x80000000, v63;
	v36 =	vor.u32 $0x1, v34  }
0x440: {  	v37 =	vxor.u32 v28, v35;
	v20 =	vsub.f32 v26, v20;
	v38 =	vshra.s32 v22, $0x1F;
	[tilespmem:v58+s12+$0x0] =	vst.idx.add.s32.msk $0xffff, v6  }
0x441: {  	v18 =	vsub.f32 v23, v18;
	v13 =	vsub.f32 v15, v13;
	v42 =	vshrl.u32 v37, $0x16;
	[tilespmem:v61+s12+$0x0] =	vst.idx.add.s32.msk $0xffff, v6  }
0x442: {  	v17 =	vsub.f32 v29, v17;
	v12 =	vsub.f32 v14, v12;
	v39 =	vor.u32 $0x80000000, v38;
	[tilespmem:v41+s12+$0x0] =	vst.idx.add.s32.msk $0xffff, v6  }
0x443: {  	v24 =	vor.u32 $0xC00, v42;
	v40 =	vshra.s32 v20, $0x1F;
	v22 =	vxor.u32 v22, v39;
	v43 =	vld.idx.msk [tilespmem:v34+s11+$0x0], $0xffff  }
0x444: {  	[tilespmem:s29+$0x30] =	vst v37;
	v44 =	vshra.s32 v13, $0x1F;
	v49 =	vshra.s32 v18, $0x1F;
	v53 =	vshra.s32 v17, $0x1F;
	v45 =	vld.idx.msk [tilespmem:v36+s11+$0x0], $0xffff  }
0x445: {  	v56 =	vshra.s32 v12, $0x1F;
	[tilespmem:v60+s12+$0x0] =	vst.idx.add.s32.msk $0xffff, v6;
	v15 =	vor.u32 $0x80000000, v40;
	v46 =	vor.u32 $0x80000000, v44  }
0x446: {  	[tilespmem:s0+$0xFFFFFFF0] =	vst v22;
	v22 =	vshrl.u32 v22, $0x16;
	v51 =	vor.u32 $0x80000000, v49;
	v15 =	vxor.u32 v20, v15  }
0x447: {  	v14 =	vor.u32 $0x80000000, v53;
	v57 =	vor.u32 $0x80000000, v56;
	v13 =	vxor.u32 v13, v46;
	[tilespmem:s0+$0x0] =	vst v15  }
0x448: {  	v48 =	vor.u32 $0xC00, v22;
	v14 =	vxor.u32 v17, v14;
	v12 =	vxor.u32 v12, v57;
	[tilespmem:s0+$0x20] =	vst v13  }
0x449: {  	v47 =	vshrl.u32 v15, $0x16;
	v50 =	vshrl.u32 v13, $0x16;
	[tilespmem:s0+$0xFFFFFFE0] =	vst v14;
	v54 =	vsub.f32 v45, v43  }
0x44a: {  	v13 =	vxor.u32 v18, v51;
	[tilespmem:s0+$0xFFFFFFD0] =	vst v12;
	v52 =	vor.u32 $0x800, v50  }
0x44b: {  	v59 =	vshrl.u32 v14, $0x16;
	[tilespmem:v24+s12+$0x0] =	vst.idx.add.s32.msk $0xffff, v6;
	v55 =	vshrl.u32 v13, $0x16;
	v58 =	vshra.s32 v54, $0x1F  }
0x44c: {  	v62 =	vshrl.u32 v12, $0x16;
	[tilespmem:s0+$0xFFFFFFC0] =	vst v13;
	v13 =	vor.u32 $0x800, v59;
	v17 =	vor.u32 $0x80000000, v58  }
0x44d: {  	v16 =	vor.u32 $0x400, v62;
	[tilespmem:v48+s12+$0x0] =	vst.idx.add.s32.msk $0xffff, v6;
	v61 =	vxor.u32 v54, v17  }
0x44e: {  	[tilespmem:v47+s12+$0x0] =	vst.idx.add.s32.msk $0xffff, v6;
	v17 =	vshrl.u32 v61, $0x16  }
0x44f: {  	p2 =	por $0x1, $0x1;
	[tilespmem:v52+s12+$0x0] =	vst.idx.add.s32.msk $0xffff, v6;
	v63 =	vor.u32 $0xC00, v17  }
.Ltmp53:
0x450: {  	[tilespmem:v55+s12+$0x0] =	vst.idx.add.s32.msk $0xffff, v6;
	(pc) =	sbr.rel @!p2 .LBB2_71-.Ltmp53, $4  }
0x451: {  	[tilespmem:v13+s12+$0x0] =	vst.idx.add.s32.msk $0xffff, v6  }
0x452: {  	s8 =	smov.u32 s20;
	[tilespmem:v16+s12+$0x0] =	vst.idx.add.s32.msk $0xffff, v6  }
0x453: {  	s6 =	simm.s32 $0x30;
	s24 =	simm.s32 $0x20;
	s30 =	simm.s32 $0x4;
	[tilespmem:s0+$0x30] =	vst v61  }
0x454: {  	p1 =	por $0x0, $0x0;
	s29 =	simm.s32 $0x0;
	s0 =	simm.s32 $0xA020;
	[tilespmem:v63+s12+$0x0] =	vst.idx.add.s32.msk $0xffff, v6  }
0x455: {  	v12 =	vld [tilespmem:s0+$0x0];
	s1 =	sand.u32 $0x3E0, s24  }
0x456: {  	v13 =	vld [tilespmem:s1+$0xA400]  }
0x457: {  	v14 =	vld [tilespmem:s1+$0xA800]  }
0x458: {  	v15 =	vld [tilespmem:s1+$0xAC00]  }
0x459: {  	s2 =	simm.s32 $0x0;
	v20 =	vld [tilespmem:s0+$0xFFFFFFE0]  }
0x45a: {  	s7 =	simm.s32 $0x10;
	v21 =	vld [tilespmem:s0+$0xFFFFFFF0];
	s2 =	sand.u32 $0x3C0, s2  }
0x45b: {  	s22 =	sand.u32 $0x3D0, s7;
	v17 =	vld [tilespmem:s2+$0xA400];
	v12 =	vadd.s32 v12, v13  }
0x45c: {  	v19 =	vld [tilespmem:s22+$0xA400];
	v12 =	vadd.s32 v14, v12  }
0x45d: {  	v22 =	vld [tilespmem:s2+$0xA800];
	v12 =	vadd.s32 v15, v12  }
0x45e: {  	s23 =	sand.u32 $0x3F0, s6;
	s24 =	simm.s32 $0x2;
	v23 =	vld [tilespmem:s22+$0xA800];
	(xrf0) =	vadd.scan.msk.s32 $0xffff, v12  }
0x45f: {  	p2 =	por $0x1, $0x1;
	v13 =	vld [tilespmem:s23+$0xA400];
	v14 =	vmov s24  }
.Ltmp54:
0x460: {  	v15 =	vld [tilespmem:s0+$0x10];
	v14 =	vand.u32 $0xFFFFFFFE, v14;
	(pc) =	sbr.rel @!p2 .LBB2_73-.Ltmp54, $4  }
0x461: {  	v16 =	vld [tilespmem:s2+$0xAC00];
	v14 =	vbroadcast v14, $0x0  }
0x462: {  	s6 =	simm.s32 $0x70;
	v18 =	vld [tilespmem:s22+$0xAC00]  }
0x463: {  	s31 =	simm.s32 $0xA060;
	p1 =	por $0x1, $0x1;
	s7 =	simm.s32 $0x0;
	v20 =	vadd.s32 v20, v17;
	v19 =	vadd.s32 v21, v19;
	v17 =	vld [tilespmem:s23+$0xA800]  }
0x464: {  	s1 =	simm.s32 $0x4;
	s22 =	simm.s32 $0x8;
	s24 =	simm.s32 $0x60;
	v21 =	vadd.s32 v22, v20;
	v20 =	vadd.s32 v23, v19;
	v19 =	vld [tilespmem:s23+$0xAC00];
	v22, _, _ =	vpop (xrf0)  }
.LBB2_74:
0x465: {  	p2 =	slt.u32 s22, $0x3C;
	s2 =	sadd.s32 $0xFFFFFFE0, s6;
	v23 =	vld [tilespmem:s31+$0x0];
	s10 =	sand.u32 $0x3E0, s24;
	v22 =	vperm.xlane v22, v2;
	v13 =	vadd.s32 v15, v13  }
0x466: {  	s20 =	sadd.s32 $0xFFFFFFD0, s6;
	s23 =	sand.u32 $0x3F0, s6;
	s24 =	sand.u32 $0x3D0, s2;
	v15 =	vld [tilespmem:s10+$0xA400];
	v16 =	vadd.s32 v16, v21;
	[tilespmem:s0+$0x0] =	vst v12  }
0x467: {  	s2 =	sand.u32 $0x3C0, s20;
	v12 =	vld [tilespmem:s10+$0xA800];
	v18 =	vadd.s32 v18, v20;
	[tilespmem:v14+s13+$0x0] =	vst.idx.msk $0x1, v22;
	(xrf0) =	vadd.scan.msk.s32 $0xffff, v16  }
0x468: {  	v20 =	vmov s7;
	v14 =	vld [tilespmem:s10+$0xAC00];
	[tilespmem:s0+$0xFFFFFFF0] =	vst v18;
	s10 =	sadd.s32 $0x1, s7;
	v13 =	vadd.s32 v17, v13;
	(xrf0) =	vadd.scan.msk.s32 $0xffff, v18  }
0x469: {  	v17 =	vld [tilespmem:s2+$0xA400];
	[tilespmem:s0+$0xFFFFFFE0] =	vst v16;
	v16 =	vand.u32 $0xFFFFFFFC, v20;
	v18 =	vmov s10;
	v13 =	vadd.s32 v19, v13  }
0x46a: {  	v19 =	vld [tilespmem:s24+$0xA400];
	v16 =	vbroadcast v16, $0x0;
	v18 =	vand.u32 $0xFFFFFFFD, v18;
	[tilespmem:s0+$0x10] =	vst v13;
	(xrf0) =	vadd.scan.msk.s32 $0xffff, v13;
	s0 =	smov.u32 s31  }
0x46b: {  	v20 =	vld [tilespmem:s31+$0xFFFFFFE0];
	v15 =	vadd.s32 v23, v15;
	v18 =	vbroadcast v18, $0x0  }
0x46c: {  	v21 =	vld [tilespmem:s31+$0xFFFFFFF0];
	v12 =	vadd.s32 v12, v15  }
0x46d: {  	s10 =	sadd.s32 $0x3, s7;
	s7 =	smov.u32 s1;
	s1 =	smov.u32 s22;
	v22 =	vld [tilespmem:s2+$0xA800];
	v12 =	vadd.s32 v14, v12;
	v13, _, _ =	vpop (xrf0)  }
0x46e: {  	s20 =	sadd.s32 $0x2, s7;
	v24 =	vmov s10;
	v23 =	vld [tilespmem:s24+$0xA800];
	(xrf0) =	vadd.scan.msk.s32 $0xffff, v12;
	v14 =	vperm.xlane v13, v2;
	v15, _, _ =	vpop (xrf0)  }
0x46f: {  	v27 =	vmov s20;
	v13 =	vld [tilespmem:s23+$0xA400];
	v26 =	vperm.xlane v15, v2  }
.Ltmp55:
0x470: {  	v17 =	vadd.s32 v20, v17;
	v20 =	vand.u32 $0xFFFFFFFE, v27;
	v15 =	vld [tilespmem:s31+$0x10];
	[tilespmem:v16+s13+$0x0] =	vst.idx.msk $0x1, v14;
	v25, _, _ =	vpop (xrf0);
	(pc) =	sbr.rel @p2 .LBB2_74-.Ltmp55, $4  }
0x471: {  	v16 =	vld [tilespmem:s2+$0xAC00];
	v19 =	vadd.s32 v21, v19;
	v14 =	vbroadcast v20, $0x0;
	[tilespmem:v18+s13+$0x0] =	vst.idx.msk $0x1, v26;
	v25 =	vperm.xlane v25, v2  }
0x472: {  	v21 =	vadd.s32 v22, v17;
	v18 =	vld [tilespmem:s24+$0xAC00]  }
0x473: {  	s6 =	sadd.s32 $0x40, s6;
	v20 =	vadd.s32 v23, v19;
	v17 =	vld [tilespmem:s23+$0xA800];
	[tilespmem:v24+s13+$0x0] =	vst.idx.msk $0x1, v25  }
0x474: {  	s22 =	sadd.s32 $0x4, s22;
	s31 =	sadd.s32 $0x40, s31;
	s24 =	sadd.s32 $0xFFFFFFF0, s6;
	v19 =	vld [tilespmem:s23+$0xAC00];
	v22, _, _ =	vpop (xrf0)  }
.LBB2_75:
0x475: {  	v23 =	vld [tilespmem:s31+$0x0]  }
0x476: {  	v29 =	vld [tilespmem:s31+$0xFFFFFFE0]  }
0x477: {  	s2 =	sand.u32 $0x3E0, s24;
	v30 =	vld [tilespmem:s31+$0xFFFFFFF0]  }
0x478: {  	v24 =	vld [tilespmem:s2+$0xA400]  }
0x479: {  	s10 =	sadd.s32 $0xFFFFFFD0, s6;
	v25 =	vld [tilespmem:s2+$0xA800]  }
0x47a: {  	s20 =	sadd.s32 $0xFFFFFFE0, s6;
	s10 =	sand.u32 $0x3C0, s10;
	v26 =	vld [tilespmem:s2+$0xAC00]  }
0x47b: {  	s23 =	sand.u32 $0x3D0, s20;
	v27 =	vld [tilespmem:s10+$0xA400]  }
0x47c: {  	v16 =	vadd.s32 @p1 v16, v21;
	v28 =	vld [tilespmem:s23+$0xA400]  }
0x47d: {  	s24 =	sand.u32 $0x3F0, s6;
	v13 =	vadd.s32 @p1 v15, v13;
	v21 =	vld [tilespmem:s10+$0xA800];
	(xrf0) =	vadd.scan.msk.s32 @p1 $0xffff, v16;
	v15 =	vadd.s32 @p1 v18, v20  }
0x47e: {  	v18 =	vld [tilespmem:s24+$0xA400];
	(xrf0) =	vadd.scan.msk.s32 @p1 $0xffff, v15  }
0x47f: {  	v20 =	vperm.xlane @p1 v22, v2;
	v22 =	vmov @p1 s7;
	v13 =	vadd.s32 @p1 v17, v13;
	v17 =	vld [tilespmem:s31+$0x10]  }
0x480: {  	[tilespmem:s0+$0x0] =	vst @p1 v12;
	s20 =	sadd.s32 @p1 $0x1, s7;
	v31 =	vld [tilespmem:s23+$0xA800];
	v12 =	vand.u32 @p1 $0xFFFFFFFC, v22;
	v13 =	vadd.s32 @p1 v19, v13;
	v19 =	vadd.s32 v23, v24  }
0x481: {  	s22 =	sadd.s32 $0x2, s1;
	v58 =	vld [tilespmem:s23+$0xAC00];
	v12 =	vbroadcast @p1 v12, $0x0;
	(xrf0) =	vadd.scan.msk.s32 @p1 $0xffff, v13;
	v23 =	vmov @p1 s20;
	v19 =	vadd.s32 v25, v19  }
0x482: {  	v60 =	vmov s22;
	v22 =	vld [tilespmem:s10+$0xAC00];
	[tilespmem:v14+s13+$0x0] =	vst.idx.msk @p1 $0x1, v20;
	v14 =	vadd.s32 v26, v19;
	v19 =	vand.u32 @p1 $0xFFFFFFFD, v23  }
0x483: {  	s6 =	sadd.s32 @p1 $0x3, s7;
	[tilespmem:s0+$0xFFFFFFE0] =	vst @p1 v16;
	v20 =	vadd.s32 v29, v27;
	v23 =	vld [tilespmem:s24+$0xA800];
	v26, _, _ =	vpop @p1 (xrf0);
	v19 =	vbroadcast @p1 v19, $0x0;
	(xrf0) =	vadd.scan.msk.s32 $0xffff, v14  }
0x484: {  	v16 =	vmov @p1 s6;
	[tilespmem:s0+$0xFFFFFFF0] =	vst @p1 v15;
	v20 =	vadd.s32 v21, v20;
	v21 =	vld [tilespmem:s24+$0xAC00];
	v17 =	vadd.s32 v17, v18;
	v18, _, _ =	vpop @p1 (xrf0)  }
0x485: {  	[tilespmem:s0+$0x10] =	vst @p1 v13;
	v59 =	vadd.s32 v30, v28;
	v15 =	vperm.xlane @p1 v26, v2;
	v13 =	vperm.xlane @p1 v18, v2  }
0x486: {  	v25 =	vadd.s32 v31, v59;
	v26 =	vand.u32 $0xFFFFFFFE, v60  }
0x487: {  	v20 =	vadd.s32 v22, v20;
	v22 =	vmov s1;
	v18 =	vbroadcast v26, $0x0;
	[tilespmem:v12+s13+$0x0] =	vst.idx.msk @p1 $0x1, v15;
	v12, _, _ =	vpop @p1 (xrf0)  }
0x488: {  	s23 =	sadd.s32 $0x1, s1;
	v15 =	vadd.s32 v58, v25;
	(xrf0) =	vadd.scan.msk.s32 $0xffff, v20;
	v12 =	vperm.xlane @p1 v12, v2;
	v17 =	vadd.s32 v23, v17  }
0x489: {  	(xrf0) =	vadd.scan.msk.s32 $0xffff, v15;
	v17 =	vadd.s32 v21, v17;
	v21 =	vmov s23;
	[tilespmem:v19+s13+$0x0] =	vst.idx.msk @p1 $0x1, v13;
	v13, _, _ =	vpop (xrf0)  }
0x48a: {  	[tilespmem:v16+s13+$0x0] =	vst.idx.msk @p1 $0x1, v12;
	v19 =	vand.u32 $0xFFFFFFFC, v22;
	(xrf0) =	vadd.scan.msk.s32 $0xffff, v17;
	v12 =	vperm.xlane v13, v2  }
0x48b: {  	v16 =	vand.u32 $0xFFFFFFFD, v21;
	v13 =	vbroadcast v19, $0x0  }
0x48c: {  	[tilespmem:s31+$0x0] =	vst v14;
	v14 =	vbroadcast v16, $0x0  }
0x48d: {  	s24 =	sadd.s32 $0x3, s1;
	[tilespmem:s31+$0xFFFFFFF0] =	vst v15  }
0x48e: {  	v15 =	vmov s24;
	[tilespmem:v18+s13+$0x0] =	vst.idx.msk $0x1, v12;
	v12, _, _ =	vpop (xrf0)  }
0x48f: {  	[tilespmem:s31+$0xFFFFFFE0] =	vst v20;
	v12 =	vperm.xlane v12, v2;
	v16, _, _ =	vpop (xrf0)  }
0x490: {  	[tilespmem:s31+$0x10] =	vst v17;
	v16 =	vperm.xlane v16, v2;
	v17, _, _ =	vpop (xrf0)  }
0x491: {  	[tilespmem:v13+s13+$0x0] =	vst.idx.msk $0x1, v12;
	v12 =	vperm.xlane v17, v2  }
0x492: {  	[tilespmem:v14+s13+$0x0] =	vst.idx.msk $0x1, v16  }
0x493: {  	[tilespmem:v15+s13+$0x0] =	vst.idx.msk $0x1, v12  }
0x494: {  	v12 =	vld [tilespmem:$0xB030];
	_ =	sdelay $0x4  }
0x495: {  	v13 =	vperm.xlane v12, v2;
	_ =	sdelay $0x1  }
0x496: {  	(xrf0) =	vadd.scan.msk.s32 $0xffff, v13;
	_ =	sdelay $0x5  }
0x497: {  	v13, _, _ =	vpop (xrf0)  }
0x498: {  	v13 =	vperm.xlane v13, v2;
	_ =	sdelay $0x1  }
0x499: {  	v14 =	vxor.u32 $0x80000000, v13  }
0x49a: {  	(xrf0) =	vmax.scan.msk.u32 $0xffff, v14;
	_ =	sdelay $0x5  }
0x49b: {  	v15, _, _ =	vpop (xrf0)  }
0x49c: {  	(v2sf) =	vpush v15, $0xF  }
0x49d: {  	v15 =	vld [tilespmem:$0xB020];
	_ =	sdelay $0x4  }
0x49e: {  	v16 =	vperm.xlane v15, v2;
	_ =	sdelay $0x1  }
0x49f: {  	(xrf0) =	vadd.scan.msk.s32 $0xffff, v16;
	_ =	sdelay $0x5  }
0x4a0: {  	v16, _, _ =	vpop (xrf0)  }
0x4a1: {  	v16 =	vperm.xlane v16, v2;
	s1 =	spop (v2sf)  }
0x4a2: {  	s0 =	sxor.u32 $0x80000000, s1  }
0x4a3: {  	v16 =	vadd.s32 s0, v16  }
0x4a4: {  	v17 =	vxor.u32 $0x80000000, v16  }
0x4a5: {  	(xrf0) =	vmax.scan.msk.u32 $0xffff, v17;
	_ =	sdelay $0x5  }
0x4a6: {  	v18, _, _ =	vpop (xrf0)  }
0x4a7: {  	(v2sf) =	vpush v18, $0xF  }
0x4a8: {  	v18 =	vld [tilespmem:$0xB010];
	_ =	sdelay $0x4  }
0x4a9: {  	v19 =	vperm.xlane v18, v2;
	_ =	sdelay $0x1  }
0x4aa: {  	(xrf0) =	vadd.scan.msk.s32 $0xffff, v19;
	_ =	sdelay $0x5  }
0x4ab: {  	v19, _, _ =	vpop (xrf0)  }
0x4ac: {  	v19 =	vperm.xlane v19, v2;
	s2 =	spop (v2sf)  }
0x4ad: {  	s0 =	sxor.u32 $0x80000000, s2  }
0x4ae: {  	v19 =	vadd.s32 s0, v19  }
0x4af: {  	v20 =	vxor.u32 $0x80000000, v19  }
0x4b0: {  	(xrf0) =	vmax.scan.msk.u32 $0xffff, v20;
	_ =	sdelay $0x5  }
0x4b1: {  	v21, _, _ =	vpop (xrf0)  }
0x4b2: {  	(v2sf) =	vpush v21, $0xF  }
0x4b3: {  	v21 =	vld [tilespmem:$0xB000];
	_ =	sdelay $0x4  }
0x4b4: {  	v22 =	vperm.xlane v21, v2;
	_ =	sdelay $0x1  }
0x4b5: {  	(xrf0) =	vadd.scan.msk.s32 $0xffff, v22;
	_ =	sdelay $0x5  }
0x4b6: {  	v22, _, _ =	vpop (xrf0)  }
0x4b7: {  	v22 =	vperm.xlane v22, v2;
	s6 =	spop (v2sf)  }
0x4b8: {  	s0 =	sxor.u32 $0x80000000, s6  }
0x4b9: {  	v22 =	vadd.s32 s0, v22  }
0x4ba: {  	vm0 =	vgt.s32 v22, $0xFF  }
0x4bb: {  	vm15 =	vgt.s32 v19, $0xFF;
	v23 =	vnsel vm0, $0x7FFFFFFF, v4  }
0x4bc: {  	v19 =	vnsel vm15, $0x7FFFFFFF, v5;
	(xrf0) =	vmax.scan.msk.u32 $0xffff, v23  }
0x4bd: {  	vm4 =	vgt.s32 v16, $0xFF;
	(xrf0) =	vmax.scan.msk.u32 $0xffff, v19  }
0x4be: {  	vm5 =	vgt.s32 v13, $0xFF;
	v16 =	vnsel vm4, $0x7FFFFFFF, v7  }
0x4bf: {  	v13 =	vnsel vm5, $0x7FFFFFFF, v8;
	(xrf0) =	vmax.scan.msk.u32 $0xffff, v16;
	_ =	sdelay $0x1  }
0x4c0: {  	(xrf0) =	vmax.scan.msk.u32 $0xffff, v13  }
0x4c1: {  	v13, _, _ =	vpop (xrf0)  }
0x4c2: {  	(v2sf) =	vpush v13, $0xF;
	v13, _, _ =	vpop (xrf0)  }
0x4c3: {  	(v2sf) =	vpush v13, $0xF  }
0x4c4: {  	v13, _, _ =	vpop (xrf0)  }
0x4c5: {  	(v2sf) =	vpush v13, $0xF  }
0x4c6: {  	v13, _, _ =	vpop (xrf0)  }
0x4c7: {  	(v2sf) =	vpush v13, $0xF;
	_ =	sdelay $0x9  }
0x4c8: {  	s7 =	spop (v2sf)  }
0x4c9: {  	s10 =	spop (v2sf)  }
0x4ca: {  	s0 =	sxor.u32 $0x80000000, s7;
	s1 =	sxor.u32 $0x80000000, s10  }
0x4cb: {  	s20 =	spop (v2sf);
	p1 =	sgt.s32 s0, s1  }
0x4cc: {  	s1 =	smov.u32 @p1 s0;
	s0 =	sxor.u32 $0x80000000, s20  }
0x4cd: {  	s22 =	spop (v2sf);
	p1 =	sgt.s32 s1, s0  }
0x4ce: {  	s0 =	smov.u32 @p1 s1;
	s1 =	sxor.u32 $0x80000000, s22  }
0x4cf: {  	p1 =	sgt.s32 s0, s1  }
0x4d0: {  	s1 =	smov.u32 @p1 s0  }
0x4d1: {  	s0 =	sshra.s32 s1, $0x1F  }
0x4d2: {  	s0 =	sor.u32 s0, s1  }
0x4d3: {  	v13 =	vmov s0  }
0x4d4: {  	v16 =	vxor.u32 $0x80000000, v22;
	vm6 =	veq.s32 v13, v0  }
0x4d5: {  	v19 =	vxor.u32 $0x80000000, v21;
	v16 =	vnsel vm6, $0x80000000, v16  }
0x4d6: {  	vm7 =	veq.s32 v13, v9;
	(xrf0) =	vmax.scan.msk.u32 $0xffff, v16;
	v16 =	vnsel vm6, $0x80000000, v19  }
0x4d7: {  	v18 =	vxor.u32 $0x80000000, v18;
	(xrf0) =	vmax.scan.msk.u32 $0xffff, v16;
	v16 =	vnsel vm7, $0x80000000, v20  }
0x4d8: {  	vm8 =	veq.s32 v13, v10;
	(xrf0) =	vmax.scan.msk.u32 $0xffff, v16;
	v16 =	vnsel vm7, $0x80000000, v18  }
0x4d9: {  	v15 =	vxor.u32 $0x80000000, v15;
	vm9 =	veq.s32 v13, v11;
	(xrf0) =	vmax.scan.msk.u32 $0xffff, v16;
	v16 =	vnsel vm8, $0x80000000, v17  }
0x4da: {  	v15 =	vnsel vm8, $0x80000000, v15;
	v13 =	vnsel vm9, $0x80000000, v14;
	(xrf0) =	vmax.scan.msk.u32 $0xffff, v16  }
0x4db: {  	(xrf0) =	vmax.scan.msk.u32 $0xffff, v15  }
0x4dc: {  	v12 =	vxor.u32 $0x80000000, v12;
	v14, _, _ =	vpop (xrf0);
	(xrf0) =	vmax.scan.msk.u32 $0xffff, v13  }
0x4dd: {  	v12 =	vnsel vm9, $0x80000000, v12;
	(v2sf) =	vpush v14, $0xF;
	v13, _, _ =	vpop (xrf0)  }
0x4de: {  	(v2sf) =	vpush v13, $0xF;
	v13, _, _ =	vpop (xrf0)  }
0x4df: {  	(v2sf) =	vpush v13, $0xF;
	v13, _, _ =	vpop (xrf0);
	(xrf0) =	vmax.scan.msk.u32 $0xffff, v12  }
0x4e0: {  	(v2sf) =	vpush v13, $0xF;
	v12, _, _ =	vpop (xrf0)  }
0x4e1: {  	(v2sf) =	vpush v12, $0xF;
	v12, _, _ =	vpop (xrf0)  }
0x4e2: {  	(v2sf) =	vpush v12, $0xF;
	v12, _, _ =	vpop (xrf0)  }
0x4e3: {  	(v2sf) =	vpush v12, $0xF;
	_ =	sdelay $0x1  }
0x4e4: {  	v12, _, _ =	vpop (xrf0)  }
0x4e5: {  	(v2sf) =	vpush v12, $0xF;
	_ =	sdelay $0x1  }
0x4e6: {  	s0 =	sshll.u32 s0, $0x4  }
0x4e7: {  	v12 =	vld [tilespmem:s0+$0xA000];
	_ =	sdelay $0x2  }
0x4e8: {  	s23 =	spop (v2sf)  }
0x4e9: {  	s2 =	spop (v2sf)  }
0x4ea: {  	v12 =	vperm.xlane v12, v2;
	s24 =	spop (v2sf)  }
0x4eb: {  	s31 =	spop (v2sf)  }
0x4ec: {  	(xrf0) =	vadd.scan.msk.s32 $0xffff, v12;
	s20 =	spop (v2sf)  }
0x4ed: {  	s1 =	sadd.s32 s24, s23;
	s22 =	spop (v2sf)  }
0x4ee: {  	s1 =	sadd.s32 s20, s1;
	s23 =	spop (v2sf)  }
0x4ef: {  	s7 =	sxor.u32 $0x7FFFFFFF, s31;
	s1 =	sadd.s32 s23, s1  }
0x4f0: {  	s2 =	sxor.u32 $0x7FFFFFFF, s2;
	s1 =	sadd.s32 s7, s1  }
0x4f1: {  	s24 =	sxor.u32 $0x7FFFFFFF, s22;
	s1 =	sadd.s32 s2, s1;
	s31 =	spop (v2sf)  }
0x4f2: {  	v12, _, _ =	vpop (xrf0);
	s1 =	sadd.s32 s24, s1;
	s2 =	sxor.u32 $0x7FFFFFFF, s31  }
0x4f3: {  	v12 =	vperm.xlane v12, v2;
	s1 =	sadd.s32 s2, s1  }
0x4f4: {  	s1 =	sadd.s32 $0x4, s1  }
0x4f5: {  	v12 =	vadd.s32 s1, v12  }
0x4f6: {  	vm10 =	vgt.s32 v12, $0xFF  }
0x4f7: {  	v12 =	vnsel vm10, $0x7FFFFFFF, v4  }
0x4f8: {  	(xrf0) =	vmax.scan.msk.u32 $0xffff, v12;
	_ =	sdelay $0x5  }
0x4f9: {  	v12, _, _ =	vpop (xrf0)  }
0x4fa: {  	(v2sf) =	vpush v12, $0xF;
	_ =	sdelay $0x9  }
0x4fb: {  	s7 =	simm.s32 $0x8040  }
0x4fc: {  	v14 =	vld [tilespmem:s7+$0xFFFFFFD0]  }
0x4fd: {  	v15 =	vld [tilespmem:s7+$0x0]  }
0x4fe: {  	v16 =	vld [tilespmem:s7+$0x30]  }
0x4ff: {  	s20 =	simm.s32 $0x1;
	s22 =	simm.s32 $0x3;
	v17 =	vld [tilespmem:s7+$0xFFFFFFF0]  }
0x500: {  	v20 =	vmov s30;
	v13 =	vmov s20;
	v18 =	vmov s22;
	v19 =	vld [tilespmem:s7+$0x10];
	s10 =	spop (v2sf)  }
0x501: {  	v22 =	vand.u32 $0xFFFFFFFC, v20;
	v13 =	vand.u32 $0xFFFFFFF9, v13;
	s23 =	simm.s32 $0x2;
	v18 =	vand.u32 $0xFFFFFFFB, v18;
	v21 =	vld [tilespmem:s7+$0xFFFFFFE0];
	s0 =	sadd.s32 s10, s0  }
0x502: {  	v13 =	vbroadcast v13, $0x0;
	v20 =	vmov s23;
	v18 =	vbroadcast v18, $0x0;
	s0 =	sadd.s32 $0x80000000, s0  }
0x503: {  	v23 =	vld [tilespmem:s7+$0x20];
	v14 =	vshrl.u32 v14, $0x16;
	v15 =	vshrl.u32 v15, $0x16;
	v12 =	vmov s0  }
0x504: {  	v61 =	vld [tilespmem:s7+$0xFFFFFFC0];
	v16 =	vshrl.u32 v16, $0x16;
	v17 =	vshrl.u32 v17, $0x16;
	vm11 =	vge.s32 v14, v12  }
0x505: {  	s24 =	simm.s32 $0x6;
	v14 =	vand.u32 $0xFFFFFFFA, v20;
	vm1 =	vge.s32 v15, v12;
	v15 =	vshrl.u32 v19, $0x16  }
0x506: {  	v19 =	vmov s24;
	v20 =	vshrl.u32 v21, $0x16;
	vm2 =	vge.s32 v16, v12  }
0x507: {  	vm3 =	vge.s32 v17, v12;
	v62 =	vand.u32 $0xFFFFFFFE, v19;
	v16 =	vsel vm1, $0x1, v1  }
0x508: {  	vm12 =	vge.s32 v15, v12;
	v15 =	vsel vm3, $0x1, v1;
	v17 =	vsel vm2, $0x1, v1;
	(xrf0) =	vadd.scan.msk.s32 $0xffff, v16  }
0x509: {  	v21 =	vsel vm11, $0x1, v1;
	v19 =	vshrl.u32 v23, $0x16;
	v16 =	vshrl.u32 v61, $0x16;
	(xrf0) =	vadd.scan.msk.s32 $0xffff, v15  }
0x50a: {  	vm14 =	vge.s32 v20, v12;
	v63 =	vsel vm12, $0x1, v1;
	vm13 =	vge.s32 v16, v12;
	(xrf0) =	vadd.scan.msk.s32 $0xffff, v17  }
0x50b: {  	s30 =	simm.s32 $0x5;
	s31 =	simm.s32 $0x7;
	vm15 =	vge.s32 v19, v12;
	v19 =	vsel vm14, $0x1, v1;
	v15 =	vsel vm13, $0x1, v1;
	(xrf0) =	vadd.scan.msk.s32 $0xffff, v21  }
0x50c: {  	v20 =	vsel vm15, $0x1, v1;
	v16 =	vmov s31;
	v21 =	vmov s30;
	(xrf0) =	vadd.scan.msk.s32 $0xffff, v15  }
0x50d: {  	s6 =	simm.s32 $0x0;
	s1 =	simm.s32 $0x80C0;
	s0 =	simm.s32 $0x8;
	v17 =	vbroadcast v22, $0x0;
	v21 =	vand.u32 $0xFFFFFFFD, v21;
	v15 =	vbroadcast v62, $0x0;
	(xrf0) =	vadd.scan.msk.s32 $0xffff, v63  }
.LBB2_76:
0x50e: {  	v22 =	vld [tilespmem:s1+$0xFFFFFFD0];
	s2 =	sadd.s32 $0x1, s0;
	s7 =	sadd.s32 $0x3, s0;
	s10 =	sadd.s32 $0x4, s0;
	v23 =	vmov s6;
	v24 =	vbroadcast v14, $0x0;
	v21 =	vbroadcast v21, $0x0;
	v14, _, _ =	vpop (xrf0);
	(xrf0) =	vadd.scan.msk.s32 $0xffff, v20  }
0x50f: {  	p1 =	slt.u32 s0, $0x1F8;
	s6 =	smov.u32 s0;
	s0 =	sadd.s32 $0x8, s0;
	v20 =	vmov s2;
	v25 =	vmov s7;
	v26 =	vld [tilespmem:s1+$0x0];
	v27 =	vmov s10;
	(xrf0) =	vadd.scan.msk.s32 $0xffff, v19;
	v19, _, _ =	vpop (xrf0)  }
0x510: {  	v25 =	vand.u32 $0xFFFFFFFB, v25;
	v27 =	vand.u32 $0xFFFFFFFC, v27;
	v28 =	vld [tilespmem:s1+$0x30];
	v19 =	vperm.xlane v19, v2;
	v29, _, _ =	vpop (xrf0)  }
0x511: {  	v33 =	vperm.xlane v14, v2;
	v20 =	vand.u32 $0xFFFFFFF9, v20;
	v30 =	vld [tilespmem:s1+$0xFFFFFFF0];
	v29 =	vperm.xlane v29, v2;
	v31, _, _ =	vpop (xrf0)  }
0x512: {  	v23 =	vand.u32 $0xFFFFFFF8, v23;
	v20 =	vbroadcast v20, $0x0;
	v32 =	vld [tilespmem:s1+$0x10];
	v31 =	vperm.xlane v31, v2;
	[tilespmem:v18+s13+$0x0] =	vst.idx.msk $0x1, v19;
	v18, _, _ =	vpop (xrf0)  }
0x513: {  	s2 =	sadd.s32 $0x2, s6;
	v23 =	vbroadcast v23, $0x0;
	v19 =	vshrl.u32 v22, $0x16;
	v22 =	vld [tilespmem:s1+$0xFFFFFFE0];
	v18 =	vperm.xlane v18, v2;
	[tilespmem:v17+s13+$0x0] =	vst.idx.msk $0x1, v33;
	v14, _, _ =	vpop (xrf0)  }
0x514: {  	v17 =	vmov s2;
	v26 =	vshrl.u32 v26, $0x16;
	v33 =	vld [tilespmem:s1+$0x20];
	[tilespmem:v13+s13+$0x0] =	vst.idx.msk $0x1, v31;
	v31 =	vperm.xlane v14, v2;
	v14, _, _ =	vpop (xrf0)  }
0x515: {  	vm0 =	vge.s32 v19, v12;
	v19 =	vshrl.u32 v28, $0x16;
	v28 =	vperm.xlane v14, v2;
	[tilespmem:v16+s13+$0x0] =	vst.idx.msk $0x1, v29;
	v16, _, _ =	vpop (xrf0)  }
0x516: {  	s2 =	sadd.s32 $0x6, s6;
	v13 =	vmovc v20;
	v14 =	vand.u32 $0xFFFFFFFA, v17;
	v29 =	vld [tilespmem:s1+$0xFFFFFFC0];
	v17 =	vshrl.u32 v30, $0x16;
	v16 =	vperm.xlane v16, v2;
	[tilespmem:v21+s13+$0x0] =	vst.idx.msk $0x1, v31  }
0x517: {  	vm1 =	vge.s32 v26, v12;
	v21 =	vmov s2;
	v20 =	vshrl.u32 v32, $0x16;
	[tilespmem:v15+s13+$0x0] =	vst.idx.msk $0x1, v28  }
0x518: {  	vm2 =	vge.s32 v19, v12;
	v15 =	vshrl.u32 v22, $0x16;
	v22 =	vand.u32 $0xFFFFFFFE, v21;
	[tilespmem:v24+s13+$0x0] =	vst.idx.msk $0x1, v16  }
0x519: {  	vm3 =	vge.s32 v17, v12;
	v16 =	vsel vm1, $0x1, v1;
	vm1 =	vge.s32 v20, v12;
	[tilespmem:v23+s13+$0x0] =	vst.idx.msk $0x1, v18  }
0x51a: {  	v17 =	vsel vm3, $0x1, v1;
	v23 =	vsel vm1, $0x1, v1;
	v18 =	vsel vm2, $0x1, v1;
	(xrf0) =	vadd.scan.msk.s32 $0xffff, v16  }
.Ltmp56:
0x51b: {  	v21 =	vsel vm0, $0x1, v1;
	v19 =	vshrl.u32 v33, $0x16;
	v16 =	vshrl.u32 v29, $0x16;
	(xrf0) =	vadd.scan.msk.s32 $0xffff, v17;
	(pc) =	sbr.rel @p1 .LBB2_76-.Ltmp56, $4  }
0x51c: {  	vm1 =	vge.s32 v15, v12;
	vm2 =	vge.s32 v19, v12;
	vm0 =	vge.s32 v16, v12;
	(xrf0) =	vadd.scan.msk.s32 $0xffff, v18  }
0x51d: {  	s7 =	sadd.s32 $0x7, s6;
	s2 =	sadd.s32 $0x5, s6;
	v19 =	vsel vm1, $0x1, v1;
	v20 =	vsel vm2, $0x1, v1;
	v15 =	vsel vm0, $0x1, v1;
	(xrf0) =	vadd.scan.msk.s32 $0xffff, v21  }
0x51e: {  	v18 =	vbroadcast v25, $0x0;
	v16 =	vmov s7;
	v21 =	vmov s2;
	(xrf0) =	vadd.scan.msk.s32 $0xffff, v15  }
0x51f: {  	s1 =	sadd.s32 $0x80, s1;
	v17 =	vbroadcast v27, $0x0;
	v21 =	vand.u32 $0xFFFFFFFD, v21;
	v15 =	vbroadcast v22, $0x0;
	(xrf0) =	vadd.scan.msk.s32 $0xffff, v23  }
0x520: {  	v22, _, _ =	vpop (xrf0);
	(xrf0) =	vadd.scan.msk.s32 $0xffff, v20  }
0x521: {  	(xrf0) =	vadd.scan.msk.s32 $0xffff, v19;
	v19, _, _ =	vpop (xrf0)  }
0x522: {  	v20 =	vbroadcast v21, $0x0;
	v19 =	vperm.xlane v19, v2;
	v21, _, _ =	vpop (xrf0)  }
0x523: {  	v23 =	vmov s6;
	v22 =	vperm.xlane v22, v2;
	v24, _, _ =	vpop (xrf0)  }
0x524: {  	v14 =	vbroadcast v14, $0x0;
	v23 =	vand.u32 $0xFFFFFFF8, v23;
	v24 =	vperm.xlane v24, v2;
	[tilespmem:v18+s13+$0x0] =	vst.idx.msk $0x1, v19;
	v18, _, _ =	vpop (xrf0)  }
0x525: {  	[tilespmem:v17+s13+$0x0] =	vst.idx.msk $0x1, v22;
	v19 =	vperm.xlane v21, v2;
	v21 =	vbroadcast v23, $0x0;
	v17, _, _ =	vpop (xrf0)  }
0x526: {  	[tilespmem:v13+s13+$0x0] =	vst.idx.msk $0x1, v24;
	v13 =	vperm.xlane v17, v2;
	v17, _, _ =	vpop (xrf0)  }
0x527: {  	[tilespmem:v16+s13+$0x0] =	vst.idx.msk $0x1, v19;
	v17 =	vperm.xlane v17, v2;
	v16, _, _ =	vpop (xrf0)  }
0x528: {  	v16 =	vperm.xlane v16, v2;
	[tilespmem:v20+s13+$0x0] =	vst.idx.msk $0x1, v13  }
0x529: {  	v13 =	vperm.xlane v18, v2;
	[tilespmem:v15+s13+$0x0] =	vst.idx.msk $0x1, v17  }
0x52a: {  	[tilespmem:v14+s13+$0x0] =	vst.idx.msk $0x1, v16  }
0x52b: {  	s6 =	simm.s32 $0x0;
	[tilespmem:v21+s13+$0x0] =	vst.idx.msk $0x1, v13  }
0x52c: {  	v20 =	vld [tilespmem:s6+$0xB000];
	_ =	sdelay $0x3  }
0x52d: {  	s0 =	simm.s32 $0x10  }
0x52e: {  	v14 =	vld [tilespmem:s0+$0xB000];
	(xrf0) =	vadd.scan.msk.s32 $0xffff, v20;
	_ =	sdelay $0x2  }
0x52f: {  	s30 =	simm.s32 $0x20  }
0x530: {  	v13 =	vld [tilespmem:s30+$0xB000]  }
0x531: {  	(xrf0) =	vadd.scan.msk.s32 $0xffff, v14  }
0x532: {  	v21, _, _ =	vpop (xrf0)  }
0x533: {  	v15 =	vxor.u32 $0x80000000, v21  }
0x534: {  	(xrf0) =	vmax.scan.msk.u32 $0xffff, v15  }
0x535: {  	(xrf0) =	vadd.scan.msk.s32 $0xffff, v13  }
0x536: {  	s1 =	simm.s32 $0x30  }
0x537: {  	v17, _, _ =	vpop (xrf0);
	v15 =	vld [tilespmem:s1+$0xB000]  }
0x538: {  	v16 =	vxor.u32 $0x80000000, v17;
	_ =	sdelay $0x1  }
0x539: {  	v18, _, _ =	vpop (xrf0)  }
0x53a: {  	(xrf0) =	vmax.scan.msk.u32 $0xffff, v16;
	v16, _, _ =	vpop (xrf0)  }
0x53b: {  	(xrf0) =	vadd.scan.msk.s32 $0xffff, v15;
	v19 =	vxor.u32 $0x80000000, v16  }
0x53c: {  	(xrf0) =	vmax.scan.msk.u32 $0xffff, v19;
	_ =	sdelay $0x2  }
0x53d: {  	(v2sf) =	vpush v18, $0xF  }
0x53e: {  	v22, _, _ =	vpop (xrf0)  }
0x53f: {  	v18, _, _ =	vpop (xrf0)  }
0x540: {  	s22 =	simm.s32 $0x40;
	(v2sf) =	vpush v22, $0xF;
	v23, _, _ =	vpop (xrf0)  }
0x541: {  	v19 =	vld [tilespmem:s22+$0xB000];
	(v2sf) =	vpush v23, $0xF;
	_ =	sdelay $0x4  }
0x542: {  	s7 =	simm.s32 $0x50;
	(xrf0) =	vadd.scan.msk.s32 $0xffff, v19  }
0x543: {  	v63 =	vsub.s32 s29, v20;
	v20 =	vld [tilespmem:s7+$0xB000];
	v22 =	vxor.u32 $0x80000000, v18  }
0x544: {  	(xrf0) =	vmax.scan.msk.u32 $0xffff, v22  }
0x545: {  	s23 =	simm.s32 $0x180;
	v21 =	vadd.s32 v21, v63  }
.LBB2_78:
0x546: {  	s2 =	sshra.s32 s23, $0x2  }
0x547: {  	[tilespmem:s6+$0xB200] =	vst v21;
	s6 =	smov.u32 s0;
	s0 =	smov.u32 s30;
	p1 =	sne.s32 s23, $0x7C0  }
.Ltmp57:
0x548: {  	s23 =	sadd.s32 $0x40, s23;
	(xrf0) =	vadd.scan.msk.s32 $0xffff, v20;
	v22, _, _ =	vpop (xrf0);
	s10 =	spop (v2sf);
	(pc) =	sbr.rel @p1 .LBB2_78-.Ltmp57, $4  }
0x549: {  	s30 =	smov.u32 s1;
	s1 =	smov.u32 s22;
	v23 =	vmov v20;
	v24 =	vxor.u32 $0x80000000, v22;
	s10 =	sadd.s32 s10, s29;
	v20 =	vld [tilespmem:s2+$0xB000]  }
0x54a: {  	s22 =	smov.u32 s7;
	s7 =	smov.u32 s2;
	(xrf0) =	vmax.scan.msk.u32 $0xffff, v24;
	v21, _, _ =	vpop (xrf0);
	s29 =	sadd.s32 $0x80000000, s10  }
0x54b: {  	(v2sf) =	vpush v21, $0xF;
	v21 =	vsub.s32 s29, v14;
	v14 =	vmovc v13;
	v13 =	vmovc v15;
	v15 =	vmov v19  }
0x54c: {  	v19 =	vmovc v23;
	v21 =	vadd.s32 v17, v21;
	v17 =	vmovc v16;
	v16 =	vmov v18;
	v18 =	vmov v22  }
0x54d: {  	_ = 	snop  }
0x54e: {  	v22, _, _ =	vpop (xrf0)  }
0x54f: {  	(xrf0) =	vadd.scan.msk.s32 $0xffff, v20;
	v23 =	vxor.u32 $0x80000000, v22  }
0x550: {  	(xrf0) =	vmax.scan.msk.u32 $0xffff, v23;
	_ =	sdelay $0x3  }
0x551: {  	v23, _, _ =	vpop (xrf0)  }
0x552: {  	(v2sf) =	vpush v23, $0xF;
	v23, _, _ =	vpop (xrf0)  }
0x553: {  	v24, _, _ =	vpop (xrf0)  }
0x554: {  	(v2sf) =	vpush v24, $0xF;
	_ =	sdelay $0x6  }
0x555: {  	s2 =	spop (v2sf)  }
0x556: {  	s2 =	sadd.s32 s2, s29  }
0x557: {  	s10 =	spop (v2sf);
	s2 =	sadd.s32 $0x80000000, s2  }
0x558: {  	s10 =	sadd.s32 s10, s2  }
0x559: {  	s10 =	sadd.s32 $0x80000000, s10;
	s20 =	spop (v2sf)  }
0x55a: {  	v24 =	vxor.u32 $0x80000000, v23;
	s20 =	sadd.s32 s20, s10  }
0x55b: {  	(xrf0) =	vmax.scan.msk.u32 $0xffff, v24;
	s20 =	sadd.s32 $0x80000000, s20;
	s23 =	spop (v2sf)  }
0x55c: {  	v14 =	vsub.s32 s2, v14;
	s31 =	sadd.s32 s23, s20  }
0x55d: {  	[tilespmem:s6+$0xB200] =	vst v21;
	v14 =	vadd.s32 v17, v14;
	v13 =	vsub.s32 s10, v13;
	s2 =	sadd.s32 $0x80000000, s31;
	s10 =	spop (v2sf)  }
0x55e: {  	[tilespmem:s0+$0xB200] =	vst v14;
	v13 =	vadd.s32 v16, v13;
	v14 =	vsub.s32 s20, v15;
	s20 =	sadd.s32 s10, s2  }
0x55f: {  	[tilespmem:s30+$0xB200] =	vst v13;
	v13 =	vadd.s32 v18, v14;
	v14 =	vsub.s32 s2, v19;
	s6 =	sadd.s32 $0x80000000, s20  }
0x560: {  	[tilespmem:s1+$0xB200] =	vst v13;
	v13 =	vadd.s32 v22, v14;
	v14 =	vsub.s32 s6, v20  }
0x561: {  	s24 =	simm.s32 $0x2;
	v15, _, _ =	vpop (xrf0);
	s31 =	simm.s32 $0x3;
	[tilespmem:s22+$0xB200] =	vst v13;
	v13 =	vadd.s32 v23, v14  }
0x562: {  	(v2sf) =	vpush v15, $0xF;
	v15 =	vmov s24;
	s24 =	simm.s32 $0x7;
	v16 =	vmov s31;
	s10 =	simm.s32 $0x8040;
	[tilespmem:s7+$0xB200] =	vst v13  }
0x563: {  	s29 =	simm.s32 $0x0;
	v15 =	vand.u32 $0xFFFFFFFA, v15;
	v28 =	vmov s24;
	v16 =	vand.u32 $0xFFFFFFFB, v16;
	v19 =	vld [tilespmem:s10+$0x30]  }
0x564: {  	v24 =	vbroadcast v15, $0x0;
	s23 =	simm.s32 $0x1;
	s22 =	simm.s32 $0x5;
	v27 =	vbroadcast v16, $0x0;
	v14 =	vmov s29;
	v21 =	vld [tilespmem:s10+$0xFFFFFFD0]  }
0x565: {  	s20 =	simm.s32 $0x4;
	v18 =	vmov s22;
	v13 =	vmov s23;
	v14 =	vand.u32 $0xFFFFFFF8, v14;
	s23 =	simm.s32 $0x6;
	v25 =	vld [tilespmem:s10+$0xFFFFFFE0]  }
0x566: {  	v17 =	vmov s20;
	v20 =	vbroadcast v14, $0x0;
	v14 =	vmov s23;
	v26 =	vld [tilespmem:s10+$0xFFFFFFF0]  }
0x567: {  	v18 =	vand.u32 $0xFFFFFFFD, v18;
	v13 =	vand.u32 $0xFFFFFFF9, v13;
	v23 =	vand.u32 $0xFFFFFFFE, v14;
	v14 =	vld [tilespmem:s10+$0x0]  }
0x568: {  	v17 =	vand.u32 $0xFFFFFFFC, v17;
	v18 =	vbroadcast v18, $0x0;
	v22 =	vbroadcast v13, $0x0;
	v13 =	vld [tilespmem:s10+$0x10]  }
0x569: {  	v17 =	vbroadcast v17, $0x0;
	v15 =	vld [tilespmem:s10+$0x20];
	v16 =	vshrl.u32 v19, $0x16;
	v29 =	vshrl.u32 v21, $0x16  }
0x56a: {  	vm3 =	vge.s32 v16, v12;
	v16 =	vld [tilespmem:s10+$0xFFFFFFC0];
	vm4 =	vge.s32 v29, v12;
	v29 =	vshrl.u32 v25, $0x16  }
0x56b: {  	v30 =	vsel vm3, $0x1, v1;
	vm5 =	vge.s32 v29, v12;
	v29 =	vshrl.u32 v26, $0x16  }
0x56c: {  	v31 =	vsel vm4, $0x1, v1;
	(xrf0) =	vadd.scan.msk.s32 $0xffff, v30;
	vm6 =	vge.s32 v29, v12;
	v29 =	vshrl.u32 v14, $0x16  }
0x56d: {  	v30 =	vsel vm5, $0x1, v1;
	(xrf0) =	vadd.scan.msk.s32 $0xffff, v31;
	vm7 =	vge.s32 v29, v12;
	v29 =	vshrl.u32 v13, $0x16  }
0x56e: {  	v28 =	vld.idx.msk [tilespmem:v28+s14+$0x0], $0xffff;
	v31 =	vsel vm6, $0x1, v1;
	(xrf0) =	vadd.scan.msk.s32 $0xffff, v30;
	vm0 =	vge.s32 v29, v12;
	v29 =	vshrl.u32 v15, $0x16  }
0x56f: {  	v23 =	vbroadcast v23, $0x0;
	v22 =	vld.idx.msk [tilespmem:v22+s14+$0x0], $0xffff;
	(xrf0) =	vadd.scan.msk.s32 $0xffff, v31;
	v31 =	vshrl.u32 v16, $0x16;
	vm2 =	vge.s32 v29, v12  }
0x570: {  	v30 =	vsel vm7, $0x1, v1;
	v29 =	vld.idx.msk [tilespmem:v27+s14+$0x0], $0xffff;
	vm1 =	vge.s32 v31, v12;
	v27 =	vsel vm2, $0x1, v1  }
0x571: {  	v24 =	vld.idx.msk [tilespmem:v24+s14+$0x0], $0xffff;
	v32 =	vsel vm0, $0x1, v1;
	(xrf0) =	vadd.scan.msk.s32 $0xffff, v30;
	v30 =	vsel vm1, $0x1, v1  }
0x572: {  	(xrf0) =	vadd.scan.msk.s32 $0xffff, v32  }
0x573: {  	s0 =	simm.s32 $0x8;
	s31 =	simm.s32 $0x9;
	v17 =	vld.idx.msk [tilespmem:v17+s14+$0x0], $0xffff;
	(xrf0) =	vadd.scan.msk.s32 $0xffff, v27;
	v27, _, _ =	vpop (xrf0)  }
0x574: {  	v33 =	vmov s0;
	v34 =	vmov s31;
	s31 =	simm.s32 $0xB;
	v18 =	vld.idx.msk [tilespmem:v18+s14+$0x0], $0xffff;
	(xrf0) =	vadd.scan.msk.s32 $0xffff, v30;
	v28 =	vadd.s32 v27, v28;
	v30, _, _ =	vpop (xrf0)  }
0x575: {  	v36 =	vmov s31;
	v23 =	vld.idx.msk [tilespmem:v23+s14+$0x0], $0xffff;
	v22 =	vadd.s32 v30, v22;
	v28 =	vadd.s32 $0xFFFFFFFF, v28;
	v30, _, _ =	vpop (xrf0)  }
0x576: {  	v20 =	vld.idx.msk [tilespmem:v20+s14+$0x0], $0xffff;
	v22 =	vadd.s32 $0xFFFFFFFF, v22;
	v24 =	vadd.s32 v30, v24;
	v28 =	vnsel vm3, $0x200F, v28;
	v30, _, _ =	vpop (xrf0)  }
0x577: {  	v31 =	vnsel vm4, $0x200F, v22;
	v22 =	vadd.s32 $0xFFFFFFFF, v24;
	v24 =	vadd.s32 v30, v29;
	v29, _, _ =	vpop (xrf0)  }
0x578: {  	v37 =	vnsel vm5, $0x200F, v22;
	v22 =	vadd.s32 $0xFFFFFFFF, v24;
	v17 =	vadd.s32 v29, v17;
	v29, _, _ =	vpop (xrf0)  }
0x579: {  	v24 =	vnsel vm6, $0x200F, v22;
	v17 =	vadd.s32 $0xFFFFFFFF, v17;
	v18 =	vadd.s32 v29, v18;
	v29, _, _ =	vpop (xrf0)  }
0x57a: {  	s7 =	simm.s32 $0x70;
	v22 =	vnsel vm7, $0x200F, v17;
	v17 =	vadd.s32 $0xFFFFFFFF, v18;
	v18 =	vadd.s32 v29, v23;
	v23, _, _ =	vpop (xrf0)  }
0x57b: {  	s23 =	simm.s32 $0x40;
	v32 =	vor.u32 s29, v0;
	v20 =	vadd.s32 v23, v20;
	[tilespmem:v28+s15+$0x0] =	vst.idx.msk $0xffff, v19;
	v19 =	vor.u32 s7, v0  }
0x57c: {  	s10 =	simm.s32 $0x10;
	v29 =	vor.u32 s23, v0;
	v18 =	vadd.s32 $0xFFFFFFFF, v18;
	v23 =	vadd.s32 $0xFFFFFFFF, v20;
	[tilespmem:v28+s16+$0x0] =	vst.idx.msk $0xffff, v19  }
0x57d: {  	s1 =	simm.s32 $0x60;
	s2 =	simm.s32 $0xA;
	s23 =	simm.s32 $0xC;
	v20 =	vnsel vm0, $0x200F, v17;
	[tilespmem:v31+s15+$0x0] =	vst.idx.msk $0xffff, v21;
	v17 =	vor.u32 s10, v0;
	v30 =	vnsel vm1, $0x200F, v23  }
0x57e: {  	s24 =	simm.s32 $0x50;
	s22 =	simm.s32 $0x30;
	s20 =	simm.s32 $0x20;
	v27 =	vmov s2;
	v35 =	vmov s23;
	v18 =	vnsel vm2, $0x200F, v18;
	[tilespmem:v31+s16+$0x0] =	vst.idx.msk $0xffff, v17  }
0x57f: {  	s2 =	spop (v2sf);
	v28 =	vor.u32 s20, v0;
	v21 =	vor.u32 s1, v0;
	s1 =	simm.s32 $0x80C0;
	v23 =	vor.u32 s24, v0;
	s24 =	simm.s32 $0xD;
	[tilespmem:v37+s15+$0x0] =	vst.idx.msk $0xffff, v25  }
0x580: {  	s31 =	simm.s32 $0xE;
	s2 =	sadd.s32 s2, s6;
	v31 =	vor.u32 s22, v0;
	v17 =	vand.u32 $0xFFFFFFF8, v33;
	v19 =	vld [tilespmem:s1+$0x30];
	v33 =	vmov s24;
	[tilespmem:v37+s16+$0x0] =	vst.idx.msk $0xffff, v28  }
0x581: {  	s6 =	simm.s32 $0x10;
	s30 =	sadd.s32 $0x80000000, s2;
	v25 =	vbroadcast v17, $0x0;
	v17 =	vld [tilespmem:s1+$0xFFFFFFD0];
	v37 =	vand.u32 $0xFFFFFFF9, v34;
	v34 =	vmov s31;
	[tilespmem:v24+s15+$0x0] =	vst.idx.msk $0xffff, v26  }
.LBB2_80:
0x582: {  	p1 =	slt.u32 s6, $0x1F8;
	v28 =	vld [tilespmem:s1+$0xFFFFFFE0];
	v27 =	vand.u32 $0xFFFFFFFA, v27;
	v36 =	vand.u32 $0xFFFFFFFB, v36;
	v35 =	vand.u32 $0xFFFFFFFC, v35;
	[tilespmem:v30+s15+$0x0] =	vst.idx.msk $0xffff, v16  }
0x583: {  	v37 =	vbroadcast v37, $0x0;
	v16 =	vand.u32 $0xFFFFFFFD, v33;
	v33 =	vand.u32 $0xFFFFFFFE, v34;
	s2 =	sadd.s32 $0x7, s0;
	s0 =	smov.u32 s6;
	v26 =	vld [tilespmem:s1+$0xFFFFFFF0];
	[tilespmem:v30+s16+$0x0] =	vst.idx.msk $0xffff, v32  }
0x584: {  	v27 =	vbroadcast v27, $0x0;
	v30 =	vbroadcast v36, $0x0;
	v34 =	vmov s2;
	v32 =	vld [tilespmem:s1+$0x0];
	[tilespmem:v24+s16+$0x0] =	vst.idx.msk $0xffff, v31  }
0x585: {  	v24 =	vbroadcast v35, $0x0;
	v35 =	vbroadcast v16, $0x0;
	v31 =	vld [tilespmem:s1+$0x10];
	v16 =	vshrl.u32 v19, $0x16;
	[tilespmem:v22+s15+$0x0] =	vst.idx.msk $0xffff, v14  }
0x586: {  	v33 =	vbroadcast v33, $0x0;
	v14 =	vshrl.u32 v17, $0x16;
	v36 =	vld [tilespmem:s1+$0x20];
	vm3 =	vge.s32 v16, v12;
	[tilespmem:v22+s16+$0x0] =	vst.idx.msk $0xffff, v29  }
0x587: {  	v16 =	vld [tilespmem:s1+$0xFFFFFFC0];
	vm4 =	vge.s32 v14, v12;
	v40 =	vshrl.u32 v28, $0x16;
	v22 =	vsel vm3, $0x1, v1;
	[tilespmem:v20+s15+$0x0] =	vst.idx.msk $0xffff, v13  }
0x588: {  	v39 =	vsel vm4, $0x1, v1;
	vm5 =	vge.s32 v40, v12;
	v38 =	vshrl.u32 v26, $0x16;
	(xrf0) =	vadd.scan.msk.s32 $0xffff, v22  }
0x589: {  	v22 =	vsel vm5, $0x1, v1;
	vm6 =	vge.s32 v38, v12;
	v29 =	vshrl.u32 v32, $0x16;
	v34 =	vld.idx.msk [tilespmem:v34+s14+$0x0], $0xffff;
	(xrf0) =	vadd.scan.msk.s32 $0xffff, v39;
	v14 =	vmovc v32  }
0x58a: {  	v32 =	vld.idx.msk [tilespmem:v37+s14+$0x0], $0xffff;
	v37 =	vsel vm6, $0x1, v1;
	vm7 =	vge.s32 v29, v12;
	v29 =	vshrl.u32 v31, $0x16;
	(xrf0) =	vadd.scan.msk.s32 $0xffff, v22;
	v13 =	vmovc v31  }
0x58b: {  	v22 =	vld.idx.msk [tilespmem:v27+s14+$0x0], $0xffff;
	v27 =	vsel vm7, $0x1, v1;
	vm0 =	vge.s32 v29, v12;
	v29 =	vshrl.u32 v36, $0x16;
	(xrf0) =	vadd.scan.msk.s32 $0xffff, v37  }
0x58c: {  	v31 =	vshrl.u32 v16, $0x16;
	v30 =	vld.idx.msk [tilespmem:v30+s14+$0x0], $0xffff;
	v37 =	vsel vm0, $0x1, v1;
	vm2 =	vge.s32 v29, v12;
	(xrf0) =	vadd.scan.msk.s32 $0xffff, v27  }
0x58d: {  	vm1 =	vge.s32 v31, v12;
	v24 =	vld.idx.msk [tilespmem:v24+s14+$0x0], $0xffff;
	v29 =	vsel vm2, $0x1, v1;
	(xrf0) =	vadd.scan.msk.s32 $0xffff, v37;
	[tilespmem:v20+s16+$0x0] =	vst.idx.msk $0xffff, v23  }
0x58e: {  	s2 =	sadd.s32 $0x1, s6;
	v37 =	vmov s6;
	v31 =	vsel vm1, $0x1, v1;
	v23 =	vld.idx.msk [tilespmem:v35+s14+$0x0], $0xffff;
	(xrf0) =	vadd.scan.msk.s32 $0xffff, v29;
	v27, _, _ =	vpop (xrf0);
	[tilespmem:v18+s15+$0x0] =	vst.idx.msk $0xffff, v15  }
0x58f: {  	v38 =	vmov s2;
	s2 =	sadd.s32 $0x2, s6;
	v15 =	vld.idx.msk [tilespmem:v33+s14+$0x0], $0xffff;
	v29 =	vadd.s32 v27, v34;
	(xrf0) =	vadd.scan.msk.s32 $0xffff, v31;
	v20, _, _ =	vpop (xrf0);
	[tilespmem:v18+s16+$0x0] =	vst.idx.msk $0xffff, v21  }
0x590: {  	v27 =	vmov s2;
	v18 =	vld.idx.msk [tilespmem:v25+s14+$0x0], $0xffff;
	v20 =	vadd.s32 v20, v32;
	v21 =	vadd.s32 $0xFFFFFFFF, v29;
	v25, _, _ =	vpop (xrf0)  }
0x591: {  	v20 =	vadd.s32 $0xFFFFFFFF, v20;
	v22 =	vadd.s32 v25, v22;
	v21 =	vnsel vm3, $0x200F, v21;
	v25, _, _ =	vpop (xrf0)  }
0x592: {  	v29 =	vnsel vm4, $0x200F, v20;
	v20 =	vadd.s32 $0xFFFFFFFF, v22;
	v22 =	vadd.s32 v25, v30;
	v25, _, _ =	vpop (xrf0)  }
0x593: {  	v34 =	vnsel vm5, $0x200F, v20;
	v20 =	vadd.s32 $0xFFFFFFFF, v22;
	v22 =	vadd.s32 v25, v24;
	v25, _, _ =	vpop (xrf0)  }
0x594: {  	s29 =	sadd.s32 $0x80, s29;
	v24 =	vnsel vm6, $0x200F, v20;
	v20 =	vadd.s32 $0xFFFFFFFF, v22;
	v30 =	vadd.s32 v25, v23;
	v25, _, _ =	vpop (xrf0)  }
0x595: {  	s7 =	sadd.s32 $0x20, s29;
	s10 =	sadd.s32 $0x70, s29;
	s2 =	sadd.s32 $0x10, s29;
	v22 =	vnsel vm7, $0x200F, v20;
	v20 =	vadd.s32 $0xFFFFFFFF, v30;
	v25 =	vadd.s32 v25, v15;
	v23, _, _ =	vpop (xrf0)  }
0x596: {  	s20 =	sadd.s32 $0x30, s29;
	s22 =	sadd.s32 $0x40, s29;
	s23 =	sadd.s32 $0x50, s29;
	v15 =	vmovc v36;
	v18 =	vadd.s32 v23, v18;
	v23 =	vadd.s32 $0xFFFFFFFF, v25;
	[tilespmem:v21+s15+$0x0] =	vst.idx.msk $0xffff, v19;
	v19 =	vor.u32 s10, v0  }
0x597: {  	v20 =	vnsel vm0, $0x200F, v20;
	s10 =	sadd.s32 $0x60, s29;
	v25 =	vadd.s32 $0xFFFFFFFF, v18;
	v18 =	vnsel vm2, $0x200F, v23;
	[tilespmem:v21+s16+$0x0] =	vst.idx.msk $0xffff, v19  }
.Ltmp58:
0x598: {  	v30 =	vnsel vm1, $0x200F, v25;
	[tilespmem:v29+s15+$0x0] =	vst.idx.msk $0xffff, v17;
	v17 =	vor.u32 s2, v0;
	v25 =	vor.u32 s7, v0;
	(pc) =	sbr.rel @p1 .LBB2_80-.Ltmp58, $4  }
0x599: {  	v31 =	vor.u32 s20, v0;
	v23 =	vor.u32 s23, v0;
	s2 =	sadd.s32 $0x3, s6;
	[tilespmem:v29+s16+$0x0] =	vst.idx.msk $0xffff, v17;
	v29 =	vor.u32 s22, v0  }
0x59a: {  	s1 =	sadd.s32 $0x80, s1;
	v32 =	vor.u32 s29, v0;
	v21 =	vor.u32 s10, v0;
	s7 =	sadd.s32 $0x5, s6;
	v36 =	vmov s2;
	s2 =	sadd.s32 $0x4, s6;
	[tilespmem:v34+s15+$0x0] =	vst.idx.msk $0xffff, v28  }
0x59b: {  	v17 =	vand.u32 $0xFFFFFFF8, v37;
	v33 =	vmov s7;
	v35 =	vmov s2;
	s2 =	sadd.s32 $0x6, s6;
	v19 =	vld [tilespmem:s1+$0x30];
	[tilespmem:v34+s16+$0x0] =	vst.idx.msk $0xffff, v25  }
0x59c: {  	v37 =	vand.u32 $0xFFFFFFF9, v38;
	s6 =	sadd.s32 $0x8, s6;
	v25 =	vbroadcast v17, $0x0;
	v34 =	vmov s2;
	v17 =	vld [tilespmem:s1+$0xFFFFFFD0];
	[tilespmem:v24+s15+$0x0] =	vst.idx.msk $0xffff, v26  }
0x59d: {  	_ = 	snop  }
0x59e: {  	v26 =	vld [tilespmem:s1+$0xFFFFFFE0]  }
0x59f: {  	v28 =	vld [tilespmem:s1+$0xFFFFFFF0];
	s0 =	sadd.s32 $0x7, s0  }
0x5a0: {  	v27 =	vand.u32 $0xFFFFFFFA, v27;
	v38 =	vld [tilespmem:s1+$0x0];
	v40 =	vmov s0;
	v41 =	vshrl.u32 v19, $0x16  }
0x5a1: {  	v36 =	vand.u32 $0xFFFFFFFB, v36;
	v37 =	vbroadcast v37, $0x0;
	v39 =	vld [tilespmem:s1+$0x10];
	[tilespmem:v30+s15+$0x0] =	vst.idx.msk $0xffff, v16;
	vm7 =	vge.s32 v41, v12  }
0x5a2: {  	v43 =	vld [tilespmem:s1+$0x20];
	v57 =	vand.u32 $0xFFFFFFFC, v35;
	[tilespmem:v24+s16+$0x0] =	vst.idx.msk $0xffff, v31;
	v42 =	vshrl.u32 v17, $0x16;
	v44 =	vsel vm7, $0x1, v1  }
0x5a3: {  	v27 =	vbroadcast v27, $0x0;
	v36 =	vbroadcast v36, $0x0;
	vm5 =	vge.s32 v42, v12;
	(xrf0) =	vadd.scan.msk.s32 $0xffff, v44  }
0x5a4: {  	[tilespmem:v22+s15+$0x0] =	vst.idx.msk $0xffff, v14;
	v16 =	vbroadcast v57, $0x0;
	v41 =	vld [tilespmem:s1+$0xFFFFFFC0];
	v62 =	vshrl.u32 v26, $0x16;
	v45 =	vsel vm5, $0x1, v1  }
0x5a5: {  	v63 =	vshrl.u32 v28, $0x16;
	v48 =	vshrl.u32 v38, $0x16;
	vm4 =	vge.s32 v62, v12;
	v40 =	vld.idx.msk [tilespmem:v40+s14+$0x0], $0xffff;
	(xrf0) =	vadd.scan.msk.s32 $0xffff, v45  }
0x5a6: {  	[tilespmem:v20+s15+$0x0] =	vst.idx.msk $0xffff, v13;
	v51 =	vshrl.u32 v39, $0x16;
	v62 =	vand.u32 $0xFFFFFFFD, v33;
	v49 =	vsel vm4, $0x1, v1  }
0x5a7: {  	v53 =	vshrl.u32 v43, $0x16;
	vm3 =	vge.s32 v63, v12;
	v55 =	vld.idx.msk [tilespmem:v37+s14+$0x0], $0xffff;
	v31 =	vbroadcast v62, $0x0;
	(xrf0) =	vadd.scan.msk.s32 $0xffff, v49  }
0x5a8: {  	[tilespmem:v18+s15+$0x0] =	vst.idx.msk $0xffff, v15;
	vm1 =	vge.s32 v48, v12;
	vm2 =	vge.s32 v51, v12;
	v50 =	vsel vm3, $0x1, v1  }
0x5a9: {  	vm0 =	vge.s32 v53, v12;
	v52 =	vsel vm1, $0x1, v1;
	v27 =	vld.idx.msk [tilespmem:v27+s14+$0x0], $0xffff;
	(xrf0) =	vadd.scan.msk.s32 $0xffff, v50;
	v54 =	vshrl.u32 v41, $0x16;
	v60, _, _ =	vpop (xrf0)  }
0x5aa: {  	v56 =	vsel vm2, $0x1, v1;
	vm6 =	vge.s32 v54, v12;
	(xrf0) =	vadd.scan.msk.s32 $0xffff, v52;
	v61 =	vadd.s32 v60, v40  }
0x5ab: {  	v58 =	vsel vm0, $0x1, v1;
	v36 =	vld.idx.msk [tilespmem:v36+s14+$0x0], $0xffff;
	(xrf0) =	vadd.scan.msk.s32 $0xffff, v56;
	v59 =	vsel vm6, $0x1, v1;
	v63, _, _ =	vpop (xrf0);
	v24 =	vadd.s32 $0xFFFFFFFF, v61  }
0x5ac: {  	(xrf0) =	vadd.scan.msk.s32 $0xffff, v58;
	v40 =	vand.u32 $0xFFFFFFFE, v34;
	v12 =	vadd.s32 v63, v55;
	v24 =	vnsel vm7, $0x200F, v24  }
0x5ad: {  	[tilespmem:v22+s16+$0x0] =	vst.idx.msk $0xffff, v29;
	(xrf0) =	vadd.scan.msk.s32 $0xffff, v59;
	v50 =	vld.idx.msk [tilespmem:v31+s14+$0x0], $0xffff;
	v37, _, _ =	vpop (xrf0);
	v22 =	vbroadcast v40, $0x0;
	v12 =	vadd.s32 $0xFFFFFFFF, v12  }
0x5ae: {  	[tilespmem:v30+s16+$0x0] =	vst.idx.msk $0xffff, v32;
	v16 =	vld.idx.msk [tilespmem:v16+s14+$0x0], $0xffff;
	v45 =	vadd.s32 v37, v27;
	v12 =	vnsel vm5, $0x200F, v12  }
0x5af: {  	s6 =	sadd.s32 $0x80, s29;
	v25 =	vld.idx.msk [tilespmem:v25+s14+$0x0], $0xffff;
	[tilespmem:v20+s16+$0x0] =	vst.idx.msk $0xffff, v23;
	v42, _, _ =	vpop (xrf0);
	v47 =	vadd.s32 $0xFFFFFFFF, v45  }
0x5b0: {  	[tilespmem:v18+s16+$0x0] =	vst.idx.msk $0xffff, v21;
	s7 =	sadd.s32 $0x70, s6;
	v44, _, _ =	vpop (xrf0);
	v14 =	vadd.s32 v42, v36;
	v15 =	vnsel vm4, $0x200F, v47  }
0x5b1: {  	v51 =	vor.u32 s7, v0;
	v46, _, _ =	vpop (xrf0);
	v14 =	vadd.s32 $0xFFFFFFFF, v14;
	[tilespmem:v24+s15+$0x0] =	vst.idx.msk $0xffff, v19  }
0x5b2: {  	s10 =	sadd.s32 $0x10, s6;
	v48, _, _ =	vpop (xrf0);
	v14 =	vnsel vm3, $0x200F, v14;
	v56 =	vadd.s32 v46, v50;
	[tilespmem:v24+s16+$0x0] =	vst.idx.msk $0xffff, v51  }
0x5b3: {  	v53 =	vor.u32 s10, v0;
	v13 =	vadd.s32 v44, v16;
	v49, _, _ =	vpop (xrf0);
	v57 =	vadd.s32 $0xFFFFFFFF, v56;
	v52 =	vld.idx.msk [tilespmem:v22+s14+$0x0], $0xffff;
	[tilespmem:v12+s15+$0x0] =	vst.idx.msk $0xffff, v17  }
0x5b4: {  	s20 =	sadd.s32 $0x20, s6;
	v54 =	vadd.s32 $0xFFFFFFFF, v13;
	v18 =	vadd.s32 v49, v25;
	v13 =	vnsel vm2, $0x200F, v57;
	[tilespmem:v12+s16+$0x0] =	vst.idx.msk $0xffff, v53  }
0x5b5: {  	v55 =	vor.u32 s20, v0;
	v18 =	vadd.s32 $0xFFFFFFFF, v18;
	[tilespmem:v15+s15+$0x0] =	vst.idx.msk $0xffff, v26  }
0x5b6: {  	s22 =	sadd.s32 $0x30, s6;
	v18 =	vnsel vm6, $0x200F, v18;
	[tilespmem:v15+s16+$0x0] =	vst.idx.msk $0xffff, v55  }
0x5b7: {  	v60 =	vor.u32 s22, v0;
	v12 =	vnsel vm1, $0x200F, v54;
	[tilespmem:v14+s15+$0x0] =	vst.idx.msk $0xffff, v28  }
0x5b8: {  	s24 =	sadd.s32 $0x50, s6;
	[tilespmem:v14+s16+$0x0] =	vst.idx.msk $0xffff, v60;
	v58 =	vadd.s32 v48, v52  }
0x5b9: {  	v62 =	vor.u32 s24, v0;
	[tilespmem:v13+s15+$0x0] =	vst.idx.msk $0xffff, v39;
	v15 =	vadd.s32 $0xFFFFFFFF, v58  }
0x5ba: {  	[tilespmem:v13+s16+$0x0] =	vst.idx.msk $0xffff, v62;
	v15 =	vnsel vm0, $0x200F, v15  }
0x5bb: {  	[tilespmem:v18+s15+$0x0] =	vst.idx.msk $0xffff, v41  }
0x5bc: {  	s23 =	sadd.s32 $0x40, s6;
	v59 =	vor.u32 s6, v0;
	[tilespmem:v12+s15+$0x0] =	vst.idx.msk $0xffff, v38  }
0x5bd: {  	s31 =	sadd.s32 $0xF, s30;
	v61 =	vor.u32 s23, v0;
	[tilespmem:v18+s16+$0x0] =	vst.idx.msk $0xffff, v59  }
0x5be: {  	s0 =	sadd.s32 $0x60, s6;
	s29 =	sshra.s32 s31, $0x4;
	[tilespmem:v12+s16+$0x0] =	vst.idx.msk $0xffff, v61  }
0x5bf: {  	p1 =	slt.s32 s29, $0x1;
	v63 =	vor.u32 s0, v0;
	[tilespmem:v15+s15+$0x0] =	vst.idx.msk $0xffff, v43  }
.Ltmp59:
0x5c0: {  	[tilespmem:v15+s16+$0x0] =	vst.idx.msk $0xffff, v63;
	(pc) =	sbr.rel @p1 .LBB2_85-.Ltmp59, $4  }
0x5c1: {  	[tilespmem:s30+$0xB400] =	vst v1  }
0x5c2: {  	[tilespmem:s30+$0xD480] =	vst v1  }
0x5c3: {  	[tilespmem:$0xA000] =	vst v1  }
0x5c4: {  	s20 =	smov.u32 s8;
	s8 =	simm.s32 $0x80;
	[tilespmem:$0xA010] =	vst v1  }
0x5c5: {  	s0 =	simm.s32 $0xB400  }
0x5c6: {  	p1 =	seq.s32 s29, $0x1;
	v12 =	vld [tilespmem:s0+$0x0]  }
.Ltmp60:
0x5c7: {  	_ = 	snop;
	(pc) =	sbr.rel @p1 .LBB2_84-.Ltmp60, $2  }
0x5c8: {  	_ =	sdelay $0x2  }
0x5c9: {  	s1 =	simm.s32 $0xB410;
	s0 =	sadd.s32 $0xFFFFFFFF, s29;
	v12 =	vand.u32 $0x1F, v12  }
.LBB2_83:
0x5ca: {  	v13 =	vld [tilespmem:s1+$0x0];
	p1 =	seq.s32 s0, $0x1;
	s0 =	sadd.s32 $0xFFFFFFFF, s0  }
.Ltmp61:
0x5cb: {  	(pc) =	sbr.rel @!p1 .LBB2_83-.Ltmp61, $3  }
0x5cc: {  	_ =	sdelay $0x1  }
0x5cd: {  	[tilespmem:v12+s12+$0x0] =	vst.idx.add.s32.msk $0xffff, v6  }
0x5ce: {  	s1 =	sadd.s32 $0x10, s1;
	v12 =	vand.u32 $0x1F, v13  }
.LBB2_84:
0x5cf: {  	_ =	sdelay $0x3  }
0x5d0: {  	[tilespmem:v12+s12+$0x0] =	vst.idx.add.s32.msk $0xffff, v6  }
.LBB2_85:
0x5d1: {  	v12 =	vld [tilespmem:$0xA010];
	_ =	sdelay $0x4  }
0x5d2: {  	v13 =	vperm.xlane v12, v2;
	_ =	sdelay $0x1  }
0x5d3: {  	(xrf0) =	vadd.scan.msk.s32 $0xffff, v13;
	_ =	sdelay $0x5  }
0x5d4: {  	v13, _, _ =	vpop (xrf0)  }
0x5d5: {  	v14 =	vxor.u32 $0x80000000, v13  }
0x5d6: {  	(xrf0) =	vmax.scan.msk.u32 $0xffff, v14;
	_ =	sdelay $0x5  }
0x5d7: {  	v14, _, _ =	vpop (xrf0)  }
0x5d8: {  	v15 =	vld [tilespmem:$0xA000];
	(v2sf) =	vpush v14, $0xF;
	_ =	sdelay $0x4  }
0x5d9: {  	v63 =	vperm.xlane v15, v2;
	_ =	sdelay $0x1  }
0x5da: {  	(xrf0) =	vadd.scan.msk.s32 $0xffff, v63;
	_ =	sdelay $0x5  }
0x5db: {  	p1 =	sgt.s32 s29, $0x0;
	v14, _, _ =	vpop (xrf0)  }
.Ltmp62:
0x5dc: {  	v13 =	vperm.xlane v13, v2;
	v14 =	vperm.xlane v14, v2;
	(pc) =	sbr.rel @!p1 .LBB2_91-.Ltmp62, $4  }
0x5dd: {  	s0 =	spop (v2sf)  }
0x5de: {  	v12 =	vsub.s32 v13, v12;
	v14 =	vsub.s32 v14, v15;
	s0 =	sxor.u32 $0x80000000, s0  }
0x5df: {  	[tilespmem:$0xA010] =	vst v12;
	v14 =	vadd.s32 s0, v14  }
0x5e0: {  	[tilespmem:$0xA000] =	vst v14  }
0x5e1: {  	p2 =	seq.s32 s29, $0x1  }
.Ltmp63:
0x5e2: {  	_ = 	snop;
	(pc) =	sbr.rel @p2 .LBB2_88-.Ltmp63, $4  }
0x5e3: {  	s0 =	simm.s32 $0xB400  }
0x5e4: {  	v12 =	vld [tilespmem:s0+$0x0]  }
0x5e5: {  	s1 =	simm.s32 $0xD480  }
0x5e6: {  	s6 =	sadd.s32 $0xFFFFFFFF, s29;
	v13 =	vld [tilespmem:s1+$0x0]  }
.LBB2_87:
0x5e7: {  	p3 =	seq.s32 s6, $0x1;
	_ =	sdelay $0x1  }
0x5e8: {  	v14 =	vand.u32 $0x1F, v12  }
0x5e9: {  	(xrf1) =	vunique.msk.u32 $0xffff, v14;
	_ =	sdelay $0x8  }
0x5ea: {  	v15 =	vld.idx.msk [tilespmem:v14+s12+$0x0], $0xffff;
	_ =	sdelay $0x4  }
0x5eb: {  	_, v16, vm0 =	vpop (xrf1)  }
0x5ec: {  	v15 =	vadd.s32 v16, v15  }
0x5ed: {  	v15 =	vadd.s32 $0xFFFFFFFF, v15;
	_ =	sdelay $0x4  }
0x5ee: {  	[tilespmem:v15+s17+$0x0] =	vst.idx.msk $0xffff, v12  }
.Ltmp64:
0x5ef: {  	[tilespmem:v15+s18+$0x0] =	vst.idx.msk $0xffff, v13;
	(pc) =	sbr.rel @!p3 .LBB2_87-.Ltmp64, $4  }
0x5f0: {  	s0 =	sadd.s32 $0x10, s0;
	[tilespmem:v14+s12+$0x0] =	vst.idx.add.s32.msk vm0, v16  }
0x5f1: {  	s1 =	sadd.s32 $0x10, s1;
	v12 =	vld [tilespmem:s0+$0x0]  }
0x5f2: {  	v13 =	vld [tilespmem:s1+$0x0]  }
0x5f3: {  	s6 =	sadd.s32 $0xFFFFFFFF, s6  }
.LBB2_88:
0x5f4: {  	_ =	sdelay $0x1  }
0x5f5: {  	v14 =	vand.u32 $0x1F, v12  }
0x5f6: {  	(xrf1) =	vunique.msk.u32 $0xffff, v14;
	_ =	sdelay $0x9  }
0x5f7: {  	v15 =	vld.idx.msk [tilespmem:v14+s12+$0x0], $0xffff;
	_ =	sdelay $0x3  }
0x5f8: {  	_, v16, vm0 =	vpop (xrf1)  }
0x5f9: {  	v15 =	vadd.s32 v16, v15  }
0x5fa: {  	v15 =	vadd.s32 $0xFFFFFFFF, v15;
	_ =	sdelay $0x4  }
0x5fb: {  	[tilespmem:v15+s17+$0x0] =	vst.idx.msk $0xffff, v12  }
0x5fc: {  	[tilespmem:v15+s18+$0x0] =	vst.idx.msk $0xffff, v13  }
0x5fd: {  	[tilespmem:v14+s12+$0x0] =	vst.idx.add.s32.msk vm0, v16  }
0x5fe: {  	[tilespmem:$0xA000] =	vst v1  }
0x5ff: {  	s0 =	simm.s32 $0xF500;
	[tilespmem:$0xA010] =	vst v1  }
0x600: {  	v12 =	vld [tilespmem:s0+$0x0]  }
.Ltmp65:
0x601: {  	_ = 	snop;
	(pc) =	sbr.rel @p2 .LBB2_90-.Ltmp65, $2  }
0x602: {  	_ =	sdelay $0x2  }
0x603: {  	s1 =	simm.s32 $0xF510;
	s0 =	sadd.s32 $0xFFFFFFFF, s29;
	v12 =	vshrl.u32 v12, $0x5  }
.LBB2_89:
0x604: {  	v13 =	vld [tilespmem:s1+$0x0];
	p2 =	seq.s32 s0, $0x1;
	s0 =	sadd.s32 $0xFFFFFFFF, s0;
	v14 =	vand.u32 $0x1F, v12  }
.Ltmp66:
0x605: {  	(pc) =	sbr.rel @!p2 .LBB2_89-.Ltmp66, $2  }
0x606: {  	_ =	sdelay $0x2  }
0x607: {  	s1 =	sadd.s32 $0x10, s1;
	v12 =	vshrl.u32 v13, $0x5;
	[tilespmem:v14+s12+$0x0] =	vst.idx.add.s32.msk $0xffff, v6  }
.LBB2_90:
0x608: {  	v12 =	vand.u32 $0x1F, v12  }
.Ltmp67:
0x609: {  	_ = 	snop;
	(pc) =	sbr.rel .LBB2_92-.Ltmp67, $2  }
0x60a: {  	_ =	sdelay $0x2  }
0x60b: {  	[tilespmem:v12+s12+$0x0] =	vst.idx.add.s32.msk $0xffff, v6  }
.LBB2_91:
0x60c: {  	[tilespmem:$0xA000] =	vst v1  }
0x60d: {  	[tilespmem:$0xA010] =	vst v1  }
.LBB2_92:
0x60e: {  	v12 =	vld [tilespmem:$0xA010];
	_ =	sdelay $0x4  }
0x60f: {  	v13 =	vperm.xlane v12, v2;
	_ =	sdelay $0x1  }
0x610: {  	(xrf0) =	vadd.scan.msk.s32 $0xffff, v13;
	_ =	sdelay $0x5  }
0x611: {  	v13, _, _ =	vpop (xrf0)  }
0x612: {  	v14 =	vxor.u32 $0x80000000, v13  }
0x613: {  	(xrf0) =	vmax.scan.msk.u32 $0xffff, v14;
	_ =	sdelay $0x5  }
0x614: {  	v14, _, _ =	vpop (xrf0)  }
0x615: {  	v15 =	vld [tilespmem:$0xA000];
	(v2sf) =	vpush v14, $0xF;
	_ =	sdelay $0x4  }
0x616: {  	v63 =	vperm.xlane v15, v2;
	_ =	sdelay $0x1  }
0x617: {  	(xrf0) =	vadd.scan.msk.s32 $0xffff, v63;
	_ =	sdelay $0x5  }
0x618: {  	v14, _, _ =	vpop (xrf0)  }
.Ltmp68:
0x619: {  	v13 =	vperm.xlane v13, v2;
	v14 =	vperm.xlane v14, v2;
	(pc) =	sbr.rel @!p1 .LBB2_98-.Ltmp68, $4  }
0x61a: {  	s0 =	spop (v2sf)  }
0x61b: {  	v12 =	vsub.s32 v13, v12;
	v14 =	vsub.s32 v14, v15;
	s0 =	sxor.u32 $0x80000000, s0  }
0x61c: {  	[tilespmem:$0xA010] =	vst v12;
	v14 =	vadd.s32 s0, v14  }
0x61d: {  	[tilespmem:$0xA000] =	vst v14  }
0x61e: {  	p2 =	seq.s32 s29, $0x1  }
.Ltmp69:
0x61f: {  	_ = 	snop;
	(pc) =	sbr.rel @p2 .LBB2_95-.Ltmp69, $4  }
0x620: {  	s0 =	simm.s32 $0xF500  }
0x621: {  	v12 =	vld [tilespmem:s0+$0x0]  }
0x622: {  	s1 =	simm.s32 $0x11580  }
0x623: {  	s6 =	sadd.s32 $0xFFFFFFFF, s29;
	v13 =	vld [tilespmem:s1+$0x0]  }
.LBB2_94:
0x624: {  	p3 =	seq.s32 s6, $0x1;
	_ =	sdelay $0x1  }
0x625: {  	v14 =	vshrl.u32 v12, $0x5  }
0x626: {  	v14 =	vand.u32 $0x1F, v14  }
0x627: {  	(xrf1) =	vunique.msk.u32 $0xffff, v14;
	_ =	sdelay $0x8  }
0x628: {  	v15 =	vld.idx.msk [tilespmem:v14+s12+$0x0], $0xffff;
	_ =	sdelay $0x4  }
0x629: {  	_, v16, vm0 =	vpop (xrf1)  }
0x62a: {  	v15 =	vadd.s32 v16, v15  }
0x62b: {  	v15 =	vadd.s32 $0xFFFFFFFF, v15;
	_ =	sdelay $0x4  }
0x62c: {  	[tilespmem:v15+s15+$0x0] =	vst.idx.msk $0xffff, v12  }
.Ltmp70:
0x62d: {  	[tilespmem:v15+s16+$0x0] =	vst.idx.msk $0xffff, v13;
	(pc) =	sbr.rel @!p3 .LBB2_94-.Ltmp70, $4  }
0x62e: {  	s0 =	sadd.s32 $0x10, s0;
	[tilespmem:v14+s12+$0x0] =	vst.idx.add.s32.msk vm0, v16  }
0x62f: {  	s1 =	sadd.s32 $0x10, s1;
	v12 =	vld [tilespmem:s0+$0x0]  }
0x630: {  	v13 =	vld [tilespmem:s1+$0x0]  }
0x631: {  	s6 =	sadd.s32 $0xFFFFFFFF, s6  }
.LBB2_95:
0x632: {  	_ =	sdelay $0x1  }
0x633: {  	v14 =	vshrl.u32 v12, $0x5  }
0x634: {  	v14 =	vand.u32 $0x1F, v14  }
0x635: {  	(xrf1) =	vunique.msk.u32 $0xffff, v14;
	_ =	sdelay $0x9  }
0x636: {  	v15 =	vld.idx.msk [tilespmem:v14+s12+$0x0], $0xffff;
	_ =	sdelay $0x3  }
0x637: {  	_, v16, vm0 =	vpop (xrf1)  }
0x638: {  	v15 =	vadd.s32 v16, v15  }
0x639: {  	v15 =	vadd.s32 $0xFFFFFFFF, v15;
	_ =	sdelay $0x4  }
0x63a: {  	[tilespmem:v15+s15+$0x0] =	vst.idx.msk $0xffff, v12  }
0x63b: {  	[tilespmem:v15+s16+$0x0] =	vst.idx.msk $0xffff, v13  }
0x63c: {  	[tilespmem:v14+s12+$0x0] =	vst.idx.add.s32.msk vm0, v16  }
0x63d: {  	[tilespmem:$0xA000] =	vst v1  }
0x63e: {  	s0 =	simm.s32 $0xB400;
	[tilespmem:$0xA010] =	vst v1  }
0x63f: {  	v12 =	vld [tilespmem:s0+$0x0]  }
.Ltmp71:
0x640: {  	_ = 	snop;
	(pc) =	sbr.rel @p2 .LBB2_97-.Ltmp71, $2  }
0x641: {  	_ =	sdelay $0x2  }
0x642: {  	s1 =	simm.s32 $0xB410;
	s0 =	sadd.s32 $0xFFFFFFFF, s29;
	v12 =	vshrl.u32 v12, $0xA  }
.LBB2_96:
0x643: {  	v13 =	vld [tilespmem:s1+$0x0];
	p2 =	seq.s32 s0, $0x1;
	s0 =	sadd.s32 $0xFFFFFFFF, s0;
	v14 =	vand.u32 $0x1F, v12  }
.Ltmp72:
0x644: {  	(pc) =	sbr.rel @!p2 .LBB2_96-.Ltmp72, $2  }
0x645: {  	_ =	sdelay $0x2  }
0x646: {  	s1 =	sadd.s32 $0x10, s1;
	v12 =	vshrl.u32 v13, $0xA;
	[tilespmem:v14+s12+$0x0] =	vst.idx.add.s32.msk $0xffff, v6  }
.LBB2_97:
0x647: {  	v12 =	vand.u32 $0x1F, v12  }
.Ltmp73:
0x648: {  	_ = 	snop;
	(pc) =	sbr.rel .LBB2_99-.Ltmp73, $2  }
0x649: {  	_ =	sdelay $0x2  }
0x64a: {  	[tilespmem:v12+s12+$0x0] =	vst.idx.add.s32.msk $0xffff, v6  }
.LBB2_98:
0x64b: {  	[tilespmem:$0xA000] =	vst v1  }
0x64c: {  	[tilespmem:$0xA010] =	vst v1  }
.LBB2_99:
0x64d: {  	v12 =	vld [tilespmem:$0xA010];
	_ =	sdelay $0x4  }
0x64e: {  	v13 =	vperm.xlane v12, v2;
	_ =	sdelay $0x1  }
0x64f: {  	(xrf0) =	vadd.scan.msk.s32 $0xffff, v13;
	_ =	sdelay $0x5  }
0x650: {  	v13, _, _ =	vpop (xrf0)  }
0x651: {  	v14 =	vxor.u32 $0x80000000, v13  }
0x652: {  	(xrf0) =	vmax.scan.msk.u32 $0xffff, v14;
	_ =	sdelay $0x5  }
0x653: {  	v14, _, _ =	vpop (xrf0)  }
0x654: {  	v15 =	vld [tilespmem:$0xA000];
	(v2sf) =	vpush v14, $0xF;
	_ =	sdelay $0x4  }
0x655: {  	v63 =	vperm.xlane v15, v2;
	_ =	sdelay $0x1  }
0x656: {  	(xrf0) =	vadd.scan.msk.s32 $0xffff, v63;
	_ =	sdelay $0x5  }
0x657: {  	v14, _, _ =	vpop (xrf0)  }
.Ltmp74:
0x658: {  	v13 =	vperm.xlane v13, v2;
	v14 =	vperm.xlane v14, v2;
	(pc) =	sbr.rel @!p1 .LBB2_105-.Ltmp74, $4  }
0x659: {  	s0 =	spop (v2sf)  }
0x65a: {  	v12 =	vsub.s32 v13, v12;
	v14 =	vsub.s32 v14, v15;
	s0 =	sxor.u32 $0x80000000, s0  }
0x65b: {  	[tilespmem:$0xA010] =	vst v12;
	v14 =	vadd.s32 s0, v14  }
0x65c: {  	[tilespmem:$0xA000] =	vst v14  }
0x65d: {  	p2 =	seq.s32 s29, $0x1  }
.Ltmp75:
0x65e: {  	_ = 	snop;
	(pc) =	sbr.rel @p2 .LBB2_102-.Ltmp75, $4  }
0x65f: {  	s0 =	simm.s32 $0xB400  }
0x660: {  	v12 =	vld [tilespmem:s0+$0x0]  }
0x661: {  	s1 =	simm.s32 $0xD480  }
0x662: {  	s6 =	sadd.s32 $0xFFFFFFFF, s29;
	v13 =	vld [tilespmem:s1+$0x0]  }
.LBB2_101:
0x663: {  	p3 =	seq.s32 s6, $0x1;
	_ =	sdelay $0x1  }
0x664: {  	v14 =	vshrl.u32 v12, $0xA  }
0x665: {  	v14 =	vand.u32 $0x1F, v14  }
0x666: {  	(xrf1) =	vunique.msk.u32 $0xffff, v14;
	_ =	sdelay $0x8  }
0x667: {  	v15 =	vld.idx.msk [tilespmem:v14+s12+$0x0], $0xffff;
	_ =	sdelay $0x4  }
0x668: {  	_, v16, vm0 =	vpop (xrf1)  }
0x669: {  	v15 =	vadd.s32 v16, v15  }
0x66a: {  	v15 =	vadd.s32 $0xFFFFFFFF, v15;
	_ =	sdelay $0x4  }
0x66b: {  	[tilespmem:v15+s17+$0x0] =	vst.idx.msk $0xffff, v12  }
.Ltmp76:
0x66c: {  	[tilespmem:v15+s18+$0x0] =	vst.idx.msk $0xffff, v13;
	(pc) =	sbr.rel @!p3 .LBB2_101-.Ltmp76, $4  }
0x66d: {  	s0 =	sadd.s32 $0x10, s0;
	[tilespmem:v14+s12+$0x0] =	vst.idx.add.s32.msk vm0, v16  }
0x66e: {  	s1 =	sadd.s32 $0x10, s1;
	v12 =	vld [tilespmem:s0+$0x0]  }
0x66f: {  	v13 =	vld [tilespmem:s1+$0x0]  }
0x670: {  	s6 =	sadd.s32 $0xFFFFFFFF, s6  }
.LBB2_102:
0x671: {  	_ =	sdelay $0x1  }
0x672: {  	v14 =	vshrl.u32 v12, $0xA  }
0x673: {  	v14 =	vand.u32 $0x1F, v14  }
0x674: {  	(xrf1) =	vunique.msk.u32 $0xffff, v14;
	_ =	sdelay $0x9  }
0x675: {  	v15 =	vld.idx.msk [tilespmem:v14+s12+$0x0], $0xffff;
	_ =	sdelay $0x3  }
0x676: {  	_, v16, vm0 =	vpop (xrf1)  }
0x677: {  	v15 =	vadd.s32 v16, v15  }
0x678: {  	v15 =	vadd.s32 $0xFFFFFFFF, v15;
	_ =	sdelay $0x4  }
0x679: {  	[tilespmem:v15+s17+$0x0] =	vst.idx.msk $0xffff, v12  }
0x67a: {  	[tilespmem:v15+s18+$0x0] =	vst.idx.msk $0xffff, v13  }
0x67b: {  	[tilespmem:v14+s12+$0x0] =	vst.idx.add.s32.msk vm0, v16  }
0x67c: {  	[tilespmem:$0xA000] =	vst v1  }
0x67d: {  	s0 =	simm.s32 $0xF500;
	[tilespmem:$0xA010] =	vst v1  }
0x67e: {  	v12 =	vld [tilespmem:s0+$0x0]  }
.Ltmp77:
0x67f: {  	_ = 	snop;
	(pc) =	sbr.rel @p2 .LBB2_104-.Ltmp77, $2  }
0x680: {  	_ =	sdelay $0x2  }
0x681: {  	s1 =	simm.s32 $0xF510;
	s0 =	sadd.s32 $0xFFFFFFFF, s29;
	v12 =	vshrl.u32 v12, $0xF  }
.LBB2_103:
0x682: {  	v13 =	vld [tilespmem:s1+$0x0];
	p2 =	seq.s32 s0, $0x1;
	s0 =	sadd.s32 $0xFFFFFFFF, s0;
	v14 =	vand.u32 $0x1F, v12  }
.Ltmp78:
0x683: {  	(pc) =	sbr.rel @!p2 .LBB2_103-.Ltmp78, $2  }
0x684: {  	_ =	sdelay $0x2  }
0x685: {  	s1 =	sadd.s32 $0x10, s1;
	v12 =	vshrl.u32 v13, $0xF;
	[tilespmem:v14+s12+$0x0] =	vst.idx.add.s32.msk $0xffff, v6  }
.LBB2_104:
0x686: {  	v12 =	vand.u32 $0x1F, v12  }
.Ltmp79:
0x687: {  	_ = 	snop;
	(pc) =	sbr.rel .LBB2_106-.Ltmp79, $2  }
0x688: {  	_ =	sdelay $0x2  }
0x689: {  	[tilespmem:v12+s12+$0x0] =	vst.idx.add.s32.msk $0xffff, v6  }
.LBB2_105:
0x68a: {  	[tilespmem:$0xA000] =	vst v1  }
0x68b: {  	[tilespmem:$0xA010] =	vst v1  }
.LBB2_106:
0x68c: {  	v12 =	vld [tilespmem:$0xA010];
	_ =	sdelay $0x4  }
0x68d: {  	v13 =	vperm.xlane v12, v2;
	_ =	sdelay $0x1  }
0x68e: {  	(xrf0) =	vadd.scan.msk.s32 $0xffff, v13;
	_ =	sdelay $0x5  }
0x68f: {  	v13, _, _ =	vpop (xrf0)  }
0x690: {  	v14 =	vxor.u32 $0x80000000, v13  }
0x691: {  	(xrf0) =	vmax.scan.msk.u32 $0xffff, v14;
	_ =	sdelay $0x5  }
0x692: {  	v14, _, _ =	vpop (xrf0)  }
0x693: {  	v15 =	vld [tilespmem:$0xA000];
	(v2sf) =	vpush v14, $0xF;
	_ =	sdelay $0x4  }
0x694: {  	v63 =	vperm.xlane v15, v2;
	_ =	sdelay $0x1  }
0x695: {  	(xrf0) =	vadd.scan.msk.s32 $0xffff, v63;
	_ =	sdelay $0x5  }
0x696: {  	v14, _, _ =	vpop (xrf0)  }
.Ltmp80:
0x697: {  	v13 =	vperm.xlane v13, v2;
	v14 =	vperm.xlane v14, v2;
	(pc) =	sbr.rel @!p1 .LBB2_112-.Ltmp80, $4  }
0x698: {  	s0 =	spop (v2sf)  }
0x699: {  	v12 =	vsub.s32 v13, v12;
	v14 =	vsub.s32 v14, v15;
	s0 =	sxor.u32 $0x80000000, s0  }
0x69a: {  	[tilespmem:$0xA010] =	vst v12;
	v14 =	vadd.s32 s0, v14  }
0x69b: {  	[tilespmem:$0xA000] =	vst v14  }
0x69c: {  	p2 =	seq.s32 s29, $0x1  }
.Ltmp81:
0x69d: {  	_ = 	snop;
	(pc) =	sbr.rel @p2 .LBB2_109-.Ltmp81, $4  }
0x69e: {  	s0 =	simm.s32 $0xF500  }
0x69f: {  	v12 =	vld [tilespmem:s0+$0x0]  }
0x6a0: {  	s1 =	simm.s32 $0x11580  }
0x6a1: {  	s6 =	sadd.s32 $0xFFFFFFFF, s29;
	v13 =	vld [tilespmem:s1+$0x0]  }
.LBB2_108:
0x6a2: {  	p3 =	seq.s32 s6, $0x1;
	_ =	sdelay $0x1  }
0x6a3: {  	v14 =	vshrl.u32 v12, $0xF  }
0x6a4: {  	v14 =	vand.u32 $0x1F, v14  }
0x6a5: {  	(xrf1) =	vunique.msk.u32 $0xffff, v14;
	_ =	sdelay $0x8  }
0x6a6: {  	v15 =	vld.idx.msk [tilespmem:v14+s12+$0x0], $0xffff;
	_ =	sdelay $0x4  }
0x6a7: {  	_, v16, vm0 =	vpop (xrf1)  }
0x6a8: {  	v15 =	vadd.s32 v16, v15  }
0x6a9: {  	v15 =	vadd.s32 $0xFFFFFFFF, v15;
	_ =	sdelay $0x4  }
0x6aa: {  	[tilespmem:v15+s15+$0x0] =	vst.idx.msk $0xffff, v12  }
.Ltmp82:
0x6ab: {  	[tilespmem:v15+s16+$0x0] =	vst.idx.msk $0xffff, v13;
	(pc) =	sbr.rel @!p3 .LBB2_108-.Ltmp82, $4  }
0x6ac: {  	s0 =	sadd.s32 $0x10, s0;
	[tilespmem:v14+s12+$0x0] =	vst.idx.add.s32.msk vm0, v16  }
0x6ad: {  	s1 =	sadd.s32 $0x10, s1;
	v12 =	vld [tilespmem:s0+$0x0]  }
0x6ae: {  	v13 =	vld [tilespmem:s1+$0x0]  }
0x6af: {  	s6 =	sadd.s32 $0xFFFFFFFF, s6  }
.LBB2_109:
0x6b0: {  	_ =	sdelay $0x1  }
0x6b1: {  	v14 =	vshrl.u32 v12, $0xF  }
0x6b2: {  	v14 =	vand.u32 $0x1F, v14  }
0x6b3: {  	(xrf1) =	vunique.msk.u32 $0xffff, v14;
	_ =	sdelay $0x9  }
0x6b4: {  	v15 =	vld.idx.msk [tilespmem:v14+s12+$0x0], $0xffff;
	_ =	sdelay $0x3  }
0x6b5: {  	_, v16, vm0 =	vpop (xrf1)  }
0x6b6: {  	v15 =	vadd.s32 v16, v15  }
0x6b7: {  	v15 =	vadd.s32 $0xFFFFFFFF, v15;
	_ =	sdelay $0x4  }
0x6b8: {  	[tilespmem:v15+s15+$0x0] =	vst.idx.msk $0xffff, v12  }
0x6b9: {  	[tilespmem:v15+s16+$0x0] =	vst.idx.msk $0xffff, v13  }
0x6ba: {  	[tilespmem:v14+s12+$0x0] =	vst.idx.add.s32.msk vm0, v16  }
0x6bb: {  	[tilespmem:$0xA000] =	vst v1  }
0x6bc: {  	s0 =	simm.s32 $0xB400;
	[tilespmem:$0xA010] =	vst v1  }
0x6bd: {  	v12 =	vld [tilespmem:s0+$0x0]  }
.Ltmp83:
0x6be: {  	_ = 	snop;
	(pc) =	sbr.rel @p2 .LBB2_111-.Ltmp83, $2  }
0x6bf: {  	_ =	sdelay $0x2  }
0x6c0: {  	s1 =	simm.s32 $0xB410;
	s0 =	sadd.s32 $0xFFFFFFFF, s29;
	v12 =	vshrl.u32 v12, $0x14  }
.LBB2_110:
0x6c1: {  	v13 =	vld [tilespmem:s1+$0x0];
	p2 =	seq.s32 s0, $0x1;
	s0 =	sadd.s32 $0xFFFFFFFF, s0;
	v14 =	vand.u32 $0x1F, v12  }
.Ltmp84:
0x6c2: {  	(pc) =	sbr.rel @!p2 .LBB2_110-.Ltmp84, $2  }
0x6c3: {  	_ =	sdelay $0x2  }
0x6c4: {  	s1 =	sadd.s32 $0x10, s1;
	v12 =	vshrl.u32 v13, $0x14;
	[tilespmem:v14+s12+$0x0] =	vst.idx.add.s32.msk $0xffff, v6  }
.LBB2_111:
0x6c5: {  	v12 =	vand.u32 $0x1F, v12  }
.Ltmp85:
0x6c6: {  	_ = 	snop;
	(pc) =	sbr.rel .LBB2_113-.Ltmp85, $2  }
0x6c7: {  	_ =	sdelay $0x2  }
0x6c8: {  	[tilespmem:v12+s12+$0x0] =	vst.idx.add.s32.msk $0xffff, v6  }
.LBB2_112:
0x6c9: {  	[tilespmem:$0xA000] =	vst v1  }
0x6ca: {  	[tilespmem:$0xA010] =	vst v1  }
.LBB2_113:
0x6cb: {  	v12 =	vld [tilespmem:$0xA010];
	_ =	sdelay $0x4  }
0x6cc: {  	v13 =	vperm.xlane v12, v2;
	_ =	sdelay $0x1  }
0x6cd: {  	(xrf0) =	vadd.scan.msk.s32 $0xffff, v13;
	_ =	sdelay $0x5  }
0x6ce: {  	v13, _, _ =	vpop (xrf0)  }
0x6cf: {  	v14 =	vxor.u32 $0x80000000, v13  }
0x6d0: {  	(xrf0) =	vmax.scan.msk.u32 $0xffff, v14;
	_ =	sdelay $0x5  }
0x6d1: {  	v14, _, _ =	vpop (xrf0)  }
0x6d2: {  	v15 =	vld [tilespmem:$0xA000];
	(v2sf) =	vpush v14, $0xF;
	_ =	sdelay $0x4  }
0x6d3: {  	v63 =	vperm.xlane v15, v2;
	_ =	sdelay $0x1  }
0x6d4: {  	(xrf0) =	vadd.scan.msk.s32 $0xffff, v63;
	_ =	sdelay $0x5  }
0x6d5: {  	v14, _, _ =	vpop (xrf0)  }
.Ltmp86:
0x6d6: {  	v13 =	vperm.xlane v13, v2;
	v14 =	vperm.xlane v14, v2;
	(pc) =	sbr.rel @!p1 .LBB2_119-.Ltmp86, $4  }
0x6d7: {  	s0 =	spop (v2sf)  }
0x6d8: {  	v12 =	vsub.s32 v13, v12;
	v14 =	vsub.s32 v14, v15;
	s0 =	sxor.u32 $0x80000000, s0  }
0x6d9: {  	[tilespmem:$0xA010] =	vst v12;
	v14 =	vadd.s32 s0, v14  }
0x6da: {  	[tilespmem:$0xA000] =	vst v14  }
0x6db: {  	p2 =	seq.s32 s29, $0x1  }
.Ltmp87:
0x6dc: {  	_ = 	snop;
	(pc) =	sbr.rel @p2 .LBB2_116-.Ltmp87, $4  }
0x6dd: {  	s0 =	simm.s32 $0xB400  }
0x6de: {  	v12 =	vld [tilespmem:s0+$0x0]  }
0x6df: {  	s1 =	simm.s32 $0xD480  }
0x6e0: {  	s6 =	sadd.s32 $0xFFFFFFFF, s29;
	v13 =	vld [tilespmem:s1+$0x0]  }
.LBB2_115:
0x6e1: {  	p3 =	seq.s32 s6, $0x1;
	_ =	sdelay $0x1  }
0x6e2: {  	v14 =	vshrl.u32 v12, $0x14  }
0x6e3: {  	v14 =	vand.u32 $0x1F, v14  }
0x6e4: {  	(xrf1) =	vunique.msk.u32 $0xffff, v14;
	_ =	sdelay $0x8  }
0x6e5: {  	v15 =	vld.idx.msk [tilespmem:v14+s12+$0x0], $0xffff;
	_ =	sdelay $0x4  }
0x6e6: {  	_, v16, vm0 =	vpop (xrf1)  }
0x6e7: {  	v15 =	vadd.s32 v16, v15  }
0x6e8: {  	v15 =	vadd.s32 $0xFFFFFFFF, v15;
	_ =	sdelay $0x4  }
0x6e9: {  	[tilespmem:v15+s17+$0x0] =	vst.idx.msk $0xffff, v12  }
.Ltmp88:
0x6ea: {  	[tilespmem:v15+s18+$0x0] =	vst.idx.msk $0xffff, v13;
	(pc) =	sbr.rel @!p3 .LBB2_115-.Ltmp88, $4  }
0x6eb: {  	s0 =	sadd.s32 $0x10, s0;
	[tilespmem:v14+s12+$0x0] =	vst.idx.add.s32.msk vm0, v16  }
0x6ec: {  	s1 =	sadd.s32 $0x10, s1;
	v12 =	vld [tilespmem:s0+$0x0]  }
0x6ed: {  	v13 =	vld [tilespmem:s1+$0x0]  }
0x6ee: {  	s6 =	sadd.s32 $0xFFFFFFFF, s6  }
.LBB2_116:
0x6ef: {  	_ =	sdelay $0x1  }
0x6f0: {  	v14 =	vshrl.u32 v12, $0x14  }
0x6f1: {  	v14 =	vand.u32 $0x1F, v14  }
0x6f2: {  	(xrf1) =	vunique.msk.u32 $0xffff, v14;
	_ =	sdelay $0x9  }
0x6f3: {  	v15 =	vld.idx.msk [tilespmem:v14+s12+$0x0], $0xffff;
	_ =	sdelay $0x3  }
0x6f4: {  	_, v16, vm0 =	vpop (xrf1)  }
0x6f5: {  	v15 =	vadd.s32 v16, v15  }
0x6f6: {  	v15 =	vadd.s32 $0xFFFFFFFF, v15;
	_ =	sdelay $0x4  }
0x6f7: {  	[tilespmem:v15+s17+$0x0] =	vst.idx.msk $0xffff, v12  }
0x6f8: {  	[tilespmem:v15+s18+$0x0] =	vst.idx.msk $0xffff, v13  }
0x6f9: {  	[tilespmem:v14+s12+$0x0] =	vst.idx.add.s32.msk vm0, v16  }
0x6fa: {  	[tilespmem:$0xA000] =	vst v1  }
0x6fb: {  	s0 =	simm.s32 $0xF500;
	[tilespmem:$0xA010] =	vst v1  }
0x6fc: {  	v12 =	vld [tilespmem:s0+$0x0]  }
.Ltmp89:
0x6fd: {  	_ = 	snop;
	(pc) =	sbr.rel @p2 .LBB2_118-.Ltmp89, $2  }
0x6fe: {  	_ =	sdelay $0x2  }
0x6ff: {  	s1 =	simm.s32 $0xF510;
	s0 =	sadd.s32 $0xFFFFFFFF, s29;
	v12 =	vshrl.u32 v12, $0x19  }
.LBB2_117:
0x700: {  	v13 =	vld [tilespmem:s1+$0x0];
	p2 =	seq.s32 s0, $0x1;
	s0 =	sadd.s32 $0xFFFFFFFF, s0;
	v14 =	vand.u32 $0x1F, v12  }
.Ltmp90:
0x701: {  	(pc) =	sbr.rel @!p2 .LBB2_117-.Ltmp90, $2  }
0x702: {  	_ =	sdelay $0x2  }
0x703: {  	s1 =	sadd.s32 $0x10, s1;
	v12 =	vshrl.u32 v13, $0x19;
	[tilespmem:v14+s12+$0x0] =	vst.idx.add.s32.msk $0xffff, v6  }
.LBB2_118:
0x704: {  	v12 =	vand.u32 $0x1F, v12  }
.Ltmp91:
0x705: {  	_ = 	snop;
	(pc) =	sbr.rel .LBB2_120-.Ltmp91, $2  }
0x706: {  	_ =	sdelay $0x2  }
0x707: {  	[tilespmem:v12+s12+$0x0] =	vst.idx.add.s32.msk $0xffff, v6  }
.LBB2_119:
0x708: {  	[tilespmem:$0xA000] =	vst v1  }
0x709: {  	[tilespmem:$0xA010] =	vst v1  }
.LBB2_120:
0x70a: {  	v12 =	vld [tilespmem:$0xA010];
	_ =	sdelay $0x4  }
0x70b: {  	v13 =	vperm.xlane v12, v2;
	_ =	sdelay $0x1  }
0x70c: {  	(xrf0) =	vadd.scan.msk.s32 $0xffff, v13;
	_ =	sdelay $0x5  }
0x70d: {  	v13, _, _ =	vpop (xrf0)  }
0x70e: {  	v14 =	vxor.u32 $0x80000000, v13  }
0x70f: {  	(xrf0) =	vmax.scan.msk.u32 $0xffff, v14;
	_ =	sdelay $0x5  }
0x710: {  	v14, _, _ =	vpop (xrf0)  }
0x711: {  	v15 =	vld [tilespmem:$0xA000];
	(v2sf) =	vpush v14, $0xF;
	_ =	sdelay $0x4  }
0x712: {  	v63 =	vperm.xlane v15, v2;
	_ =	sdelay $0x1  }
0x713: {  	(xrf0) =	vadd.scan.msk.s32 $0xffff, v63;
	_ =	sdelay $0x5  }
0x714: {  	v14, _, _ =	vpop (xrf0)  }
.Ltmp92:
0x715: {  	v13 =	vperm.xlane v13, v2;
	v14 =	vperm.xlane v14, v2;
	(pc) =	sbr.rel @!p1 .LBB2_126-.Ltmp92, $4  }
0x716: {  	s0 =	spop (v2sf)  }
0x717: {  	v12 =	vsub.s32 v13, v12;
	v14 =	vsub.s32 v14, v15;
	s0 =	sxor.u32 $0x80000000, s0  }
0x718: {  	[tilespmem:$0xA010] =	vst v12;
	v14 =	vadd.s32 s0, v14  }
0x719: {  	[tilespmem:$0xA000] =	vst v14  }
0x71a: {  	p2 =	seq.s32 s29, $0x1  }
.Ltmp93:
0x71b: {  	_ = 	snop;
	(pc) =	sbr.rel @p2 .LBB2_123-.Ltmp93, $4  }
0x71c: {  	s0 =	simm.s32 $0xF500  }
0x71d: {  	v12 =	vld [tilespmem:s0+$0x0]  }
0x71e: {  	s1 =	simm.s32 $0x11580  }
0x71f: {  	s6 =	sadd.s32 $0xFFFFFFFF, s29;
	v13 =	vld [tilespmem:s1+$0x0]  }
.LBB2_122:
0x720: {  	p3 =	seq.s32 s6, $0x1;
	_ =	sdelay $0x1  }
0x721: {  	v14 =	vshrl.u32 v12, $0x19  }
0x722: {  	v14 =	vand.u32 $0x1F, v14  }
0x723: {  	(xrf1) =	vunique.msk.u32 $0xffff, v14;
	_ =	sdelay $0x8  }
0x724: {  	v15 =	vld.idx.msk [tilespmem:v14+s12+$0x0], $0xffff;
	_ =	sdelay $0x4  }
0x725: {  	_, v16, vm0 =	vpop (xrf1)  }
0x726: {  	v15 =	vadd.s32 v16, v15  }
0x727: {  	v15 =	vadd.s32 $0xFFFFFFFF, v15;
	_ =	sdelay $0x4  }
0x728: {  	[tilespmem:v15+s15+$0x0] =	vst.idx.msk $0xffff, v12  }
.Ltmp94:
0x729: {  	[tilespmem:v15+s16+$0x0] =	vst.idx.msk $0xffff, v13;
	(pc) =	sbr.rel @!p3 .LBB2_122-.Ltmp94, $4  }
0x72a: {  	s0 =	sadd.s32 $0x10, s0;
	[tilespmem:v14+s12+$0x0] =	vst.idx.add.s32.msk vm0, v16  }
0x72b: {  	s1 =	sadd.s32 $0x10, s1;
	v12 =	vld [tilespmem:s0+$0x0]  }
0x72c: {  	v13 =	vld [tilespmem:s1+$0x0]  }
0x72d: {  	s6 =	sadd.s32 $0xFFFFFFFF, s6  }
.LBB2_123:
0x72e: {  	_ =	sdelay $0x1  }
0x72f: {  	v14 =	vshrl.u32 v12, $0x19  }
0x730: {  	v14 =	vand.u32 $0x1F, v14  }
0x731: {  	(xrf1) =	vunique.msk.u32 $0xffff, v14;
	_ =	sdelay $0x9  }
0x732: {  	v15 =	vld.idx.msk [tilespmem:v14+s12+$0x0], $0xffff;
	_ =	sdelay $0x3  }
0x733: {  	_, v16, vm0 =	vpop (xrf1)  }
0x734: {  	v15 =	vadd.s32 v16, v15  }
0x735: {  	v15 =	vadd.s32 $0xFFFFFFFF, v15;
	_ =	sdelay $0x4  }
0x736: {  	[tilespmem:v15+s15+$0x0] =	vst.idx.msk $0xffff, v12  }
0x737: {  	[tilespmem:v15+s16+$0x0] =	vst.idx.msk $0xffff, v13  }
0x738: {  	[tilespmem:v14+s12+$0x0] =	vst.idx.add.s32.msk vm0, v16  }
0x739: {  	[tilespmem:$0xA000] =	vst v1  }
0x73a: {  	s0 =	simm.s32 $0xB400;
	[tilespmem:$0xA010] =	vst v1  }
0x73b: {  	v12 =	vld [tilespmem:s0+$0x0]  }
.Ltmp95:
0x73c: {  	_ = 	snop;
	(pc) =	sbr.rel @p2 .LBB2_125-.Ltmp95, $2  }
0x73d: {  	_ =	sdelay $0x2  }
0x73e: {  	s1 =	simm.s32 $0xB410;
	s0 =	sadd.s32 $0xFFFFFFFF, s29;
	v12 =	vshra.s32 v12, $0x1E  }
.LBB2_124:
0x73f: {  	v13 =	vld [tilespmem:s1+$0x0];
	p2 =	seq.s32 s0, $0x1;
	s0 =	sadd.s32 $0xFFFFFFFF, s0;
	v14 =	vand.u32 $0x1F, v12  }
.Ltmp96:
0x740: {  	(pc) =	sbr.rel @!p2 .LBB2_124-.Ltmp96, $2  }
0x741: {  	_ =	sdelay $0x2  }
0x742: {  	s1 =	sadd.s32 $0x10, s1;
	v12 =	vshra.s32 v13, $0x1E;
	[tilespmem:v14+s12+$0x0] =	vst.idx.add.s32.msk $0xffff, v6  }
.LBB2_125:
0x743: {  	v12 =	vand.u32 $0x1F, v12  }
.Ltmp97:
0x744: {  	_ = 	snop;
	(pc) =	sbr.rel .LBB2_127-.Ltmp97, $2  }
0x745: {  	_ =	sdelay $0x2  }
0x746: {  	[tilespmem:v12+s12+$0x0] =	vst.idx.add.s32.msk $0xffff, v6  }
.LBB2_126:
0x747: {  	[tilespmem:$0xA000] =	vst v1  }
0x748: {  	[tilespmem:$0xA010] =	vst v1  }
.LBB2_127:
0x749: {  	v12 =	vld [tilespmem:$0xA010];
	_ =	sdelay $0x4  }
0x74a: {  	v13 =	vperm.xlane v12, v2;
	_ =	sdelay $0x1  }
0x74b: {  	(xrf0) =	vadd.scan.msk.s32 $0xffff, v13;
	_ =	sdelay $0x5  }
0x74c: {  	v13, _, _ =	vpop (xrf0)  }
0x74d: {  	v14 =	vxor.u32 $0x80000000, v13  }
0x74e: {  	(xrf0) =	vmax.scan.msk.u32 $0xffff, v14;
	_ =	sdelay $0x5  }
0x74f: {  	v14, _, _ =	vpop (xrf0)  }
0x750: {  	v15 =	vld [tilespmem:$0xA000];
	(v2sf) =	vpush v14, $0xF;
	_ =	sdelay $0x4  }
0x751: {  	v63 =	vperm.xlane v15, v2;
	_ =	sdelay $0x1  }
0x752: {  	(xrf0) =	vadd.scan.msk.s32 $0xffff, v63;
	_ =	sdelay $0x5  }
0x753: {  	v14, _, _ =	vpop (xrf0)  }
.Ltmp98:
0x754: {  	v13 =	vperm.xlane v13, v2;
	v14 =	vperm.xlane v14, v2;
	(pc) =	sbr.rel @!p1 .LBB2_131-.Ltmp98, $4  }
0x755: {  	s0 =	spop (v2sf)  }
0x756: {  	v12 =	vsub.s32 v13, v12;
	v14 =	vsub.s32 v14, v15;
	s0 =	sxor.u32 $0x80000000, s0  }
0x757: {  	[tilespmem:$0xA010] =	vst v12;
	v14 =	vadd.s32 s0, v14  }
0x758: {  	[tilespmem:$0xA000] =	vst v14  }
0x759: {  	p1 =	sne.s32 s29, $0x1  }
.Ltmp99:
0x75a: {  	_ = 	snop;
	(pc) =	sbr.rel @!p1 .LBB2_130-.Ltmp99, $4  }
0x75b: {  	s0 =	simm.s32 $0xB400  }
0x75c: {  	v12 =	vld [tilespmem:s0+$0x0]  }
0x75d: {  	s1 =	simm.s32 $0xD480  }
0x75e: {  	s6 =	sadd.s32 $0xFFFFFFFF, s29;
	v13 =	vld [tilespmem:s1+$0x0]  }
.LBB2_129:
0x75f: {  	p1 =	sne.s32 s6, $0x1;
	_ =	sdelay $0x1  }
0x760: {  	v14 =	vshra.s32 v12, $0x1E  }
0x761: {  	v14 =	vand.u32 $0x1F, v14  }
0x762: {  	(xrf1) =	vunique.msk.u32 $0xffff, v14;
	_ =	sdelay $0x8  }
0x763: {  	v15 =	vld.idx.msk [tilespmem:v14+s12+$0x0], $0xffff;
	_ =	sdelay $0x4  }
0x764: {  	_, v16, vm0 =	vpop (xrf1)  }
0x765: {  	v15 =	vadd.s32 v16, v15  }
0x766: {  	v15 =	vadd.s32 $0xFFFFFFFF, v15;
	_ =	sdelay $0x4  }
0x767: {  	[tilespmem:v15+s17+$0x0] =	vst.idx.msk $0xffff, v12  }
.Ltmp100:
0x768: {  	[tilespmem:v15+s18+$0x0] =	vst.idx.msk $0xffff, v13;
	(pc) =	sbr.rel @p1 .LBB2_129-.Ltmp100, $4  }
0x769: {  	s0 =	sadd.s32 $0x10, s0;
	[tilespmem:v14+s12+$0x0] =	vst.idx.add.s32.msk vm0, v16  }
0x76a: {  	s1 =	sadd.s32 $0x10, s1;
	v12 =	vld [tilespmem:s0+$0x0]  }
0x76b: {  	v13 =	vld [tilespmem:s1+$0x0]  }
0x76c: {  	s6 =	sadd.s32 $0xFFFFFFFF, s6  }
.LBB2_130:
0x76d: {  	_ =	sdelay $0x1  }
0x76e: {  	v14 =	vshra.s32 v12, $0x1E  }
0x76f: {  	v14 =	vand.u32 $0x1F, v14  }
0x770: {  	(xrf1) =	vunique.msk.u32 $0xffff, v14;
	_ =	sdelay $0x9  }
0x771: {  	v15 =	vld.idx.msk [tilespmem:v14+s12+$0x0], $0xffff;
	_ =	sdelay $0x3  }
0x772: {  	_, v16, vm0 =	vpop (xrf1)  }
0x773: {  	v15 =	vadd.s32 v16, v15  }
0x774: {  	v15 =	vadd.s32 $0xFFFFFFFF, v15;
	_ =	sdelay $0x4  }
0x775: {  	[tilespmem:v15+s17+$0x0] =	vst.idx.msk $0xffff, v12  }
0x776: {  	[tilespmem:v15+s18+$0x0] =	vst.idx.msk $0xffff, v13  }
0x777: {  	[tilespmem:v14+s12+$0x0] =	vst.idx.add.s32.msk vm0, v16  }
.LBB2_131:
0x778: {  	s0 =	simm.s32 @!p0 $0x4  }
0x779: {  	_ =	swait.ge @!p0 [sflag:s0], $0x200  }
0x77a: {  	[sflag:s0] =	ssyncset.done @!p0 $0x0  }
0x77b: {  	s22 =	simm.s32 $0x115A0;
	[sflag:s0] =	ssyncadd.s32 @!p0 $0xFFFFFE00  }
0x77c: {  	v12 =	vld [tilespmem:s22+$0x10];
	_ =	sdelay $0x3  }
0x77d: {  	v13 =	vld [tilespmem:s22+$0xFFFFFFF0]  }
0x77e: {  	v14 =	vld [tilespmem:s22+$0x0];
	v12 =	vshll.u32 v12, $0x1  }
0x77f: {  	v15 =	vor.u32 $0x1, v12  }
0x780: {  	s23 =	simm.s32 $0x115E0;
	v16 =	vld [tilespmem:s22+$0xFFFFFFE0]  }
0x781: {  	v17 =	vld [tilespmem:s23+$0x10]  }
0x782: {  	v26 =	vld [tilespmem:s23+$0x0];
	v13 =	vshll.u32 v13, $0x1  }
0x783: {  	v25 =	vld [tilespmem:s23+$0xFFFFFFF0];
	v14 =	vshll.u32 v14, $0x1  }
0x784: {  	s1 =	simm.s32 $0x30;
	s24 =	simm.s32 $0x10;
	v22 =	vld.idx.msk [tilespmem:v15+s11+$0x0], $0xffff;
	v15 =	vor.u32 $0x1, v14  }
0x785: {  	v19 =	vmov s1;
	v20 =	vmov s24;
	v16 =	vshll.u32 v16, $0x1;
	v18 =	vld.idx.msk [tilespmem:v12+s11+$0x0], $0xffff  }
0x786: {  	v19 =	vshll.u32 v19, $0x1;
	v20 =	vshll.u32 v20, $0x1;
	v23 =	vor.u32 $0x1, v16;
	v12 =	vld [tilespmem:s23+$0xFFFFFFE0]  }
0x787: {  	s30 =	simm.s32 $0x20;
	v19 =	vor.u32 v3, v19;
	v31 =	vor.u32 v3, v20;
	v30 =	vshll.u32 v17, $0x1;
	v24 =	vld.idx.msk [tilespmem:v13+s11+$0x0], $0xffff  }
0x788: {  	s29 =	simm.s32 $0x0;
	v29 =	vor.u32 $0x1, v19;
	v28 =	vor.u32 $0x1, v13;
	v21 =	vld.idx.msk [tilespmem:v14+s11+$0x0], $0xffff;
	v14 =	vmov s30  }
0x789: {  	v32 =	vor.u32 $0x1, v30;
	v14 =	vshll.u32 v14, $0x1;
	v13 =	vld.idx.msk [tilespmem:v15+s11+$0x0], $0xffff;
	v15 =	vmov s29  }
0x78a: {  	v20 =	vld.idx.msk [tilespmem:v16+s11+$0x0], $0xffff;
	v27 =	vor.u32 v3, v14;
	v15 =	vshll.u32 v15, $0x1  }
0x78b: {  	v17 =	vld.idx.msk [tilespmem:v23+s11+$0x0], $0xffff;
	v23 =	vor.u32 v3, v15  }
0x78c: {  	s31 =	simm.s32 $0x70;
	v16 =	vld.idx.msk [tilespmem:v30+s11+$0x0], $0xffff;
	[tilespmem:v19+s21+$0x0] =	vst.idx.msk $0xffff, v18;
	v19 =	vshll.u32 v25, $0x1;
	v25 =	vor.u32 $0x1, v23  }
0x78d: {  	v14 =	vshll.u32 v26, $0x1;
	v18 =	vmov s31;
	[tilespmem:v29+s21+$0x0] =	vst.idx.msk $0xffff, v22;
	v22 =	vor.u32 $0x1, v27;
	v15 =	vld.idx.msk [tilespmem:v28+s11+$0x0], $0xffff  }
0x78e: {  	s6 =	simm.s32 $0x11620;
	s1 =	simm.s32 $0x4;
	s0 =	simm.s32 $0x40;
	v26 =	vor.u32 $0x1, v14;
	[tilespmem:v31+s21+$0x0] =	vst.idx.msk $0xffff, v24;
	v24 =	vor.u32 $0x1, v31;
	v28 =	vshll.u32 v18, $0x1;
	v18 =	vld.idx.msk [tilespmem:v32+s11+$0x0], $0xffff  }
.LBB2_132:
0x78f: {  	v29 =	vld [tilespmem:s6+$0x10];
	s1 =	sadd.s32 $0x4, s1;
	v30 =	vshll.u32 v12, $0x1;
	v28 =	vor.u32 v3, v28;
	[tilespmem:v27+s21+$0x0] =	vst.idx.msk $0xffff, v21  }
0x790: {  	v12 =	vld [tilespmem:s6+$0xFFFFFFE0];
	p0 =	slt.u32 s1, $0xC;
	v31 =	vor.u32 $0x1, v30;
	v27 =	vor.u32 $0x1, v28;
	[tilespmem:v23+s21+$0x0] =	vst.idx.msk $0xffff, v20  }
0x791: {  	s2 =	sadd.s32 $0x10, s0;
	v32 =	vld.idx.msk [tilespmem:v19+s11+$0x0], $0xffff;
	[tilespmem:v25+s21+$0x0] =	vst.idx.msk $0xffff, v17  }
0x792: {  	v17 =	vmov s2;
	v33 =	vld [tilespmem:s6+$0x0];
	[tilespmem:v22+s21+$0x0] =	vst.idx.msk $0xffff, v13  }
0x793: {  	v34 =	vor.u32 $0x1, v19;
	s2 =	sadd.s32 $0x20, s0;
	v13 =	vshll.u32 v17, $0x1;
	v22 =	vld [tilespmem:s6+$0xFFFFFFF0];
	[tilespmem:v24+s21+$0x0] =	vst.idx.msk $0xffff, v15  }
0x794: {  	v15 =	vmov s2;
	v24 =	vshll.u32 v29, $0x1;
	v29 =	vor.u32 v3, v13;
	v13 =	vld.idx.msk [tilespmem:v26+s11+$0x0], $0xffff;
	[tilespmem:v28+s21+$0x0] =	vst.idx.msk $0xffff, v16  }
0x795: {  	v16 =	vmov s0;
	v15 =	vshll.u32 v15, $0x1;
	v35 =	vor.u32 $0x1, v24;
	v21 =	vld.idx.msk [tilespmem:v14+s11+$0x0], $0xffff;
	[tilespmem:v27+s21+$0x0] =	vst.idx.msk $0xffff, v18  }
.Ltmp101:
0x796: {  	v14 =	vshll.u32 v16, $0x1;
	v27 =	vor.u32 v3, v15;
	v20 =	vld.idx.msk [tilespmem:v30+s11+$0x0], $0xffff;
	(pc) =	sbr.rel @p0 .LBB2_132-.Ltmp101, $4  }
0x797: {  	s0 =	sadd.s32 $0x40, s0;
	v23 =	vor.u32 v3, v14;
	v17 =	vld.idx.msk [tilespmem:v31+s11+$0x0], $0xffff  }
0x798: {  	s2 =	sadd.s32 $0x30, s0;
	v25 =	vor.u32 $0x1, v23;
	v19 =	vshll.u32 v22, $0x1;
	v15 =	vld.idx.msk [tilespmem:v34+s11+$0x0], $0xffff;
	v22 =	vor.u32 $0x1, v27  }
0x799: {  	v18 =	vmov s2;
	v14 =	vshll.u32 v33, $0x1;
	v16 =	vld.idx.msk [tilespmem:v24+s11+$0x0], $0xffff;
	[tilespmem:v29+s21+$0x0] =	vst.idx.msk $0xffff, v32;
	v24 =	vor.u32 $0x1, v29  }
0x79a: {  	s6 =	sadd.s32 $0x40, s6;
	v28 =	vshll.u32 v18, $0x1;
	v26 =	vor.u32 $0x1, v14;
	v18 =	vld.idx.msk [tilespmem:v35+s11+$0x0], $0xffff  }
0x79b: {  	_ =	sdelay $0x2  }
0x79c: {  	v12 =	vshll.u32 v12, $0x1;
	s1 =	sadd.s32 $0x10, s0  }
0x79d: {  	v28 =	vor.u32 v3, v28;
	[tilespmem:v27+s21+$0x0] =	vst.idx.msk $0xffff, v21;
	s29 =	sadd.s32 $0x20, s0;
	v51 =	vor.u32 $0x1, v19;
	v29 =	vmov s1  }
0x79e: {  	[tilespmem:v23+s21+$0x0] =	vst.idx.msk $0xffff, v20;
	v48 =	vor.u32 $0x1, v28;
	v52 =	vmov s29;
	v50 =	vshll.u32 v29, $0x1  }
0x79f: {  	v49 =	vld.idx.msk [tilespmem:v19+s11+$0x0], $0xffff;
	v47 =	vor.u32 $0x1, v12;
	[tilespmem:v25+s21+$0x0] =	vst.idx.msk $0xffff, v17;
	v56 =	vshll.u32 v52, $0x1;
	v53 =	vor.u32 v3, v50  }
0x7a0: {  	v55 =	vmov s0;
	v57 =	vld.idx.msk [tilespmem:v14+s11+$0x0], $0xffff;
	[tilespmem:v22+s21+$0x0] =	vst.idx.msk $0xffff, v13;
	v59 =	vor.u32 v3, v56  }
0x7a1: {  	v54 =	vld.idx.msk [tilespmem:v26+s11+$0x0], $0xffff;
	v58 =	vshll.u32 v55, $0x1;
	[tilespmem:v24+s21+$0x0] =	vst.idx.msk $0xffff, v15;
	v63 =	vor.u32 $0x1, v59  }
0x7a2: {  	v14 =	vor.u32 v3, v58;
	v12 =	vld.idx.msk [tilespmem:v12+s11+$0x0], $0xffff;
	[tilespmem:v28+s21+$0x0] =	vst.idx.msk $0xffff, v16  }
0x7a3: {  	v17 =	vor.u32 $0x1, v53;
	v62 =	vld.idx.msk [tilespmem:v51+s11+$0x0], $0xffff;
	[tilespmem:v48+s21+$0x0] =	vst.idx.msk $0xffff, v18  }
0x7a4: {  	s25 =	sadd.s32 $0x1, s25;
	v61 =	vor.u32 $0x1, v14;
	v60 =	vld.idx.msk [tilespmem:v47+s11+$0x0], $0xffff;
	[tilespmem:v53+s21+$0x0] =	vst.idx.msk $0xffff, v49  }
0x7a5: {  	p0 =	sne.s32 s25, $0x10;
	[tilespmem:v59+s21+$0x0] =	vst.idx.msk $0xffff, v57  }
.Ltmp102:
0x7a6: {  	[tilespmem:v63+s21+$0x0] =	vst.idx.msk $0xffff, v54;
	(pc) =	sbr.rel @p0 .LBB2_2-.Ltmp102, $4  }
.Ltmp103:
0x7a7: {  	s30 =	sshll.u32 s26, $0x6;
	[tilespmem:v14+s21+$0x0] =	vst.idx.msk $0xffff, v12;
	(pc) =	sbr.rel @!p0 .LBB2_134-.Ltmp103, $4  }
0x7a8: {  	s31 =	sadd.s32 s20, s28;
	s0 =	sand.u32 $0xFE00, s30;
	[tilespmem:v17+s21+$0x0] =	vst.idx.msk $0xffff, v62  }
0x7a9: {  	s0 =	sadd.s32 s0, s31;
	[tilespmem:v61+s21+$0x0] =	vst.idx.msk $0xffff, v60  }
0x7aa: {  	[hbm4b:s0+s8] =	stream.strided.scatter [tilespmem:s21], [sflag:$0x4], $0x200, s9, s8, $0x38;
	[tilespmem:$0x13A00] =	vst v63  }
0x7ab: {  	_ = 	snop  }
.LBB2_71:
.Ltmp104:
0x7ac: {  	(pc) =	sbr.rel .LBB2_75-.Ltmp104, $2  }
0x7ad: {  	_ =	sdelay $0x2  }
0x7ae: {  	s31 =	simm.s32 $0xA020;
	s1 =	simm.s32 $0x0  }
.LBB2_73:
.Ltmp105:
0x7af: {  	(pc) =	sbr.rel .LBB2_75-.Ltmp105, $2  }
0x7b0: {  	_ =	sdelay $0x2  }
0x7b1: {  	s7 =	simm.s32 $0x0;
	s1 =	simm.s32 $0x4  }
.LBB2_135:
0x7b2: {  	_ =	sfence.sel $0x180000  }
0x7b3: {  	[bflag:$0x0] =	sbarrier.arrive $0xFFFF  }
0x7b4: {  	_ =	strace $0x90000047  }
0x7b5: {  	s0 =	stileid.u32;
	[bflag:$0x2] =	sbarrier.arrive $0xFFFF  }
0x7b6: {  	p0 =	sne.s32 s0, $0x0;
	s0 =	rddreg [dreg:$0x2]  }
0x7b7: {  	s0 =	sadd.s32 @!p0 $0x100000, s0  }
0x7b8: {  	[sflag:s0] =	ssyncadd.tile.s32 @!p0 $0x1;
	_ =	shalt  }
.Lfunc_end2:
_tile_overlayer_lowered:
.L_overlay_start_2:
0x7b9: {  	(tag) =	ssettag $0x2  }
0x7ba: {  	s0 =	rddreg [dreg:$0x0];
	s2 =	stileid.u32  }
0x7bb: {  	s1 =	rddreg [dreg:$0x1];
	p0 =	sne.s32 s2, $0x0  }
0x7bc: {  	s3 =	rddreg [dreg:$0x2];
	[bflag:$0x3] =	sbarrier.arrive $0xFFFF;
	s2 =	simm.s32 @!p0 $0x1C05  }
0x7bd: {  	[timem:s3], [sflag:s2] =	dma.local @!p0 [hbm:s0], s1  }
0x7be: {  	s0 =	simm.s32 @!p0 $0x5  }
0x7bf: {  	_ =	swait.ge @!p0 [sflag:s0], s1  }
0x7c0: {  	s1 =	ssub.s32 @!p0 $0x0, s1;
	[sflag:s0] =	ssyncset.done @!p0 $0x0  }
0x7c1: {  	[sflag:s0] =	ssyncadd.s32 @!p0 s1  }
0x7c2: {  	[bflag:$0x3] =	sbarrier.arrive $0xFFFF  }
0x7c3: {  	_ =	shalt  }

</sc_bundles>
